<compile_context>
chip_gen: v7x
topology: tpu7x:2x2x1
jax: 0.10.2.dev20260603
libtpu: 0.0.44.dev20260713+nightly
codegen_flags: <defaults>
</compile_context>

<pallas_src>
import functools
import math

import jax
import jax.numpy as jnp
from jax import lax
from jax.experimental import pallas as pl
from jax.experimental.pallas import tpu as pltpu
from jax.experimental.pallas import tpu_sc as plsc

_G = 25
_RO = 4


@functools.lru_cache(maxsize=None)
def _build_stage(V, D, L, NC, NS):
    NW = NC * NS
    n_groups = V // 8
    n_chunks_total = n_groups // _G
    assert n_groups % _G == 0
    scale = math.sqrt(D)
    mesh = plsc.VectorSubcoreMesh(core_axis_name="c", subcore_axis_name="s")

    @functools.partial(
        pl.kernel,
        mesh=mesh,
        compiler_params=pltpu.CompilerParams(use_tc_tiling_on_sc=True),
        out_type=jax.ShapeDtypeStruct((n_groups, 8, 2 * D), jnp.float32),
        scratch_types=[
            pltpu.VMEM((_G, 8, D), jnp.float32),
            pltpu.VMEM((_G, 8, D), jnp.float32),
            pltpu.VMEM((_G, 8, 2 * D), jnp.float32),
            pltpu.VMEM((_G, 8, 2 * D), jnp.float32),
            pltpu.SemaphoreType.DMA,
            pltpu.SemaphoreType.DMA,
            pltpu.SemaphoreType.DMA,
            pltpu.SemaphoreType.DMA,
        ],
    )
    def k(tbl_hbm, pad_hbm, r0, r1, w0, w1, si0, si1, so0, so1):
        rbuf = (r0, r1)
        wbuf = (w0, w1)
        sin = (si0, si1)
        sout = (so0, so1)
        wid = lax.axis_index("s") * NC + lax.axis_index("c")
        n_mine = (n_chunks_total - wid + NW - 1) // NW

        def issue_read(t, b):
            g0 = (wid + t * NW) * _G
            pltpu.async_copy(tbl_hbm.at[pl.ds(g0, _G)], rbuf[b], sin[b])

        def wait_read(t, b):
            g0 = (wid + t * NW) * _G
            pltpu.make_async_copy(tbl_hbm.at[pl.ds(g0, _G)], rbuf[b],
                                  sin[b]).wait()

        def issue_write(t, b):
            g0 = (wid + t * NW) * _G
            pltpu.async_copy(wbuf[b], pad_hbm.at[pl.ds(g0, _G)], sout[b])

        def wait_write(t, b):
            g0 = (wid + t * NW) * _G
            pltpu.make_async_copy(wbuf[b], pad_hbm.at[pl.ds(g0, _G)],
                                  sout[b]).wait()

        def widen(b):
            src, dst = rbuf[b], wbuf[b]

            def body(g, c):
                for h in range(8):
                    for j in range(D // L):
                        sl = pl.ds(j * L, L)
                        dst[g, h, sl] = src[g, h, sl] * scale
                return c

            lax.fori_loop(0, _G, body, 0)

        @pl.when(n_mine > 0)
        def _():
            issue_read(0, 0)

            def body(t2, c):
                for b in range(2):
                    t = 2 * t2 + b

                    @pl.when(t < n_mine)
                    def _(t=t, b=b):
                        @pl.when(t + 1 < n_mine)
                        def _():
                            issue_read(t + 1, 1 - b)

                        wait_read(t, b)

                        @pl.when(t >= 2)
                        def _():
                            wait_write(t - 2, b)

                        widen(b)
                        issue_write(t, b)

                return c

            lax.fori_loop(0, (n_mine + 1) // 2, body, 0)
            for bb in range(2):
                t_last = n_mine - 1 - ((n_mine - 1 - bb) % 2)

                @pl.when(n_mine > bb)
                def _(bb=bb, t_last=t_last):
                    wait_write(t_last, bb)

    return k


@functools.lru_cache(maxsize=None)
def _build_gather(R, S, V, D, L, NC, NS):
    NW = NC * NS
    C = _RO * S
    r_per_w = R // NW
    n_chunks = r_per_w // _RO
    assert n_chunks % 2 == 0 and n_chunks >= 6
    mesh = plsc.VectorSubcoreMesh(core_axis_name="c", subcore_axis_name="s")

    @functools.partial(
        pl.kernel,
        mesh=mesh,
        compiler_params=pltpu.CompilerParams(use_tc_tiling_on_sc=True),
        out_type=jax.ShapeDtypeStruct((R, S, D), jnp.float32),
        scratch_types=[
            pltpu.VMEM((r_per_w * S,), jnp.int32),
            pltpu.VMEM((C, 2 * D), jnp.float32),
            pltpu.VMEM((C, 2 * D), jnp.float32),
            pltpu.VMEM((_RO, S, D), jnp.float32),
            pltpu.SemaphoreType.DMA,
            pltpu.SemaphoreType.DMA,
            pltpu.SemaphoreType.DMA,
        ],
    )
    def k(idx_hbm, pad_hbm, out_hbm, idx_v, g0, g1, w0,
          sin0, sin1, sout0):
        gbuf = (g0, g1)
        wbuf = w0
        sin = (sin0, sin1)
        sout = sout0
        wid = lax.axis_index("s") * NC + lax.axis_index("c")
        base = wid * r_per_w
        pltpu.sync_copy(idx_hbm.at[pl.ds(base * S, r_per_w * S)], idx_v)

        def issue_gather(g, b):
            pltpu.async_copy(pad_hbm.at[idx_v.at[pl.ds(g * C, C)]],
                             gbuf[b], sin[b])

        def wait_gather(g, b):
            pltpu.make_async_copy(pad_hbm.at[idx_v.at[pl.ds(g * C, C)]],
                                  gbuf[b], sin[b]).wait()

        def compact_chunk(b):
            src, dst = gbuf[b], wbuf

            def body(s, c):
                for r in range(_RO):
                    for j in range(D // L):
                        sl = pl.ds(j * L, L)
                        dst[r, s, sl] = src[r * S + s, sl]
                return c

            lax.fori_loop(0, S, body, 0)

        def issue_write(g):
            off = base + g * _RO
            pltpu.async_copy(wbuf, out_hbm.at[pl.ds(off, _RO)], sout)

        def wait_write(g):
            off = base + g * _RO
            pltpu.make_async_copy(wbuf, out_hbm.at[pl.ds(off, _RO)],
                                  sout).wait()

        for g in range(2):
            issue_gather(g, g)
        for g in range(2):
            b = g % 2
            wait_gather(g, b)
            if g > 0:
                wait_write(g - 1)
            compact_chunk(b)
            issue_write(g)
            issue_gather(g + 2, b)

        def outer(gg, c):
            for b in range(2):
                g = 2 + 2 * gg + b
                wait_gather(g, b)
                wait_write(g - 1)
                compact_chunk(b)
                issue_write(g)
                issue_gather(g + 2, b)
            return c

        lax.fori_loop(0, (n_chunks - 4) // 2, outer, 0)

        for g in range(n_chunks - 2, n_chunks):
            b = g % 2
            wait_gather(g, b)
            wait_write(g - 1)
            compact_chunk(b)
            issue_write(g)
        wait_write(n_chunks - 1)

    return k


def kernel(x, table):
    R, S = x.shape
    V, D = table.shape
    info = plsc.get_sparse_core_info()
    NC, NS, L = info.num_cores, info.num_subcores, info.num_lanes
    pad = _build_stage(V, D, L, NC, NS)(table.reshape(V // 8, 8, D))
    pad2 = pad.reshape(V, 2 * D)
    return _build_gather(R, S, V, D, L, NC, NS)(x.reshape(R * S), pad2)

# --- scband reference (transcript-rebuilt; emitter-appended) ---
"""Pipeline reference for scband-embeddings-47742856462697 (READ-ONLY COPY).

The authoritative reference and input builder live on the scoring server;
editing this copy changes nothing except your own understanding.
"""

import math
import jax, jax.numpy as jnp
import numpy as np

VOCAB = 1000000
DIM = 64

def setup_inputs(seed: int = 0) -> dict:
    key = jax.random.key(seed)
    k1, k2 = jax.random.split(key)
    x = jax.random.randint(k1, (16384, 50), 0, VOCAB, dtype=jnp.int64 if jax.config.jax_enable_x64 else jnp.int32).astype(jnp.int32)
    table = jax.random.normal(k2, (VOCAB, DIM), dtype=jnp.float32)
    return {"x": x, "table": table}

def reference(x, table):
    # Faithful translation of Embeddings.forward: embedding lookup scaled by sqrt(dim)
    emb = jnp.take(table, x, axis=0)
    return emb * math.sqrt(DIM)

if __name__ == "__main__":
    import jax
    _d = setup_inputs()
    print(jax.jit(kernel)(*tuple(_d.values())))

</pallas_src>

<mosaic_0001>
#map = affine_map<(d0, d1) -> (0, 0, 0)>
module attributes {stable_mosaic.version = 14 : i64} {
  func.func @k(%arg0: i32, %arg1: i32, %arg2: memref<125000x8x64xf32, #tpu.memory_space<hbm>>, %arg3: memref<125000x8x128xf32, #tpu.memory_space<hbm>>, %arg4: memref<25x8x64xf32, #tpu.memory_space<vmem>>, %arg5: memref<25x8x64xf32, #tpu.memory_space<vmem>>, %arg6: memref<25x8x128xf32, #tpu.memory_space<vmem>>, %arg7: memref<25x8x128xf32, #tpu.memory_space<vmem>>, %arg8: memref<!tpu.dma_semaphore, #tpu.memory_space<semaphore_mem>>, %arg9: memref<!tpu.dma_semaphore, #tpu.memory_space<semaphore_mem>>, %arg10: memref<!tpu.dma_semaphore, #tpu.memory_space<semaphore_mem>>, %arg11: memref<!tpu.dma_semaphore, #tpu.memory_space<semaphore_mem>>) attributes {dimension_semantics = [#tpu.dimension_semantics<core_parallel>, #tpu.dimension_semantics<subcore_parallel>], iteration_bounds = array<i64: 2, 16>, scalar_prefetch = 0 : i64, scratch_operands = 8 : i64, tpu.core_type = #tpu.core_type<sc_vector_subcore>, window_params = [{transform_indices = #map}, {transform_indices = #map}]} {
    %mul3A = arith.constant 2 : i32
    %mul3A_0 = arith.muli %arg1, %mul3A : i32
    %add3A = arith.addi %mul3A_0, %arg0 : i32
    %sub3A = arith.constant 5000 : i32
    %sub3A_1 = arith.subi %sub3A, %add3A : i32
    %add3A_2 = arith.constant 32 : i32
    %add3A_3 = arith.addi %sub3A_1, %add3A_2 : i32
    %sub3A_4 = arith.constant 1 : i32
    %sub3A_5 = arith.subi %add3A_3, %sub3A_4 : i32
    %jit3A = arith.constant 32 : i32
    %div3A = arith.divsi %sub3A_5, %jit3A : i32
    %sign3A = arith.constant 0 : i32
    %sign3A_6 = arith.cmpi sgt, %sub3A_5, %sign3A : i32
    %sign3A_7 = arith.extui %sign3A_6 : i1 to i32
    %sign3A_8 = arith.constant 0 : i32
    %sign3A_9 = arith.cmpi slt, %sub3A_5, %sign3A_8 : i32
    %sign3A_10 = arith.extui %sign3A_9 : i1 to i32
    %sign3A_11 = arith.subi %sign3A_7, %sign3A_10 : i32
    %sign3A_12 = arith.constant 0 : i32
    %sign3A_13 = arith.cmpi sgt, %jit3A, %sign3A_12 : i32
    %sign3A_14 = arith.extui %sign3A_13 : i1 to i32
    %sign3A_15 = arith.constant 0 : i32
    %sign3A_16 = arith.cmpi slt, %jit3A, %sign3A_15 : i32
    %sign3A_17 = arith.extui %sign3A_16 : i1 to i32
    %sign3A_18 = arith.subi %sign3A_14, %sign3A_17 : i32
    %ne3A = arith.cmpi ne, %sign3A_11, %sign3A_18 : i32
    %rem3A = arith.remsi %sub3A_5, %jit3A : i32
    %ne3A_19 = arith.constant 0 : i32
    %ne3A_20 = arith.cmpi ne, %rem3A, %ne3A_19 : i32
    %and3A = arith.andi %ne3A, %ne3A_20 : i1
    %sub3A_21 = arith.constant 1 : i32
    %sub3A_22 = arith.subi %div3A, %sub3A_21 : i32
    %select_n3A = arith.select %and3A, %sub3A_22, %div3A : i32
    %gt3A = arith.constant 0 : i32
    %gt3A_23 = arith.cmpi sgt, %select_n3A, %gt3A : i32
    %convert_element_type3A = arith.extui %gt3A_23 : i1 to i32
    %cond3A = arith.constant 0 : i32
    %cond3A_24 = arith.cmpi ne, %convert_element_type3A, %cond3A : i32
    scf.if %cond3A_24 {
      %add3A_25 = arith.constant 0 : i32
      %add3A_26 = arith.addi %add3A, %add3A_25 : i32
      %mul3A_27 = arith.constant 25 : i32
      %mul3A_28 = arith.muli %add3A_26, %mul3A_27 : i32
      %dma_start3A = arith.constant 0 : i32
      %dma_start3A_29 = arith.constant 0 : i32
      %dma_start3A_30 = tpu.memref_slice %arg2[%mul3A_28, %dma_start3A, %dma_start3A_29] : memref<125000x8x64xf32, #tpu.memory_space<hbm>> -> memref<25x8x64xf32, #tpu.memory_space<hbm>>
      %dma_start3A_31 = arith.constant 0 : i32
      %dma_start3A_32 = arith.constant 0 : i32
      %dma_start3A_33 = tpu.memref_slice %arg2[%mul3A_28, %dma_start3A_31, %dma_start3A_32] : memref<125000x8x64xf32, #tpu.memory_space<hbm>> -> memref<25x8x64xf32, #tpu.memory_space<hbm>>
      tpu.enqueue_dma source(%dma_start3A_33 : memref<25x8x64xf32, #tpu.memory_space<hbm>>) target(%arg4 : memref<25x8x64xf32, #tpu.memory_space<vmem>>) target_semaphore(%arg8 : memref<!tpu.dma_semaphore, #tpu.memory_space<semaphore_mem>>)
      %add3A_34 = arith.constant 1 : i32
      %add3A_35 = arith.addi %select_n3A, %add3A_34 : i32
      %jit3A_36 = arith.constant 2 : i32
      %div3A_37 = arith.divsi %add3A_35, %jit3A_36 : i32
      %sign3A_38 = arith.constant 0 : i32
      %sign3A_39 = arith.cmpi sgt, %add3A_35, %sign3A_38 : i32
      %sign3A_40 = arith.extui %sign3A_39 : i1 to i32
      %sign3A_41 = arith.constant 0 : i32
      %sign3A_42 = arith.cmpi slt, %add3A_35, %sign3A_41 : i32
      %sign3A_43 = arith.extui %sign3A_42 : i1 to i32
      %sign3A_44 = arith.subi %sign3A_40, %sign3A_43 : i32
      %sign3A_45 = arith.constant 0 : i32
      %sign3A_46 = arith.cmpi sgt, %jit3A_36, %sign3A_45 : i32
      %sign3A_47 = arith.extui %sign3A_46 : i1 to i32
      %sign3A_48 = arith.constant 0 : i32
      %sign3A_49 = arith.cmpi slt, %jit3A_36, %sign3A_48 : i32
      %sign3A_50 = arith.extui %sign3A_49 : i1 to i32
      %sign3A_51 = arith.subi %sign3A_47, %sign3A_50 : i32
      %ne3A_52 = arith.cmpi ne, %sign3A_44, %sign3A_51 : i32
      %rem3A_53 = arith.remsi %add3A_35, %jit3A_36 : i32
      %ne3A_54 = arith.constant 0 : i32
      %ne3A_55 = arith.cmpi ne, %rem3A_53, %ne3A_54 : i32
      %and3A_56 = arith.andi %ne3A_52, %ne3A_55 : i1
      %sub3A_57 = arith.constant 1 : i32
      %sub3A_58 = arith.subi %div3A_37, %sub3A_57 : i32
      %select_n3A_59 = arith.select %and3A_56, %sub3A_58, %div3A_37 : i32
      %while3A = arith.constant 0 : i32
      %while3A_60 = arith.constant 0 : i32
      %while3A_61 = arith.subi %select_n3A_59, %while3A_60 : i32
      %while3A_62 = arith.addi %while3A_60, %while3A_61 : i32
      %while3A_63 = arith.constant 1 : i32
      %while3A_64 = arith.divsi %while3A_61, %while3A_63 : i32
      %while3A_65 = arith.muli %while3A_64, %while3A_63 : i32
      %while3A_66 = arith.addi %while3A_60, %while3A_65 : i32
      %while3A_67 = arith.constant 1 : i32
      scf.for %while3A_123 = %while3A_60 to %while3A_66 step %while3A_67  : i32 {
        %mul3A_124 = arith.constant 2 : i32
        %mul3A_125 = arith.muli %mul3A_124, %while3A_123 : i32
        %add3A_126 = arith.constant 0 : i32
        %add3A_127 = arith.addi %mul3A_125, %add3A_126 : i32
        %lt3A_128 = arith.cmpi slt, %add3A_127, %select_n3A : i32
        %convert_element_type3A_129 = arith.extui %lt3A_128 : i1 to i32
        %cond3A_130 = arith.constant 0 : i32
        %cond3A_131 = arith.cmpi ne, %convert_element_type3A_129, %cond3A_130 : i32
        scf.if %cond3A_131 {
          %add3A_140 = arith.constant 1 : i32
          %add3A_141 = arith.addi %add3A_127, %add3A_140 : i32
          %lt3A_142 = arith.cmpi slt, %add3A_141, %select_n3A : i32
          %convert_element_type3A_143 = arith.extui %lt3A_142 : i1 to i32
          %cond3A_144 = arith.constant 0 : i32
          %cond3A_145 = arith.cmpi ne, %convert_element_type3A_143, %cond3A_144 : i32
          scf.if %cond3A_145 {
            %add3A_176 = arith.constant 1 : i32
            %add3A_177 = arith.addi %add3A_127, %add3A_176 : i32
            %mul3A_178 = arith.constant 32 : i32
            %mul3A_179 = arith.muli %add3A_177, %mul3A_178 : i32
            %add3A_180 = arith.addi %add3A, %mul3A_179 : i32
            %mul3A_181 = arith.constant 25 : i32
            %mul3A_182 = arith.muli %add3A_180, %mul3A_181 : i32
            %dma_start3A_183 = arith.constant 0 : i32
            %dma_start3A_184 = arith.constant 0 : i32
            %dma_start3A_185 = tpu.memref_slice %arg2[%mul3A_182, %dma_start3A_183, %dma_start3A_184] : memref<125000x8x64xf32, #tpu.memory_space<hbm>> -> memref<25x8x64xf32, #tpu.memory_space<hbm>>
            %dma_start3A_186 = arith.constant 0 : i32
            %dma_start3A_187 = arith.constant 0 : i32
            %dma_start3A_188 = tpu.memref_slice %arg2[%mul3A_182, %dma_start3A_186, %dma_start3A_187] : memref<125000x8x64xf32, #tpu.memory_space<hbm>> -> memref<25x8x64xf32, #tpu.memory_space<hbm>>
            tpu.enqueue_dma source(%dma_start3A_188 : memref<25x8x64xf32, #tpu.memory_space<hbm>>) target(%arg5 : memref<25x8x64xf32, #tpu.memory_space<vmem>>) target_semaphore(%arg9 : memref<!tpu.dma_semaphore, #tpu.memory_space<semaphore_mem>>)
          } else {
          }
          %mul3A_146 = arith.constant 32 : i32
          %mul3A_147 = arith.muli %add3A_127, %mul3A_146 : i32
          %add3A_148 = arith.addi %add3A, %mul3A_147 : i32
          %mul3A_149 = arith.constant 25 : i32
          %mul3A_150 = arith.muli %add3A_148, %mul3A_149 : i32
          %dma_wait3A = arith.constant 0 : i32
          %dma_wait3A_151 = arith.constant 0 : i32
          %dma_wait3A_152 = tpu.memref_slice %arg2[%mul3A_150, %dma_wait3A, %dma_wait3A_151] : memref<125000x8x64xf32, #tpu.memory_space<hbm>> -> memref<25x8x64xf32, #tpu.memory_space<hbm>>
          %dma_wait3A_153 = arith.constant 0 : i32
          %dma_wait3A_154 = arith.constant 0 : i32
          %dma_wait3A_155 = tpu.memref_slice %arg2[%mul3A_150, %dma_wait3A_153, %dma_wait3A_154] : memref<125000x8x64xf32, #tpu.memory_space<hbm>> -> memref<25x8x64xf32, #tpu.memory_space<hbm>>
          tpu.wait_dma2 semaphore(%arg8 : memref<!tpu.dma_semaphore, #tpu.memory_space<semaphore_mem>>) src(%dma_wait3A_155 : memref<25x8x64xf32, #tpu.memory_space<hbm>>) dst(%arg4 : memref<25x8x64xf32, #tpu.memory_space<vmem>>)
          %ge3A = arith.constant 2 : i32
          %ge3A_156 = arith.cmpi sge, %add3A_127, %ge3A : i32
          %convert_element_type3A_157 = arith.extui %ge3A_156 : i1 to i32
          %cond3A_158 = arith.constant 0 : i32
          %cond3A_159 = arith.cmpi ne, %convert_element_type3A_157, %cond3A_158 : i32
          scf.if %cond3A_159 {
            %sub3A_176 = arith.constant 2 : i32
            %sub3A_177 = arith.subi %add3A_127, %sub3A_176 : i32
            %mul3A_178 = arith.constant 32 : i32
            %mul3A_179 = arith.muli %sub3A_177, %mul3A_178 : i32
            %add3A_180 = arith.addi %add3A, %mul3A_179 : i32
            %mul3A_181 = arith.constant 25 : i32
            %mul3A_182 = arith.muli %add3A_180, %mul3A_181 : i32
            %dma_wait3A_183 = arith.constant 0 : i32
            %dma_wait3A_184 = arith.constant 0 : i32
            %dma_wait3A_185 = tpu.memref_slice %arg3[%mul3A_182, %dma_wait3A_183, %dma_wait3A_184] : memref<125000x8x128xf32, #tpu.memory_space<hbm>> -> memref<25x8x128xf32, #tpu.memory_space<hbm>>
            %dma_wait3A_186 = arith.constant 0 : i32
            %dma_wait3A_187 = arith.constant 0 : i32
            %dma_wait3A_188 = tpu.memref_slice %arg3[%mul3A_182, %dma_wait3A_186, %dma_wait3A_187] : memref<125000x8x128xf32, #tpu.memory_space<hbm>> -> memref<25x8x128xf32, #tpu.memory_space<hbm>>
            tpu.wait_dma2 semaphore(%arg10 : memref<!tpu.dma_semaphore, #tpu.memory_space<semaphore_mem>>) src(%arg6 : memref<25x8x128xf32, #tpu.memory_space<vmem>>) dst(%dma_wait3A_188 : memref<25x8x128xf32, #tpu.memory_space<hbm>>)
          } else {
          }
          %scan3A = arith.constant 0 : i32
          %scan3A_160 = arith.constant 0 : i32
          %scan3A_161 = arith.constant 25 : i32
          %scan3A_162 = arith.addi %scan3A_160, %scan3A_161 : i32
          %scan3A_163 = arith.constant 1 : i32
          scf.for %scan3A_176 = %scan3A_160 to %scan3A_162 step %scan3A_163  : i32 {
            %get3A = arith.constant 0 : i32
            %get3A_177 = arith.index_cast %scan3A_176 : i32 to index
            %get3A_178 = arith.index_cast %get3A : i32 to index
            %get3A_179 = arith.constant 0 : index
            %get3A_180 = tpu.vector_load %arg4[%get3A_177, %get3A_178, %get3A_179] {strides = array<i32>} : memref<25x8x64xf32, #tpu.memory_space<vmem>>, vector<1x1x16xf32>,
            %get3A_181 = vector.shape_cast %get3A_180 : vector<1x1x16xf32> to vector<16xf32>
            %mul3A_182 = arith.constant 8.000000e+00 : f32
            %mul3A_183 = vector.broadcast %mul3A_182 : f32 to vector<16xf32>
            %mul3A_184 = arith.mulf %get3A_181, %mul3A_183 : vector<16xf32>
            %swap3A = arith.constant 0 : i32
            %swap3A_185 = arith.index_cast %scan3A_176 : i32 to index
            %swap3A_186 = arith.index_cast %swap3A : i32 to index
            %swap3A_187 = arith.constant 0 : index
            %swap3A_188 = tpu.vector_load %arg6[%swap3A_185, %swap3A_186, %swap3A_187] {strides = array<i32>} : memref<25x8x128xf32, #tpu.memory_space<vmem>>, vector<1x1x16xf32>,
            %swap3A_189 = vector.shape_cast %swap3A_188 : vector<1x1x16xf32> to vector<16xf32>
            %swap3A_190 = vector.shape_cast %mul3A_184 : vector<16xf32> to vector<1x1x16xf32>
            tpu.vector_store %arg6[%swap3A_185, %swap3A_186, %swap3A_187], %swap3A_190 {strides = array<i32>} : memref<25x8x128xf32, #tpu.memory_space<vmem>>, vector<1x1x16xf32>,
            %get3A_191 = arith.constant 0 : i32
            %get3A_192 = arith.index_cast %scan3A_176 : i32 to index
            %get3A_193 = arith.index_cast %get3A_191 : i32 to index
            %get3A_194 = arith.constant 16 : index
            %get3A_195 = tpu.vector_load %arg4[%get3A_192, %get3A_193, %get3A_194] {strides = array<i32>} : memref<25x8x64xf32, #tpu.memory_space<vmem>>, vector<1x1x16xf32>,
            %get3A_196 = vector.shape_cast %get3A_195 : vector<1x1x16xf32> to vector<16xf32>
            %mul3A_197 = arith.constant 8.000000e+00 : f32
            %mul3A_198 = vector.broadcast %mul3A_197 : f32 to vector<16xf32>
            %mul3A_199 = arith.mulf %get3A_196, %mul3A_198 : vector<16xf32>
            %swap3A_200 = arith.constant 0 : i32
            %swap3A_201 = arith.index_cast %scan3A_176 : i32 to index
            %swap3A_202 = arith.index_cast %swap3A_200 : i32 to index
            %swap3A_203 = arith.constant 16 : index
            %swap3A_204 = tpu.vector_load %arg6[%swap3A_201, %swap3A_202, %swap3A_203] {strides = array<i32>} : memref<25x8x128xf32, #tpu.memory_space<vmem>>, vector<1x1x16xf32>,
            %swap3A_205 = vector.shape_cast %swap3A_204 : vector<1x1x16xf32> to vector<16xf32>
            %swap3A_206 = vector.shape_cast %mul3A_199 : vector<16xf32> to vector<1x1x16xf32>
            tpu.vector_store %arg6[%swap3A_201, %swap3A_202, %swap3A_203], %swap3A_206 {strides = array<i32>} : memref<25x8x128xf32, #tpu.memory_space<vmem>>, vector<1x1x16xf32>,
            %get3A_207 = arith.constant 0 : i32
            %get3A_208 = arith.index_cast %scan3A_176 : i32 to index
            %get3A_209 = arith.index_cast %get3A_207 : i32 to index
            %get3A_210 = arith.constant 32 : index
            %get3A_211 = tpu.vector_load %arg4[%get3A_208, %get3A_209, %get3A_210] {strides = array<i32>} : memref<25x8x64xf32, #tpu.memory_space<vmem>>, vector<1x1x16xf32>,
            %get3A_212 = vector.shape_cast %get3A_211 : vector<1x1x16xf32> to vector<16xf32>
            %mul3A_213 = arith.constant 8.000000e+00 : f32
            %mul3A_214 = vector.broadcast %mul3A_213 : f32 to vector<16xf32>
            %mul3A_215 = arith.mulf %get3A_212, %mul3A_214 : vector<16xf32>
            %swap3A_216 = arith.constant 0 : i32
            %swap3A_217 = arith.index_cast %scan3A_176 : i32 to index
            %swap3A_218 = arith.index_cast %swap3A_216 : i32 to index
            %swap3A_219 = arith.constant 32 : index
            %swap3A_220 = tpu.vector_load %arg6[%swap3A_217, %swap3A_218, %swap3A_219] {strides = array<i32>} : memref<25x8x128xf32, #tpu.memory_space<vmem>>, vector<1x1x16xf32>,
            %swap3A_221 = vector.shape_cast %swap3A_220 : vector<1x1x16xf32> to vector<16xf32>
            %swap3A_222 = vector.shape_cast %mul3A_215 : vector<16xf32> to vector<1x1x16xf32>
            tpu.vector_store %arg6[%swap3A_217, %swap3A_218, %swap3A_219], %swap3A_222 {strides = array<i32>} : memref<25x8x128xf32, #tpu.memory_space<vmem>>, vector<1x1x16xf32>,
            %get3A_223 = arith.constant 0 : i32
            %get3A_224 = arith.index_cast %scan3A_176 : i32 to index
            %get3A_225 = arith.index_cast %get3A_223 : i32 to index
            %get3A_226 = arith.constant 48 : index
            %get3A_227 = tpu.vector_load %arg4[%get3A_224, %get3A_225, %get3A_226] {strides = array<i32>} : memref<25x8x64xf32, #tpu.memory_space<vmem>>, vector<1x1x16xf32>,
            %get3A_228 = vector.shape_cast %get3A_227 : vector<1x1x16xf32> to vector<16xf32>
            %mul3A_229 = arith.constant 8.000000e+00 : f32
            %mul3A_230 = vector.broadcast %mul3A_229 : f32 to vector<16xf32>
            %mul3A_231 = arith.mulf %get3A_228, %mul3A_230 : vector<16xf32>
            %swap3A_232 = arith.constant 0 : i32
            %swap3A_233 = arith.index_cast %scan3A_176 : i32 to index
            %swap3A_234 = arith.index_cast %swap3A_232 : i32 to index
            %swap3A_235 = arith.constant 48 : index
            %swap3A_236 = tpu.vector_load %arg6[%swap3A_233, %swap3A_234, %swap3A_235] {strides = array<i32>} : memref<25x8x128xf32, #tpu.memory_space<vmem>>, vector<1x1x16xf32>,
            %swap3A_237 = vector.shape_cast %swap3A_236 : vector<1x1x16xf32> to vector<16xf32>
            %swap3A_238 = vector.shape_cast %mul3A_231 : vector<16xf32> to vector<1x1x16xf32>
            tpu.vector_store %arg6[%swap3A_233, %swap3A_234, %swap3A_235], %swap3A_238 {strides = array<i32>} : memref<25x8x128xf32, #tpu.memory_space<vmem>>, vector<1x1x16xf32>,
            %get3A_239 = arith.constant 1 : i32
            %get3A_240 = arith.index_cast %scan3A_176 : i32 to index
            %get3A_241 = arith.index_cast %get3A_239 : i32 to index
            %get3A_242 = arith.constant 0 : index
            %get3A_243 = tpu.vector_load %arg4[%get3A_240, %get3A_241, %get3A_242] {strides = array<i32>} : memref<25x8x64xf32, #tpu.memory_space<vmem>>, vector<1x1x16xf32>,
            %get3A_244 = vector.shape_cast %get3A_243 : vector<1x1x16xf32> to vector<16xf32>
            %mul3A_245 = arith.constant 8.000000e+00 : f32
            %mul3A_246 = vector.broadcast %mul3A_245 : f32 to vector<16xf32>
            %mul3A_247 = arith.mulf %get3A_244, %mul3A_246 : vector<16xf32>
            %swap3A_248 = arith.constant 1 : i32
            %swap3A_249 = arith.index_cast %scan3A_176 : i32 to index
            %swap3A_250 = arith.index_cast %swap3A_248 : i32 to index
            %swap3A_251 = arith.constant 0 : index
            %swap3A_252 = tpu.vector_load %arg6[%swap3A_249, %swap3A_250, %swap3A_251] {strides = array<i32>} : memref<25x8x128xf32, #tpu.memory_space<vmem>>, vector<1x1x16xf32>,
            %swap3A_253 = vector.shape_cast %swap3A_252 : vector<1x1x16xf32> to vector<16xf32>
            %swap3A_254 = vector.shape_cast %mul3A_247 : vector<16xf32> to vector<1x1x16xf32>
            tpu.vector_store %arg6[%swap3A_249, %swap3A_250, %swap3A_251], %swap3A_254 {strides = array<i32>} : memref<25x8x128xf32, #tpu.memory_space<vmem>>, vector<1x1x16xf32>,
            %get3A_255 = arith.constant 1 : i32
            %get3A_256 = arith.index_cast %scan3A_176 : i32 to index
            %get3A_257 = arith.index_cast %get3A_255 : i32 to index
            %get3A_258 = arith.constant 16 : index
            %get3A_259 = tpu.vector_load %arg4[%get3A_256, %get3A_257, %get3A_258] {strides = array<i32>} : memref<25x8x64xf32, #tpu.memory_space<vmem>>, vector<1x1x16xf32>,
            %get3A_260 = vector.shape_cast %get3A_259 : vector<1x1x16xf32> to vector<16xf32>
            %mul3A_261 = arith.constant 8.000000e+00 : f32
            %mul3A_262 = vector.broadcast %mul3A_261 : f32 to vector<16xf32>
            %mul3A_263 = arith.mulf %get3A_260, %mul3A_262 : vector<16xf32>
            %swap3A_264 = arith.constant 1 : i32
            %swap3A_265 = arith.index_cast %scan3A_176 : i32 to index
            %swap3A_266 = arith.index_cast %swap3A_264 : i32 to index
            %swap3A_267 = arith.constant 16 : index
            %swap3A_268 = tpu.vector_load %arg6[%swap3A_265, %swap3A_266, %swap3A_267] {strides = array<i32>} : memref<25x8x128xf32, #tpu.memory_space<vmem>>, vector<1x1x16xf32>,
            %swap3A_269 = vector.shape_cast %swap3A_268 : vector<1x1x16xf32> to vector<16xf32>
            %swap3A_270 = vector.shape_cast %mul3A_263 : vector<16xf32> to vector<1x1x16xf32>
            tpu.vector_store %arg6[%swap3A_265, %swap3A_266, %swap3A_267], %swap3A_270 {strides = array<i32>} : memref<25x8x128xf32, #tpu.memory_space<vmem>>, vector<1x1x16xf32>,
            %get3A_271 = arith.constant 1 : i32
            %get3A_272 = arith.index_cast %scan3A_176 : i32 to index
            %get3A_273 = arith.index_cast %get3A_271 : i32 to index
            %get3A_274 = arith.constant 32 : index
            %get3A_275 = tpu.vector_load %arg4[%get3A_272, %get3A_273, %get3A_274] {strides = array<i32>} : memref<25x8x64xf32, #tpu.memory_space<vmem>>, vector<1x1x16xf32>,
            %get3A_276 = vector.shape_cast %get3A_275 : vector<1x1x16xf32> to vector<16xf32>
            %mul3A_277 = arith.constant 8.000000e+00 : f32
            %mul3A_278 = vector.broadcast %mul3A_277 : f32 to vector<16xf32>
            %mul3A_279 = arith.mulf %get3A_276, %mul3A_278 : vector<16xf32>
            %swap3A_280 = arith.constant 1 : i32
            %swap3A_281 = arith.index_cast %scan3A_176 : i32 to index
            %swap3A_282 = arith.index_cast %swap3A_280 : i32 to index
            %swap3A_283 = arith.constant 32 : index
            %swap3A_284 = tpu.vector_load %arg6[%swap3A_281, %swap3A_282, %swap3A_283] {strides = array<i32>} : memref<25x8x128xf32, #tpu.memory_space<vmem>>, vector<1x1x16xf32>,
            %swap3A_285 = vector.shape_cast %swap3A_284 : vector<1x1x16xf32> to vector<16xf32>
            %swap3A_286 = vector.shape_cast %mul3A_279 : vector<16xf32> to vector<1x1x16xf32>
            tpu.vector_store %arg6[%swap3A_281, %swap3A_282, %swap3A_283], %swap3A_286 {strides = array<i32>} : memref<25x8x128xf32, #tpu.memory_space<vmem>>, vector<1x1x16xf32>,
            %get3A_287 = arith.constant 1 : i32
            %get3A_288 = arith.index_cast %scan3A_176 : i32 to index
            %get3A_289 = arith.index_cast %get3A_287 : i32 to index
            %get3A_290 = arith.constant 48 : index
            %get3A_291 = tpu.vector_load %arg4[%get3A_288, %get3A_289, %get3A_290] {strides = array<i32>} : memref<25x8x64xf32, #tpu.memory_space<vmem>>, vector<1x1x16xf32>,
            %get3A_292 = vector.shape_cast %get3A_291 : vector<1x1x16xf32> to vector<16xf32>
            %mul3A_293 = arith.constant 8.000000e+00 : f32
            %mul3A_294 = vector.broadcast %mul3A_293 : f32 to vector<16xf32>
            %mul3A_295 = arith.mulf %get3A_292, %mul3A_294 : vector<16xf32>
            %swap3A_296 = arith.constant 1 : i32
            %swap3A_297 = arith.index_cast %scan3A_176 : i32 to index
            %swap3A_298 = arith.index_cast %swap3A_296 : i32 to index
            %swap3A_299 = arith.constant 48 : index
            %swap3A_300 = tpu.vector_load %arg6[%swap3A_297, %swap3A_298, %swap3A_299] {strides = array<i32>} : memref<25x8x128xf32, #tpu.memory_space<vmem>>, vector<1x1x16xf32>,
            %swap3A_301 = vector.shape_cast %swap3A_300 : vector<1x1x16xf32> to vector<16xf32>
            %swap3A_302 = vector.shape_cast %mul3A_295 : vector<16xf32> to vector<1x1x16xf32>
            tpu.vector_store %arg6[%swap3A_297, %swap3A_298, %swap3A_299], %swap3A_302 {strides = array<i32>} : memref<25x8x128xf32, #tpu.memory_space<vmem>>, vector<1x1x16xf32>,
            %get3A_303 = arith.constant 2 : i32
            %get3A_304 = arith.index_cast %scan3A_176 : i32 to index
            %get3A_305 = arith.index_cast %get3A_303 : i32 to index
            %get3A_306 = arith.constant 0 : index
            %get3A_307 = tpu.vector_load %arg4[%get3A_304, %get3A_305, %get3A_306] {strides = array<i32>} : memref<25x8x64xf32, #tpu.memory_space<vmem>>, vector<1x1x16xf32>,
            %get3A_308 = vector.shape_cast %get3A_307 : vector<1x1x16xf32> to vector<16xf32>
            %mul3A_309 = arith.constant 8.000000e+00 : f32
            %mul3A_310 = vector.broadcast %mul3A_309 : f32 to vector<16xf32>
            %mul3A_311 = arith.mulf %get3A_308, %mul3A_310 : vector<16xf32>
            %swap3A_312 = arith.constant 2 : i32
            %swap3A_313 = arith.index_cast %scan3A_176 : i32 to index
            %swap3A_314 = arith.index_cast %swap3A_312 : i32 to index
            %swap3A_315 = arith.constant 0 : index
            %swap3A_316 = tpu.vector_load %arg6[%swap3A_313, %swap3A_314, %swap3A_315] {strides = array<i32>} : memref<25x8x128xf32, #tpu.memory_space<vmem>>, vector<1x1x16xf32>,
            %swap3A_317 = vector.shape_cast %swap3A_316 : vector<1x1x16xf32> to vector<16xf32>
            %swap3A_318 = vector.shape_cast %mul3A_311 : vector<16xf32> to vector<1x1x16xf32>
            tpu.vector_store %arg6[%swap3A_313, %swap3A_314, %swap3A_315], %swap3A_318 {strides = array<i32>} : memref<25x8x128xf32, #tpu.memory_space<vmem>>, vector<1x1x16xf32>,
            %get3A_319 = arith.constant 2 : i32
            %get3A_320 = arith.index_cast %scan3A_176 : i32 to index
            %get3A_321 = arith.index_cast %get3A_319 : i32 to index
            %get3A_322 = arith.constant 16 : index
            %get3A_323 = tpu.vector_load %arg4[%get3A_320, %get3A_321, %get3A_322] {strides = array<i32>} : memref<25x8x64xf32, #tpu.memory_space<vmem>>, vector<1x1x16xf32>,
            %get3A_324 = vector.shape_cast %get3A_323 : vector<1x1x16xf32> to vector<16xf32>
            %mul3A_325 = arith.constant 8.000000e+00 : f32
            %mul3A_326 = vector.broadcast %mul3A_325 : f32 to vector<16xf32>
            %mul3A_327 = arith.mulf %get3A_324, %mul3A_326 : vector<16xf32>
            %swap3A_328 = arith.constant 2 : i32
            %swap3A_329 = arith.index_cast %scan3A_176 : i32 to index
            %swap3A_330 = arith.index_cast %swap3A_328 : i32 to index
            %swap3A_331 = arith.constant 16 : index
            %swap3A_332 = tpu.vector_load %arg6[%swap3A_329, %swap3A_330, %swap3A_331] {strides = array<i32>} : memref<25x8x128xf32, #tpu.memory_space<vmem>>, vector<1x1x16xf32>,
            %swap3A_333 = vector.shape_cast %swap3A_332 : vector<1x1x16xf32> to vector<16xf32>
            %swap3A_334 = vector.shape_cast %mul3A_327 : vector<16xf32> to vector<1x1x16xf32>
            tpu.vector_store %arg6[%swap3A_329, %swap3A_330, %swap3A_331], %swap3A_334 {strides = array<i32>} : memref<25x8x128xf32, #tpu.memory_space<vmem>>, vector<1x1x16xf32>,
            %get3A_335 = arith.constant 2 : i32
            %get3A_336 = arith.index_cast %scan3A_176 : i32 to index
            %get3A_337 = arith.index_cast %get3A_335 : i32 to index
            %get3A_338 = arith.constant 32 : index
            %get3A_339 = tpu.vector_load %arg4[%get3A_336, %get3A_337, %get3A_338] {strides = array<i32>} : memref<25x8x64xf32, #tpu.memory_space<vmem>>, vector<1x1x16xf32>,
            %get3A_340 = vector.shape_cast %get3A_339 : vector<1x1x16xf32> to vector<16xf32>
            %mul3A_341 = arith.constant 8.000000e+00 : f32
            %mul3A_342 = vector.broadcast %mul3A_341 : f32 to vector<16xf32>
            %mul3A_343 = arith.mulf %get3A_340, %mul3A_342 : vector<16xf32>
            %swap3A_344 = arith.constant 2 : i32
            %swap3A_345 = arith.index_cast %scan3A_176 : i32 to index
            %swap3A_346 = arith.index_cast %swap3A_344 : i32 to index
            %swap3A_347 = arith.constant 32 : index
            %swap3A_348 = tpu.vector_load %arg6[%swap3A_345, %swap3A_346, %swap3A_347] {strides = array<i32>} : memref<25x8x128xf32, #tpu.memory_space<vmem>>, vector<1x1x16xf32>,
            %swap3A_349 = vector.shape_cast %swap3A_348 : vector<1x1x16xf32> to vector<16xf32>
            %swap3A_350 = vector.shape_cast %mul3A_343 : vector<16xf32> to vector<1x1x16xf32>
            tpu.vector_store %arg6[%swap3A_345, %swap3A_346, %swap3A_347], %swap3A_350 {strides = array<i32>} : memref<25x8x128xf32, #tpu.memory_space<vmem>>, vector<1x1x16xf32>,
            %get3A_351 = arith.constant 2 : i32
            %get3A_352 = arith.index_cast %scan3A_176 : i32 to index
            %get3A_353 = arith.index_cast %get3A_351 : i32 to index
            %get3A_354 = arith.constant 48 : index
            %get3A_355 = tpu.vector_load %arg4[%get3A_352, %get3A_353, %get3A_354] {strides = array<i32>} : memref<25x8x64xf32, #tpu.memory_space<vmem>>, vector<1x1x16xf32>,
            %get3A_356 = vector.shape_cast %get3A_355 : vector<1x1x16xf32> to vector<16xf32>
            %mul3A_357 = arith.constant 8.000000e+00 : f32
            %mul3A_358 = vector.broadcast %mul3A_357 : f32 to vector<16xf32>
            %mul3A_359 = arith.mulf %get3A_356, %mul3A_358 : vector<16xf32>
            %swap3A_360 = arith.constant 2 : i32
            %swap3A_361 = arith.index_cast %scan3A_176 : i32 to index
            %swap3A_362 = arith.index_cast %swap3A_360 : i32 to index
            %swap3A_363 = arith.constant 48 : index
            %swap3A_364 = tpu.vector_load %arg6[%swap3A_361, %swap3A_362, %swap3A_363] {strides = array<i32>} : memref<25x8x128xf32, #tpu.memory_space<vmem>>, vector<1x1x16xf32>,
            %swap3A_365 = vector.shape_cast %swap3A_364 : vector<1x1x16xf32> to vector<16xf32>
            %swap3A_366 = vector.shape_cast %mul3A_359 : vector<16xf32> to vector<1x1x16xf32>
            tpu.vector_store %arg6[%swap3A_361, %swap3A_362, %swap3A_363], %swap3A_366 {strides = array<i32>} : memref<25x8x128xf32, #tpu.memory_space<vmem>>, vector<1x1x16xf32>,
            %get3A_367 = arith.constant 3 : i32
            %get3A_368 = arith.index_cast %scan3A_176 : i32 to index
            %get3A_369 = arith.index_cast %get3A_367 : i32 to index
            %get3A_370 = arith.constant 0 : index
            %get3A_371 = tpu.vector_load %arg4[%get3A_368, %get3A_369, %get3A_370] {strides = array<i32>} : memref<25x8x64xf32, #tpu.memory_space<vmem>>, vector<1x1x16xf32>,
            %get3A_372 = vector.shape_cast %get3A_371 : vector<1x1x16xf32> to vector<16xf32>
            %mul3A_373 = arith.constant 8.000000e+00 : f32
            %mul3A_374 = vector.broadcast %mul3A_373 : f32 to vector<16xf32>
            %mul3A_375 = arith.mulf %get3A_372, %mul3A_374 : vector<16xf32>
            %swap3A_376 = arith.constant 3 : i32
            %swap3A_377 = arith.index_cast %scan3A_176 : i32 to index
            %swap3A_378 = arith.index_cast %swap3A_376 : i32 to index
            %swap3A_379 = arith.constant 0 : index
            %swap3A_380 = tpu.vector_load %arg6[%swap3A_377, %swap3A_378, %swap3A_379] {strides = array<i32>} : memref<25x8x128xf32, #tpu.memory_space<vmem>>, vector<1x1x16xf32>,
            %swap3A_381 = vector.shape_cast %swap3A_380 : vector<1x1x16xf32> to vector<16xf32>
            %swap3A_382 = vector.shape_cast %mul3A_375 : vector<16xf32> to vector<1x1x16xf32>
            tpu.vector_store %arg6[%swap3A_377, %swap3A_378, %swap3A_379], %swap3A_382 {strides = array<i32>} : memref<25x8x128xf32, #tpu.memory_space<vmem>>, vector<1x1x16xf32>,
            %get3A_383 = arith.constant 3 : i32
            %get3A_384 = arith.index_cast %scan3A_176 : i32 to index
            %get3A_385 = arith.index_cast %get3A_383 : i32 to index
            %get3A_386 = arith.constant 16 : index
            %get3A_387 = tpu.vector_load %arg4[%get3A_384, %get3A_385, %get3A_386] {strides = array<i32>} : memref<25x8x64xf32, #tpu.memory_space<vmem>>, vector<1x1x16xf32>,
            %get3A_388 = vector.shape_cast %get3A_387 : vector<1x1x16xf32> to vector<16xf32>
            %mul3A_389 = arith.constant 8.000000e+00 : f32
            %mul3A_390 = vector.broadcast %mul3A_389 : f32 to vector<16xf32>
            %mul3A_391 = arith.mulf %get3A_388, %mul3A_390 : vector<16xf32>
            %swap3A_392 = arith.constant 3 : i32
            %swap3A_393 = arith.index_cast %scan3A_176 : i32 to index
            %swap3A_394 = arith.index_cast %swap3A_392 : i32 to index
            %swap3A_395 = arith.constant 16 : index
            %swap3A_396 = tpu.vector_load %arg6[%swap3A_393, %swap3A_394, %swap3A_395] {strides = array<i32>} : memref<25x8x128xf32, #tpu.memory_space<vmem>>, vector<1x1x16xf32>,
            %swap3A_397 = vector.shape_cast %swap3A_396 : vector<1x1x16xf32> to vector<16xf32>
            %swap3A_398 = vector.shape_cast %mul3A_391 : vector<16xf32> to vector<1x1x16xf32>
            tpu.vector_store %arg6[%swap3A_393, %swap3A_394, %swap3A_395], %swap3A_398 {strides = array<i32>} : memref<25x8x128xf32, #tpu.memory_space<vmem>>, vector<1x1x16xf32>,
            %get3A_399 = arith.constant 3 : i32
            %get3A_400 = arith.index_cast %scan3A_176 : i32 to index
            %get3A_401 = arith.index_cast %get3A_399 : i32 to index
            %get3A_402 = arith.constant 32 : index
            %get3A_403 = tpu.vector_load %arg4[%get3A_400, %get3A_401, %get3A_402] {strides = array<i32>} : memref<25x8x64xf32, #tpu.memory_space<vmem>>, vector<1x1x16xf32>,
            %get3A_404 = vector.shape_cast %get3A_403 : vector<1x1x16xf32> to vector<16xf32>
            %mul3A_405 = arith.constant 8.000000e+00 : f32
            %mul3A_406 = vector.broadcast %mul3A_405 : f32 to vector<16xf32>
            %mul3A_407 = arith.mulf %get3A_404, %mul3A_406 : vector<16xf32>
            %swap3A_408 = arith.constant 3 : i32
            %swap3A_409 = arith.index_cast %scan3A_176 : i32 to index
            %swap3A_410 = arith.index_cast %swap3A_408 : i32 to index
            %swap3A_411 = arith.constant 32 : index
            %swap3A_412 = tpu.vector_load %arg6[%swap3A_409, %swap3A_410, %swap3A_411] {strides = array<i32>} : memref<25x8x128xf32, #tpu.memory_space<vmem>>, vector<1x1x16xf32>,
            %swap3A_413 = vector.shape_cast %swap3A_412 : vector<1x1x16xf32> to vector<16xf32>
            %swap3A_414 = vector.shape_cast %mul3A_407 : vector<16xf32> to vector<1x1x16xf32>
            tpu.vector_store %arg6[%swap3A_409, %swap3A_410, %swap3A_411], %swap3A_414 {strides = array<i32>} : memref<25x8x128xf32, #tpu.memory_space<vmem>>, vector<1x1x16xf32>,
            %get3A_415 = arith.constant 3 : i32
            %get3A_416 = arith.index_cast %scan3A_176 : i32 to index
            %get3A_417 = arith.index_cast %get3A_415 : i32 to index
            %get3A_418 = arith.constant 48 : index
            %get3A_419 = tpu.vector_load %arg4[%get3A_416, %get3A_417, %get3A_418] {strides = array<i32>} : memref<25x8x64xf32, #tpu.memory_space<vmem>>, vector<1x1x16xf32>,
            %get3A_420 = vector.shape_cast %get3A_419 : vector<1x1x16xf32> to vector<16xf32>
            %mul3A_421 = arith.constant 8.000000e+00 : f32
            %mul3A_422 = vector.broadcast %mul3A_421 : f32 to vector<16xf32>
            %mul3A_423 = arith.mulf %get3A_420, %mul3A_422 : vector<16xf32>
            %swap3A_424 = arith.constant 3 : i32
            %swap3A_425 = arith.index_cast %scan3A_176 : i32 to index
            %swap3A_426 = arith.index_cast %swap3A_424 : i32 to index
            %swap3A_427 = arith.constant 48 : index
            %swap3A_428 = tpu.vector_load %arg6[%swap3A_425, %swap3A_426, %swap3A_427] {strides = array<i32>} : memref<25x8x128xf32, #tpu.memory_space<vmem>>, vector<1x1x16xf32>,
            %swap3A_429 = vector.shape_cast %swap3A_428 : vector<1x1x16xf32> to vector<16xf32>
            %swap3A_430 = vector.shape_cast %mul3A_423 : vector<16xf32> to vector<1x1x16xf32>
            tpu.vector_store %arg6[%swap3A_425, %swap3A_426, %swap3A_427], %swap3A_430 {strides = array<i32>} : memref<25x8x128xf32, #tpu.memory_space<vmem>>, vector<1x1x16xf32>,
            %get3A_431 = arith.constant 4 : i32
            %get3A_432 = arith.index_cast %scan3A_176 : i32 to index
            %get3A_433 = arith.index_cast %get3A_431 : i32 to index
            %get3A_434 = arith.constant 0 : index
            %get3A_435 = tpu.vector_load %arg4[%get3A_432, %get3A_433, %get3A_434] {strides = array<i32>} : memref<25x8x64xf32, #tpu.memory_space<vmem>>, vector<1x1x16xf32>,
            %get3A_436 = vector.shape_cast %get3A_435 : vector<1x1x16xf32> to vector<16xf32>
            %mul3A_437 = arith.constant 8.000000e+00 : f32
            %mul3A_438 = vector.broadcast %mul3A_437 : f32 to vector<16xf32>
            %mul3A_439 = arith.mulf %get3A_436, %mul3A_438 : vector<16xf32>
            %swap3A_440 = arith.constant 4 : i32
            %swap3A_441 = arith.index_cast %scan3A_176 : i32 to index
            %swap3A_442 = arith.index_cast %swap3A_440 : i32 to index
            %swap3A_443 = arith.constant 0 : index
            %swap3A_444 = tpu.vector_load %arg6[%swap3A_441, %swap3A_442, %swap3A_443] {strides = array<i32>} : memref<25x8x128xf32, #tpu.memory_space<vmem>>, vector<1x1x16xf32>,
            %swap3A_445 = vector.shape_cast %swap3A_444 : vector<1x1x16xf32> to vector<16xf32>
            %swap3A_446 = vector.shape_cast %mul3A_439 : vector<16xf32> to vector<1x1x16xf32>
            tpu.vector_store %arg6[%swap3A_441, %swap3A_442, %swap3A_443], %swap3A_446 {strides = array<i32>} : memref<25x8x128xf32, #tpu.memory_space<vmem>>, vector<1x1x16xf32>,
            %get3A_447 = arith.constant 4 : i32
            %get3A_448 = arith.index_cast %scan3A_176 : i32 to index
            %get3A_449 = arith.index_cast %get3A_447 : i32 to index
            %get3A_450 = arith.constant 16 : index
            %get3A_451 = tpu.vector_load %arg4[%get3A_448, %get3A_449, %get3A_450] {strides = array<i32>} : memref<25x8x64xf32, #tpu.memory_space<vmem>>, vector<1x1x16xf32>,
            %get3A_452 = vector.shape_cast %get3A_451 : vector<1x1x16xf32> to vector<16xf32>
            %mul3A_453 = arith.constant 8.000000e+00 : f32
            %mul3A_454 = vector.broadcast %mul3A_453 : f32 to vector<16xf32>
            %mul3A_455 = arith.mulf %get3A_452, %mul3A_454 : vector<16xf32>
            %swap3A_456 = arith.constant 4 : i32
            %swap3A_457 = arith.index_cast %scan3A_176 : i32 to index
            %swap3A_458 = arith.index_cast %swap3A_456 : i32 to index
            %swap3A_459 = arith.constant 16 : index
            %swap3A_460 = tpu.vector_load %arg6[%swap3A_457, %swap3A_458, %swap3A_459] {strides = array<i32>} : memref<25x8x128xf32, #tpu.memory_space<vmem>>, vector<1x1x16xf32>,
            %swap3A_461 = vector.shape_cast %swap3A_460 : vector<1x1x16xf32> to vector<16xf32>
            %swap3A_462 = vector.shape_cast %mul3A_455 : vector<16xf32> to vector<1x1x16xf32>
            tpu.vector_store %arg6[%swap3A_457, %swap3A_458, %swap3A_459], %swap3A_462 {strides = array<i32>} : memref<25x8x128xf32, #tpu.memory_space<vmem>>, vector<1x1x16xf32>,
            %get3A_463 = arith.constant 4 : i32
            %get3A_464 = arith.index_cast %scan3A_176 : i32 to index
            %get3A_465 = arith.index_cast %get3A_463 : i32 to index
            %get3A_466 = arith.constant 32 : index
            %get3A_467 = tpu.vector_load %arg4[%get3A_464, %get3A_465, %get3A_466] {strides = array<i32>} : memref<25x8x64xf32, #tpu.memory_space<vmem>>, vector<1x1x16xf32>,
            %get3A_468 = vector.shape_cast %get3A_467 : vector<1x1x16xf32> to vector<16xf32>
            %mul3A_469 = arith.constant 8.000000e+00 : f32
            %mul3A_470 = vector.broadcast %mul3A_469 : f32 to vector<16xf32>
            %mul3A_471 = arith.mulf %get3A_468, %mul3A_470 : vector<16xf32>
            %swap3A_472 = arith.constant 4 : i32
            %swap3A_473 = arith.index_cast %scan3A_176 : i32 to index
            %swap3A_474 = arith.index_cast %swap3A_472 : i32 to index
            %swap3A_475 = arith.constant 32 : index
            %swap3A_476 = tpu.vector_load %arg6[%swap3A_473, %swap3A_474, %swap3A_475] {strides = array<i32>} : memref<25x8x128xf32, #tpu.memory_space<vmem>>, vector<1x1x16xf32>,
            %swap3A_477 = vector.shape_cast %swap3A_476 : vector<1x1x16xf32> to vector<16xf32>
            %swap3A_478 = vector.shape_cast %mul3A_471 : vector<16xf32> to vector<1x1x16xf32>
            tpu.vector_store %arg6[%swap3A_473, %swap3A_474, %swap3A_475], %swap3A_478 {strides = array<i32>} : memref<25x8x128xf32, #tpu.memory_space<vmem>>, vector<1x1x16xf32>,
            %get3A_479 = arith.constant 4 : i32
            %get3A_480 = arith.index_cast %scan3A_176 : i32 to index
            %get3A_481 = arith.index_cast %get3A_479 : i32 to index
            %get3A_482 = arith.constant 48 : index
            %get3A_483 = tpu.vector_load %arg4[%get3A_480, %get3A_481, %get3A_482] {strides = array<i32>} : memref<25x8x64xf32, #tpu.memory_space<vmem>>, vector<1x1x16xf32>,
            %get3A_484 = vector.shape_cast %get3A_483 : vector<1x1x16xf32> to vector<16xf32>
            %mul3A_485 = arith.constant 8.000000e+00 : f32
            %mul3A_486 = vector.broadcast %mul3A_485 : f32 to vector<16xf32>
            %mul3A_487 = arith.mulf %get3A_484, %mul3A_486 : vector<16xf32>
            %swap3A_488 = arith.constant 4 : i32
            %swap3A_489 = arith.index_cast %scan3A_176 : i32 to index
            %swap3A_490 = arith.index_cast %swap3A_488 : i32 to index
            %swap3A_491 = arith.constant 48 : index
            %swap3A_492 = tpu.vector_load %arg6[%swap3A_489, %swap3A_490, %swap3A_491] {strides = array<i32>} : memref<25x8x128xf32, #tpu.memory_space<vmem>>, vector<1x1x16xf32>,
            %swap3A_493 = vector.shape_cast %swap3A_492 : vector<1x1x16xf32> to vector<16xf32>
            %swap3A_494 = vector.shape_cast %mul3A_487 : vector<16xf32> to vector<1x1x16xf32>
            tpu.vector_store %arg6[%swap3A_489, %swap3A_490, %swap3A_491], %swap3A_494 {strides = array<i32>} : memref<25x8x128xf32, #tpu.memory_space<vmem>>, vector<1x1x16xf32>,
            %get3A_495 = arith.constant 5 : i32
            %get3A_496 = arith.index_cast %scan3A_176 : i32 to index
            %get3A_497 = arith.index_cast %get3A_495 : i32 to index
            %get3A_498 = arith.constant 0 : index
            %get3A_499 = tpu.vector_load %arg4[%get3A_496, %get3A_497, %get3A_498] {strides = array<i32>} : memref<25x8x64xf32, #tpu.memory_space<vmem>>, vector<1x1x16xf32>,
            %get3A_500 = vector.shape_cast %get3A_499 : vector<1x1x16xf32> to vector<16xf32>
            %mul3A_501 = arith.constant 8.000000e+00 : f32
            %mul3A_502 = vector.broadcast %mul3A_501 : f32 to vector<16xf32>
            %mul3A_503 = arith.mulf %get3A_500, %mul3A_502 : vector<16xf32>
            %swap3A_504 = arith.constant 5 : i32
            %swap3A_505 = arith.index_cast %scan3A_176 : i32 to index
            %swap3A_506 = arith.index_cast %swap3A_504 : i32 to index
            %swap3A_507 = arith.constant 0 : index
            %swap3A_508 = tpu.vector_load %arg6[%swap3A_505, %swap3A_506, %swap3A_507] {strides = array<i32>} : memref<25x8x128xf32, #tpu.memory_space<vmem>>, vector<1x1x16xf32>,
            %swap3A_509 = vector.shape_cast %swap3A_508 : vector<1x1x16xf32> to vector<16xf32>
            %swap3A_510 = vector.shape_cast %mul3A_503 : vector<16xf32> to vector<1x1x16xf32>
            tpu.vector_store %arg6[%swap3A_505, %swap3A_506, %swap3A_507], %swap3A_510 {strides = array<i32>} : memref<25x8x128xf32, #tpu.memory_space<vmem>>, vector<1x1x16xf32>,
            %get3A_511 = arith.constant 5 : i32
            %get3A_512 = arith.index_cast %scan3A_176 : i32 to index
            %get3A_513 = arith.index_cast %get3A_511 : i32 to index
            %get3A_514 = arith.constant 16 : index
            %get3A_515 = tpu.vector_load %arg4[%get3A_512, %get3A_513, %get3A_514] {strides = array<i32>} : memref<25x8x64xf32, #tpu.memory_space<vmem>>, vector<1x1x16xf32>,
            %get3A_516 = vector.shape_cast %get3A_515 : vector<1x1x16xf32> to vector<16xf32>
            %mul3A_517 = arith.constant 8.000000e+00 : f32
            %mul3A_518 = vector.broadcast %mul3A_517 : f32 to vector<16xf32>
            %mul3A_519 = arith.mulf %get3A_516, %mul3A_518 : vector<16xf32>
            %swap3A_520 = arith.constant 5 : i32
            %swap3A_521 = arith.index_cast %scan3A_176 : i32 to index
            %swap3A_522 = arith.index_cast %swap3A_520 : i32 to index
            %swap3A_523 = arith.constant 16 : index
            %swap3A_524 = tpu.vector_load %arg6[%swap3A_521, %swap3A_522, %swap3A_523] {strides = array<i32>} : memref<25x8x128xf32, #tpu.memory_space<vmem>>, vector<1x1x16xf32>,
            %swap3A_525 = vector.shape_cast %swap3A_524 : vector<1x1x16xf32> to vector<16xf32>
            %swap3A_526 = vector.shape_cast %mul3A_519 : vector<16xf32> to vector<1x1x16xf32>
            tpu.vector_store %arg6[%swap3A_521, %swap3A_522, %swap3A_523], %swap3A_526 {strides = array<i32>} : memref<25x8x128xf32, #tpu.memory_space<vmem>>, vector<1x1x16xf32>,
            %get3A_527 = arith.constant 5 : i32
            %get3A_528 = arith.index_cast %scan3A_176 : i32 to index
            %get3A_529 = arith.index_cast %get3A_527 : i32 to index
            %get3A_530 = arith.constant 32 : index
            %get3A_531 = tpu.vector_load %arg4[%get3A_528, %get3A_529, %get3A_530] {strides = array<i32>} : memref<25x8x64xf32, #tpu.memory_space<vmem>>, vector<1x1x16xf32>,
            %get3A_532 = vector.shape_cast %get3A_531 : vector<1x1x16xf32> to vector<16xf32>
            %mul3A_533 = arith.constant 8.000000e+00 : f32
            %mul3A_534 = vector.broadcast %mul3A_533 : f32 to vector<16xf32>
            %mul3A_535 = arith.mulf %get3A_532, %mul3A_534 : vector<16xf32>
            %swap3A_536 = arith.constant 5 : i32
            %swap3A_537 = arith.index_cast %scan3A_176 : i32 to index
            %swap3A_538 = arith.index_cast %swap3A_536 : i32 to index
            %swap3A_539 = arith.constant 32 : index
            %swap3A_540 = tpu.vector_load %arg6[%swap3A_537, %swap3A_538, %swap3A_539] {strides = array<i32>} : memref<25x8x128xf32, #tpu.memory_space<vmem>>, vector<1x1x16xf32>,
            %swap3A_541 = vector.shape_cast %swap3A_540 : vector<1x1x16xf32> to vector<16xf32>
            %swap3A_542 = vector.shape_cast %mul3A_535 : vector<16xf32> to vector<1x1x16xf32>
            tpu.vector_store %arg6[%swap3A_537, %swap3A_538, %swap3A_539], %swap3A_542 {strides = array<i32>} : memref<25x8x128xf32, #tpu.memory_space<vmem>>, vector<1x1x16xf32>,
            %get3A_543 = arith.constant 5 : i32
            %get3A_544 = arith.index_cast %scan3A_176 : i32 to index
            %get3A_545 = arith.index_cast %get3A_543 : i32 to index
            %get3A_546 = arith.constant 48 : index
            %get3A_547 = tpu.vector_load %arg4[%get3A_544, %get3A_545, %get3A_546] {strides = array<i32>} : memref<25x8x64xf32, #tpu.memory_space<vmem>>, vector<1x1x16xf32>,
            %get3A_548 = vector.shape_cast %get3A_547 : vector<1x1x16xf32> to vector<16xf32>
            %mul3A_549 = arith.constant 8.000000e+00 : f32
            %mul3A_550 = vector.broadcast %mul3A_549 : f32 to vector<16xf32>
            %mul3A_551 = arith.mulf %get3A_548, %mul3A_550 : vector<16xf32>
            %swap3A_552 = arith.constant 5 : i32
            %swap3A_553 = arith.index_cast %scan3A_176 : i32 to index
            %swap3A_554 = arith.index_cast %swap3A_552 : i32 to index
            %swap3A_555 = arith.constant 48 : index
            %swap3A_556 = tpu.vector_load %arg6[%swap3A_553, %swap3A_554, %swap3A_555] {strides = array<i32>} : memref<25x8x128xf32, #tpu.memory_space<vmem>>, vector<1x1x16xf32>,
            %swap3A_557 = vector.shape_cast %swap3A_556 : vector<1x1x16xf32> to vector<16xf32>
            %swap3A_558 = vector.shape_cast %mul3A_551 : vector<16xf32> to vector<1x1x16xf32>
            tpu.vector_store %arg6[%swap3A_553, %swap3A_554, %swap3A_555], %swap3A_558 {strides = array<i32>} : memref<25x8x128xf32, #tpu.memory_space<vmem>>, vector<1x1x16xf32>,
            %get3A_559 = arith.constant 6 : i32
            %get3A_560 = arith.index_cast %scan3A_176 : i32 to index
            %get3A_561 = arith.index_cast %get3A_559 : i32 to index
            %get3A_562 = arith.constant 0 : index
            %get3A_563 = tpu.vector_load %arg4[%get3A_560, %get3A_561, %get3A_562] {strides = array<i32>} : memref<25x8x64xf32, #tpu.memory_space<vmem>>, vector<1x1x16xf32>,
            %get3A_564 = vector.shape_cast %get3A_563 : vector<1x1x16xf32> to vector<16xf32>
            %mul3A_565 = arith.constant 8.000000e+00 : f32
            %mul3A_566 = vector.broadcast %mul3A_565 : f32 to vector<16xf32>
            %mul3A_567 = arith.mulf %get3A_564, %mul3A_566 : vector<16xf32>
            %swap3A_568 = arith.constant 6 : i32
            %swap3A_569 = arith.index_cast %scan3A_176 : i32 to index
            %swap3A_570 = arith.index_cast %swap3A_568 : i32 to index
            %swap3A_571 = arith.constant 0 : index
            %swap3A_572 = tpu.vector_load %arg6[%swap3A_569, %swap3A_570, %swap3A_571] {strides = array<i32>} : memref<25x8x128xf32, #tpu.memory_space<vmem>>, vector<1x1x16xf32>,
            %swap3A_573 = vector.shape_cast %swap3A_572 : vector<1x1x16xf32> to vector<16xf32>
            %swap3A_574 = vector.shape_cast %mul3A_567 : vector<16xf32> to vector<1x1x16xf32>
            tpu.vector_store %arg6[%swap3A_569, %swap3A_570, %swap3A_571], %swap3A_574 {strides = array<i32>} : memref<25x8x128xf32, #tpu.memory_space<vmem>>, vector<1x1x16xf32>,
            %get3A_575 = arith.constant 6 : i32
            %get3A_576 = arith.index_cast %scan3A_176 : i32 to index
            %get3A_577 = arith.index_cast %get3A_575 : i32 to index
            %get3A_578 = arith.constant 16 : index
            %get3A_579 = tpu.vector_load %arg4[%get3A_576, %get3A_577, %get3A_578] {strides = array<i32>} : memref<25x8x64xf32, #tpu.memory_space<vmem>>, vector<1x1x16xf32>,
            %get3A_580 = vector.shape_cast %get3A_579 : vector<1x1x16xf32> to vector<16xf32>
            %mul3A_581 = arith.constant 8.000000e+00 : f32
            %mul3A_582 = vector.broadcast %mul3A_581 : f32 to vector<16xf32>
            %mul3A_583 = arith.mulf %get3A_580, %mul3A_582 : vector<16xf32>
            %swap3A_584 = arith.constant 6 : i32
            %swap3A_585 = arith.index_cast %scan3A_176 : i32 to index
            %swap3A_586 = arith.index_cast %swap3A_584 : i32 to index
            %swap3A_587 = arith.constant 16 : index
            %swap3A_588 = tpu.vector_load %arg6[%swap3A_585, %swap3A_586, %swap3A_587] {strides = array<i32>} : memref<25x8x128xf32, #tpu.memory_space<vmem>>, vector<1x1x16xf32>,
            %swap3A_589 = vector.shape_cast %swap3A_588 : vector<1x1x16xf32> to vector<16xf32>
            %swap3A_590 = vector.shape_cast %mul3A_583 : vector<16xf32> to vector<1x1x16xf32>
            tpu.vector_store %arg6[%swap3A_585, %swap3A_586, %swap3A_587], %swap3A_590 {strides = array<i32>} : memref<25x8x128xf32, #tpu.memory_space<vmem>>, vector<1x1x16xf32>,
            %get3A_591 = arith.constant 6 : i32
            %get3A_592 = arith.index_cast %scan3A_176 : i32 to index
            %get3A_593 = arith.index_cast %get3A_591 : i32 to index
            %get3A_594 = arith.constant 32 : index
            %get3A_595 = tpu.vector_load %arg4[%get3A_592, %get3A_593, %get3A_594] {strides = array<i32>} : memref<25x8x64xf32, #tpu.memory_space<vmem>>, vector<1x1x16xf32>,
            %get3A_596 = vector.shape_cast %get3A_595 : vector<1x1x16xf32> to vector<16xf32>
            %mul3A_597 = arith.constant 8.000000e+00 : f32
            %mul3A_598 = vector.broadcast %mul3A_597 : f32 to vector<16xf32>
            %mul3A_599 = arith.mulf %get3A_596, %mul3A_598 : vector<16xf32>
            %swap3A_600 = arith.constant 6 : i32
            %swap3A_601 = arith.index_cast %scan3A_176 : i32 to index
            %swap3A_602 = arith.index_cast %swap3A_600 : i32 to index
            %swap3A_603 = arith.constant 32 : index
            %swap3A_604 = tpu.vector_load %arg6[%swap3A_601, %swap3A_602, %swap3A_603] {strides = array<i32>} : memref<25x8x128xf32, #tpu.memory_space<vmem>>, vector<1x1x16xf32>,
            %swap3A_605 = vector.shape_cast %swap3A_604 : vector<1x1x16xf32> to vector<16xf32>
            %swap3A_606 = vector.shape_cast %mul3A_599 : vector<16xf32> to vector<1x1x16xf32>
            tpu.vector_store %arg6[%swap3A_601, %swap3A_602, %swap3A_603], %swap3A_606 {strides = array<i32>} : memref<25x8x128xf32, #tpu.memory_space<vmem>>, vector<1x1x16xf32>,
            %get3A_607 = arith.constant 6 : i32
            %get3A_608 = arith.index_cast %scan3A_176 : i32 to index
            %get3A_609 = arith.index_cast %get3A_607 : i32 to index
            %get3A_610 = arith.constant 48 : index
            %get3A_611 = tpu.vector_load %arg4[%get3A_608, %get3A_609, %get3A_610] {strides = array<i32>} : memref<25x8x64xf32, #tpu.memory_space<vmem>>, vector<1x1x16xf32>,
            %get3A_612 = vector.shape_cast %get3A_611 : vector<1x1x16xf32> to vector<16xf32>
            %mul3A_613 = arith.constant 8.000000e+00 : f32
            %mul3A_614 = vector.broadcast %mul3A_613 : f32 to vector<16xf32>
            %mul3A_615 = arith.mulf %get3A_612, %mul3A_614 : vector<16xf32>
            %swap3A_616 = arith.constant 6 : i32
            %swap3A_617 = arith.index_cast %scan3A_176 : i32 to index
            %swap3A_618 = arith.index_cast %swap3A_616 : i32 to index
            %swap3A_619 = arith.constant 48 : index
            %swap3A_620 = tpu.vector_load %arg6[%swap3A_617, %swap3A_618, %swap3A_619] {strides = array<i32>} : memref<25x8x128xf32, #tpu.memory_space<vmem>>, vector<1x1x16xf32>,
            %swap3A_621 = vector.shape_cast %swap3A_620 : vector<1x1x16xf32> to vector<16xf32>
            %swap3A_622 = vector.shape_cast %mul3A_615 : vector<16xf32> to vector<1x1x16xf32>
            tpu.vector_store %arg6[%swap3A_617, %swap3A_618, %swap3A_619], %swap3A_622 {strides = array<i32>} : memref<25x8x128xf32, #tpu.memory_space<vmem>>, vector<1x1x16xf32>,
            %get3A_623 = arith.constant 7 : i32
            %get3A_624 = arith.index_cast %scan3A_176 : i32 to index
            %get3A_625 = arith.index_cast %get3A_623 : i32 to index
            %get3A_626 = arith.constant 0 : index
            %get3A_627 = tpu.vector_load %arg4[%get3A_624, %get3A_625, %get3A_626] {strides = array<i32>} : memref<25x8x64xf32, #tpu.memory_space<vmem>>, vector<1x1x16xf32>,
            %get3A_628 = vector.shape_cast %get3A_627 : vector<1x1x16xf32> to vector<16xf32>
            %mul3A_629 = arith.constant 8.000000e+00 : f32
            %mul3A_630 = vector.broadcast %mul3A_629 : f32 to vector<16xf32>
            %mul3A_631 = arith.mulf %get3A_628, %mul3A_630 : vector<16xf32>
            %swap3A_632 = arith.constant 7 : i32
            %swap3A_633 = arith.index_cast %scan3A_176 : i32 to index
            %swap3A_634 = arith.index_cast %swap3A_632 : i32 to index
            %swap3A_635 = arith.constant 0 : index
            %swap3A_636 = tpu.vector_load %arg6[%swap3A_633, %swap3A_634, %swap3A_635] {strides = array<i32>} : memref<25x8x128xf32, #tpu.memory_space<vmem>>, vector<1x1x16xf32>,
            %swap3A_637 = vector.shape_cast %swap3A_636 : vector<1x1x16xf32> to vector<16xf32>
            %swap3A_638 = vector.shape_cast %mul3A_631 : vector<16xf32> to vector<1x1x16xf32>
            tpu.vector_store %arg6[%swap3A_633, %swap3A_634, %swap3A_635], %swap3A_638 {strides = array<i32>} : memref<25x8x128xf32, #tpu.memory_space<vmem>>, vector<1x1x16xf32>,
            %get3A_639 = arith.constant 7 : i32
            %get3A_640 = arith.index_cast %scan3A_176 : i32 to index
            %get3A_641 = arith.index_cast %get3A_639 : i32 to index
            %get3A_642 = arith.constant 16 : index
            %get3A_643 = tpu.vector_load %arg4[%get3A_640, %get3A_641, %get3A_642] {strides = array<i32>} : memref<25x8x64xf32, #tpu.memory_space<vmem>>, vector<1x1x16xf32>,
            %get3A_644 = vector.shape_cast %get3A_643 : vector<1x1x16xf32> to vector<16xf32>
            %mul3A_645 = arith.constant 8.000000e+00 : f32
            %mul3A_646 = vector.broadcast %mul3A_645 : f32 to vector<16xf32>
            %mul3A_647 = arith.mulf %get3A_644, %mul3A_646 : vector<16xf32>
            %swap3A_648 = arith.constant 7 : i32
            %swap3A_649 = arith.index_cast %scan3A_176 : i32 to index
            %swap3A_650 = arith.index_cast %swap3A_648 : i32 to index
            %swap3A_651 = arith.constant 16 : index
            %swap3A_652 = tpu.vector_load %arg6[%swap3A_649, %swap3A_650, %swap3A_651] {strides = array<i32>} : memref<25x8x128xf32, #tpu.memory_space<vmem>>, vector<1x1x16xf32>,
            %swap3A_653 = vector.shape_cast %swap3A_652 : vector<1x1x16xf32> to vector<16xf32>
            %swap3A_654 = vector.shape_cast %mul3A_647 : vector<16xf32> to vector<1x1x16xf32>
            tpu.vector_store %arg6[%swap3A_649, %swap3A_650, %swap3A_651], %swap3A_654 {strides = array<i32>} : memref<25x8x128xf32, #tpu.memory_space<vmem>>, vector<1x1x16xf32>,
            %get3A_655 = arith.constant 7 : i32
            %get3A_656 = arith.index_cast %scan3A_176 : i32 to index
            %get3A_657 = arith.index_cast %get3A_655 : i32 to index
            %get3A_658 = arith.constant 32 : index
            %get3A_659 = tpu.vector_load %arg4[%get3A_656, %get3A_657, %get3A_658] {strides = array<i32>} : memref<25x8x64xf32, #tpu.memory_space<vmem>>, vector<1x1x16xf32>,
            %get3A_660 = vector.shape_cast %get3A_659 : vector<1x1x16xf32> to vector<16xf32>
            %mul3A_661 = arith.constant 8.000000e+00 : f32
            %mul3A_662 = vector.broadcast %mul3A_661 : f32 to vector<16xf32>
            %mul3A_663 = arith.mulf %get3A_660, %mul3A_662 : vector<16xf32>
            %swap3A_664 = arith.constant 7 : i32
            %swap3A_665 = arith.index_cast %scan3A_176 : i32 to index
            %swap3A_666 = arith.index_cast %swap3A_664 : i32 to index
            %swap3A_667 = arith.constant 32 : index
            %swap3A_668 = tpu.vector_load %arg6[%swap3A_665, %swap3A_666, %swap3A_667] {strides = array<i32>} : memref<25x8x128xf32, #tpu.memory_space<vmem>>, vector<1x1x16xf32>,
            %swap3A_669 = vector.shape_cast %swap3A_668 : vector<1x1x16xf32> to vector<16xf32>
            %swap3A_670 = vector.shape_cast %mul3A_663 : vector<16xf32> to vector<1x1x16xf32>
            tpu.vector_store %arg6[%swap3A_665, %swap3A_666, %swap3A_667], %swap3A_670 {strides = array<i32>} : memref<25x8x128xf32, #tpu.memory_space<vmem>>, vector<1x1x16xf32>,
            %get3A_671 = arith.constant 7 : i32
            %get3A_672 = arith.index_cast %scan3A_176 : i32 to index
            %get3A_673 = arith.index_cast %get3A_671 : i32 to index
            %get3A_674 = arith.constant 48 : index
            %get3A_675 = tpu.vector_load %arg4[%get3A_672, %get3A_673, %get3A_674] {strides = array<i32>} : memref<25x8x64xf32, #tpu.memory_space<vmem>>, vector<1x1x16xf32>,
            %get3A_676 = vector.shape_cast %get3A_675 : vector<1x1x16xf32> to vector<16xf32>
            %mul3A_677 = arith.constant 8.000000e+00 : f32
            %mul3A_678 = vector.broadcast %mul3A_677 : f32 to vector<16xf32>
            %mul3A_679 = arith.mulf %get3A_676, %mul3A_678 : vector<16xf32>
            %swap3A_680 = arith.constant 7 : i32
            %swap3A_681 = arith.index_cast %scan3A_176 : i32 to index
            %swap3A_682 = arith.index_cast %swap3A_680 : i32 to index
            %swap3A_683 = arith.constant 48 : index
            %swap3A_684 = tpu.vector_load %arg6[%swap3A_681, %swap3A_682, %swap3A_683] {strides = array<i32>} : memref<25x8x128xf32, #tpu.memory_space<vmem>>, vector<1x1x16xf32>,
            %swap3A_685 = vector.shape_cast %swap3A_684 : vector<1x1x16xf32> to vector<16xf32>
            %swap3A_686 = vector.shape_cast %mul3A_679 : vector<16xf32> to vector<1x1x16xf32>
            tpu.vector_store %arg6[%swap3A_681, %swap3A_682, %swap3A_683], %swap3A_686 {strides = array<i32>} : memref<25x8x128xf32, #tpu.memory_space<vmem>>, vector<1x1x16xf32>,
          }
          %scan3A_164 = arith.constant 25 : i32
          %mul3A_165 = arith.constant 32 : i32
          %mul3A_166 = arith.muli %add3A_127, %mul3A_165 : i32
          %add3A_167 = arith.addi %add3A, %mul3A_166 : i32
          %mul3A_168 = arith.constant 25 : i32
          %mul3A_169 = arith.muli %add3A_167, %mul3A_168 : i32
          %dma_start3A_170 = arith.constant 0 : i32
          %dma_start3A_171 = arith.constant 0 : i32
          %dma_start3A_172 = tpu.memref_slice %arg3[%mul3A_169, %dma_start3A_170, %dma_start3A_171] : memref<125000x8x128xf32, #tpu.memory_space<hbm>> -> memref<25x8x128xf32, #tpu.memory_space<hbm>>
          %dma_start3A_173 = arith.constant 0 : i32
          %dma_start3A_174 = arith.constant 0 : i32
          %dma_start3A_175 = tpu.memref_slice %arg3[%mul3A_169, %dma_start3A_173, %dma_start3A_174] : memref<125000x8x128xf32, #tpu.memory_space<hbm>> -> memref<25x8x128xf32, #tpu.memory_space<hbm>>
          tpu.enqueue_dma source(%arg6 : memref<25x8x128xf32, #tpu.memory_space<vmem>>) target(%dma_start3A_175 : memref<25x8x128xf32, #tpu.memory_space<hbm>>) target_semaphore(%arg10 : memref<!tpu.dma_semaphore, #tpu.memory_space<semaphore_mem>>)
        } else {
        }
        %mul3A_132 = arith.constant 2 : i32
        %mul3A_133 = arith.muli %mul3A_132, %while3A_123 : i32
        %add3A_134 = arith.constant 1 : i32
        %add3A_135 = arith.addi %mul3A_133, %add3A_134 : i32
        %lt3A_136 = arith.cmpi slt, %add3A_135, %select_n3A : i32
        %convert_element_type3A_137 = arith.extui %lt3A_136 : i1 to i32
        %cond3A_138 = arith.constant 0 : i32
        %cond3A_139 = arith.cmpi ne, %convert_element_type3A_137, %cond3A_138 : i32
        scf.if %cond3A_139 {
          %add3A_140 = arith.constant 1 : i32
          %add3A_141 = arith.addi %add3A_135, %add3A_140 : i32
          %lt3A_142 = arith.cmpi slt, %add3A_141, %select_n3A : i32
          %convert_element_type3A_143 = arith.extui %lt3A_142 : i1 to i32
          %cond3A_144 = arith.constant 0 : i32
          %cond3A_145 = arith.cmpi ne, %convert_element_type3A_143, %cond3A_144 : i32
          scf.if %cond3A_145 {
            %add3A_176 = arith.constant 1 : i32
            %add3A_177 = arith.addi %add3A_135, %add3A_176 : i32
            %mul3A_178 = arith.constant 32 : i32
            %mul3A_179 = arith.muli %add3A_177, %mul3A_178 : i32
            %add3A_180 = arith.addi %add3A, %mul3A_179 : i32
            %mul3A_181 = arith.constant 25 : i32
            %mul3A_182 = arith.muli %add3A_180, %mul3A_181 : i32
            %dma_start3A_183 = arith.constant 0 : i32
            %dma_start3A_184 = arith.constant 0 : i32
            %dma_start3A_185 = tpu.memref_slice %arg2[%mul3A_182, %dma_start3A_183, %dma_start3A_184] : memref<125000x8x64xf32, #tpu.memory_space<hbm>> -> memref<25x8x64xf32, #tpu.memory_space<hbm>>
            %dma_start3A_186 = arith.constant 0 : i32
            %dma_start3A_187 = arith.constant 0 : i32
            %dma_start3A_188 = tpu.memref_slice %arg2[%mul3A_182, %dma_start3A_186, %dma_start3A_187] : memref<125000x8x64xf32, #tpu.memory_space<hbm>> -> memref<25x8x64xf32, #tpu.memory_space<hbm>>
            tpu.enqueue_dma source(%dma_start3A_188 : memref<25x8x64xf32, #tpu.memory_space<hbm>>) target(%arg4 : memref<25x8x64xf32, #tpu.memory_space<vmem>>) target_semaphore(%arg8 : memref<!tpu.dma_semaphore, #tpu.memory_space<semaphore_mem>>)
          } else {
          }
          %mul3A_146 = arith.constant 32 : i32
          %mul3A_147 = arith.muli %add3A_135, %mul3A_146 : i32
          %add3A_148 = arith.addi %add3A, %mul3A_147 : i32
          %mul3A_149 = arith.constant 25 : i32
          %mul3A_150 = arith.muli %add3A_148, %mul3A_149 : i32
          %dma_wait3A = arith.constant 0 : i32
          %dma_wait3A_151 = arith.constant 0 : i32
          %dma_wait3A_152 = tpu.memref_slice %arg2[%mul3A_150, %dma_wait3A, %dma_wait3A_151] : memref<125000x8x64xf32, #tpu.memory_space<hbm>> -> memref<25x8x64xf32, #tpu.memory_space<hbm>>
          %dma_wait3A_153 = arith.constant 0 : i32
          %dma_wait3A_154 = arith.constant 0 : i32
          %dma_wait3A_155 = tpu.memref_slice %arg2[%mul3A_150, %dma_wait3A_153, %dma_wait3A_154] : memref<125000x8x64xf32, #tpu.memory_space<hbm>> -> memref<25x8x64xf32, #tpu.memory_space<hbm>>
          tpu.wait_dma2 semaphore(%arg9 : memref<!tpu.dma_semaphore, #tpu.memory_space<semaphore_mem>>) src(%dma_wait3A_155 : memref<25x8x64xf32, #tpu.memory_space<hbm>>) dst(%arg5 : memref<25x8x64xf32, #tpu.memory_space<vmem>>)
          %ge3A = arith.constant 2 : i32
          %ge3A_156 = arith.cmpi sge, %add3A_135, %ge3A : i32
          %convert_element_type3A_157 = arith.extui %ge3A_156 : i1 to i32
          %cond3A_158 = arith.constant 0 : i32
          %cond3A_159 = arith.cmpi ne, %convert_element_type3A_157, %cond3A_158 : i32
          scf.if %cond3A_159 {
            %sub3A_176 = arith.constant 2 : i32
            %sub3A_177 = arith.subi %add3A_135, %sub3A_176 : i32
            %mul3A_178 = arith.constant 32 : i32
            %mul3A_179 = arith.muli %sub3A_177, %mul3A_178 : i32
            %add3A_180 = arith.addi %add3A, %mul3A_179 : i32
            %mul3A_181 = arith.constant 25 : i32
            %mul3A_182 = arith.muli %add3A_180, %mul3A_181 : i32
            %dma_wait3A_183 = arith.constant 0 : i32
            %dma_wait3A_184 = arith.constant 0 : i32
            %dma_wait3A_185 = tpu.memref_slice %arg3[%mul3A_182, %dma_wait3A_183, %dma_wait3A_184] : memref<125000x8x128xf32, #tpu.memory_space<hbm>> -> memref<25x8x128xf32, #tpu.memory_space<hbm>>
            %dma_wait3A_186 = arith.constant 0 : i32
            %dma_wait3A_187 = arith.constant 0 : i32
            %dma_wait3A_188 = tpu.memref_slice %arg3[%mul3A_182, %dma_wait3A_186, %dma_wait3A_187] : memref<125000x8x128xf32, #tpu.memory_space<hbm>> -> memref<25x8x128xf32, #tpu.memory_space<hbm>>
            tpu.wait_dma2 semaphore(%arg11 : memref<!tpu.dma_semaphore, #tpu.memory_space<semaphore_mem>>) src(%arg7 : memref<25x8x128xf32, #tpu.memory_space<vmem>>) dst(%dma_wait3A_188 : memref<25x8x128xf32, #tpu.memory_space<hbm>>)
          } else {
          }
          %scan3A = arith.constant 0 : i32
          %scan3A_160 = arith.constant 0 : i32
          %scan3A_161 = arith.constant 25 : i32
          %scan3A_162 = arith.addi %scan3A_160, %scan3A_161 : i32
          %scan3A_163 = arith.constant 1 : i32
          scf.for %scan3A_176 = %scan3A_160 to %scan3A_162 step %scan3A_163  : i32 {
            %get3A = arith.constant 0 : i32
            %get3A_177 = arith.index_cast %scan3A_176 : i32 to index
            %get3A_178 = arith.index_cast %get3A : i32 to index
            %get3A_179 = arith.constant 0 : index
            %get3A_180 = tpu.vector_load %arg5[%get3A_177, %get3A_178, %get3A_179] {strides = array<i32>} : memref<25x8x64xf32, #tpu.memory_space<vmem>>, vector<1x1x16xf32>,
            %get3A_181 = vector.shape_cast %get3A_180 : vector<1x1x16xf32> to vector<16xf32>
            %mul3A_182 = arith.constant 8.000000e+00 : f32
            %mul3A_183 = vector.broadcast %mul3A_182 : f32 to vector<16xf32>
            %mul3A_184 = arith.mulf %get3A_181, %mul3A_183 : vector<16xf32>
            %swap3A = arith.constant 0 : i32
            %swap3A_185 = arith.index_cast %scan3A_176 : i32 to index
            %swap3A_186 = arith.index_cast %swap3A : i32 to index
            %swap3A_187 = arith.constant 0 : index
            %swap3A_188 = tpu.vector_load %arg7[%swap3A_185, %swap3A_186, %swap3A_187] {strides = array<i32>} : memref<25x8x128xf32, #tpu.memory_space<vmem>>, vector<1x1x16xf32>,
            %swap3A_189 = vector.shape_cast %swap3A_188 : vector<1x1x16xf32> to vector<16xf32>
            %swap3A_190 = vector.shape_cast %mul3A_184 : vector<16xf32> to vector<1x1x16xf32>
            tpu.vector_store %arg7[%swap3A_185, %swap3A_186, %swap3A_187], %swap3A_190 {strides = array<i32>} : memref<25x8x128xf32, #tpu.memory_space<vmem>>, vector<1x1x16xf32>,
            %get3A_191 = arith.constant 0 : i32
            %get3A_192 = arith.index_cast %scan3A_176 : i32 to index
            %get3A_193 = arith.index_cast %get3A_191 : i32 to index
            %get3A_194 = arith.constant 16 : index
            %get3A_195 = tpu.vector_load %arg5[%get3A_192, %get3A_193, %get3A_194] {strides = array<i32>} : memref<25x8x64xf32, #tpu.memory_space<vmem>>, vector<1x1x16xf32>,
            %get3A_196 = vector.shape_cast %get3A_195 : vector<1x1x16xf32> to vector<16xf32>
            %mul3A_197 = arith.constant 8.000000e+00 : f32
            %mul3A_198 = vector.broadcast %mul3A_197 : f32 to vector<16xf32>
            %mul3A_199 = arith.mulf %get3A_196, %mul3A_198 : vector<16xf32>
            %swap3A_200 = arith.constant 0 : i32
            %swap3A_201 = arith.index_cast %scan3A_176 : i32 to index
            %swap3A_202 = arith.index_cast %swap3A_200 : i32 to index
            %swap3A_203 = arith.constant 16 : index
            %swap3A_204 = tpu.vector_load %arg7[%swap3A_201, %swap3A_202, %swap3A_203] {strides = array<i32>} : memref<25x8x128xf32, #tpu.memory_space<vmem>>, vector<1x1x16xf32>,
            %swap3A_205 = vector.shape_cast %swap3A_204 : vector<1x1x16xf32> to vector<16xf32>
            %swap3A_206 = vector.shape_cast %mul3A_199 : vector<16xf32> to vector<1x1x16xf32>
            tpu.vector_store %arg7[%swap3A_201, %swap3A_202, %swap3A_203], %swap3A_206 {strides = array<i32>} : memref<25x8x128xf32, #tpu.memory_space<vmem>>, vector<1x1x16xf32>,
            %get3A_207 = arith.constant 0 : i32
            %get3A_208 = arith.index_cast %scan3A_176 : i32 to index
            %get3A_209 = arith.index_cast %get3A_207 : i32 to index
            %get3A_210 = arith.constant 32 : index
            %get3A_211 = tpu.vector_load %arg5[%get3A_208, %get3A_209, %get3A_210] {strides = array<i32>} : memref<25x8x64xf32, #tpu.memory_space<vmem>>, vector<1x1x16xf32>,
            %get3A_212 = vector.shape_cast %get3A_211 : vector<1x1x16xf32> to vector<16xf32>
            %mul3A_213 = arith.constant 8.000000e+00 : f32
            %mul3A_214 = vector.broadcast %mul3A_213 : f32 to vector<16xf32>
            %mul3A_215 = arith.mulf %get3A_212, %mul3A_214 : vector<16xf32>
            %swap3A_216 = arith.constant 0 : i32
            %swap3A_217 = arith.index_cast %scan3A_176 : i32 to index
            %swap3A_218 = arith.index_cast %swap3A_216 : i32 to index
            %swap3A_219 = arith.constant 32 : index
            %swap3A_220 = tpu.vector_load %arg7[%swap3A_217, %swap3A_218, %swap3A_219] {strides = array<i32>} : memref<25x8x128xf32, #tpu.memory_space<vmem>>, vector<1x1x16xf32>,
            %swap3A_221 = vector.shape_cast %swap3A_220 : vector<1x1x16xf32> to vector<16xf32>
            %swap3A_222 = vector.shape_cast %mul3A_215 : vector<16xf32> to vector<1x1x16xf32>
            tpu.vector_store %arg7[%swap3A_217, %swap3A_218, %swap3A_219], %swap3A_222 {strides = array<i32>} : memref<25x8x128xf32, #tpu.memory_space<vmem>>, vector<1x1x16xf32>,
            %get3A_223 = arith.constant 0 : i32
            %get3A_224 = arith.index_cast %scan3A_176 : i32 to index
            %get3A_225 = arith.index_cast %get3A_223 : i32 to index
            %get3A_226 = arith.constant 48 : index
            %get3A_227 = tpu.vector_load %arg5[%get3A_224, %get3A_225, %get3A_226] {strides = array<i32>} : memref<25x8x64xf32, #tpu.memory_space<vmem>>, vector<1x1x16xf32>,
            %get3A_228 = vector.shape_cast %get3A_227 : vector<1x1x16xf32> to vector<16xf32>
            %mul3A_229 = arith.constant 8.000000e+00 : f32
            %mul3A_230 = vector.broadcast %mul3A_229 : f32 to vector<16xf32>
            %mul3A_231 = arith.mulf %get3A_228, %mul3A_230 : vector<16xf32>
            %swap3A_232 = arith.constant 0 : i32
            %swap3A_233 = arith.index_cast %scan3A_176 : i32 to index
            %swap3A_234 = arith.index_cast %swap3A_232 : i32 to index
            %swap3A_235 = arith.constant 48 : index
            %swap3A_236 = tpu.vector_load %arg7[%swap3A_233, %swap3A_234, %swap3A_235] {strides = array<i32>} : memref<25x8x128xf32, #tpu.memory_space<vmem>>, vector<1x1x16xf32>,
            %swap3A_237 = vector.shape_cast %swap3A_236 : vector<1x1x16xf32> to vector<16xf32>
            %swap3A_238 = vector.shape_cast %mul3A_231 : vector<16xf32> to vector<1x1x16xf32>
            tpu.vector_store %arg7[%swap3A_233, %swap3A_234, %swap3A_235], %swap3A_238 {strides = array<i32>} : memref<25x8x128xf32, #tpu.memory_space<vmem>>, vector<1x1x16xf32>,
            %get3A_239 = arith.constant 1 : i32
            %get3A_240 = arith.index_cast %scan3A_176 : i32 to index
            %get3A_241 = arith.index_cast %get3A_239 : i32 to index
            %get3A_242 = arith.constant 0 : index
            %get3A_243 = tpu.vector_load %arg5[%get3A_240, %get3A_241, %get3A_242] {strides = array<i32>} : memref<25x8x64xf32, #tpu.memory_space<vmem>>, vector<1x1x16xf32>,
            %get3A_244 = vector.shape_cast %get3A_243 : vector<1x1x16xf32> to vector<16xf32>
            %mul3A_245 = arith.constant 8.000000e+00 : f32
            %mul3A_246 = vector.broadcast %mul3A_245 : f32 to vector<16xf32>
            %mul3A_247 = arith.mulf %get3A_244, %mul3A_246 : vector<16xf32>
            %swap3A_248 = arith.constant 1 : i32
            %swap3A_249 = arith.index_cast %scan3A_176 : i32 to index
            %swap3A_250 = arith.index_cast %swap3A_248 : i32 to index
            %swap3A_251 = arith.constant 0 : index
            %swap3A_252 = tpu.vector_load %arg7[%swap3A_249, %swap3A_250, %swap3A_251] {strides = array<i32>} : memref<25x8x128xf32, #tpu.memory_space<vmem>>, vector<1x1x16xf32>,
            %swap3A_253 = vector.shape_cast %swap3A_252 : vector<1x1x16xf32> to vector<16xf32>
            %swap3A_254 = vector.shape_cast %mul3A_247 : vector<16xf32> to vector<1x1x16xf32>
            tpu.vector_store %arg7[%swap3A_249, %swap3A_250, %swap3A_251], %swap3A_254 {strides = array<i32>} : memref<25x8x128xf32, #tpu.memory_space<vmem>>, vector<1x1x16xf32>,
            %get3A_255 = arith.constant 1 : i32
            %get3A_256 = arith.index_cast %scan3A_176 : i32 to index
            %get3A_257 = arith.index_cast %get3A_255 : i32 to index
            %get3A_258 = arith.constant 16 : index
            %get3A_259 = tpu.vector_load %arg5[%get3A_256, %get3A_257, %get3A_258] {strides = array<i32>} : memref<25x8x64xf32, #tpu.memory_space<vmem>>, vector<1x1x16xf32>,
            %get3A_260 = vector.shape_cast %get3A_259 : vector<1x1x16xf32> to vector<16xf32>
            %mul3A_261 = arith.constant 8.000000e+00 : f32
            %mul3A_262 = vector.broadcast %mul3A_261 : f32 to vector<16xf32>
            %mul3A_263 = arith.mulf %get3A_260, %mul3A_262 : vector<16xf32>
            %swap3A_264 = arith.constant 1 : i32
            %swap3A_265 = arith.index_cast %scan3A_176 : i32 to index
            %swap3A_266 = arith.index_cast %swap3A_264 : i32 to index
            %swap3A_267 = arith.constant 16 : index
            %swap3A_268 = tpu.vector_load %arg7[%swap3A_265, %swap3A_266, %swap3A_267] {strides = array<i32>} : memref<25x8x128xf32, #tpu.memory_space<vmem>>, vector<1x1x16xf32>,
            %swap3A_269 = vector.shape_cast %swap3A_268 : vector<1x1x16xf32> to vector<16xf32>
            %swap3A_270 = vector.shape_cast %mul3A_263 : vector<16xf32> to vector<1x1x16xf32>
            tpu.vector_store %arg7[%swap3A_265, %swap3A_266, %swap3A_267], %swap3A_270 {strides = array<i32>} : memref<25x8x128xf32, #tpu.memory_space<vmem>>, vector<1x1x16xf32>,
            %get3A_271 = arith.constant 1 : i32
            %get3A_272 = arith.index_cast %scan3A_176 : i32 to index
            %get3A_273 = arith.index_cast %get3A_271 : i32 to index
            %get3A_274 = arith.constant 32 : index
            %get3A_275 = tpu.vector_load %arg5[%get3A_272, %get3A_273, %get3A_274] {strides = array<i32>} : memref<25x8x64xf32, #tpu.memory_space<vmem>>, vector<1x1x16xf32>,
            %get3A_276 = vector.shape_cast %get3A_275 : vector<1x1x16xf32> to vector<16xf32>
            %mul3A_277 = arith.constant 8.000000e+00 : f32
            %mul3A_278 = vector.broadcast %mul3A_277 : f32 to vector<16xf32>
            %mul3A_279 = arith.mulf %get3A_276, %mul3A_278 : vector<16xf32>
            %swap3A_280 = arith.constant 1 : i32
            %swap3A_281 = arith.index_cast %scan3A_176 : i32 to index
            %swap3A_282 = arith.index_cast %swap3A_280 : i32 to index
            %swap3A_283 = arith.constant 32 : index
            %swap3A_284 = tpu.vector_load %arg7[%swap3A_281, %swap3A_282, %swap3A_283] {strides = array<i32>} : memref<25x8x128xf32, #tpu.memory_space<vmem>>, vector<1x1x16xf32>,
            %swap3A_285 = vector.shape_cast %swap3A_284 : vector<1x1x16xf32> to vector<16xf32>
            %swap3A_286 = vector.shape_cast %mul3A_279 : vector<16xf32> to vector<1x1x16xf32>
            tpu.vector_store %arg7[%swap3A_281, %swap3A_282, %swap3A_283], %swap3A_286 {strides = array<i32>} : memref<25x8x128xf32, #tpu.memory_space<vmem>>, vector<1x1x16xf32>,
            %get3A_287 = arith.constant 1 : i32
            %get3A_288 = arith.index_cast %scan3A_176 : i32 to index
            %get3A_289 = arith.index_cast %get3A_287 : i32 to index
            %get3A_290 = arith.constant 48 : index
            %get3A_291 = tpu.vector_load %arg5[%get3A_288, %get3A_289, %get3A_290] {strides = array<i32>} : memref<25x8x64xf32, #tpu.memory_space<vmem>>, vector<1x1x16xf32>,
            %get3A_292 = vector.shape_cast %get3A_291 : vector<1x1x16xf32> to vector<16xf32>
            %mul3A_293 = arith.constant 8.000000e+00 : f32
            %mul3A_294 = vector.broadcast %mul3A_293 : f32 to vector<16xf32>
            %mul3A_295 = arith.mulf %get3A_292, %mul3A_294 : vector<16xf32>
            %swap3A_296 = arith.constant 1 : i32
            %swap3A_297 = arith.index_cast %scan3A_176 : i32 to index
            %swap3A_298 = arith.index_cast %swap3A_296 : i32 to index
            %swap3A_299 = arith.constant 48 : index
            %swap3A_300 = tpu.vector_load %arg7[%swap3A_297, %swap3A_298, %swap3A_299] {strides = array<i32>} : memref<25x8x128xf32, #tpu.memory_space<vmem>>, vector<1x1x16xf32>,
            %swap3A_301 = vector.shape_cast %swap3A_300 : vector<1x1x16xf32> to vector<16xf32>
            %swap3A_302 = vector.shape_cast %mul3A_295 : vector<16xf32> to vector<1x1x16xf32>
            tpu.vector_store %arg7[%swap3A_297, %swap3A_298, %swap3A_299], %swap3A_302 {strides = array<i32>} : memref<25x8x128xf32, #tpu.memory_space<vmem>>, vector<1x1x16xf32>,
            %get3A_303 = arith.constant 2 : i32
            %get3A_304 = arith.index_cast %scan3A_176 : i32 to index
            %get3A_305 = arith.index_cast %get3A_303 : i32 to index
            %get3A_306 = arith.constant 0 : index
            %get3A_307 = tpu.vector_load %arg5[%get3A_304, %get3A_305, %get3A_306] {strides = array<i32>} : memref<25x8x64xf32, #tpu.memory_space<vmem>>, vector<1x1x16xf32>,
            %get3A_308 = vector.shape_cast %get3A_307 : vector<1x1x16xf32> to vector<16xf32>
            %mul3A_309 = arith.constant 8.000000e+00 : f32
            %mul3A_310 = vector.broadcast %mul3A_309 : f32 to vector<16xf32>
            %mul3A_311 = arith.mulf %get3A_308, %mul3A_310 : vector<16xf32>
            %swap3A_312 = arith.constant 2 : i32
            %swap3A_313 = arith.index_cast %scan3A_176 : i32 to index
            %swap3A_314 = arith.index_cast %swap3A_312 : i32 to index
            %swap3A_315 = arith.constant 0 : index
            %swap3A_316 = tpu.vector_load %arg7[%swap3A_313, %swap3A_314, %swap3A_315] {strides = array<i32>} : memref<25x8x128xf32, #tpu.memory_space<vmem>>, vector<1x1x16xf32>,
            %swap3A_317 = vector.shape_cast %swap3A_316 : vector<1x1x16xf32> to vector<16xf32>
            %swap3A_318 = vector.shape_cast %mul3A_311 : vector<16xf32> to vector<1x1x16xf32>
            tpu.vector_store %arg7[%swap3A_313, %swap3A_314, %swap3A_315], %swap3A_318 {strides = array<i32>} : memref<25x8x128xf32, #tpu.memory_space<vmem>>, vector<1x1x16xf32>,
            %get3A_319 = arith.constant 2 : i32
            %get3A_320 = arith.index_cast %scan3A_176 : i32 to index
            %get3A_321 = arith.index_cast %get3A_319 : i32 to index
            %get3A_322 = arith.constant 16 : index
            %get3A_323 = tpu.vector_load %arg5[%get3A_320, %get3A_321, %get3A_322] {strides = array<i32>} : memref<25x8x64xf32, #tpu.memory_space<vmem>>, vector<1x1x16xf32>,
            %get3A_324 = vector.shape_cast %get3A_323 : vector<1x1x16xf32> to vector<16xf32>
            %mul3A_325 = arith.constant 8.000000e+00 : f32
            %mul3A_326 = vector.broadcast %mul3A_325 : f32 to vector<16xf32>
            %mul3A_327 = arith.mulf %get3A_324, %mul3A_326 : vector<16xf32>
            %swap3A_328 = arith.constant 2 : i32
            %swap3A_329 = arith.index_cast %scan3A_176 : i32 to index
            %swap3A_330 = arith.index_cast %swap3A_328 : i32 to index
            %swap3A_331 = arith.constant 16 : index
            %swap3A_332 = tpu.vector_load %arg7[%swap3A_329, %swap3A_330, %swap3A_331] {strides = array<i32>} : memref<25x8x128xf32, #tpu.memory_space<vmem>>, vector<1x1x16xf32>,
            %swap3A_333 = vector.shape_cast %swap3A_332 : vector<1x1x16xf32> to vector<16xf32>
            %swap3A_334 = vector.shape_cast %mul3A_327 : vector<16xf32> to vector<1x1x16xf32>
            tpu.vector_store %arg7[%swap3A_329, %swap3A_330, %swap3A_331], %swap3A_334 {strides = array<i32>} : memref<25x8x128xf32, #tpu.memory_space<vmem>>, vector<1x1x16xf32>,
            %get3A_335 = arith.constant 2 : i32
            %get3A_336 = arith.index_cast %scan3A_176 : i32 to index
            %get3A_337 = arith.index_cast %get3A_335 : i32 to index
            %get3A_338 = arith.constant 32 : index
            %get3A_339 = tpu.vector_load %arg5[%get3A_336, %get3A_337, %get3A_338] {strides = array<i32>} : memref<25x8x64xf32, #tpu.memory_space<vmem>>, vector<1x1x16xf32>,
            %get3A_340 = vector.shape_cast %get3A_339 : vector<1x1x16xf32> to vector<16xf32>
            %mul3A_341 = arith.constant 8.000000e+00 : f32
            %mul3A_342 = vector.broadcast %mul3A_341 : f32 to vector<16xf32>
            %mul3A_343 = arith.mulf %get3A_340, %mul3A_342 : vector<16xf32>
            %swap3A_344 = arith.constant 2 : i32
            %swap3A_345 = arith.index_cast %scan3A_176 : i32 to index
            %swap3A_346 = arith.index_cast %swap3A_344 : i32 to index
            %swap3A_347 = arith.constant 32 : index
            %swap3A_348 = tpu.vector_load %arg7[%swap3A_345, %swap3A_346, %swap3A_347] {strides = array<i32>} : memref<25x8x128xf32, #tpu.memory_space<vmem>>, vector<1x1x16xf32>,
            %swap3A_349 = vector.shape_cast %swap3A_348 : vector<1x1x16xf32> to vector<16xf32>
            %swap3A_350 = vector.shape_cast %mul3A_343 : vector<16xf32> to vector<1x1x16xf32>
            tpu.vector_store %arg7[%swap3A_345, %swap3A_346, %swap3A_347], %swap3A_350 {strides = array<i32>} : memref<25x8x128xf32, #tpu.memory_space<vmem>>, vector<1x1x16xf32>,
            %get3A_351 = arith.constant 2 : i32
            %get3A_352 = arith.index_cast %scan3A_176 : i32 to index
            %get3A_353 = arith.index_cast %get3A_351 : i32 to index
            %get3A_354 = arith.constant 48 : index
            %get3A_355 = tpu.vector_load %arg5[%get3A_352, %get3A_353, %get3A_354] {strides = array<i32>} : memref<25x8x64xf32, #tpu.memory_space<vmem>>, vector<1x1x16xf32>,
            %get3A_356 = vector.shape_cast %get3A_355 : vector<1x1x16xf32> to vector<16xf32>
            %mul3A_357 = arith.constant 8.000000e+00 : f32
            %mul3A_358 = vector.broadcast %mul3A_357 : f32 to vector<16xf32>
            %mul3A_359 = arith.mulf %get3A_356, %mul3A_358 : vector<16xf32>
            %swap3A_360 = arith.constant 2 : i32
            %swap3A_361 = arith.index_cast %scan3A_176 : i32 to index
            %swap3A_362 = arith.index_cast %swap3A_360 : i32 to index
            %swap3A_363 = arith.constant 48 : index
            %swap3A_364 = tpu.vector_load %arg7[%swap3A_361, %swap3A_362, %swap3A_363] {strides = array<i32>} : memref<25x8x128xf32, #tpu.memory_space<vmem>>, vector<1x1x16xf32>,
            %swap3A_365 = vector.shape_cast %swap3A_364 : vector<1x1x16xf32> to vector<16xf32>
            %swap3A_366 = vector.shape_cast %mul3A_359 : vector<16xf32> to vector<1x1x16xf32>
            tpu.vector_store %arg7[%swap3A_361, %swap3A_362, %swap3A_363], %swap3A_366 {strides = array<i32>} : memref<25x8x128xf32, #tpu.memory_space<vmem>>, vector<1x1x16xf32>,
            %get3A_367 = arith.constant 3 : i32
            %get3A_368 = arith.index_cast %scan3A_176 : i32 to index
            %get3A_369 = arith.index_cast %get3A_367 : i32 to index
            %get3A_370 = arith.constant 0 : index
            %get3A_371 = tpu.vector_load %arg5[%get3A_368, %get3A_369, %get3A_370] {strides = array<i32>} : memref<25x8x64xf32, #tpu.memory_space<vmem>>, vector<1x1x16xf32>,
            %get3A_372 = vector.shape_cast %get3A_371 : vector<1x1x16xf32> to vector<16xf32>
            %mul3A_373 = arith.constant 8.000000e+00 : f32
            %mul3A_374 = vector.broadcast %mul3A_373 : f32 to vector<16xf32>
            %mul3A_375 = arith.mulf %get3A_372, %mul3A_374 : vector<16xf32>
            %swap3A_376 = arith.constant 3 : i32
            %swap3A_377 = arith.index_cast %scan3A_176 : i32 to index
            %swap3A_378 = arith.index_cast %swap3A_376 : i32 to index
            %swap3A_379 = arith.constant 0 : index
            %swap3A_380 = tpu.vector_load %arg7[%swap3A_377, %swap3A_378, %swap3A_379] {strides = array<i32>} : memref<25x8x128xf32, #tpu.memory_space<vmem>>, vector<1x1x16xf32>,
            %swap3A_381 = vector.shape_cast %swap3A_380 : vector<1x1x16xf32> to vector<16xf32>
            %swap3A_382 = vector.shape_cast %mul3A_375 : vector<16xf32> to vector<1x1x16xf32>
            tpu.vector_store %arg7[%swap3A_377, %swap3A_378, %swap3A_379], %swap3A_382 {strides = array<i32>} : memref<25x8x128xf32, #tpu.memory_space<vmem>>, vector<1x1x16xf32>,
            %get3A_383 = arith.constant 3 : i32
            %get3A_384 = arith.index_cast %scan3A_176 : i32 to index
            %get3A_385 = arith.index_cast %get3A_383 : i32 to index
            %get3A_386 = arith.constant 16 : index
            %get3A_387 = tpu.vector_load %arg5[%get3A_384, %get3A_385, %get3A_386] {strides = array<i32>} : memref<25x8x64xf32, #tpu.memory_space<vmem>>, vector<1x1x16xf32>,
            %get3A_388 = vector.shape_cast %get3A_387 : vector<1x1x16xf32> to vector<16xf32>
            %mul3A_389 = arith.constant 8.000000e+00 : f32
            %mul3A_390 = vector.broadcast %mul3A_389 : f32 to vector<16xf32>
            %mul3A_391 = arith.mulf %get3A_388, %mul3A_390 : vector<16xf32>
            %swap3A_392 = arith.constant 3 : i32
            %swap3A_393 = arith.index_cast %scan3A_176 : i32 to index
            %swap3A_394 = arith.index_cast %swap3A_392 : i32 to index
            %swap3A_395 = arith.constant 16 : index
            %swap3A_396 = tpu.vector_load %arg7[%swap3A_393, %swap3A_394, %swap3A_395] {strides = array<i32>} : memref<25x8x128xf32, #tpu.memory_space<vmem>>, vector<1x1x16xf32>,
            %swap3A_397 = vector.shape_cast %swap3A_396 : vector<1x1x16xf32> to vector<16xf32>
            %swap3A_398 = vector.shape_cast %mul3A_391 : vector<16xf32> to vector<1x1x16xf32>
            tpu.vector_store %arg7[%swap3A_393, %swap3A_394, %swap3A_395], %swap3A_398 {strides = array<i32>} : memref<25x8x128xf32, #tpu.memory_space<vmem>>, vector<1x1x16xf32>,
            %get3A_399 = arith.constant 3 : i32
            %get3A_400 = arith.index_cast %scan3A_176 : i32 to index
            %get3A_401 = arith.index_cast %get3A_399 : i32 to index
            %get3A_402 = arith.constant 32 : index
            %get3A_403 = tpu.vector_load %arg5[%get3A_400, %get3A_401, %get3A_402] {strides = array<i32>} : memref<25x8x64xf32, #tpu.memory_space<vmem>>, vector<1x1x16xf32>,
            %get3A_404 = vector.shape_cast %get3A_403 : vector<1x1x16xf32> to vector<16xf32>
            %mul3A_405 = arith.constant 8.000000e+00 : f32
            %mul3A_406 = vector.broadcast %mul3A_405 : f32 to vector<16xf32>
            %mul3A_407 = arith.mulf %get3A_404, %mul3A_406 : vector<16xf32>
            %swap3A_408 = arith.constant 3 : i32
            %swap3A_409 = arith.index_cast %scan3A_176 : i32 to index
            %swap3A_410 = arith.index_cast %swap3A_408 : i32 to index
            %swap3A_411 = arith.constant 32 : index
            %swap3A_412 = tpu.vector_load %arg7[%swap3A_409, %swap3A_410, %swap3A_411] {strides = array<i32>} : memref<25x8x128xf32, #tpu.memory_space<vmem>>, vector<1x1x16xf32>,
            %swap3A_413 = vector.shape_cast %swap3A_412 : vector<1x1x16xf32> to vector<16xf32>
            %swap3A_414 = vector.shape_cast %mul3A_407 : vector<16xf32> to vector<1x1x16xf32>
            tpu.vector_store %arg7[%swap3A_409, %swap3A_410, %swap3A_411], %swap3A_414 {strides = array<i32>} : memref<25x8x128xf32, #tpu.memory_space<vmem>>, vector<1x1x16xf32>,
            %get3A_415 = arith.constant 3 : i32
            %get3A_416 = arith.index_cast %scan3A_176 : i32 to index
            %get3A_417 = arith.index_cast %get3A_415 : i32 to index
            %get3A_418 = arith.constant 48 : index
            %get3A_419 = tpu.vector_load %arg5[%get3A_416, %get3A_417, %get3A_418] {strides = array<i32>} : memref<25x8x64xf32, #tpu.memory_space<vmem>>, vector<1x1x16xf32>,
            %get3A_420 = vector.shape_cast %get3A_419 : vector<1x1x16xf32> to vector<16xf32>
            %mul3A_421 = arith.constant 8.000000e+00 : f32
            %mul3A_422 = vector.broadcast %mul3A_421 : f32 to vector<16xf32>
            %mul3A_423 = arith.mulf %get3A_420, %mul3A_422 : vector<16xf32>
            %swap3A_424 = arith.constant 3 : i32
            %swap3A_425 = arith.index_cast %scan3A_176 : i32 to index
            %swap3A_426 = arith.index_cast %swap3A_424 : i32 to index
            %swap3A_427 = arith.constant 48 : index
            %swap3A_428 = tpu.vector_load %arg7[%swap3A_425, %swap3A_426, %swap3A_427] {strides = array<i32>} : memref<25x8x128xf32, #tpu.memory_space<vmem>>, vector<1x1x16xf32>,
            %swap3A_429 = vector.shape_cast %swap3A_428 : vector<1x1x16xf32> to vector<16xf32>
            %swap3A_430 = vector.shape_cast %mul3A_423 : vector<16xf32> to vector<1x1x16xf32>
            tpu.vector_store %arg7[%swap3A_425, %swap3A_426, %swap3A_427], %swap3A_430 {strides = array<i32>} : memref<25x8x128xf32, #tpu.memory_space<vmem>>, vector<1x1x16xf32>,
            %get3A_431 = arith.constant 4 : i32
            %get3A_432 = arith.index_cast %scan3A_176 : i32 to index
            %get3A_433 = arith.index_cast %get3A_431 : i32 to index
            %get3A_434 = arith.constant 0 : index
            %get3A_435 = tpu.vector_load %arg5[%get3A_432, %get3A_433, %get3A_434] {strides = array<i32>} : memref<25x8x64xf32, #tpu.memory_space<vmem>>, vector<1x1x16xf32>,
            %get3A_436 = vector.shape_cast %get3A_435 : vector<1x1x16xf32> to vector<16xf32>
            %mul3A_437 = arith.constant 8.000000e+00 : f32
            %mul3A_438 = vector.broadcast %mul3A_437 : f32 to vector<16xf32>
            %mul3A_439 = arith.mulf %get3A_436, %mul3A_438 : vector<16xf32>
            %swap3A_440 = arith.constant 4 : i32
            %swap3A_441 = arith.index_cast %scan3A_176 : i32 to index
            %swap3A_442 = arith.index_cast %swap3A_440 : i32 to index
            %swap3A_443 = arith.constant 0 : index
            %swap3A_444 = tpu.vector_load %arg7[%swap3A_441, %swap3A_442, %swap3A_443] {strides = array<i32>} : memref<25x8x128xf32, #tpu.memory_space<vmem>>, vector<1x1x16xf32>,
            %swap3A_445 = vector.shape_cast %swap3A_444 : vector<1x1x16xf32> to vector<16xf32>
            %swap3A_446 = vector.shape_cast %mul3A_439 : vector<16xf32> to vector<1x1x16xf32>
            tpu.vector_store %arg7[%swap3A_441, %swap3A_442, %swap3A_443], %swap3A_446 {strides = array<i32>} : memref<25x8x128xf32, #tpu.memory_space<vmem>>, vector<1x1x16xf32>,
            %get3A_447 = arith.constant 4 : i32
            %get3A_448 = arith.index_cast %scan3A_176 : i32 to index
            %get3A_449 = arith.index_cast %get3A_447 : i32 to index
            %get3A_450 = arith.constant 16 : index
            %get3A_451 = tpu.vector_load %arg5[%get3A_448, %get3A_449, %get3A_450] {strides = array<i32>} : memref<25x8x64xf32, #tpu.memory_space<vmem>>, vector<1x1x16xf32>,
            %get3A_452 = vector.shape_cast %get3A_451 : vector<1x1x16xf32> to vector<16xf32>
            %mul3A_453 = arith.constant 8.000000e+00 : f32
            %mul3A_454 = vector.broadcast %mul3A_453 : f32 to vector<16xf32>
            %mul3A_455 = arith.mulf %get3A_452, %mul3A_454 : vector<16xf32>
            %swap3A_456 = arith.constant 4 : i32
            %swap3A_457 = arith.index_cast %scan3A_176 : i32 to index
            %swap3A_458 = arith.index_cast %swap3A_456 : i32 to index
            %swap3A_459 = arith.constant 16 : index
            %swap3A_460 = tpu.vector_load %arg7[%swap3A_457, %swap3A_458, %swap3A_459] {strides = array<i32>} : memref<25x8x128xf32, #tpu.memory_space<vmem>>, vector<1x1x16xf32>,
            %swap3A_461 = vector.shape_cast %swap3A_460 : vector<1x1x16xf32> to vector<16xf32>
            %swap3A_462 = vector.shape_cast %mul3A_455 : vector<16xf32> to vector<1x1x16xf32>
            tpu.vector_store %arg7[%swap3A_457, %swap3A_458, %swap3A_459], %swap3A_462 {strides = array<i32>} : memref<25x8x128xf32, #tpu.memory_space<vmem>>, vector<1x1x16xf32>,
            %get3A_463 = arith.constant 4 : i32
            %get3A_464 = arith.index_cast %scan3A_176 : i32 to index
            %get3A_465 = arith.index_cast %get3A_463 : i32 to index
            %get3A_466 = arith.constant 32 : index
            %get3A_467 = tpu.vector_load %arg5[%get3A_464, %get3A_465, %get3A_466] {strides = array<i32>} : memref<25x8x64xf32, #tpu.memory_space<vmem>>, vector<1x1x16xf32>,
            %get3A_468 = vector.shape_cast %get3A_467 : vector<1x1x16xf32> to vector<16xf32>
            %mul3A_469 = arith.constant 8.000000e+00 : f32
            %mul3A_470 = vector.broadcast %mul3A_469 : f32 to vector<16xf32>
            %mul3A_471 = arith.mulf %get3A_468, %mul3A_470 : vector<16xf32>
            %swap3A_472 = arith.constant 4 : i32
            %swap3A_473 = arith.index_cast %scan3A_176 : i32 to index
            %swap3A_474 = arith.index_cast %swap3A_472 : i32 to index
            %swap3A_475 = arith.constant 32 : index
            %swap3A_476 = tpu.vector_load %arg7[%swap3A_473, %swap3A_474, %swap3A_475] {strides = array<i32>} : memref<25x8x128xf32, #tpu.memory_space<vmem>>, vector<1x1x16xf32>,
            %swap3A_477 = vector.shape_cast %swap3A_476 : vector<1x1x16xf32> to vector<16xf32>
            %swap3A_478 = vector.shape_cast %mul3A_471 : vector<16xf32> to vector<1x1x16xf32>
            tpu.vector_store %arg7[%swap3A_473, %swap3A_474, %swap3A_475], %swap3A_478 {strides = array<i32>} : memref<25x8x128xf32, #tpu.memory_space<vmem>>, vector<1x1x16xf32>,
            %get3A_479 = arith.constant 4 : i32
            %get3A_480 = arith.index_cast %scan3A_176 : i32 to index
            %get3A_481 = arith.index_cast %get3A_479 : i32 to index
            %get3A_482 = arith.constant 48 : index
            %get3A_483 = tpu.vector_load %arg5[%get3A_480, %get3A_481, %get3A_482] {strides = array<i32>} : memref<25x8x64xf32, #tpu.memory_space<vmem>>, vector<1x1x16xf32>,
            %get3A_484 = vector.shape_cast %get3A_483 : vector<1x1x16xf32> to vector<16xf32>
            %mul3A_485 = arith.constant 8.000000e+00 : f32
            %mul3A_486 = vector.broadcast %mul3A_485 : f32 to vector<16xf32>
            %mul3A_487 = arith.mulf %get3A_484, %mul3A_486 : vector<16xf32>
            %swap3A_488 = arith.constant 4 : i32
            %swap3A_489 = arith.index_cast %scan3A_176 : i32 to index
            %swap3A_490 = arith.index_cast %swap3A_488 : i32 to index
            %swap3A_491 = arith.constant 48 : index
            %swap3A_492 = tpu.vector_load %arg7[%swap3A_489, %swap3A_490, %swap3A_491] {strides = array<i32>} : memref<25x8x128xf32, #tpu.memory_space<vmem>>, vector<1x1x16xf32>,
            %swap3A_493 = vector.shape_cast %swap3A_492 : vector<1x1x16xf32> to vector<16xf32>
            %swap3A_494 = vector.shape_cast %mul3A_487 : vector<16xf32> to vector<1x1x16xf32>
            tpu.vector_store %arg7[%swap3A_489, %swap3A_490, %swap3A_491], %swap3A_494 {strides = array<i32>} : memref<25x8x128xf32, #tpu.memory_space<vmem>>, vector<1x1x16xf32>,
            %get3A_495 = arith.constant 5 : i32
            %get3A_496 = arith.index_cast %scan3A_176 : i32 to index
            %get3A_497 = arith.index_cast %get3A_495 : i32 to index
            %get3A_498 = arith.constant 0 : index
            %get3A_499 = tpu.vector_load %arg5[%get3A_496, %get3A_497, %get3A_498] {strides = array<i32>} : memref<25x8x64xf32, #tpu.memory_space<vmem>>, vector<1x1x16xf32>,
            %get3A_500 = vector.shape_cast %get3A_499 : vector<1x1x16xf32> to vector<16xf32>
            %mul3A_501 = arith.constant 8.000000e+00 : f32
            %mul3A_502 = vector.broadcast %mul3A_501 : f32 to vector<16xf32>
            %mul3A_503 = arith.mulf %get3A_500, %mul3A_502 : vector<16xf32>
            %swap3A_504 = arith.constant 5 : i32
            %swap3A_505 = arith.index_cast %scan3A_176 : i32 to index
            %swap3A_506 = arith.index_cast %swap3A_504 : i32 to index
            %swap3A_507 = arith.constant 0 : index
            %swap3A_508 = tpu.vector_load %arg7[%swap3A_505, %swap3A_506, %swap3A_507] {strides = array<i32>} : memref<25x8x128xf32, #tpu.memory_space<vmem>>, vector<1x1x16xf32>,
            %swap3A_509 = vector.shape_cast %swap3A_508 : vector<1x1x16xf32> to vector<16xf32>
            %swap3A_510 = vector.shape_cast %mul3A_503 : vector<16xf32> to vector<1x1x16xf32>
            tpu.vector_store %arg7[%swap3A_505, %swap3A_506, %swap3A_507], %swap3A_510 {strides = array<i32>} : memref<25x8x128xf32, #tpu.memory_space<vmem>>, vector<1x1x16xf32>,
            %get3A_511 = arith.constant 5 : i32
            %get3A_512 = arith.index_cast %scan3A_176 : i32 to index
            %get3A_513 = arith.index_cast %get3A_511 : i32 to index
            %get3A_514 = arith.constant 16 : index
            %get3A_515 = tpu.vector_load %arg5[%get3A_512, %get3A_513, %get3A_514] {strides = array<i32>} : memref<25x8x64xf32, #tpu.memory_space<vmem>>, vector<1x1x16xf32>,
            %get3A_516 = vector.shape_cast %get3A_515 : vector<1x1x16xf32> to vector<16xf32>
            %mul3A_517 = arith.constant 8.000000e+00 : f32
            %mul3A_518 = vector.broadcast %mul3A_517 : f32 to vector<16xf32>
            %mul3A_519 = arith.mulf %get3A_516, %mul3A_518 : vector<16xf32>
            %swap3A_520 = arith.constant 5 : i32
            %swap3A_521 = arith.index_cast %scan3A_176 : i32 to index
            %swap3A_522 = arith.index_cast %swap3A_520 : i32 to index
            %swap3A_523 = arith.constant 16 : index
            %swap3A_524 = tpu.vector_load %arg7[%swap3A_521, %swap3A_522, %swap3A_523] {strides = array<i32>} : memref<25x8x128xf32, #tpu.memory_space<vmem>>, vector<1x1x16xf32>,
            %swap3A_525 = vector.shape_cast %swap3A_524 : vector<1x1x16xf32> to vector<16xf32>
            %swap3A_526 = vector.shape_cast %mul3A_519 : vector<16xf32> to vector<1x1x16xf32>
            tpu.vector_store %arg7[%swap3A_521, %swap3A_522, %swap3A_523], %swap3A_526 {strides = array<i32>} : memref<25x8x128xf32, #tpu.memory_space<vmem>>, vector<1x1x16xf32>,
            %get3A_527 = arith.constant 5 : i32
            %get3A_528 = arith.index_cast %scan3A_176 : i32 to index
            %get3A_529 = arith.index_cast %get3A_527 : i32 to index
            %get3A_530 = arith.constant 32 : index
            %get3A_531 = tpu.vector_load %arg5[%get3A_528, %get3A_529, %get3A_530] {strides = array<i32>} : memref<25x8x64xf32, #tpu.memory_space<vmem>>, vector<1x1x16xf32>,
            %get3A_532 = vector.shape_cast %get3A_531 : vector<1x1x16xf32> to vector<16xf32>
            %mul3A_533 = arith.constant 8.000000e+00 : f32
            %mul3A_534 = vector.broadcast %mul3A_533 : f32 to vector<16xf32>
            %mul3A_535 = arith.mulf %get3A_532, %mul3A_534 : vector<16xf32>
            %swap3A_536 = arith.constant 5 : i32
            %swap3A_537 = arith.index_cast %scan3A_176 : i32 to index
            %swap3A_538 = arith.index_cast %swap3A_536 : i32 to index
            %swap3A_539 = arith.constant 32 : index
            %swap3A_540 = tpu.vector_load %arg7[%swap3A_537, %swap3A_538, %swap3A_539] {strides = array<i32>} : memref<25x8x128xf32, #tpu.memory_space<vmem>>, vector<1x1x16xf32>,
            %swap3A_541 = vector.shape_cast %swap3A_540 : vector<1x1x16xf32> to vector<16xf32>
            %swap3A_542 = vector.shape_cast %mul3A_535 : vector<16xf32> to vector<1x1x16xf32>
            tpu.vector_store %arg7[%swap3A_537, %swap3A_538, %swap3A_539], %swap3A_542 {strides = array<i32>} : memref<25x8x128xf32, #tpu.memory_space<vmem>>, vector<1x1x16xf32>,
            %get3A_543 = arith.constant 5 : i32
            %get3A_544 = arith.index_cast %scan3A_176 : i32 to index
            %get3A_545 = arith.index_cast %get3A_543 : i32 to index
            %get3A_546 = arith.constant 48 : index
            %get3A_547 = tpu.vector_load %arg5[%get3A_544, %get3A_545, %get3A_546] {strides = array<i32>} : memref<25x8x64xf32, #tpu.memory_space<vmem>>, vector<1x1x16xf32>,
            %get3A_548 = vector.shape_cast %get3A_547 : vector<1x1x16xf32> to vector<16xf32>
            %mul3A_549 = arith.constant 8.000000e+00 : f32
            %mul3A_550 = vector.broadcast %mul3A_549 : f32 to vector<16xf32>
            %mul3A_551 = arith.mulf %get3A_548, %mul3A_550 : vector<16xf32>
            %swap3A_552 = arith.constant 5 : i32
            %swap3A_553 = arith.index_cast %scan3A_176 : i32 to index
            %swap3A_554 = arith.index_cast %swap3A_552 : i32 to index
            %swap3A_555 = arith.constant 48 : index
            %swap3A_556 = tpu.vector_load %arg7[%swap3A_553, %swap3A_554, %swap3A_555] {strides = array<i32>} : memref<25x8x128xf32, #tpu.memory_space<vmem>>, vector<1x1x16xf32>,
            %swap3A_557 = vector.shape_cast %swap3A_556 : vector<1x1x16xf32> to vector<16xf32>
            %swap3A_558 = vector.shape_cast %mul3A_551 : vector<16xf32> to vector<1x1x16xf32>
            tpu.vector_store %arg7[%swap3A_553, %swap3A_554, %swap3A_555], %swap3A_558 {strides = array<i32>} : memref<25x8x128xf32, #tpu.memory_space<vmem>>, vector<1x1x16xf32>,
            %get3A_559 = arith.constant 6 : i32
            %get3A_560 = arith.index_cast %scan3A_176 : i32 to index
            %get3A_561 = arith.index_cast %get3A_559 : i32 to index
            %get3A_562 = arith.constant 0 : index
            %get3A_563 = tpu.vector_load %arg5[%get3A_560, %get3A_561, %get3A_562] {strides = array<i32>} : memref<25x8x64xf32, #tpu.memory_space<vmem>>, vector<1x1x16xf32>,
            %get3A_564 = vector.shape_cast %get3A_563 : vector<1x1x16xf32> to vector<16xf32>
            %mul3A_565 = arith.constant 8.000000e+00 : f32
            %mul3A_566 = vector.broadcast %mul3A_565 : f32 to vector<16xf32>
            %mul3A_567 = arith.mulf %get3A_564, %mul3A_566 : vector<16xf32>
            %swap3A_568 = arith.constant 6 : i32
            %swap3A_569 = arith.index_cast %scan3A_176 : i32 to index
            %swap3A_570 = arith.index_cast %swap3A_568 : i32 to index
            %swap3A_571 = arith.constant 0 : index
            %swap3A_572 = tpu.vector_load %arg7[%swap3A_569, %swap3A_570, %swap3A_571] {strides = array<i32>} : memref<25x8x128xf32, #tpu.memory_space<vmem>>, vector<1x1x16xf32>,
            %swap3A_573 = vector.shape_cast %swap3A_572 : vector<1x1x16xf32> to vector<16xf32>
            %swap3A_574 = vector.shape_cast %mul3A_567 : vector<16xf32> to vector<1x1x16xf32>
            tpu.vector_store %arg7[%swap3A_569, %swap3A_570, %swap3A_571], %swap3A_574 {strides = array<i32>} : memref<25x8x128xf32, #tpu.memory_space<vmem>>, vector<1x1x16xf32>,
            %get3A_575 = arith.constant 6 : i32
            %get3A_576 = arith.index_cast %scan3A_176 : i32 to index
            %get3A_577 = arith.index_cast %get3A_575 : i32 to index
            %get3A_578 = arith.constant 16 : index
            %get3A_579 = tpu.vector_load %arg5[%get3A_576, %get3A_577, %get3A_578] {strides = array<i32>} : memref<25x8x64xf32, #tpu.memory_space<vmem>>, vector<1x1x16xf32>,
            %get3A_580 = vector.shape_cast %get3A_579 : vector<1x1x16xf32> to vector<16xf32>
            %mul3A_581 = arith.constant 8.000000e+00 : f32
            %mul3A_582 = vector.broadcast %mul3A_581 : f32 to vector<16xf32>
            %mul3A_583 = arith.mulf %get3A_580, %mul3A_582 : vector<16xf32>
            %swap3A_584 = arith.constant 6 : i32
            %swap3A_585 = arith.index_cast %scan3A_176 : i32 to index
            %swap3A_586 = arith.index_cast %swap3A_584 : i32 to index
            %swap3A_587 = arith.constant 16 : index
            %swap3A_588 = tpu.vector_load %arg7[%swap3A_585, %swap3A_586, %swap3A_587] {strides = array<i32>} : memref<25x8x128xf32, #tpu.memory_space<vmem>>, vector<1x1x16xf32>,
            %swap3A_589 = vector.shape_cast %swap3A_588 : vector<1x1x16xf32> to vector<16xf32>
            %swap3A_590 = vector.shape_cast %mul3A_583 : vector<16xf32> to vector<1x1x16xf32>
            tpu.vector_store %arg7[%swap3A_585, %swap3A_586, %swap3A_587], %swap3A_590 {strides = array<i32>} : memref<25x8x128xf32, #tpu.memory_space<vmem>>, vector<1x1x16xf32>,
            %get3A_591 = arith.constant 6 : i32
            %get3A_592 = arith.index_cast %scan3A_176 : i32 to index
            %get3A_593 = arith.index_cast %get3A_591 : i32 to index
            %get3A_594 = arith.constant 32 : index
            %get3A_595 = tpu.vector_load %arg5[%get3A_592, %get3A_593, %get3A_594] {strides = array<i32>} : memref<25x8x64xf32, #tpu.memory_space<vmem>>, vector<1x1x16xf32>,
            %get3A_596 = vector.shape_cast %get3A_595 : vector<1x1x16xf32> to vector<16xf32>
            %mul3A_597 = arith.constant 8.000000e+00 : f32
            %mul3A_598 = vector.broadcast %mul3A_597 : f32 to vector<16xf32>
            %mul3A_599 = arith.mulf %get3A_596, %mul3A_598 : vector<16xf32>
            %swap3A_600 = arith.constant 6 : i32
            %swap3A_601 = arith.index_cast %scan3A_176 : i32 to index
            %swap3A_602 = arith.index_cast %swap3A_600 : i32 to index
            %swap3A_603 = arith.constant 32 : index
            %swap3A_604 = tpu.vector_load %arg7[%swap3A_601, %swap3A_602, %swap3A_603] {strides = array<i32>} : memref<25x8x128xf32, #tpu.memory_space<vmem>>, vector<1x1x16xf32>,
            %swap3A_605 = vector.shape_cast %swap3A_604 : vector<1x1x16xf32> to vector<16xf32>
            %swap3A_606 = vector.shape_cast %mul3A_599 : vector<16xf32> to vector<1x1x16xf32>
            tpu.vector_store %arg7[%swap3A_601, %swap3A_602, %swap3A_603], %swap3A_606 {strides = array<i32>} : memref<25x8x128xf32, #tpu.memory_space<vmem>>, vector<1x1x16xf32>,
            %get3A_607 = arith.constant 6 : i32
            %get3A_608 = arith.index_cast %scan3A_176 : i32 to index
            %get3A_609 = arith.index_cast %get3A_607 : i32 to index
            %get3A_610 = arith.constant 48 : index
            %get3A_611 = tpu.vector_load %arg5[%get3A_608, %get3A_609, %get3A_610] {strides = array<i32>} : memref<25x8x64xf32, #tpu.memory_space<vmem>>, vector<1x1x16xf32>,
            %get3A_612 = vector.shape_cast %get3A_611 : vector<1x1x16xf32> to vector<16xf32>
            %mul3A_613 = arith.constant 8.000000e+00 : f32
            %mul3A_614 = vector.broadcast %mul3A_613 : f32 to vector<16xf32>
            %mul3A_615 = arith.mulf %get3A_612, %mul3A_614 : vector<16xf32>
            %swap3A_616 = arith.constant 6 : i32
            %swap3A_617 = arith.index_cast %scan3A_176 : i32 to index
            %swap3A_618 = arith.index_cast %swap3A_616 : i32 to index
            %swap3A_619 = arith.constant 48 : index
            %swap3A_620 = tpu.vector_load %arg7[%swap3A_617, %swap3A_618, %swap3A_619] {strides = array<i32>} : memref<25x8x128xf32, #tpu.memory_space<vmem>>, vector<1x1x16xf32>,
            %swap3A_621 = vector.shape_cast %swap3A_620 : vector<1x1x16xf32> to vector<16xf32>
            %swap3A_622 = vector.shape_cast %mul3A_615 : vector<16xf32> to vector<1x1x16xf32>
            tpu.vector_store %arg7[%swap3A_617, %swap3A_618, %swap3A_619], %swap3A_622 {strides = array<i32>} : memref<25x8x128xf32, #tpu.memory_space<vmem>>, vector<1x1x16xf32>,
            %get3A_623 = arith.constant 7 : i32
            %get3A_624 = arith.index_cast %scan3A_176 : i32 to index
            %get3A_625 = arith.index_cast %get3A_623 : i32 to index
            %get3A_626 = arith.constant 0 : index
            %get3A_627 = tpu.vector_load %arg5[%get3A_624, %get3A_625, %get3A_626] {strides = array<i32>} : memref<25x8x64xf32, #tpu.memory_space<vmem>>, vector<1x1x16xf32>,
            %get3A_628 = vector.shape_cast %get3A_627 : vector<1x1x16xf32> to vector<16xf32>
            %mul3A_629 = arith.constant 8.000000e+00 : f32
            %mul3A_630 = vector.broadcast %mul3A_629 : f32 to vector<16xf32>
            %mul3A_631 = arith.mulf %get3A_628, %mul3A_630 : vector<16xf32>
            %swap3A_632 = arith.constant 7 : i32
            %swap3A_633 = arith.index_cast %scan3A_176 : i32 to index
            %swap3A_634 = arith.index_cast %swap3A_632 : i32 to index
            %swap3A_635 = arith.constant 0 : index
            %swap3A_636 = tpu.vector_load %arg7[%swap3A_633, %swap3A_634, %swap3A_635] {strides = array<i32>} : memref<25x8x128xf32, #tpu.memory_space<vmem>>, vector<1x1x16xf32>,
            %swap3A_637 = vector.shape_cast %swap3A_636 : vector<1x1x16xf32> to vector<16xf32>
            %swap3A_638 = vector.shape_cast %mul3A_631 : vector<16xf32> to vector<1x1x16xf32>
            tpu.vector_store %arg7[%swap3A_633, %swap3A_634, %swap3A_635], %swap3A_638 {strides = array<i32>} : memref<25x8x128xf32, #tpu.memory_space<vmem>>, vector<1x1x16xf32>,
            %get3A_639 = arith.constant 7 : i32
            %get3A_640 = arith.index_cast %scan3A_176 : i32 to index
            %get3A_641 = arith.index_cast %get3A_639 : i32 to index
            %get3A_642 = arith.constant 16 : index
            %get3A_643 = tpu.vector_load %arg5[%get3A_640, %get3A_641, %get3A_642] {strides = array<i32>} : memref<25x8x64xf32, #tpu.memory_space<vmem>>, vector<1x1x16xf32>,
            %get3A_644 = vector.shape_cast %get3A_643 : vector<1x1x16xf32> to vector<16xf32>
            %mul3A_645 = arith.constant 8.000000e+00 : f32
            %mul3A_646 = vector.broadcast %mul3A_645 : f32 to vector<16xf32>
            %mul3A_647 = arith.mulf %get3A_644, %mul3A_646 : vector<16xf32>
            %swap3A_648 = arith.constant 7 : i32
            %swap3A_649 = arith.index_cast %scan3A_176 : i32 to index
            %swap3A_650 = arith.index_cast %swap3A_648 : i32 to index
            %swap3A_651 = arith.constant 16 : index
            %swap3A_652 = tpu.vector_load %arg7[%swap3A_649, %swap3A_650, %swap3A_651] {strides = array<i32>} : memref<25x8x128xf32, #tpu.memory_space<vmem>>, vector<1x1x16xf32>,
            %swap3A_653 = vector.shape_cast %swap3A_652 : vector<1x1x16xf32> to vector<16xf32>
            %swap3A_654 = vector.shape_cast %mul3A_647 : vector<16xf32> to vector<1x1x16xf32>
            tpu.vector_store %arg7[%swap3A_649, %swap3A_650, %swap3A_651], %swap3A_654 {strides = array<i32>} : memref<25x8x128xf32, #tpu.memory_space<vmem>>, vector<1x1x16xf32>,
            %get3A_655 = arith.constant 7 : i32
            %get3A_656 = arith.index_cast %scan3A_176 : i32 to index
            %get3A_657 = arith.index_cast %get3A_655 : i32 to index
            %get3A_658 = arith.constant 32 : index
            %get3A_659 = tpu.vector_load %arg5[%get3A_656, %get3A_657, %get3A_658] {strides = array<i32>} : memref<25x8x64xf32, #tpu.memory_space<vmem>>, vector<1x1x16xf32>,
            %get3A_660 = vector.shape_cast %get3A_659 : vector<1x1x16xf32> to vector<16xf32>
            %mul3A_661 = arith.constant 8.000000e+00 : f32
            %mul3A_662 = vector.broadcast %mul3A_661 : f32 to vector<16xf32>
            %mul3A_663 = arith.mulf %get3A_660, %mul3A_662 : vector<16xf32>
            %swap3A_664 = arith.constant 7 : i32
            %swap3A_665 = arith.index_cast %scan3A_176 : i32 to index
            %swap3A_666 = arith.index_cast %swap3A_664 : i32 to index
            %swap3A_667 = arith.constant 32 : index
            %swap3A_668 = tpu.vector_load %arg7[%swap3A_665, %swap3A_666, %swap3A_667] {strides = array<i32>} : memref<25x8x128xf32, #tpu.memory_space<vmem>>, vector<1x1x16xf32>,
            %swap3A_669 = vector.shape_cast %swap3A_668 : vector<1x1x16xf32> to vector<16xf32>
            %swap3A_670 = vector.shape_cast %mul3A_663 : vector<16xf32> to vector<1x1x16xf32>
            tpu.vector_store %arg7[%swap3A_665, %swap3A_666, %swap3A_667], %swap3A_670 {strides = array<i32>} : memref<25x8x128xf32, #tpu.memory_space<vmem>>, vector<1x1x16xf32>,
            %get3A_671 = arith.constant 7 : i32
            %get3A_672 = arith.index_cast %scan3A_176 : i32 to index
            %get3A_673 = arith.index_cast %get3A_671 : i32 to index
            %get3A_674 = arith.constant 48 : index
            %get3A_675 = tpu.vector_load %arg5[%get3A_672, %get3A_673, %get3A_674] {strides = array<i32>} : memref<25x8x64xf32, #tpu.memory_space<vmem>>, vector<1x1x16xf32>,
            %get3A_676 = vector.shape_cast %get3A_675 : vector<1x1x16xf32> to vector<16xf32>
            %mul3A_677 = arith.constant 8.000000e+00 : f32
            %mul3A_678 = vector.broadcast %mul3A_677 : f32 to vector<16xf32>
            %mul3A_679 = arith.mulf %get3A_676, %mul3A_678 : vector<16xf32>
            %swap3A_680 = arith.constant 7 : i32
            %swap3A_681 = arith.index_cast %scan3A_176 : i32 to index
            %swap3A_682 = arith.index_cast %swap3A_680 : i32 to index
            %swap3A_683 = arith.constant 48 : index
            %swap3A_684 = tpu.vector_load %arg7[%swap3A_681, %swap3A_682, %swap3A_683] {strides = array<i32>} : memref<25x8x128xf32, #tpu.memory_space<vmem>>, vector<1x1x16xf32>,
            %swap3A_685 = vector.shape_cast %swap3A_684 : vector<1x1x16xf32> to vector<16xf32>
            %swap3A_686 = vector.shape_cast %mul3A_679 : vector<16xf32> to vector<1x1x16xf32>
            tpu.vector_store %arg7[%swap3A_681, %swap3A_682, %swap3A_683], %swap3A_686 {strides = array<i32>} : memref<25x8x128xf32, #tpu.memory_space<vmem>>, vector<1x1x16xf32>,
          }
          %scan3A_164 = arith.constant 25 : i32
          %mul3A_165 = arith.constant 32 : i32
          %mul3A_166 = arith.muli %add3A_135, %mul3A_165 : i32
          %add3A_167 = arith.addi %add3A, %mul3A_166 : i32
          %mul3A_168 = arith.constant 25 : i32
          %mul3A_169 = arith.muli %add3A_167, %mul3A_168 : i32
          %dma_start3A_170 = arith.constant 0 : i32
          %dma_start3A_171 = arith.constant 0 : i32
          %dma_start3A_172 = tpu.memref_slice %arg3[%mul3A_169, %dma_start3A_170, %dma_start3A_171] : memref<125000x8x128xf32, #tpu.memory_space<hbm>> -> memref<25x8x128xf32, #tpu.memory_space<hbm>>
          %dma_start3A_173 = arith.constant 0 : i32
          %dma_start3A_174 = arith.constant 0 : i32
          %dma_start3A_175 = tpu.memref_slice %arg3[%mul3A_169, %dma_start3A_173, %dma_start3A_174] : memref<125000x8x128xf32, #tpu.memory_space<hbm>> -> memref<25x8x128xf32, #tpu.memory_space<hbm>>
          tpu.enqueue_dma source(%arg7 : memref<25x8x128xf32, #tpu.memory_space<vmem>>) target(%dma_start3A_175 : memref<25x8x128xf32, #tpu.memory_space<hbm>>) target_semaphore(%arg11 : memref<!tpu.dma_semaphore, #tpu.memory_space<semaphore_mem>>)
        } else {
        }
      }
      %while3A_68 = arith.constant 1 : i32
      scf.for %while3A_123 = %while3A_66 to %while3A_62 step %while3A_68  : i32 {
        %mul3A_124 = arith.constant 2 : i32
        %mul3A_125 = arith.muli %mul3A_124, %while3A_123 : i32
        %add3A_126 = arith.constant 0 : i32
        %add3A_127 = arith.addi %mul3A_125, %add3A_126 : i32
        %lt3A_128 = arith.cmpi slt, %add3A_127, %select_n3A : i32
        %convert_element_type3A_129 = arith.extui %lt3A_128 : i1 to i32
        %cond3A_130 = arith.constant 0 : i32
        %cond3A_131 = arith.cmpi ne, %convert_element_type3A_129, %cond3A_130 : i32
        scf.if %cond3A_131 {
          %add3A_140 = arith.constant 1 : i32
          %add3A_141 = arith.addi %add3A_127, %add3A_140 : i32
          %lt3A_142 = arith.cmpi slt, %add3A_141, %select_n3A : i32
          %convert_element_type3A_143 = arith.extui %lt3A_142 : i1 to i32
          %cond3A_144 = arith.constant 0 : i32
          %cond3A_145 = arith.cmpi ne, %convert_element_type3A_143, %cond3A_144 : i32
          scf.if %cond3A_145 {
            %add3A_176 = arith.constant 1 : i32
            %add3A_177 = arith.addi %add3A_127, %add3A_176 : i32
            %mul3A_178 = arith.constant 32 : i32
            %mul3A_179 = arith.muli %add3A_177, %mul3A_178 : i32
            %add3A_180 = arith.addi %add3A, %mul3A_179 : i32
            %mul3A_181 = arith.constant 25 : i32
            %mul3A_182 = arith.muli %add3A_180, %mul3A_181 : i32
            %dma_start3A_183 = arith.constant 0 : i32
            %dma_start3A_184 = arith.constant 0 : i32
            %dma_start3A_185 = tpu.memref_slice %arg2[%mul3A_182, %dma_start3A_183, %dma_start3A_184] : memref<125000x8x64xf32, #tpu.memory_space<hbm>> -> memref<25x8x64xf32, #tpu.memory_space<hbm>>
            %dma_start3A_186 = arith.constant 0 : i32
            %dma_start3A_187 = arith.constant 0 : i32
            %dma_start3A_188 = tpu.memref_slice %arg2[%mul3A_182, %dma_start3A_186, %dma_start3A_187] : memref<125000x8x64xf32, #tpu.memory_space<hbm>> -> memref<25x8x64xf32, #tpu.memory_space<hbm>>
            tpu.enqueue_dma source(%dma_start3A_188 : memref<25x8x64xf32, #tpu.memory_space<hbm>>) target(%arg5 : memref<25x8x64xf32, #tpu.memory_space<vmem>>) target_semaphore(%arg9 : memref<!tpu.dma_semaphore, #tpu.memory_space<semaphore_mem>>)
          } else {
          }
          %mul3A_146 = arith.constant 32 : i32
          %mul3A_147 = arith.muli %add3A_127, %mul3A_146 : i32
          %add3A_148 = arith.addi %add3A, %mul3A_147 : i32
          %mul3A_149 = arith.constant 25 : i32
          %mul3A_150 = arith.muli %add3A_148, %mul3A_149 : i32
          %dma_wait3A = arith.constant 0 : i32
          %dma_wait3A_151 = arith.constant 0 : i32
          %dma_wait3A_152 = tpu.memref_slice %arg2[%mul3A_150, %dma_wait3A, %dma_wait3A_151] : memref<125000x8x64xf32, #tpu.memory_space<hbm>> -> memref<25x8x64xf32, #tpu.memory_space<hbm>>
          %dma_wait3A_153 = arith.constant 0 : i32
          %dma_wait3A_154 = arith.constant 0 : i32
          %dma_wait3A_155 = tpu.memref_slice %arg2[%mul3A_150, %dma_wait3A_153, %dma_wait3A_154] : memref<125000x8x64xf32, #tpu.memory_space<hbm>> -> memref<25x8x64xf32, #tpu.memory_space<hbm>>
          tpu.wait_dma2 semaphore(%arg8 : memref<!tpu.dma_semaphore, #tpu.memory_space<semaphore_mem>>) src(%dma_wait3A_155 : memref<25x8x64xf32, #tpu.memory_space<hbm>>) dst(%arg4 : memref<25x8x64xf32, #tpu.memory_space<vmem>>)
          %ge3A = arith.constant 2 : i32
          %ge3A_156 = arith.cmpi sge, %add3A_127, %ge3A : i32
          %convert_element_type3A_157 = arith.extui %ge3A_156 : i1 to i32
          %cond3A_158 = arith.constant 0 : i32
          %cond3A_159 = arith.cmpi ne, %convert_element_type3A_157, %cond3A_158 : i32
          scf.if %cond3A_159 {
            %sub3A_176 = arith.constant 2 : i32
            %sub3A_177 = arith.subi %add3A_127, %sub3A_176 : i32
            %mul3A_178 = arith.constant 32 : i32
            %mul3A_179 = arith.muli %sub3A_177, %mul3A_178 : i32
            %add3A_180 = arith.addi %add3A, %mul3A_179 : i32
            %mul3A_181 = arith.constant 25 : i32
            %mul3A_182 = arith.muli %add3A_180, %mul3A_181 : i32
            %dma_wait3A_183 = arith.constant 0 : i32
            %dma_wait3A_184 = arith.constant 0 : i32
            %dma_wait3A_185 = tpu.memref_slice %arg3[%mul3A_182, %dma_wait3A_183, %dma_wait3A_184] : memref<125000x8x128xf32, #tpu.memory_space<hbm>> -> memref<25x8x128xf32, #tpu.memory_space<hbm>>
            %dma_wait3A_186 = arith.constant 0 : i32
            %dma_wait3A_187 = arith.constant 0 : i32
            %dma_wait3A_188 = tpu.memref_slice %arg3[%mul3A_182, %dma_wait3A_186, %dma_wait3A_187] : memref<125000x8x128xf32, #tpu.memory_space<hbm>> -> memref<25x8x128xf32, #tpu.memory_space<hbm>>
            tpu.wait_dma2 semaphore(%arg10 : memref<!tpu.dma_semaphore, #tpu.memory_space<semaphore_mem>>) src(%arg6 : memref<25x8x128xf32, #tpu.memory_space<vmem>>) dst(%dma_wait3A_188 : memref<25x8x128xf32, #tpu.memory_space<hbm>>)
          } else {
          }
          %scan3A = arith.constant 0 : i32
          %scan3A_160 = arith.constant 0 : i32
          %scan3A_161 = arith.constant 25 : i32
          %scan3A_162 = arith.addi %scan3A_160, %scan3A_161 : i32
          %scan3A_163 = arith.constant 1 : i32
          scf.for %scan3A_176 = %scan3A_160 to %scan3A_162 step %scan3A_163  : i32 {
            %get3A = arith.constant 0 : i32
            %get3A_177 = arith.index_cast %scan3A_176 : i32 to index
            %get3A_178 = arith.index_cast %get3A : i32 to index
            %get3A_179 = arith.constant 0 : index
            %get3A_180 = tpu.vector_load %arg4[%get3A_177, %get3A_178, %get3A_179] {strides = array<i32>} : memref<25x8x64xf32, #tpu.memory_space<vmem>>, vector<1x1x16xf32>,
            %get3A_181 = vector.shape_cast %get3A_180 : vector<1x1x16xf32> to vector<16xf32>
            %mul3A_182 = arith.constant 8.000000e+00 : f32
            %mul3A_183 = vector.broadcast %mul3A_182 : f32 to vector<16xf32>
            %mul3A_184 = arith.mulf %get3A_181, %mul3A_183 : vector<16xf32>
            %swap3A = arith.constant 0 : i32
            %swap3A_185 = arith.index_cast %scan3A_176 : i32 to index
            %swap3A_186 = arith.index_cast %swap3A : i32 to index
            %swap3A_187 = arith.constant 0 : index
            %swap3A_188 = tpu.vector_load %arg6[%swap3A_185, %swap3A_186, %swap3A_187] {strides = array<i32>} : memref<25x8x128xf32, #tpu.memory_space<vmem>>, vector<1x1x16xf32>,
            %swap3A_189 = vector.shape_cast %swap3A_188 : vector<1x1x16xf32> to vector<16xf32>
            %swap3A_190 = vector.shape_cast %mul3A_184 : vector<16xf32> to vector<1x1x16xf32>
            tpu.vector_store %arg6[%swap3A_185, %swap3A_186, %swap3A_187], %swap3A_190 {strides = array<i32>} : memref<25x8x128xf32, #tpu.memory_space<vmem>>, vector<1x1x16xf32>,
            %get3A_191 = arith.constant 0 : i32
            %get3A_192 = arith.index_cast %scan3A_176 : i32 to index
            %get3A_193 = arith.index_cast %get3A_191 : i32 to index
            %get3A_194 = arith.constant 16 : index
            %get3A_195 = tpu.vector_load %arg4[%get3A_192, %get3A_193, %get3A_194] {strides = array<i32>} : memref<25x8x64xf32, #tpu.memory_space<vmem>>, vector<1x1x16xf32>,
            %get3A_196 = vector.shape_cast %get3A_195 : vector<1x1x16xf32> to vector<16xf32>
            %mul3A_197 = arith.constant 8.000000e+00 : f32
            %mul3A_198 = vector.broadcast %mul3A_197 : f32 to vector<16xf32>
            %mul3A_199 = arith.mulf %get3A_196, %mul3A_198 : vector<16xf32>
            %swap3A_200 = arith.constant 0 : i32
            %swap3A_201 = arith.index_cast %scan3A_176 : i32 to index
            %swap3A_202 = arith.index_cast %swap3A_200 : i32 to index
            %swap3A_203 = arith.constant 16 : index
            %swap3A_204 = tpu.vector_load %arg6[%swap3A_201, %swap3A_202, %swap3A_203] {strides = array<i32>} : memref<25x8x128xf32, #tpu.memory_space<vmem>>, vector<1x1x16xf32>,
            %swap3A_205 = vector.shape_cast %swap3A_204 : vector<1x1x16xf32> to vector<16xf32>
            %swap3A_206 = vector.shape_cast %mul3A_199 : vector<16xf32> to vector<1x1x16xf32>
            tpu.vector_store %arg6[%swap3A_201, %swap3A_202, %swap3A_203], %swap3A_206 {strides = array<i32>} : memref<25x8x128xf32, #tpu.memory_space<vmem>>, vector<1x1x16xf32>,
            %get3A_207 = arith.constant 0 : i32
            %get3A_208 = arith.index_cast %scan3A_176 : i32 to index
            %get3A_209 = arith.index_cast %get3A_207 : i32 to index
            %get3A_210 = arith.constant 32 : index
            %get3A_211 = tpu.vector_load %arg4[%get3A_208, %get3A_209, %get3A_210] {strides = array<i32>} : memref<25x8x64xf32, #tpu.memory_space<vmem>>, vector<1x1x16xf32>,
            %get3A_212 = vector.shape_cast %get3A_211 : vector<1x1x16xf32> to vector<16xf32>
            %mul3A_213 = arith.constant 8.000000e+00 : f32
            %mul3A_214 = vector.broadcast %mul3A_213 : f32 to vector<16xf32>
            %mul3A_215 = arith.mulf %get3A_212, %mul3A_214 : vector<16xf32>
            %swap3A_216 = arith.constant 0 : i32
            %swap3A_217 = arith.index_cast %scan3A_176 : i32 to index
            %swap3A_218 = arith.index_cast %swap3A_216 : i32 to index
            %swap3A_219 = arith.constant 32 : index
            %swap3A_220 = tpu.vector_load %arg6[%swap3A_217, %swap3A_218, %swap3A_219] {strides = array<i32>} : memref<25x8x128xf32, #tpu.memory_space<vmem>>, vector<1x1x16xf32>,
            %swap3A_221 = vector.shape_cast %swap3A_220 : vector<1x1x16xf32> to vector<16xf32>
            %swap3A_222 = vector.shape_cast %mul3A_215 : vector<16xf32> to vector<1x1x16xf32>
            tpu.vector_store %arg6[%swap3A_217, %swap3A_218, %swap3A_219], %swap3A_222 {strides = array<i32>} : memref<25x8x128xf32, #tpu.memory_space<vmem>>, vector<1x1x16xf32>,
            %get3A_223 = arith.constant 0 : i32
            %get3A_224 = arith.index_cast %scan3A_176 : i32 to index
            %get3A_225 = arith.index_cast %get3A_223 : i32 to index
            %get3A_226 = arith.constant 48 : index
            %get3A_227 = tpu.vector_load %arg4[%get3A_224, %get3A_225, %get3A_226] {strides = array<i32>} : memref<25x8x64xf32, #tpu.memory_space<vmem>>, vector<1x1x16xf32>,
            %get3A_228 = vector.shape_cast %get3A_227 : vector<1x1x16xf32> to vector<16xf32>
            %mul3A_229 = arith.constant 8.000000e+00 : f32
            %mul3A_230 = vector.broadcast %mul3A_229 : f32 to vector<16xf32>
            %mul3A_231 = arith.mulf %get3A_228, %mul3A_230 : vector<16xf32>
            %swap3A_232 = arith.constant 0 : i32
            %swap3A_233 = arith.index_cast %scan3A_176 : i32 to index
            %swap3A_234 = arith.index_cast %swap3A_232 : i32 to index
            %swap3A_235 = arith.constant 48 : index
            %swap3A_236 = tpu.vector_load %arg6[%swap3A_233, %swap3A_234, %swap3A_235] {strides = array<i32>} : memref<25x8x128xf32, #tpu.memory_space<vmem>>, vector<1x1x16xf32>,
            %swap3A_237 = vector.shape_cast %swap3A_236 : vector<1x1x16xf32> to vector<16xf32>
            %swap3A_238 = vector.shape_cast %mul3A_231 : vector<16xf32> to vector<1x1x16xf32>
            tpu.vector_store %arg6[%swap3A_233, %swap3A_234, %swap3A_235], %swap3A_238 {strides = array<i32>} : memref<25x8x128xf32, #tpu.memory_space<vmem>>, vector<1x1x16xf32>,
            %get3A_239 = arith.constant 1 : i32
            %get3A_240 = arith.index_cast %scan3A_176 : i32 to index
            %get3A_241 = arith.index_cast %get3A_239 : i32 to index
            %get3A_242 = arith.constant 0 : index
            %get3A_243 = tpu.vector_load %arg4[%get3A_240, %get3A_241, %get3A_242] {strides = array<i32>} : memref<25x8x64xf32, #tpu.memory_space<vmem>>, vector<1x1x16xf32>,
            %get3A_244 = vector.shape_cast %get3A_243 : vector<1x1x16xf32> to vector<16xf32>
            %mul3A_245 = arith.constant 8.000000e+00 : f32
            %mul3A_246 = vector.broadcast %mul3A_245 : f32 to vector<16xf32>
            %mul3A_247 = arith.mulf %get3A_244, %mul3A_246 : vector<16xf32>
            %swap3A_248 = arith.constant 1 : i32
            %swap3A_249 = arith.index_cast %scan3A_176 : i32 to index
            %swap3A_250 = arith.index_cast %swap3A_248 : i32 to index
            %swap3A_251 = arith.constant 0 : index
            %swap3A_252 = tpu.vector_load %arg6[%swap3A_249, %swap3A_250, %swap3A_251] {strides = array<i32>} : memref<25x8x128xf32, #tpu.memory_space<vmem>>, vector<1x1x16xf32>,
            %swap3A_253 = vector.shape_cast %swap3A_252 : vector<1x1x16xf32> to vector<16xf32>
            %swap3A_254 = vector.shape_cast %mul3A_247 : vector<16xf32> to vector<1x1x16xf32>
            tpu.vector_store %arg6[%swap3A_249, %swap3A_250, %swap3A_251], %swap3A_254 {strides = array<i32>} : memref<25x8x128xf32, #tpu.memory_space<vmem>>, vector<1x1x16xf32>,
            %get3A_255 = arith.constant 1 : i32
            %get3A_256 = arith.index_cast %scan3A_176 : i32 to index
            %get3A_257 = arith.index_cast %get3A_255 : i32 to index
            %get3A_258 = arith.constant 16 : index
            %get3A_259 = tpu.vector_load %arg4[%get3A_256, %get3A_257, %get3A_258] {strides = array<i32>} : memref<25x8x64xf32, #tpu.memory_space<vmem>>, vector<1x1x16xf32>,
            %get3A_260 = vector.shape_cast %get3A_259 : vector<1x1x16xf32> to vector<16xf32>
            %mul3A_261 = arith.constant 8.000000e+00 : f32
            %mul3A_262 = vector.broadcast %mul3A_261 : f32 to vector<16xf32>
            %mul3A_263 = arith.mulf %get3A_260, %mul3A_262 : vector<16xf32>
            %swap3A_264 = arith.constant 1 : i32
            %swap3A_265 = arith.index_cast %scan3A_176 : i32 to index
            %swap3A_266 = arith.index_cast %swap3A_264 : i32 to index
            %swap3A_267 = arith.constant 16 : index
            %swap3A_268 = tpu.vector_load %arg6[%swap3A_265, %swap3A_266, %swap3A_267] {strides = array<i32>} : memref<25x8x128xf32, #tpu.memory_space<vmem>>, vector<1x1x16xf32>,
            %swap3A_269 = vector.shape_cast %swap3A_268 : vector<1x1x16xf32> to vector<16xf32>
            %swap3A_270 = vector.shape_cast %mul3A_263 : vector<16xf32> to vector<1x1x16xf32>
            tpu.vector_store %arg6[%swap3A_265, %swap3A_266, %swap3A_267], %swap3A_270 {strides = array<i32>} : memref<25x8x128xf32, #tpu.memory_space<vmem>>, vector<1x1x16xf32>,
            %get3A_271 = arith.constant 1 : i32
            %get3A_272 = arith.index_cast %scan3A_176 : i32 to index
            %get3A_273 = arith.index_cast %get3A_271 : i32 to index
            %get3A_274 = arith.constant 32 : index
            %get3A_275 = tpu.vector_load %arg4[%get3A_272, %get3A_273, %get3A_274] {strides = array<i32>} : memref<25x8x64xf32, #tpu.memory_space<vmem>>, vector<1x1x16xf32>,
            %get3A_276 = vector.shape_cast %get3A_275 : vector<1x1x16xf32> to vector<16xf32>
            %mul3A_277 = arith.constant 8.000000e+00 : f32
            %mul3A_278 = vector.broadcast %mul3A_277 : f32 to vector<16xf32>
            %mul3A_279 = arith.mulf %get3A_276, %mul3A_278 : vector<16xf32>
            %swap3A_280 = arith.constant 1 : i32
            %swap3A_281 = arith.index_cast %scan3A_176 : i32 to index
            %swap3A_282 = arith.index_cast %swap3A_280 : i32 to index
            %swap3A_283 = arith.constant 32 : index
            %swap3A_284 = tpu.vector_load %arg6[%swap3A_281, %swap3A_282, %swap3A_283] {strides = array<i32>} : memref<25x8x128xf32, #tpu.memory_space<vmem>>, vector<1x1x16xf32>,
            %swap3A_285 = vector.shape_cast %swap3A_284 : vector<1x1x16xf32> to vector<16xf32>
            %swap3A_286 = vector.shape_cast %mul3A_279 : vector<16xf32> to vector<1x1x16xf32>
            tpu.vector_store %arg6[%swap3A_281, %swap3A_282, %swap3A_283], %swap3A_286 {strides = array<i32>} : memref<25x8x128xf32, #tpu.memory_space<vmem>>, vector<1x1x16xf32>,
            %get3A_287 = arith.constant 1 : i32
            %get3A_288 = arith.index_cast %scan3A_176 : i32 to index
            %get3A_289 = arith.index_cast %get3A_287 : i32 to index
            %get3A_290 = arith.constant 48 : index
            %get3A_291 = tpu.vector_load %arg4[%get3A_288, %get3A_289, %get3A_290] {strides = array<i32>} : memref<25x8x64xf32, #tpu.memory_space<vmem>>, vector<1x1x16xf32>,
            %get3A_292 = vector.shape_cast %get3A_291 : vector<1x1x16xf32> to vector<16xf32>
            %mul3A_293 = arith.constant 8.000000e+00 : f32
            %mul3A_294 = vector.broadcast %mul3A_293 : f32 to vector<16xf32>
            %mul3A_295 = arith.mulf %get3A_292, %mul3A_294 : vector<16xf32>
            %swap3A_296 = arith.constant 1 : i32
            %swap3A_297 = arith.index_cast %scan3A_176 : i32 to index
            %swap3A_298 = arith.index_cast %swap3A_296 : i32 to index
            %swap3A_299 = arith.constant 48 : index
            %swap3A_300 = tpu.vector_load %arg6[%swap3A_297, %swap3A_298, %swap3A_299] {strides = array<i32>} : memref<25x8x128xf32, #tpu.memory_space<vmem>>, vector<1x1x16xf32>,
            %swap3A_301 = vector.shape_cast %swap3A_300 : vector<1x1x16xf32> to vector<16xf32>
            %swap3A_302 = vector.shape_cast %mul3A_295 : vector<16xf32> to vector<1x1x16xf32>
            tpu.vector_store %arg6[%swap3A_297, %swap3A_298, %swap3A_299], %swap3A_302 {strides = array<i32>} : memref<25x8x128xf32, #tpu.memory_space<vmem>>, vector<1x1x16xf32>,
            %get3A_303 = arith.constant 2 : i32
            %get3A_304 = arith.index_cast %scan3A_176 : i32 to index
            %get3A_305 = arith.index_cast %get3A_303 : i32 to index
            %get3A_306 = arith.constant 0 : index
            %get3A_307 = tpu.vector_load %arg4[%get3A_304, %get3A_305, %get3A_306] {strides = array<i32>} : memref<25x8x64xf32, #tpu.memory_space<vmem>>, vector<1x1x16xf32>,
            %get3A_308 = vector.shape_cast %get3A_307 : vector<1x1x16xf32> to vector<16xf32>
            %mul3A_309 = arith.constant 8.000000e+00 : f32
            %mul3A_310 = vector.broadcast %mul3A_309 : f32 to vector<16xf32>
            %mul3A_311 = arith.mulf %get3A_308, %mul3A_310 : vector<16xf32>
            %swap3A_312 = arith.constant 2 : i32
            %swap3A_313 = arith.index_cast %scan3A_176 : i32 to index
            %swap3A_314 = arith.index_cast %swap3A_312 : i32 to index
            %swap3A_315 = arith.constant 0 : index
            %swap3A_316 = tpu.vector_load %arg6[%swap3A_313, %swap3A_314, %swap3A_315] {strides = array<i32>} : memref<25x8x128xf32, #tpu.memory_space<vmem>>, vector<1x1x16xf32>,
            %swap3A_317 = vector.shape_cast %swap3A_316 : vector<1x1x16xf32> to vector<16xf32>
            %swap3A_318 = vector.shape_cast %mul3A_311 : vector<16xf32> to vector<1x1x16xf32>
            tpu.vector_store %arg6[%swap3A_313, %swap3A_314, %swap3A_315], %swap3A_318 {strides = array<i32>} : memref<25x8x128xf32, #tpu.memory_space<vmem>>, vector<1x1x16xf32>,
            %get3A_319 = arith.constant 2 : i32
            %get3A_320 = arith.index_cast %scan3A_176 : i32 to index
            %get3A_321 = arith.index_cast %get3A_319 : i32 to index
            %get3A_322 = arith.constant 16 : index
            %get3A_323 = tpu.vector_load %arg4[%get3A_320, %get3A_321, %get3A_322] {strides = array<i32>} : memref<25x8x64xf32, #tpu.memory_space<vmem>>, vector<1x1x16xf32>,
            %get3A_324 = vector.shape_cast %get3A_323 : vector<1x1x16xf32> to vector<16xf32>
            %mul3A_325 = arith.constant 8.000000e+00 : f32
            %mul3A_326 = vector.broadcast %mul3A_325 : f32 to vector<16xf32>
            %mul3A_327 = arith.mulf %get3A_324, %mul3A_326 : vector<16xf32>
            %swap3A_328 = arith.constant 2 : i32
            %swap3A_329 = arith.index_cast %scan3A_176 : i32 to index
            %swap3A_330 = arith.index_cast %swap3A_328 : i32 to index
            %swap3A_331 = arith.constant 16 : index
            %swap3A_332 = tpu.vector_load %arg6[%swap3A_329, %swap3A_330, %swap3A_331] {strides = array<i32>} : memref<25x8x128xf32, #tpu.memory_space<vmem>>, vector<1x1x16xf32>,
            %swap3A_333 = vector.shape_cast %swap3A_332 : vector<1x1x16xf32> to vector<16xf32>
            %swap3A_334 = vector.shape_cast %mul3A_327 : vector<16xf32> to vector<1x1x16xf32>
            tpu.vector_store %arg6[%swap3A_329, %swap3A_330, %swap3A_331], %swap3A_334 {strides = array<i32>} : memref<25x8x128xf32, #tpu.memory_space<vmem>>, vector<1x1x16xf32>,
            %get3A_335 = arith.constant 2 : i32
            %get3A_336 = arith.index_cast %scan3A_176 : i32 to index
            %get3A_337 = arith.index_cast %get3A_335 : i32 to index
            %get3A_338 = arith.constant 32 : index
            %get3A_339 = tpu.vector_load %arg4[%get3A_336, %get3A_337, %get3A_338] {strides = array<i32>} : memref<25x8x64xf32, #tpu.memory_space<vmem>>, vector<1x1x16xf32>,
            %get3A_340 = vector.shape_cast %get3A_339 : vector<1x1x16xf32> to vector<16xf32>
            %mul3A_341 = arith.constant 8.000000e+00 : f32
            %mul3A_342 = vector.broadcast %mul3A_341 : f32 to vector<16xf32>
            %mul3A_343 = arith.mulf %get3A_340, %mul3A_342 : vector<16xf32>
            %swap3A_344 = arith.constant 2 : i32
            %swap3A_345 = arith.index_cast %scan3A_176 : i32 to index
            %swap3A_346 = arith.index_cast %swap3A_344 : i32 to index
            %swap3A_347 = arith.constant 32 : index
            %swap3A_348 = tpu.vector_load %arg6[%swap3A_345, %swap3A_346, %swap3A_347] {strides = array<i32>} : memref<25x8x128xf32, #tpu.memory_space<vmem>>, vector<1x1x16xf32>,
            %swap3A_349 = vector.shape_cast %swap3A_348 : vector<1x1x16xf32> to vector<16xf32>
            %swap3A_350 = vector.shape_cast %mul3A_343 : vector<16xf32> to vector<1x1x16xf32>
            tpu.vector_store %arg6[%swap3A_345, %swap3A_346, %swap3A_347], %swap3A_350 {strides = array<i32>} : memref<25x8x128xf32, #tpu.memory_space<vmem>>, vector<1x1x16xf32>,
            %get3A_351 = arith.constant 2 : i32
            %get3A_352 = arith.index_cast %scan3A_176 : i32 to index
            %get3A_353 = arith.index_cast %get3A_351 : i32 to index
            %get3A_354 = arith.constant 48 : index
            %get3A_355 = tpu.vector_load %arg4[%get3A_352, %get3A_353, %get3A_354] {strides = array<i32>} : memref<25x8x64xf32, #tpu.memory_space<vmem>>, vector<1x1x16xf32>,
            %get3A_356 = vector.shape_cast %get3A_355 : vector<1x1x16xf32> to vector<16xf32>
            %mul3A_357 = arith.constant 8.000000e+00 : f32
            %mul3A_358 = vector.broadcast %mul3A_357 : f32 to vector<16xf32>
            %mul3A_359 = arith.mulf %get3A_356, %mul3A_358 : vector<16xf32>
            %swap3A_360 = arith.constant 2 : i32
            %swap3A_361 = arith.index_cast %scan3A_176 : i32 to index
            %swap3A_362 = arith.index_cast %swap3A_360 : i32 to index
            %swap3A_363 = arith.constant 48 : index
            %swap3A_364 = tpu.vector_load %arg6[%swap3A_361, %swap3A_362, %swap3A_363] {strides = array<i32>} : memref<25x8x128xf32, #tpu.memory_space<vmem>>, vector<1x1x16xf32>,
            %swap3A_365 = vector.shape_cast %swap3A_364 : vector<1x1x16xf32> to vector<16xf32>
            %swap3A_366 = vector.shape_cast %mul3A_359 : vector<16xf32> to vector<1x1x16xf32>
            tpu.vector_store %arg6[%swap3A_361, %swap3A_362, %swap3A_363], %swap3A_366 {strides = array<i32>} : memref<25x8x128xf32, #tpu.memory_space<vmem>>, vector<1x1x16xf32>,
            %get3A_367 = arith.constant 3 : i32
            %get3A_368 = arith.index_cast %scan3A_176 : i32 to index
            %get3A_369 = arith.index_cast %get3A_367 : i32 to index
            %get3A_370 = arith.constant 0 : index
            %get3A_371 = tpu.vector_load %arg4[%get3A_368, %get3A_369, %get3A_370] {strides = array<i32>} : memref<25x8x64xf32, #tpu.memory_space<vmem>>, vector<1x1x16xf32>,
            %get3A_372 = vector.shape_cast %get3A_371 : vector<1x1x16xf32> to vector<16xf32>
            %mul3A_373 = arith.constant 8.000000e+00 : f32
            %mul3A_374 = vector.broadcast %mul3A_373 : f32 to vector<16xf32>
            %mul3A_375 = arith.mulf %get3A_372, %mul3A_374 : vector<16xf32>
            %swap3A_376 = arith.constant 3 : i32
            %swap3A_377 = arith.index_cast %scan3A_176 : i32 to index
            %swap3A_378 = arith.index_cast %swap3A_376 : i32 to index
            %swap3A_379 = arith.constant 0 : index
            %swap3A_380 = tpu.vector_load %arg6[%swap3A_377, %swap3A_378, %swap3A_379] {strides = array<i32>} : memref<25x8x128xf32, #tpu.memory_space<vmem>>, vector<1x1x16xf32>,
            %swap3A_381 = vector.shape_cast %swap3A_380 : vector<1x1x16xf32> to vector<16xf32>
            %swap3A_382 = vector.shape_cast %mul3A_375 : vector<16xf32> to vector<1x1x16xf32>
            tpu.vector_store %arg6[%swap3A_377, %swap3A_378, %swap3A_379], %swap3A_382 {strides = array<i32>} : memref<25x8x128xf32, #tpu.memory_space<vmem>>, vector<1x1x16xf32>,
            %get3A_383 = arith.constant 3 : i32
            %get3A_384 = arith.index_cast %scan3A_176 : i32 to index
            %get3A_385 = arith.index_cast %get3A_383 : i32 to index
            %get3A_386 = arith.constant 16 : index
            %get3A_387 = tpu.vector_load %arg4[%get3A_384, %get3A_385, %get3A_386] {strides = array<i32>} : memref<25x8x64xf32, #tpu.memory_space<vmem>>, vector<1x1x16xf32>,
            %get3A_388 = vector.shape_cast %get3A_387 : vector<1x1x16xf32> to vector<16xf32>
            %mul3A_389 = arith.constant 8.000000e+00 : f32
            %mul3A_390 = vector.broadcast %mul3A_389 : f32 to vector<16xf32>
            %mul3A_391 = arith.mulf %get3A_388, %mul3A_390 : vector<16xf32>
            %swap3A_392 = arith.constant 3 : i32
            %swap3A_393 = arith.index_cast %scan3A_176 : i32 to index
            %swap3A_394 = arith.index_cast %swap3A_392 : i32 to index
            %swap3A_395 = arith.constant 16 : index
            %swap3A_396 = tpu.vector_load %arg6[%swap3A_393, %swap3A_394, %swap3A_395] {strides = array<i32>} : memref<25x8x128xf32, #tpu.memory_space<vmem>>, vector<1x1x16xf32>,
            %swap3A_397 = vector.shape_cast %swap3A_396 : vector<1x1x16xf32> to vector<16xf32>
            %swap3A_398 = vector.shape_cast %mul3A_391 : vector<16xf32> to vector<1x1x16xf32>
            tpu.vector_store %arg6[%swap3A_393, %swap3A_394, %swap3A_395], %swap3A_398 {strides = array<i32>} : memref<25x8x128xf32, #tpu.memory_space<vmem>>, vector<1x1x16xf32>,
            %get3A_399 = arith.constant 3 : i32
            %get3A_400 = arith.index_cast %scan3A_176 : i32 to index
            %get3A_401 = arith.index_cast %get3A_399 : i32 to index
            %get3A_402 = arith.constant 32 : index
            %get3A_403 = tpu.vector_load %arg4[%get3A_400, %get3A_401, %get3A_402] {strides = array<i32>} : memref<25x8x64xf32, #tpu.memory_space<vmem>>, vector<1x1x16xf32>,
            %get3A_404 = vector.shape_cast %get3A_403 : vector<1x1x16xf32> to vector<16xf32>
            %mul3A_405 = arith.constant 8.000000e+00 : f32
            %mul3A_406 = vector.broadcast %mul3A_405 : f32 to vector<16xf32>
            %mul3A_407 = arith.mulf %get3A_404, %mul3A_406 : vector<16xf32>
            %swap3A_408 = arith.constant 3 : i32
            %swap3A_409 = arith.index_cast %scan3A_176 : i32 to index
            %swap3A_410 = arith.index_cast %swap3A_408 : i32 to index
            %swap3A_411 = arith.constant 32 : index
            %swap3A_412 = tpu.vector_load %arg6[%swap3A_409, %swap3A_410, %swap3A_411] {strides = array<i32>} : memref<25x8x128xf32, #tpu.memory_space<vmem>>, vector<1x1x16xf32>,
            %swap3A_413 = vector.shape_cast %swap3A_412 : vector<1x1x16xf32> to vector<16xf32>
            %swap3A_414 = vector.shape_cast %mul3A_407 : vector<16xf32> to vector<1x1x16xf32>
            tpu.vector_store %arg6[%swap3A_409, %swap3A_410, %swap3A_411], %swap3A_414 {strides = array<i32>} : memref<25x8x128xf32, #tpu.memory_space<vmem>>, vector<1x1x16xf32>,
            %get3A_415 = arith.constant 3 : i32
            %get3A_416 = arith.index_cast %scan3A_176 : i32 to index
            %get3A_417 = arith.index_cast %get3A_415 : i32 to index
            %get3A_418 = arith.constant 48 : index
            %get3A_419 = tpu.vector_load %arg4[%get3A_416, %get3A_417, %get3A_418] {strides = array<i32>} : memref<25x8x64xf32, #tpu.memory_space<vmem>>, vector<1x1x16xf32>,
            %get3A_420 = vector.shape_cast %get3A_419 : vector<1x1x16xf32> to vector<16xf32>
            %mul3A_421 = arith.constant 8.000000e+00 : f32
            %mul3A_422 = vector.broadcast %mul3A_421 : f32 to vector<16xf32>
            %mul3A_423 = arith.mulf %get3A_420, %mul3A_422 : vector<16xf32>
            %swap3A_424 = arith.constant 3 : i32
            %swap3A_425 = arith.index_cast %scan3A_176 : i32 to index
            %swap3A_426 = arith.index_cast %swap3A_424 : i32 to index
            %swap3A_427 = arith.constant 48 : index
            %swap3A_428 = tpu.vector_load %arg6[%swap3A_425, %swap3A_426, %swap3A_427] {strides = array<i32>} : memref<25x8x128xf32, #tpu.memory_space<vmem>>, vector<1x1x16xf32>,
            %swap3A_429 = vector.shape_cast %swap3A_428 : vector<1x1x16xf32> to vector<16xf32>
            %swap3A_430 = vector.shape_cast %mul3A_423 : vector<16xf32> to vector<1x1x16xf32>
            tpu.vector_store %arg6[%swap3A_425, %swap3A_426, %swap3A_427], %swap3A_430 {strides = array<i32>} : memref<25x8x128xf32, #tpu.memory_space<vmem>>, vector<1x1x16xf32>,
            %get3A_431 = arith.constant 4 : i32
            %get3A_432 = arith.index_cast %scan3A_176 : i32 to index
            %get3A_433 = arith.index_cast %get3A_431 : i32 to index
            %get3A_434 = arith.constant 0 : index
            %get3A_435 = tpu.vector_load %arg4[%get3A_432, %get3A_433, %get3A_434] {strides = array<i32>} : memref<25x8x64xf32, #tpu.memory_space<vmem>>, vector<1x1x16xf32>,
            %get3A_436 = vector.shape_cast %get3A_435 : vector<1x1x16xf32> to vector<16xf32>
            %mul3A_437 = arith.constant 8.000000e+00 : f32
            %mul3A_438 = vector.broadcast %mul3A_437 : f32 to vector<16xf32>
            %mul3A_439 = arith.mulf %get3A_436, %mul3A_438 : vector<16xf32>
            %swap3A_440 = arith.constant 4 : i32
            %swap3A_441 = arith.index_cast %scan3A_176 : i32 to index
            %swap3A_442 = arith.index_cast %swap3A_440 : i32 to index
            %swap3A_443 = arith.constant 0 : index
            %swap3A_444 = tpu.vector_load %arg6[%swap3A_441, %swap3A_442, %swap3A_443] {strides = array<i32>} : memref<25x8x128xf32, #tpu.memory_space<vmem>>, vector<1x1x16xf32>,
            %swap3A_445 = vector.shape_cast %swap3A_444 : vector<1x1x16xf32> to vector<16xf32>
            %swap3A_446 = vector.shape_cast %mul3A_439 : vector<16xf32> to vector<1x1x16xf32>
            tpu.vector_store %arg6[%swap3A_441, %swap3A_442, %swap3A_443], %swap3A_446 {strides = array<i32>} : memref<25x8x128xf32, #tpu.memory_space<vmem>>, vector<1x1x16xf32>,
            %get3A_447 = arith.constant 4 : i32
            %get3A_448 = arith.index_cast %scan3A_176 : i32 to index
            %get3A_449 = arith.index_cast %get3A_447 : i32 to index
            %get3A_450 = arith.constant 16 : index
            %get3A_451 = tpu.vector_load %arg4[%get3A_448, %get3A_449, %get3A_450] {strides = array<i32>} : memref<25x8x64xf32, #tpu.memory_space<vmem>>, vector<1x1x16xf32>,
            %get3A_452 = vector.shape_cast %get3A_451 : vector<1x1x16xf32> to vector<16xf32>
            %mul3A_453 = arith.constant 8.000000e+00 : f32
            %mul3A_454 = vector.broadcast %mul3A_453 : f32 to vector<16xf32>
            %mul3A_455 = arith.mulf %get3A_452, %mul3A_454 : vector<16xf32>
            %swap3A_456 = arith.constant 4 : i32
            %swap3A_457 = arith.index_cast %scan3A_176 : i32 to index
            %swap3A_458 = arith.index_cast %swap3A_456 : i32 to index
            %swap3A_459 = arith.constant 16 : index
            %swap3A_460 = tpu.vector_load %arg6[%swap3A_457, %swap3A_458, %swap3A_459] {strides = array<i32>} : memref<25x8x128xf32, #tpu.memory_space<vmem>>, vector<1x1x16xf32>,
            %swap3A_461 = vector.shape_cast %swap3A_460 : vector<1x1x16xf32> to vector<16xf32>
            %swap3A_462 = vector.shape_cast %mul3A_455 : vector<16xf32> to vector<1x1x16xf32>
            tpu.vector_store %arg6[%swap3A_457, %swap3A_458, %swap3A_459], %swap3A_462 {strides = array<i32>} : memref<25x8x128xf32, #tpu.memory_space<vmem>>, vector<1x1x16xf32>,
            %get3A_463 = arith.constant 4 : i32
            %get3A_464 = arith.index_cast %scan3A_176 : i32 to index
            %get3A_465 = arith.index_cast %get3A_463 : i32 to index
            %get3A_466 = arith.constant 32 : index
            %get3A_467 = tpu.vector_load %arg4[%get3A_464, %get3A_465, %get3A_466] {strides = array<i32>} : memref<25x8x64xf32, #tpu.memory_space<vmem>>, vector<1x1x16xf32>,
            %get3A_468 = vector.shape_cast %get3A_467 : vector<1x1x16xf32> to vector<16xf32>
            %mul3A_469 = arith.constant 8.000000e+00 : f32
            %mul3A_470 = vector.broadcast %mul3A_469 : f32 to vector<16xf32>
            %mul3A_471 = arith.mulf %get3A_468, %mul3A_470 : vector<16xf32>
            %swap3A_472 = arith.constant 4 : i32
            %swap3A_473 = arith.index_cast %scan3A_176 : i32 to index
            %swap3A_474 = arith.index_cast %swap3A_472 : i32 to index
            %swap3A_475 = arith.constant 32 : index
            %swap3A_476 = tpu.vector_load %arg6[%swap3A_473, %swap3A_474, %swap3A_475] {strides = array<i32>} : memref<25x8x128xf32, #tpu.memory_space<vmem>>, vector<1x1x16xf32>,
            %swap3A_477 = vector.shape_cast %swap3A_476 : vector<1x1x16xf32> to vector<16xf32>
            %swap3A_478 = vector.shape_cast %mul3A_471 : vector<16xf32> to vector<1x1x16xf32>
            tpu.vector_store %arg6[%swap3A_473, %swap3A_474, %swap3A_475], %swap3A_478 {strides = array<i32>} : memref<25x8x128xf32, #tpu.memory_space<vmem>>, vector<1x1x16xf32>,
            %get3A_479 = arith.constant 4 : i32
            %get3A_480 = arith.index_cast %scan3A_176 : i32 to index
            %get3A_481 = arith.index_cast %get3A_479 : i32 to index
            %get3A_482 = arith.constant 48 : index
            %get3A_483 = tpu.vector_load %arg4[%get3A_480, %get3A_481, %get3A_482] {strides = array<i32>} : memref<25x8x64xf32, #tpu.memory_space<vmem>>, vector<1x1x16xf32>,
            %get3A_484 = vector.shape_cast %get3A_483 : vector<1x1x16xf32> to vector<16xf32>
            %mul3A_485 = arith.constant 8.000000e+00 : f32
            %mul3A_486 = vector.broadcast %mul3A_485 : f32 to vector<16xf32>
            %mul3A_487 = arith.mulf %get3A_484, %mul3A_486 : vector<16xf32>
            %swap3A_488 = arith.constant 4 : i32
            %swap3A_489 = arith.index_cast %scan3A_176 : i32 to index
            %swap3A_490 = arith.index_cast %swap3A_488 : i32 to index
            %swap3A_491 = arith.constant 48 : index
            %swap3A_492 = tpu.vector_load %arg6[%swap3A_489, %swap3A_490, %swap3A_491] {strides = array<i32>} : memref<25x8x128xf32, #tpu.memory_space<vmem>>, vector<1x1x16xf32>,
            %swap3A_493 = vector.shape_cast %swap3A_492 : vector<1x1x16xf32> to vector<16xf32>
            %swap3A_494 = vector.shape_cast %mul3A_487 : vector<16xf32> to vector<1x1x16xf32>
            tpu.vector_store %arg6[%swap3A_489, %swap3A_490, %swap3A_491], %swap3A_494 {strides = array<i32>} : memref<25x8x128xf32, #tpu.memory_space<vmem>>, vector<1x1x16xf32>,
            %get3A_495 = arith.constant 5 : i32
            %get3A_496 = arith.index_cast %scan3A_176 : i32 to index
            %get3A_497 = arith.index_cast %get3A_495 : i32 to index
            %get3A_498 = arith.constant 0 : index
            %get3A_499 = tpu.vector_load %arg4[%get3A_496, %get3A_497, %get3A_498] {strides = array<i32>} : memref<25x8x64xf32, #tpu.memory_space<vmem>>, vector<1x1x16xf32>,
            %get3A_500 = vector.shape_cast %get3A_499 : vector<1x1x16xf32> to vector<16xf32>
            %mul3A_501 = arith.constant 8.000000e+00 : f32
            %mul3A_502 = vector.broadcast %mul3A_501 : f32 to vector<16xf32>
            %mul3A_503 = arith.mulf %get3A_500, %mul3A_502 : vector<16xf32>
            %swap3A_504 = arith.constant 5 : i32
            %swap3A_505 = arith.index_cast %scan3A_176 : i32 to index
            %swap3A_506 = arith.index_cast %swap3A_504 : i32 to index
            %swap3A_507 = arith.constant 0 : index
            %swap3A_508 = tpu.vector_load %arg6[%swap3A_505, %swap3A_506, %swap3A_507] {strides = array<i32>} : memref<25x8x128xf32, #tpu.memory_space<vmem>>, vector<1x1x16xf32>,
            %swap3A_509 = vector.shape_cast %swap3A_508 : vector<1x1x16xf32> to vector<16xf32>
            %swap3A_510 = vector.shape_cast %mul3A_503 : vector<16xf32> to vector<1x1x16xf32>
            tpu.vector_store %arg6[%swap3A_505, %swap3A_506, %swap3A_507], %swap3A_510 {strides = array<i32>} : memref<25x8x128xf32, #tpu.memory_space<vmem>>, vector<1x1x16xf32>,
            %get3A_511 = arith.constant 5 : i32
            %get3A_512 = arith.index_cast %scan3A_176 : i32 to index
            %get3A_513 = arith.index_cast %get3A_511 : i32 to index
            %get3A_514 = arith.constant 16 : index
            %get3A_515 = tpu.vector_load %arg4[%get3A_512, %get3A_513, %get3A_514] {strides = array<i32>} : memref<25x8x64xf32, #tpu.memory_space<vmem>>, vector<1x1x16xf32>,
            %get3A_516 = vector.shape_cast %get3A_515 : vector<1x1x16xf32> to vector<16xf32>
            %mul3A_517 = arith.constant 8.000000e+00 : f32
            %mul3A_518 = vector.broadcast %mul3A_517 : f32 to vector<16xf32>
            %mul3A_519 = arith.mulf %get3A_516, %mul3A_518 : vector<16xf32>
            %swap3A_520 = arith.constant 5 : i32
            %swap3A_521 = arith.index_cast %scan3A_176 : i32 to index
            %swap3A_522 = arith.index_cast %swap3A_520 : i32 to index
            %swap3A_523 = arith.constant 16 : index
            %swap3A_524 = tpu.vector_load %arg6[%swap3A_521, %swap3A_522, %swap3A_523] {strides = array<i32>} : memref<25x8x128xf32, #tpu.memory_space<vmem>>, vector<1x1x16xf32>,
            %swap3A_525 = vector.shape_cast %swap3A_524 : vector<1x1x16xf32> to vector<16xf32>
            %swap3A_526 = vector.shape_cast %mul3A_519 : vector<16xf32> to vector<1x1x16xf32>
            tpu.vector_store %arg6[%swap3A_521, %swap3A_522, %swap3A_523], %swap3A_526 {strides = array<i32>} : memref<25x8x128xf32, #tpu.memory_space<vmem>>, vector<1x1x16xf32>,
            %get3A_527 = arith.constant 5 : i32
            %get3A_528 = arith.index_cast %scan3A_176 : i32 to index
            %get3A_529 = arith.index_cast %get3A_527 : i32 to index
            %get3A_530 = arith.constant 32 : index
            %get3A_531 = tpu.vector_load %arg4[%get3A_528, %get3A_529, %get3A_530] {strides = array<i32>} : memref<25x8x64xf32, #tpu.memory_space<vmem>>, vector<1x1x16xf32>,
            %get3A_532 = vector.shape_cast %get3A_531 : vector<1x1x16xf32> to vector<16xf32>
            %mul3A_533 = arith.constant 8.000000e+00 : f32
            %mul3A_534 = vector.broadcast %mul3A_533 : f32 to vector<16xf32>
            %mul3A_535 = arith.mulf %get3A_532, %mul3A_534 : vector<16xf32>
            %swap3A_536 = arith.constant 5 : i32
            %swap3A_537 = arith.index_cast %scan3A_176 : i32 to index
            %swap3A_538 = arith.index_cast %swap3A_536 : i32 to index
            %swap3A_539 = arith.constant 32 : index
            %swap3A_540 = tpu.vector_load %arg6[%swap3A_537, %swap3A_538, %swap3A_539] {strides = array<i32>} : memref<25x8x128xf32, #tpu.memory_space<vmem>>, vector<1x1x16xf32>,
            %swap3A_541 = vector.shape_cast %swap3A_540 : vector<1x1x16xf32> to vector<16xf32>
            %swap3A_542 = vector.shape_cast %mul3A_535 : vector<16xf32> to vector<1x1x16xf32>
            tpu.vector_store %arg6[%swap3A_537, %swap3A_538, %swap3A_539], %swap3A_542 {strides = array<i32>} : memref<25x8x128xf32, #tpu.memory_space<vmem>>, vector<1x1x16xf32>,
            %get3A_543 = arith.constant 5 : i32
            %get3A_544 = arith.index_cast %scan3A_176 : i32 to index
            %get3A_545 = arith.index_cast %get3A_543 : i32 to index
            %get3A_546 = arith.constant 48 : index
            %get3A_547 = tpu.vector_load %arg4[%get3A_544, %get3A_545, %get3A_546] {strides = array<i32>} : memref<25x8x64xf32, #tpu.memory_space<vmem>>, vector<1x1x16xf32>,
            %get3A_548 = vector.shape_cast %get3A_547 : vector<1x1x16xf32> to vector<16xf32>
            %mul3A_549 = arith.constant 8.000000e+00 : f32
            %mul3A_550 = vector.broadcast %mul3A_549 : f32 to vector<16xf32>
            %mul3A_551 = arith.mulf %get3A_548, %mul3A_550 : vector<16xf32>
            %swap3A_552 = arith.constant 5 : i32
            %swap3A_553 = arith.index_cast %scan3A_176 : i32 to index
            %swap3A_554 = arith.index_cast %swap3A_552 : i32 to index
            %swap3A_555 = arith.constant 48 : index
            %swap3A_556 = tpu.vector_load %arg6[%swap3A_553, %swap3A_554, %swap3A_555] {strides = array<i32>} : memref<25x8x128xf32, #tpu.memory_space<vmem>>, vector<1x1x16xf32>,
            %swap3A_557 = vector.shape_cast %swap3A_556 : vector<1x1x16xf32> to vector<16xf32>
            %swap3A_558 = vector.shape_cast %mul3A_551 : vector<16xf32> to vector<1x1x16xf32>
            tpu.vector_store %arg6[%swap3A_553, %swap3A_554, %swap3A_555], %swap3A_558 {strides = array<i32>} : memref<25x8x128xf32, #tpu.memory_space<vmem>>, vector<1x1x16xf32>,
            %get3A_559 = arith.constant 6 : i32
            %get3A_560 = arith.index_cast %scan3A_176 : i32 to index
            %get3A_561 = arith.index_cast %get3A_559 : i32 to index
            %get3A_562 = arith.constant 0 : index
            %get3A_563 = tpu.vector_load %arg4[%get3A_560, %get3A_561, %get3A_562] {strides = array<i32>} : memref<25x8x64xf32, #tpu.memory_space<vmem>>, vector<1x1x16xf32>,
            %get3A_564 = vector.shape_cast %get3A_563 : vector<1x1x16xf32> to vector<16xf32>
            %mul3A_565 = arith.constant 8.000000e+00 : f32
            %mul3A_566 = vector.broadcast %mul3A_565 : f32 to vector<16xf32>
            %mul3A_567 = arith.mulf %get3A_564, %mul3A_566 : vector<16xf32>
            %swap3A_568 = arith.constant 6 : i32
            %swap3A_569 = arith.index_cast %scan3A_176 : i32 to index
            %swap3A_570 = arith.index_cast %swap3A_568 : i32 to index
            %swap3A_571 = arith.constant 0 : index
            %swap3A_572 = tpu.vector_load %arg6[%swap3A_569, %swap3A_570, %swap3A_571] {strides = array<i32>} : memref<25x8x128xf32, #tpu.memory_space<vmem>>, vector<1x1x16xf32>,
            %swap3A_573 = vector.shape_cast %swap3A_572 : vector<1x1x16xf32> to vector<16xf32>
            %swap3A_574 = vector.shape_cast %mul3A_567 : vector<16xf32> to vector<1x1x16xf32>
            tpu.vector_store %arg6[%swap3A_569, %swap3A_570, %swap3A_571], %swap3A_574 {strides = array<i32>} : memref<25x8x128xf32, #tpu.memory_space<vmem>>, vector<1x1x16xf32>,
            %get3A_575 = arith.constant 6 : i32
            %get3A_576 = arith.index_cast %scan3A_176 : i32 to index
            %get3A_577 = arith.index_cast %get3A_575 : i32 to index
            %get3A_578 = arith.constant 16 : index
            %get3A_579 = tpu.vector_load %arg4[%get3A_576, %get3A_577, %get3A_578] {strides = array<i32>} : memref<25x8x64xf32, #tpu.memory_space<vmem>>, vector<1x1x16xf32>,
            %get3A_580 = vector.shape_cast %get3A_579 : vector<1x1x16xf32> to vector<16xf32>
            %mul3A_581 = arith.constant 8.000000e+00 : f32
            %mul3A_582 = vector.broadcast %mul3A_581 : f32 to vector<16xf32>
            %mul3A_583 = arith.mulf %get3A_580, %mul3A_582 : vector<16xf32>
            %swap3A_584 = arith.constant 6 : i32
            %swap3A_585 = arith.index_cast %scan3A_176 : i32 to index
            %swap3A_586 = arith.index_cast %swap3A_584 : i32 to index
            %swap3A_587 = arith.constant 16 : index
            %swap3A_588 = tpu.vector_load %arg6[%swap3A_585, %swap3A_586, %swap3A_587] {strides = array<i32>} : memref<25x8x128xf32, #tpu.memory_space<vmem>>, vector<1x1x16xf32>,
            %swap3A_589 = vector.shape_cast %swap3A_588 : vector<1x1x16xf32> to vector<16xf32>
            %swap3A_590 = vector.shape_cast %mul3A_583 : vector<16xf32> to vector<1x1x16xf32>
            tpu.vector_store %arg6[%swap3A_585, %swap3A_586, %swap3A_587], %swap3A_590 {strides = array<i32>} : memref<25x8x128xf32, #tpu.memory_space<vmem>>, vector<1x1x16xf32>,
            %get3A_591 = arith.constant 6 : i32
            %get3A_592 = arith.index_cast %scan3A_176 : i32 to index
            %get3A_593 = arith.index_cast %get3A_591 : i32 to index
            %get3A_594 = arith.constant 32 : index
            %get3A_595 = tpu.vector_load %arg4[%get3A_592, %get3A_593, %get3A_594] {strides = array<i32>} : memref<25x8x64xf32, #tpu.memory_space<vmem>>, vector<1x1x16xf32>,
            %get3A_596 = vector.shape_cast %get3A_595 : vector<1x1x16xf32> to vector<16xf32>
            %mul3A_597 = arith.constant 8.000000e+00 : f32
            %mul3A_598 = vector.broadcast %mul3A_597 : f32 to vector<16xf32>
            %mul3A_599 = arith.mulf %get3A_596, %mul3A_598 : vector<16xf32>
            %swap3A_600 = arith.constant 6 : i32
            %swap3A_601 = arith.index_cast %scan3A_176 : i32 to index
            %swap3A_602 = arith.index_cast %swap3A_600 : i32 to index
            %swap3A_603 = arith.constant 32 : index
            %swap3A_604 = tpu.vector_load %arg6[%swap3A_601, %swap3A_602, %swap3A_603] {strides = array<i32>} : memref<25x8x128xf32, #tpu.memory_space<vmem>>, vector<1x1x16xf32>,
            %swap3A_605 = vector.shape_cast %swap3A_604 : vector<1x1x16xf32> to vector<16xf32>
            %swap3A_606 = vector.shape_cast %mul3A_599 : vector<16xf32> to vector<1x1x16xf32>
            tpu.vector_store %arg6[%swap3A_601, %swap3A_602, %swap3A_603], %swap3A_606 {strides = array<i32>} : memref<25x8x128xf32, #tpu.memory_space<vmem>>, vector<1x1x16xf32>,
            %get3A_607 = arith.constant 6 : i32
            %get3A_608 = arith.index_cast %scan3A_176 : i32 to index
            %get3A_609 = arith.index_cast %get3A_607 : i32 to index
            %get3A_610 = arith.constant 48 : index
            %get3A_611 = tpu.vector_load %arg4[%get3A_608, %get3A_609, %get3A_610] {strides = array<i32>} : memref<25x8x64xf32, #tpu.memory_space<vmem>>, vector<1x1x16xf32>,
            %get3A_612 = vector.shape_cast %get3A_611 : vector<1x1x16xf32> to vector<16xf32>
            %mul3A_613 = arith.constant 8.000000e+00 : f32
            %mul3A_614 = vector.broadcast %mul3A_613 : f32 to vector<16xf32>
            %mul3A_615 = arith.mulf %get3A_612, %mul3A_614 : vector<16xf32>
            %swap3A_616 = arith.constant 6 : i32
            %swap3A_617 = arith.index_cast %scan3A_176 : i32 to index
            %swap3A_618 = arith.index_cast %swap3A_616 : i32 to index
            %swap3A_619 = arith.constant 48 : index
            %swap3A_620 = tpu.vector_load %arg6[%swap3A_617, %swap3A_618, %swap3A_619] {strides = array<i32>} : memref<25x8x128xf32, #tpu.memory_space<vmem>>, vector<1x1x16xf32>,
            %swap3A_621 = vector.shape_cast %swap3A_620 : vector<1x1x16xf32> to vector<16xf32>
            %swap3A_622 = vector.shape_cast %mul3A_615 : vector<16xf32> to vector<1x1x16xf32>
            tpu.vector_store %arg6[%swap3A_617, %swap3A_618, %swap3A_619], %swap3A_622 {strides = array<i32>} : memref<25x8x128xf32, #tpu.memory_space<vmem>>, vector<1x1x16xf32>,
            %get3A_623 = arith.constant 7 : i32
            %get3A_624 = arith.index_cast %scan3A_176 : i32 to index
            %get3A_625 = arith.index_cast %get3A_623 : i32 to index
            %get3A_626 = arith.constant 0 : index
            %get3A_627 = tpu.vector_load %arg4[%get3A_624, %get3A_625, %get3A_626] {strides = array<i32>} : memref<25x8x64xf32, #tpu.memory_space<vmem>>, vector<1x1x16xf32>,
            %get3A_628 = vector.shape_cast %get3A_627 : vector<1x1x16xf32> to vector<16xf32>
            %mul3A_629 = arith.constant 8.000000e+00 : f32
            %mul3A_630 = vector.broadcast %mul3A_629 : f32 to vector<16xf32>
            %mul3A_631 = arith.mulf %get3A_628, %mul3A_630 : vector<16xf32>
            %swap3A_632 = arith.constant 7 : i32
            %swap3A_633 = arith.index_cast %scan3A_176 : i32 to index
            %swap3A_634 = arith.index_cast %swap3A_632 : i32 to index
            %swap3A_635 = arith.constant 0 : index
            %swap3A_636 = tpu.vector_load %arg6[%swap3A_633, %swap3A_634, %swap3A_635] {strides = array<i32>} : memref<25x8x128xf32, #tpu.memory_space<vmem>>, vector<1x1x16xf32>,
            %swap3A_637 = vector.shape_cast %swap3A_636 : vector<1x1x16xf32> to vector<16xf32>
            %swap3A_638 = vector.shape_cast %mul3A_631 : vector<16xf32> to vector<1x1x16xf32>
            tpu.vector_store %arg6[%swap3A_633, %swap3A_634, %swap3A_635], %swap3A_638 {strides = array<i32>} : memref<25x8x128xf32, #tpu.memory_space<vmem>>, vector<1x1x16xf32>,
            %get3A_639 = arith.constant 7 : i32
            %get3A_640 = arith.index_cast %scan3A_176 : i32 to index
            %get3A_641 = arith.index_cast %get3A_639 : i32 to index
            %get3A_642 = arith.constant 16 : index
            %get3A_643 = tpu.vector_load %arg4[%get3A_640, %get3A_641, %get3A_642] {strides = array<i32>} : memref<25x8x64xf32, #tpu.memory_space<vmem>>, vector<1x1x16xf32>,
            %get3A_644 = vector.shape_cast %get3A_643 : vector<1x1x16xf32> to vector<16xf32>
            %mul3A_645 = arith.constant 8.000000e+00 : f32
            %mul3A_646 = vector.broadcast %mul3A_645 : f32 to vector<16xf32>
            %mul3A_647 = arith.mulf %get3A_644, %mul3A_646 : vector<16xf32>
            %swap3A_648 = arith.constant 7 : i32
            %swap3A_649 = arith.index_cast %scan3A_176 : i32 to index
            %swap3A_650 = arith.index_cast %swap3A_648 : i32 to index
            %swap3A_651 = arith.constant 16 : index
            %swap3A_652 = tpu.vector_load %arg6[%swap3A_649, %swap3A_650, %swap3A_651] {strides = array<i32>} : memref<25x8x128xf32, #tpu.memory_space<vmem>>, vector<1x1x16xf32>,
            %swap3A_653 = vector.shape_cast %swap3A_652 : vector<1x1x16xf32> to vector<16xf32>
            %swap3A_654 = vector.shape_cast %mul3A_647 : vector<16xf32> to vector<1x1x16xf32>
            tpu.vector_store %arg6[%swap3A_649, %swap3A_650, %swap3A_651], %swap3A_654 {strides = array<i32>} : memref<25x8x128xf32, #tpu.memory_space<vmem>>, vector<1x1x16xf32>,
            %get3A_655 = arith.constant 7 : i32
            %get3A_656 = arith.index_cast %scan3A_176 : i32 to index
            %get3A_657 = arith.index_cast %get3A_655 : i32 to index
            %get3A_658 = arith.constant 32 : index
            %get3A_659 = tpu.vector_load %arg4[%get3A_656, %get3A_657, %get3A_658] {strides = array<i32>} : memref<25x8x64xf32, #tpu.memory_space<vmem>>, vector<1x1x16xf32>,
            %get3A_660 = vector.shape_cast %get3A_659 : vector<1x1x16xf32> to vector<16xf32>
            %mul3A_661 = arith.constant 8.000000e+00 : f32
            %mul3A_662 = vector.broadcast %mul3A_661 : f32 to vector<16xf32>
            %mul3A_663 = arith.mulf %get3A_660, %mul3A_662 : vector<16xf32>
            %swap3A_664 = arith.constant 7 : i32
            %swap3A_665 = arith.index_cast %scan3A_176 : i32 to index
            %swap3A_666 = arith.index_cast %swap3A_664 : i32 to index
            %swap3A_667 = arith.constant 32 : index
            %swap3A_668 = tpu.vector_load %arg6[%swap3A_665, %swap3A_666, %swap3A_667] {strides = array<i32>} : memref<25x8x128xf32, #tpu.memory_space<vmem>>, vector<1x1x16xf32>,
            %swap3A_669 = vector.shape_cast %swap3A_668 : vector<1x1x16xf32> to vector<16xf32>
            %swap3A_670 = vector.shape_cast %mul3A_663 : vector<16xf32> to vector<1x1x16xf32>
            tpu.vector_store %arg6[%swap3A_665, %swap3A_666, %swap3A_667], %swap3A_670 {strides = array<i32>} : memref<25x8x128xf32, #tpu.memory_space<vmem>>, vector<1x1x16xf32>,
            %get3A_671 = arith.constant 7 : i32
            %get3A_672 = arith.index_cast %scan3A_176 : i32 to index
            %get3A_673 = arith.index_cast %get3A_671 : i32 to index
            %get3A_674 = arith.constant 48 : index
            %get3A_675 = tpu.vector_load %arg4[%get3A_672, %get3A_673, %get3A_674] {strides = array<i32>} : memref<25x8x64xf32, #tpu.memory_space<vmem>>, vector<1x1x16xf32>,
            %get3A_676 = vector.shape_cast %get3A_675 : vector<1x1x16xf32> to vector<16xf32>
            %mul3A_677 = arith.constant 8.000000e+00 : f32
            %mul3A_678 = vector.broadcast %mul3A_677 : f32 to vector<16xf32>
            %mul3A_679 = arith.mulf %get3A_676, %mul3A_678 : vector<16xf32>
            %swap3A_680 = arith.constant 7 : i32
            %swap3A_681 = arith.index_cast %scan3A_176 : i32 to index
            %swap3A_682 = arith.index_cast %swap3A_680 : i32 to index
            %swap3A_683 = arith.constant 48 : index
            %swap3A_684 = tpu.vector_load %arg6[%swap3A_681, %swap3A_682, %swap3A_683] {strides = array<i32>} : memref<25x8x128xf32, #tpu.memory_space<vmem>>, vector<1x1x16xf32>,
            %swap3A_685 = vector.shape_cast %swap3A_684 : vector<1x1x16xf32> to vector<16xf32>
            %swap3A_686 = vector.shape_cast %mul3A_679 : vector<16xf32> to vector<1x1x16xf32>
            tpu.vector_store %arg6[%swap3A_681, %swap3A_682, %swap3A_683], %swap3A_686 {strides = array<i32>} : memref<25x8x128xf32, #tpu.memory_space<vmem>>, vector<1x1x16xf32>,
          }
          %scan3A_164 = arith.constant 25 : i32
          %mul3A_165 = arith.constant 32 : i32
          %mul3A_166 = arith.muli %add3A_127, %mul3A_165 : i32
          %add3A_167 = arith.addi %add3A, %mul3A_166 : i32
          %mul3A_168 = arith.constant 25 : i32
          %mul3A_169 = arith.muli %add3A_167, %mul3A_168 : i32
          %dma_start3A_170 = arith.constant 0 : i32
          %dma_start3A_171 = arith.constant 0 : i32
          %dma_start3A_172 = tpu.memref_slice %arg3[%mul3A_169, %dma_start3A_170, %dma_start3A_171] : memref<125000x8x128xf32, #tpu.memory_space<hbm>> -> memref<25x8x128xf32, #tpu.memory_space<hbm>>
          %dma_start3A_173 = arith.constant 0 : i32
          %dma_start3A_174 = arith.constant 0 : i32
          %dma_start3A_175 = tpu.memref_slice %arg3[%mul3A_169, %dma_start3A_173, %dma_start3A_174] : memref<125000x8x128xf32, #tpu.memory_space<hbm>> -> memref<25x8x128xf32, #tpu.memory_space<hbm>>
          tpu.enqueue_dma source(%arg6 : memref<25x8x128xf32, #tpu.memory_space<vmem>>) target(%dma_start3A_175 : memref<25x8x128xf32, #tpu.memory_space<hbm>>) target_semaphore(%arg10 : memref<!tpu.dma_semaphore, #tpu.memory_space<semaphore_mem>>)
        } else {
        }
        %mul3A_132 = arith.constant 2 : i32
        %mul3A_133 = arith.muli %mul3A_132, %while3A_123 : i32
        %add3A_134 = arith.constant 1 : i32
        %add3A_135 = arith.addi %mul3A_133, %add3A_134 : i32
        %lt3A_136 = arith.cmpi slt, %add3A_135, %select_n3A : i32
        %convert_element_type3A_137 = arith.extui %lt3A_136 : i1 to i32
        %cond3A_138 = arith.constant 0 : i32
        %cond3A_139 = arith.cmpi ne, %convert_element_type3A_137, %cond3A_138 : i32
        scf.if %cond3A_139 {
          %add3A_140 = arith.constant 1 : i32
          %add3A_141 = arith.addi %add3A_135, %add3A_140 : i32
          %lt3A_142 = arith.cmpi slt, %add3A_141, %select_n3A : i32
          %convert_element_type3A_143 = arith.extui %lt3A_142 : i1 to i32
          %cond3A_144 = arith.constant 0 : i32
          %cond3A_145 = arith.cmpi ne, %convert_element_type3A_143, %cond3A_144 : i32
          scf.if %cond3A_145 {
            %add3A_176 = arith.constant 1 : i32
            %add3A_177 = arith.addi %add3A_135, %add3A_176 : i32
            %mul3A_178 = arith.constant 32 : i32
            %mul3A_179 = arith.muli %add3A_177, %mul3A_178 : i32
            %add3A_180 = arith.addi %add3A, %mul3A_179 : i32
            %mul3A_181 = arith.constant 25 : i32
            %mul3A_182 = arith.muli %add3A_180, %mul3A_181 : i32
            %dma_start3A_183 = arith.constant 0 : i32
            %dma_start3A_184 = arith.constant 0 : i32
            %dma_start3A_185 = tpu.memref_slice %arg2[%mul3A_182, %dma_start3A_183, %dma_start3A_184] : memref<125000x8x64xf32, #tpu.memory_space<hbm>> -> memref<25x8x64xf32, #tpu.memory_space<hbm>>
            %dma_start3A_186 = arith.constant 0 : i32
            %dma_start3A_187 = arith.constant 0 : i32
            %dma_start3A_188 = tpu.memref_slice %arg2[%mul3A_182, %dma_start3A_186, %dma_start3A_187] : memref<125000x8x64xf32, #tpu.memory_space<hbm>> -> memref<25x8x64xf32, #tpu.memory_space<hbm>>
            tpu.enqueue_dma source(%dma_start3A_188 : memref<25x8x64xf32, #tpu.memory_space<hbm>>) target(%arg4 : memref<25x8x64xf32, #tpu.memory_space<vmem>>) target_semaphore(%arg8 : memref<!tpu.dma_semaphore, #tpu.memory_space<semaphore_mem>>)
          } else {
          }
          %mul3A_146 = arith.constant 32 : i32
          %mul3A_147 = arith.muli %add3A_135, %mul3A_146 : i32
          %add3A_148 = arith.addi %add3A, %mul3A_147 : i32
          %mul3A_149 = arith.constant 25 : i32
          %mul3A_150 = arith.muli %add3A_148, %mul3A_149 : i32
          %dma_wait3A = arith.constant 0 : i32
          %dma_wait3A_151 = arith.constant 0 : i32
          %dma_wait3A_152 = tpu.memref_slice %arg2[%mul3A_150, %dma_wait3A, %dma_wait3A_151] : memref<125000x8x64xf32, #tpu.memory_space<hbm>> -> memref<25x8x64xf32, #tpu.memory_space<hbm>>
          %dma_wait3A_153 = arith.constant 0 : i32
          %dma_wait3A_154 = arith.constant 0 : i32
          %dma_wait3A_155 = tpu.memref_slice %arg2[%mul3A_150, %dma_wait3A_153, %dma_wait3A_154] : memref<125000x8x64xf32, #tpu.memory_space<hbm>> -> memref<25x8x64xf32, #tpu.memory_space<hbm>>
          tpu.wait_dma2 semaphore(%arg9 : memref<!tpu.dma_semaphore, #tpu.memory_space<semaphore_mem>>) src(%dma_wait3A_155 : memref<25x8x64xf32, #tpu.memory_space<hbm>>) dst(%arg5 : memref<25x8x64xf32, #tpu.memory_space<vmem>>)
          %ge3A = arith.constant 2 : i32
          %ge3A_156 = arith.cmpi sge, %add3A_135, %ge3A : i32
          %convert_element_type3A_157 = arith.extui %ge3A_156 : i1 to i32
          %cond3A_158 = arith.constant 0 : i32
          %cond3A_159 = arith.cmpi ne, %convert_element_type3A_157, %cond3A_158 : i32
          scf.if %cond3A_159 {
            %sub3A_176 = arith.constant 2 : i32
            %sub3A_177 = arith.subi %add3A_135, %sub3A_176 : i32
            %mul3A_178 = arith.constant 32 : i32
            %mul3A_179 = arith.muli %sub3A_177, %mul3A_178 : i32
            %add3A_180 = arith.addi %add3A, %mul3A_179 : i32
            %mul3A_181 = arith.constant 25 : i32
            %mul3A_182 = arith.muli %add3A_180, %mul3A_181 : i32
            %dma_wait3A_183 = arith.constant 0 : i32
            %dma_wait3A_184 = arith.constant 0 : i32
            %dma_wait3A_185 = tpu.memref_slice %arg3[%mul3A_182, %dma_wait3A_183, %dma_wait3A_184] : memref<125000x8x128xf32, #tpu.memory_space<hbm>> -> memref<25x8x128xf32, #tpu.memory_space<hbm>>
            %dma_wait3A_186 = arith.constant 0 : i32
            %dma_wait3A_187 = arith.constant 0 : i32
            %dma_wait3A_188 = tpu.memref_slice %arg3[%mul3A_182, %dma_wait3A_186, %dma_wait3A_187] : memref<125000x8x128xf32, #tpu.memory_space<hbm>> -> memref<25x8x128xf32, #tpu.memory_space<hbm>>
            tpu.wait_dma2 semaphore(%arg11 : memref<!tpu.dma_semaphore, #tpu.memory_space<semaphore_mem>>) src(%arg7 : memref<25x8x128xf32, #tpu.memory_space<vmem>>) dst(%dma_wait3A_188 : memref<25x8x128xf32, #tpu.memory_space<hbm>>)
          } else {
          }
          %scan3A = arith.constant 0 : i32
          %scan3A_160 = arith.constant 0 : i32
          %scan3A_161 = arith.constant 25 : i32
          %scan3A_162 = arith.addi %scan3A_160, %scan3A_161 : i32
          %scan3A_163 = arith.constant 1 : i32
          scf.for %scan3A_176 = %scan3A_160 to %scan3A_162 step %scan3A_163  : i32 {
            %get3A = arith.constant 0 : i32
            %get3A_177 = arith.index_cast %scan3A_176 : i32 to index
            %get3A_178 = arith.index_cast %get3A : i32 to index
            %get3A_179 = arith.constant 0 : index
            %get3A_180 = tpu.vector_load %arg5[%get3A_177, %get3A_178, %get3A_179] {strides = array<i32>} : memref<25x8x64xf32, #tpu.memory_space<vmem>>, vector<1x1x16xf32>,
            %get3A_181 = vector.shape_cast %get3A_180 : vector<1x1x16xf32> to vector<16xf32>
            %mul3A_182 = arith.constant 8.000000e+00 : f32
            %mul3A_183 = vector.broadcast %mul3A_182 : f32 to vector<16xf32>
            %mul3A_184 = arith.mulf %get3A_181, %mul3A_183 : vector<16xf32>
            %swap3A = arith.constant 0 : i32
            %swap3A_185 = arith.index_cast %scan3A_176 : i32 to index
            %swap3A_186 = arith.index_cast %swap3A : i32 to index
            %swap3A_187 = arith.constant 0 : index
            %swap3A_188 = tpu.vector_load %arg7[%swap3A_185, %swap3A_186, %swap3A_187] {strides = array<i32>} : memref<25x8x128xf32, #tpu.memory_space<vmem>>, vector<1x1x16xf32>,
            %swap3A_189 = vector.shape_cast %swap3A_188 : vector<1x1x16xf32> to vector<16xf32>
            %swap3A_190 = vector.shape_cast %mul3A_184 : vector<16xf32> to vector<1x1x16xf32>
            tpu.vector_store %arg7[%swap3A_185, %swap3A_186, %swap3A_187], %swap3A_190 {strides = array<i32>} : memref<25x8x128xf32, #tpu.memory_space<vmem>>, vector<1x1x16xf32>,
            %get3A_191 = arith.constant 0 : i32
            %get3A_192 = arith.index_cast %scan3A_176 : i32 to index
            %get3A_193 = arith.index_cast %get3A_191 : i32 to index
            %get3A_194 = arith.constant 16 : index
            %get3A_195 = tpu.vector_load %arg5[%get3A_192, %get3A_193, %get3A_194] {strides = array<i32>} : memref<25x8x64xf32, #tpu.memory_space<vmem>>, vector<1x1x16xf32>,
            %get3A_196 = vector.shape_cast %get3A_195 : vector<1x1x16xf32> to vector<16xf32>
            %mul3A_197 = arith.constant 8.000000e+00 : f32
            %mul3A_198 = vector.broadcast %mul3A_197 : f32 to vector<16xf32>
            %mul3A_199 = arith.mulf %get3A_196, %mul3A_198 : vector<16xf32>
            %swap3A_200 = arith.constant 0 : i32
            %swap3A_201 = arith.index_cast %scan3A_176 : i32 to index
            %swap3A_202 = arith.index_cast %swap3A_200 : i32 to index
            %swap3A_203 = arith.constant 16 : index
            %swap3A_204 = tpu.vector_load %arg7[%swap3A_201, %swap3A_202, %swap3A_203] {strides = array<i32>} : memref<25x8x128xf32, #tpu.memory_space<vmem>>, vector<1x1x16xf32>,
            %swap3A_205 = vector.shape_cast %swap3A_204 : vector<1x1x16xf32> to vector<16xf32>
            %swap3A_206 = vector.shape_cast %mul3A_199 : vector<16xf32> to vector<1x1x16xf32>
            tpu.vector_store %arg7[%swap3A_201, %swap3A_202, %swap3A_203], %swap3A_206 {strides = array<i32>} : memref<25x8x128xf32, #tpu.memory_space<vmem>>, vector<1x1x16xf32>,
            %get3A_207 = arith.constant 0 : i32
            %get3A_208 = arith.index_cast %scan3A_176 : i32 to index
            %get3A_209 = arith.index_cast %get3A_207 : i32 to index
            %get3A_210 = arith.constant 32 : index
            %get3A_211 = tpu.vector_load %arg5[%get3A_208, %get3A_209, %get3A_210] {strides = array<i32>} : memref<25x8x64xf32, #tpu.memory_space<vmem>>, vector<1x1x16xf32>,
            %get3A_212 = vector.shape_cast %get3A_211 : vector<1x1x16xf32> to vector<16xf32>
            %mul3A_213 = arith.constant 8.000000e+00 : f32
            %mul3A_214 = vector.broadcast %mul3A_213 : f32 to vector<16xf32>
            %mul3A_215 = arith.mulf %get3A_212, %mul3A_214 : vector<16xf32>
            %swap3A_216 = arith.constant 0 : i32
            %swap3A_217 = arith.index_cast %scan3A_176 : i32 to index
            %swap3A_218 = arith.index_cast %swap3A_216 : i32 to index
            %swap3A_219 = arith.constant 32 : index
            %swap3A_220 = tpu.vector_load %arg7[%swap3A_217, %swap3A_218, %swap3A_219] {strides = array<i32>} : memref<25x8x128xf32, #tpu.memory_space<vmem>>, vector<1x1x16xf32>,
            %swap3A_221 = vector.shape_cast %swap3A_220 : vector<1x1x16xf32> to vector<16xf32>
            %swap3A_222 = vector.shape_cast %mul3A_215 : vector<16xf32> to vector<1x1x16xf32>
            tpu.vector_store %arg7[%swap3A_217, %swap3A_218, %swap3A_219], %swap3A_222 {strides = array<i32>} : memref<25x8x128xf32, #tpu.memory_space<vmem>>, vector<1x1x16xf32>,
            %get3A_223 = arith.constant 0 : i32
            %get3A_224 = arith.index_cast %scan3A_176 : i32 to index
            %get3A_225 = arith.index_cast %get3A_223 : i32 to index
            %get3A_226 = arith.constant 48 : index
            %get3A_227 = tpu.vector_load %arg5[%get3A_224, %get3A_225, %get3A_226] {strides = array<i32>} : memref<25x8x64xf32, #tpu.memory_space<vmem>>, vector<1x1x16xf32>,
            %get3A_228 = vector.shape_cast %get3A_227 : vector<1x1x16xf32> to vector<16xf32>
            %mul3A_229 = arith.constant 8.000000e+00 : f32
            %mul3A_230 = vector.broadcast %mul3A_229 : f32 to vector<16xf32>
            %mul3A_231 = arith.mulf %get3A_228, %mul3A_230 : vector<16xf32>
            %swap3A_232 = arith.constant 0 : i32
            %swap3A_233 = arith.index_cast %scan3A_176 : i32 to index
            %swap3A_234 = arith.index_cast %swap3A_232 : i32 to index
            %swap3A_235 = arith.constant 48 : index
            %swap3A_236 = tpu.vector_load %arg7[%swap3A_233, %swap3A_234, %swap3A_235] {strides = array<i32>} : memref<25x8x128xf32, #tpu.memory_space<vmem>>, vector<1x1x16xf32>,
            %swap3A_237 = vector.shape_cast %swap3A_236 : vector<1x1x16xf32> to vector<16xf32>
            %swap3A_238 = vector.shape_cast %mul3A_231 : vector<16xf32> to vector<1x1x16xf32>
            tpu.vector_store %arg7[%swap3A_233, %swap3A_234, %swap3A_235], %swap3A_238 {strides = array<i32>} : memref<25x8x128xf32, #tpu.memory_space<vmem>>, vector<1x1x16xf32>,
            %get3A_239 = arith.constant 1 : i32
            %get3A_240 = arith.index_cast %scan3A_176 : i32 to index
            %get3A_241 = arith.index_cast %get3A_239 : i32 to index
            %get3A_242 = arith.constant 0 : index
            %get3A_243 = tpu.vector_load %arg5[%get3A_240, %get3A_241, %get3A_242] {strides = array<i32>} : memref<25x8x64xf32, #tpu.memory_space<vmem>>, vector<1x1x16xf32>,
            %get3A_244 = vector.shape_cast %get3A_243 : vector<1x1x16xf32> to vector<16xf32>
            %mul3A_245 = arith.constant 8.000000e+00 : f32
            %mul3A_246 = vector.broadcast %mul3A_245 : f32 to vector<16xf32>
            %mul3A_247 = arith.mulf %get3A_244, %mul3A_246 : vector<16xf32>
            %swap3A_248 = arith.constant 1 : i32
            %swap3A_249 = arith.index_cast %scan3A_176 : i32 to index
            %swap3A_250 = arith.index_cast %swap3A_248 : i32 to index
            %swap3A_251 = arith.constant 0 : index
            %swap3A_252 = tpu.vector_load %arg7[%swap3A_249, %swap3A_250, %swap3A_251] {strides = array<i32>} : memref<25x8x128xf32, #tpu.memory_space<vmem>>, vector<1x1x16xf32>,
            %swap3A_253 = vector.shape_cast %swap3A_252 : vector<1x1x16xf32> to vector<16xf32>
            %swap3A_254 = vector.shape_cast %mul3A_247 : vector<16xf32> to vector<1x1x16xf32>
            tpu.vector_store %arg7[%swap3A_249, %swap3A_250, %swap3A_251], %swap3A_254 {strides = array<i32>} : memref<25x8x128xf32, #tpu.memory_space<vmem>>, vector<1x1x16xf32>,
            %get3A_255 = arith.constant 1 : i32
            %get3A_256 = arith.index_cast %scan3A_176 : i32 to index
            %get3A_257 = arith.index_cast %get3A_255 : i32 to index
            %get3A_258 = arith.constant 16 : index
            %get3A_259 = tpu.vector_load %arg5[%get3A_256, %get3A_257, %get3A_258] {strides = array<i32>} : memref<25x8x64xf32, #tpu.memory_space<vmem>>, vector<1x1x16xf32>,
            %get3A_260 = vector.shape_cast %get3A_259 : vector<1x1x16xf32> to vector<16xf32>
            %mul3A_261 = arith.constant 8.000000e+00 : f32
            %mul3A_262 = vector.broadcast %mul3A_261 : f32 to vector<16xf32>
            %mul3A_263 = arith.mulf %get3A_260, %mul3A_262 : vector<16xf32>
            %swap3A_264 = arith.constant 1 : i32
            %swap3A_265 = arith.index_cast %scan3A_176 : i32 to index
            %swap3A_266 = arith.index_cast %swap3A_264 : i32 to index
            %swap3A_267 = arith.constant 16 : index
            %swap3A_268 = tpu.vector_load %arg7[%swap3A_265, %swap3A_266, %swap3A_267] {strides = array<i32>} : memref<25x8x128xf32, #tpu.memory_space<vmem>>, vector<1x1x16xf32>,
            %swap3A_269 = vector.shape_cast %swap3A_268 : vector<1x1x16xf32> to vector<16xf32>
            %swap3A_270 = vector.shape_cast %mul3A_263 : vector<16xf32> to vector<1x1x16xf32>
            tpu.vector_store %arg7[%swap3A_265, %swap3A_266, %swap3A_267], %swap3A_270 {strides = array<i32>} : memref<25x8x128xf32, #tpu.memory_space<vmem>>, vector<1x1x16xf32>,
            %get3A_271 = arith.constant 1 : i32
            %get3A_272 = arith.index_cast %scan3A_176 : i32 to index
            %get3A_273 = arith.index_cast %get3A_271 : i32 to index
            %get3A_274 = arith.constant 32 : index
            %get3A_275 = tpu.vector_load %arg5[%get3A_272, %get3A_273, %get3A_274] {strides = array<i32>} : memref<25x8x64xf32, #tpu.memory_space<vmem>>, vector<1x1x16xf32>,
            %get3A_276 = vector.shape_cast %get3A_275 : vector<1x1x16xf32> to vector<16xf32>
            %mul3A_277 = arith.constant 8.000000e+00 : f32
            %mul3A_278 = vector.broadcast %mul3A_277 : f32 to vector<16xf32>
            %mul3A_279 = arith.mulf %get3A_276, %mul3A_278 : vector<16xf32>
            %swap3A_280 = arith.constant 1 : i32
            %swap3A_281 = arith.index_cast %scan3A_176 : i32 to index
            %swap3A_282 = arith.index_cast %swap3A_280 : i32 to index
            %swap3A_283 = arith.constant 32 : index
            %swap3A_284 = tpu.vector_load %arg7[%swap3A_281, %swap3A_282, %swap3A_283] {strides = array<i32>} : memref<25x8x128xf32, #tpu.memory_space<vmem>>, vector<1x1x16xf32>,
            %swap3A_285 = vector.shape_cast %swap3A_284 : vector<1x1x16xf32> to vector<16xf32>
            %swap3A_286 = vector.shape_cast %mul3A_279 : vector<16xf32> to vector<1x1x16xf32>
            tpu.vector_store %arg7[%swap3A_281, %swap3A_282, %swap3A_283], %swap3A_286 {strides = array<i32>} : memref<25x8x128xf32, #tpu.memory_space<vmem>>, vector<1x1x16xf32>,
            %get3A_287 = arith.constant 1 : i32
            %get3A_288 = arith.index_cast %scan3A_176 : i32 to index
            %get3A_289 = arith.index_cast %get3A_287 : i32 to index
            %get3A_290 = arith.constant 48 : index
            %get3A_291 = tpu.vector_load %arg5[%get3A_288, %get3A_289, %get3A_290] {strides = array<i32>} : memref<25x8x64xf32, #tpu.memory_space<vmem>>, vector<1x1x16xf32>,
            %get3A_292 = vector.shape_cast %get3A_291 : vector<1x1x16xf32> to vector<16xf32>
            %mul3A_293 = arith.constant 8.000000e+00 : f32
            %mul3A_294 = vector.broadcast %mul3A_293 : f32 to vector<16xf32>
            %mul3A_295 = arith.mulf %get3A_292, %mul3A_294 : vector<16xf32>
            %swap3A_296 = arith.constant 1 : i32
            %swap3A_297 = arith.index_cast %scan3A_176 : i32 to index
            %swap3A_298 = arith.index_cast %swap3A_296 : i32 to index
            %swap3A_299 = arith.constant 48 : index
            %swap3A_300 = tpu.vector_load %arg7[%swap3A_297, %swap3A_298, %swap3A_299] {strides = array<i32>} : memref<25x8x128xf32, #tpu.memory_space<vmem>>, vector<1x1x16xf32>,
            %swap3A_301 = vector.shape_cast %swap3A_300 : vector<1x1x16xf32> to vector<16xf32>
            %swap3A_302 = vector.shape_cast %mul3A_295 : vector<16xf32> to vector<1x1x16xf32>
            tpu.vector_store %arg7[%swap3A_297, %swap3A_298, %swap3A_299], %swap3A_302 {strides = array<i32>} : memref<25x8x128xf32, #tpu.memory_space<vmem>>, vector<1x1x16xf32>,
            %get3A_303 = arith.constant 2 : i32
            %get3A_304 = arith.index_cast %scan3A_176 : i32 to index
            %get3A_305 = arith.index_cast %get3A_303 : i32 to index
            %get3A_306 = arith.constant 0 : index
            %get3A_307 = tpu.vector_load %arg5[%get3A_304, %get3A_305, %get3A_306] {strides = array<i32>} : memref<25x8x64xf32, #tpu.memory_space<vmem>>, vector<1x1x16xf32>,
            %get3A_308 = vector.shape_cast %get3A_307 : vector<1x1x16xf32> to vector<16xf32>
            %mul3A_309 = arith.constant 8.000000e+00 : f32
            %mul3A_310 = vector.broadcast %mul3A_309 : f32 to vector<16xf32>
            %mul3A_311 = arith.mulf %get3A_308, %mul3A_310 : vector<16xf32>
            %swap3A_312 = arith.constant 2 : i32
            %swap3A_313 = arith.index_cast %scan3A_176 : i32 to index
            %swap3A_314 = arith.index_cast %swap3A_312 : i32 to index
            %swap3A_315 = arith.constant 0 : index
            %swap3A_316 = tpu.vector_load %arg7[%swap3A_313, %swap3A_314, %swap3A_315] {strides = array<i32>} : memref<25x8x128xf32, #tpu.memory_space<vmem>>, vector<1x1x16xf32>,
            %swap3A_317 = vector.shape_cast %swap3A_316 : vector<1x1x16xf32> to vector<16xf32>
            %swap3A_318 = vector.shape_cast %mul3A_311 : vector<16xf32> to vector<1x1x16xf32>
            tpu.vector_store %arg7[%swap3A_313, %swap3A_314, %swap3A_315], %swap3A_318 {strides = array<i32>} : memref<25x8x128xf32, #tpu.memory_space<vmem>>, vector<1x1x16xf32>,
            %get3A_319 = arith.constant 2 : i32
            %get3A_320 = arith.index_cast %scan3A_176 : i32 to index
            %get3A_321 = arith.index_cast %get3A_319 : i32 to index
            %get3A_322 = arith.constant 16 : index
            %get3A_323 = tpu.vector_load %arg5[%get3A_320, %get3A_321, %get3A_322] {strides = array<i32>} : memref<25x8x64xf32, #tpu.memory_space<vmem>>, vector<1x1x16xf32>,
            %get3A_324 = vector.shape_cast %get3A_323 : vector<1x1x16xf32> to vector<16xf32>
            %mul3A_325 = arith.constant 8.000000e+00 : f32
            %mul3A_326 = vector.broadcast %mul3A_325 : f32 to vector<16xf32>
            %mul3A_327 = arith.mulf %get3A_324, %mul3A_326 : vector<16xf32>
            %swap3A_328 = arith.constant 2 : i32
            %swap3A_329 = arith.index_cast %scan3A_176 : i32 to index
            %swap3A_330 = arith.index_cast %swap3A_328 : i32 to index
            %swap3A_331 = arith.constant 16 : index
            %swap3A_332 = tpu.vector_load %arg7[%swap3A_329, %swap3A_330, %swap3A_331] {strides = array<i32>} : memref<25x8x128xf32, #tpu.memory_space<vmem>>, vector<1x1x16xf32>,
            %swap3A_333 = vector.shape_cast %swap3A_332 : vector<1x1x16xf32> to vector<16xf32>
            %swap3A_334 = vector.shape_cast %mul3A_327 : vector<16xf32> to vector<1x1x16xf32>
            tpu.vector_store %arg7[%swap3A_329, %swap3A_330, %swap3A_331], %swap3A_334 {strides = array<i32>} : memref<25x8x128xf32, #tpu.memory_space<vmem>>, vector<1x1x16xf32>,
            %get3A_335 = arith.constant 2 : i32
            %get3A_336 = arith.index_cast %scan3A_176 : i32 to index
            %get3A_337 = arith.index_cast %get3A_335 : i32 to index
            %get3A_338 = arith.constant 32 : index
            %get3A_339 = tpu.vector_load %arg5[%get3A_336, %get3A_337, %get3A_338] {strides = array<i32>} : memref<25x8x64xf32, #tpu.memory_space<vmem>>, vector<1x1x16xf32>,
            %get3A_340 = vector.shape_cast %get3A_339 : vector<1x1x16xf32> to vector<16xf32>
            %mul3A_341 = arith.constant 8.000000e+00 : f32
            %mul3A_342 = vector.broadcast %mul3A_341 : f32 to vector<16xf32>
            %mul3A_343 = arith.mulf %get3A_340, %mul3A_342 : vector<16xf32>
            %swap3A_344 = arith.constant 2 : i32
            %swap3A_345 = arith.index_cast %scan3A_176 : i32 to index
            %swap3A_346 = arith.index_cast %swap3A_344 : i32 to index
            %swap3A_347 = arith.constant 32 : index
            %swap3A_348 = tpu.vector_load %arg7[%swap3A_345, %swap3A_346, %swap3A_347] {strides = array<i32>} : memref<25x8x128xf32, #tpu.memory_space<vmem>>, vector<1x1x16xf32>,
            %swap3A_349 = vector.shape_cast %swap3A_348 : vector<1x1x16xf32> to vector<16xf32>
            %swap3A_350 = vector.shape_cast %mul3A_343 : vector<16xf32> to vector<1x1x16xf32>
            tpu.vector_store %arg7[%swap3A_345, %swap3A_346, %swap3A_347], %swap3A_350 {strides = array<i32>} : memref<25x8x128xf32, #tpu.memory_space<vmem>>, vector<1x1x16xf32>,
            %get3A_351 = arith.constant 2 : i32
            %get3A_352 = arith.index_cast %scan3A_176 : i32 to index
            %get3A_353 = arith.index_cast %get3A_351 : i32 to index
            %get3A_354 = arith.constant 48 : index
            %get3A_355 = tpu.vector_load %arg5[%get3A_352, %get3A_353, %get3A_354] {strides = array<i32>} : memref<25x8x64xf32, #tpu.memory_space<vmem>>, vector<1x1x16xf32>,
            %get3A_356 = vector.shape_cast %get3A_355 : vector<1x1x16xf32> to vector<16xf32>
            %mul3A_357 = arith.constant 8.000000e+00 : f32
            %mul3A_358 = vector.broadcast %mul3A_357 : f32 to vector<16xf32>
            %mul3A_359 = arith.mulf %get3A_356, %mul3A_358 : vector<16xf32>
            %swap3A_360 = arith.constant 2 : i32
            %swap3A_361 = arith.index_cast %scan3A_176 : i32 to index
            %swap3A_362 = arith.index_cast %swap3A_360 : i32 to index
            %swap3A_363 = arith.constant 48 : index
            %swap3A_364 = tpu.vector_load %arg7[%swap3A_361, %swap3A_362, %swap3A_363] {strides = array<i32>} : memref<25x8x128xf32, #tpu.memory_space<vmem>>, vector<1x1x16xf32>,
            %swap3A_365 = vector.shape_cast %swap3A_364 : vector<1x1x16xf32> to vector<16xf32>
            %swap3A_366 = vector.shape_cast %mul3A_359 : vector<16xf32> to vector<1x1x16xf32>
            tpu.vector_store %arg7[%swap3A_361, %swap3A_362, %swap3A_363], %swap3A_366 {strides = array<i32>} : memref<25x8x128xf32, #tpu.memory_space<vmem>>, vector<1x1x16xf32>,
            %get3A_367 = arith.constant 3 : i32
            %get3A_368 = arith.index_cast %scan3A_176 : i32 to index
            %get3A_369 = arith.index_cast %get3A_367 : i32 to index
            %get3A_370 = arith.constant 0 : index
            %get3A_371 = tpu.vector_load %arg5[%get3A_368, %get3A_369, %get3A_370] {strides = array<i32>} : memref<25x8x64xf32, #tpu.memory_space<vmem>>, vector<1x1x16xf32>,
            %get3A_372 = vector.shape_cast %get3A_371 : vector<1x1x16xf32> to vector<16xf32>
            %mul3A_373 = arith.constant 8.000000e+00 : f32
            %mul3A_374 = vector.broadcast %mul3A_373 : f32 to vector<16xf32>
            %mul3A_375 = arith.mulf %get3A_372, %mul3A_374 : vector<16xf32>
            %swap3A_376 = arith.constant 3 : i32
            %swap3A_377 = arith.index_cast %scan3A_176 : i32 to index
            %swap3A_378 = arith.index_cast %swap3A_376 : i32 to index
            %swap3A_379 = arith.constant 0 : index
            %swap3A_380 = tpu.vector_load %arg7[%swap3A_377, %swap3A_378, %swap3A_379] {strides = array<i32>} : memref<25x8x128xf32, #tpu.memory_space<vmem>>, vector<1x1x16xf32>,
            %swap3A_381 = vector.shape_cast %swap3A_380 : vector<1x1x16xf32> to vector<16xf32>
            %swap3A_382 = vector.shape_cast %mul3A_375 : vector<16xf32> to vector<1x1x16xf32>
            tpu.vector_store %arg7[%swap3A_377, %swap3A_378, %swap3A_379], %swap3A_382 {strides = array<i32>} : memref<25x8x128xf32, #tpu.memory_space<vmem>>, vector<1x1x16xf32>,
            %get3A_383 = arith.constant 3 : i32
            %get3A_384 = arith.index_cast %scan3A_176 : i32 to index
            %get3A_385 = arith.index_cast %get3A_383 : i32 to index
            %get3A_386 = arith.constant 16 : index
            %get3A_387 = tpu.vector_load %arg5[%get3A_384, %get3A_385, %get3A_386] {strides = array<i32>} : memref<25x8x64xf32, #tpu.memory_space<vmem>>, vector<1x1x16xf32>,
            %get3A_388 = vector.shape_cast %get3A_387 : vector<1x1x16xf32> to vector<16xf32>
            %mul3A_389 = arith.constant 8.000000e+00 : f32
            %mul3A_390 = vector.broadcast %mul3A_389 : f32 to vector<16xf32>
            %mul3A_391 = arith.mulf %get3A_388, %mul3A_390 : vector<16xf32>
            %swap3A_392 = arith.constant 3 : i32
            %swap3A_393 = arith.index_cast %scan3A_176 : i32 to index
            %swap3A_394 = arith.index_cast %swap3A_392 : i32 to index
            %swap3A_395 = arith.constant 16 : index
            %swap3A_396 = tpu.vector_load %arg7[%swap3A_393, %swap3A_394, %swap3A_395] {strides = array<i32>} : memref<25x8x128xf32, #tpu.memory_space<vmem>>, vector<1x1x16xf32>,
            %swap3A_397 = vector.shape_cast %swap3A_396 : vector<1x1x16xf32> to vector<16xf32>
            %swap3A_398 = vector.shape_cast %mul3A_391 : vector<16xf32> to vector<1x1x16xf32>
            tpu.vector_store %arg7[%swap3A_393, %swap3A_394, %swap3A_395], %swap3A_398 {strides = array<i32>} : memref<25x8x128xf32, #tpu.memory_space<vmem>>, vector<1x1x16xf32>,
            %get3A_399 = arith.constant 3 : i32
            %get3A_400 = arith.index_cast %scan3A_176 : i32 to index
            %get3A_401 = arith.index_cast %get3A_399 : i32 to index
            %get3A_402 = arith.constant 32 : index
            %get3A_403 = tpu.vector_load %arg5[%get3A_400, %get3A_401, %get3A_402] {strides = array<i32>} : memref<25x8x64xf32, #tpu.memory_space<vmem>>, vector<1x1x16xf32>,
            %get3A_404 = vector.shape_cast %get3A_403 : vector<1x1x16xf32> to vector<16xf32>
            %mul3A_405 = arith.constant 8.000000e+00 : f32
            %mul3A_406 = vector.broadcast %mul3A_405 : f32 to vector<16xf32>
            %mul3A_407 = arith.mulf %get3A_404, %mul3A_406 : vector<16xf32>
            %swap3A_408 = arith.constant 3 : i32
            %swap3A_409 = arith.index_cast %scan3A_176 : i32 to index
            %swap3A_410 = arith.index_cast %swap3A_408 : i32 to index
            %swap3A_411 = arith.constant 32 : index
            %swap3A_412 = tpu.vector_load %arg7[%swap3A_409, %swap3A_410, %swap3A_411] {strides = array<i32>} : memref<25x8x128xf32, #tpu.memory_space<vmem>>, vector<1x1x16xf32>,
            %swap3A_413 = vector.shape_cast %swap3A_412 : vector<1x1x16xf32> to vector<16xf32>
            %swap3A_414 = vector.shape_cast %mul3A_407 : vector<16xf32> to vector<1x1x16xf32>
            tpu.vector_store %arg7[%swap3A_409, %swap3A_410, %swap3A_411], %swap3A_414 {strides = array<i32>} : memref<25x8x128xf32, #tpu.memory_space<vmem>>, vector<1x1x16xf32>,
            %get3A_415 = arith.constant 3 : i32
            %get3A_416 = arith.index_cast %scan3A_176 : i32 to index
            %get3A_417 = arith.index_cast %get3A_415 : i32 to index
            %get3A_418 = arith.constant 48 : index
            %get3A_419 = tpu.vector_load %arg5[%get3A_416, %get3A_417, %get3A_418] {strides = array<i32>} : memref<25x8x64xf32, #tpu.memory_space<vmem>>, vector<1x1x16xf32>,
            %get3A_420 = vector.shape_cast %get3A_419 : vector<1x1x16xf32> to vector<16xf32>
            %mul3A_421 = arith.constant 8.000000e+00 : f32
            %mul3A_422 = vector.broadcast %mul3A_421 : f32 to vector<16xf32>
            %mul3A_423 = arith.mulf %get3A_420, %mul3A_422 : vector<16xf32>
            %swap3A_424 = arith.constant 3 : i32
            %swap3A_425 = arith.index_cast %scan3A_176 : i32 to index
            %swap3A_426 = arith.index_cast %swap3A_424 : i32 to index
            %swap3A_427 = arith.constant 48 : index
            %swap3A_428 = tpu.vector_load %arg7[%swap3A_425, %swap3A_426, %swap3A_427] {strides = array<i32>} : memref<25x8x128xf32, #tpu.memory_space<vmem>>, vector<1x1x16xf32>,
            %swap3A_429 = vector.shape_cast %swap3A_428 : vector<1x1x16xf32> to vector<16xf32>
            %swap3A_430 = vector.shape_cast %mul3A_423 : vector<16xf32> to vector<1x1x16xf32>
            tpu.vector_store %arg7[%swap3A_425, %swap3A_426, %swap3A_427], %swap3A_430 {strides = array<i32>} : memref<25x8x128xf32, #tpu.memory_space<vmem>>, vector<1x1x16xf32>,
            %get3A_431 = arith.constant 4 : i32
            %get3A_432 = arith.index_cast %scan3A_176 : i32 to index
            %get3A_433 = arith.index_cast %get3A_431 : i32 to index
            %get3A_434 = arith.constant 0 : index
            %get3A_435 = tpu.vector_load %arg5[%get3A_432, %get3A_433, %get3A_434] {strides = array<i32>} : memref<25x8x64xf32, #tpu.memory_space<vmem>>, vector<1x1x16xf32>,
            %get3A_436 = vector.shape_cast %get3A_435 : vector<1x1x16xf32> to vector<16xf32>
            %mul3A_437 = arith.constant 8.000000e+00 : f32
            %mul3A_438 = vector.broadcast %mul3A_437 : f32 to vector<16xf32>
            %mul3A_439 = arith.mulf %get3A_436, %mul3A_438 : vector<16xf32>
            %swap3A_440 = arith.constant 4 : i32
            %swap3A_441 = arith.index_cast %scan3A_176 : i32 to index
            %swap3A_442 = arith.index_cast %swap3A_440 : i32 to index
            %swap3A_443 = arith.constant 0 : index
            %swap3A_444 = tpu.vector_load %arg7[%swap3A_441, %swap3A_442, %swap3A_443] {strides = array<i32>} : memref<25x8x128xf32, #tpu.memory_space<vmem>>, vector<1x1x16xf32>,
            %swap3A_445 = vector.shape_cast %swap3A_444 : vector<1x1x16xf32> to vector<16xf32>
            %swap3A_446 = vector.shape_cast %mul3A_439 : vector<16xf32> to vector<1x1x16xf32>
            tpu.vector_store %arg7[%swap3A_441, %swap3A_442, %swap3A_443], %swap3A_446 {strides = array<i32>} : memref<25x8x128xf32, #tpu.memory_space<vmem>>, vector<1x1x16xf32>,
            %get3A_447 = arith.constant 4 : i32
            %get3A_448 = arith.index_cast %scan3A_176 : i32 to index
            %get3A_449 = arith.index_cast %get3A_447 : i32 to index
            %get3A_450 = arith.constant 16 : index
            %get3A_451 = tpu.vector_load %arg5[%get3A_448, %get3A_449, %get3A_450] {strides = array<i32>} : memref<25x8x64xf32, #tpu.memory_space<vmem>>, vector<1x1x16xf32>,
            %get3A_452 = vector.shape_cast %get3A_451 : vector<1x1x16xf32> to vector<16xf32>
            %mul3A_453 = arith.constant 8.000000e+00 : f32
            %mul3A_454 = vector.broadcast %mul3A_453 : f32 to vector<16xf32>
            %mul3A_455 = arith.mulf %get3A_452, %mul3A_454 : vector<16xf32>
            %swap3A_456 = arith.constant 4 : i32
            %swap3A_457 = arith.index_cast %scan3A_176 : i32 to index
            %swap3A_458 = arith.index_cast %swap3A_456 : i32 to index
            %swap3A_459 = arith.constant 16 : index
            %swap3A_460 = tpu.vector_load %arg7[%swap3A_457, %swap3A_458, %swap3A_459] {strides = array<i32>} : memref<25x8x128xf32, #tpu.memory_space<vmem>>, vector<1x1x16xf32>,
            %swap3A_461 = vector.shape_cast %swap3A_460 : vector<1x1x16xf32> to vector<16xf32>
            %swap3A_462 = vector.shape_cast %mul3A_455 : vector<16xf32> to vector<1x1x16xf32>
            tpu.vector_store %arg7[%swap3A_457, %swap3A_458, %swap3A_459], %swap3A_462 {strides = array<i32>} : memref<25x8x128xf32, #tpu.memory_space<vmem>>, vector<1x1x16xf32>,
            %get3A_463 = arith.constant 4 : i32
            %get3A_464 = arith.index_cast %scan3A_176 : i32 to index
            %get3A_465 = arith.index_cast %get3A_463 : i32 to index
            %get3A_466 = arith.constant 32 : index
            %get3A_467 = tpu.vector_load %arg5[%get3A_464, %get3A_465, %get3A_466] {strides = array<i32>} : memref<25x8x64xf32, #tpu.memory_space<vmem>>, vector<1x1x16xf32>,
            %get3A_468 = vector.shape_cast %get3A_467 : vector<1x1x16xf32> to vector<16xf32>
            %mul3A_469 = arith.constant 8.000000e+00 : f32
            %mul3A_470 = vector.broadcast %mul3A_469 : f32 to vector<16xf32>
            %mul3A_471 = arith.mulf %get3A_468, %mul3A_470 : vector<16xf32>
            %swap3A_472 = arith.constant 4 : i32
            %swap3A_473 = arith.index_cast %scan3A_176 : i32 to index
            %swap3A_474 = arith.index_cast %swap3A_472 : i32 to index
            %swap3A_475 = arith.constant 32 : index
            %swap3A_476 = tpu.vector_load %arg7[%swap3A_473, %swap3A_474, %swap3A_475] {strides = array<i32>} : memref<25x8x128xf32, #tpu.memory_space<vmem>>, vector<1x1x16xf32>,
            %swap3A_477 = vector.shape_cast %swap3A_476 : vector<1x1x16xf32> to vector<16xf32>
            %swap3A_478 = vector.shape_cast %mul3A_471 : vector<16xf32> to vector<1x1x16xf32>
            tpu.vector_store %arg7[%swap3A_473, %swap3A_474, %swap3A_475], %swap3A_478 {strides = array<i32>} : memref<25x8x128xf32, #tpu.memory_space<vmem>>, vector<1x1x16xf32>,
            %get3A_479 = arith.constant 4 : i32
            %get3A_480 = arith.index_cast %scan3A_176 : i32 to index
            %get3A_481 = arith.index_cast %get3A_479 : i32 to index
            %get3A_482 = arith.constant 48 : index
            %get3A_483 = tpu.vector_load %arg5[%get3A_480, %get3A_481, %get3A_482] {strides = array<i32>} : memref<25x8x64xf32, #tpu.memory_space<vmem>>, vector<1x1x16xf32>,
            %get3A_484 = vector.shape_cast %get3A_483 : vector<1x1x16xf32> to vector<16xf32>
            %mul3A_485 = arith.constant 8.000000e+00 : f32
            %mul3A_486 = vector.broadcast %mul3A_485 : f32 to vector<16xf32>
            %mul3A_487 = arith.mulf %get3A_484, %mul3A_486 : vector<16xf32>
            %swap3A_488 = arith.constant 4 : i32
            %swap3A_489 = arith.index_cast %scan3A_176 : i32 to index
            %swap3A_490 = arith.index_cast %swap3A_488 : i32 to index
            %swap3A_491 = arith.constant 48 : index
            %swap3A_492 = tpu.vector_load %arg7[%swap3A_489, %swap3A_490, %swap3A_491] {strides = array<i32>} : memref<25x8x128xf32, #tpu.memory_space<vmem>>, vector<1x1x16xf32>,
            %swap3A_493 = vector.shape_cast %swap3A_492 : vector<1x1x16xf32> to vector<16xf32>
            %swap3A_494 = vector.shape_cast %mul3A_487 : vector<16xf32> to vector<1x1x16xf32>
            tpu.vector_store %arg7[%swap3A_489, %swap3A_490, %swap3A_491], %swap3A_494 {strides = array<i32>} : memref<25x8x128xf32, #tpu.memory_space<vmem>>, vector<1x1x16xf32>,
            %get3A_495 = arith.constant 5 : i32
            %get3A_496 = arith.index_cast %scan3A_176 : i32 to index
            %get3A_497 = arith.index_cast %get3A_495 : i32 to index
            %get3A_498 = arith.constant 0 : index
            %get3A_499 = tpu.vector_load %arg5[%get3A_496, %get3A_497, %get3A_498] {strides = array<i32>} : memref<25x8x64xf32, #tpu.memory_space<vmem>>, vector<1x1x16xf32>,
            %get3A_500 = vector.shape_cast %get3A_499 : vector<1x1x16xf32> to vector<16xf32>
            %mul3A_501 = arith.constant 8.000000e+00 : f32
            %mul3A_502 = vector.broadcast %mul3A_501 : f32 to vector<16xf32>
            %mul3A_503 = arith.mulf %get3A_500, %mul3A_502 : vector<16xf32>
            %swap3A_504 = arith.constant 5 : i32
            %swap3A_505 = arith.index_cast %scan3A_176 : i32 to index
            %swap3A_506 = arith.index_cast %swap3A_504 : i32 to index
            %swap3A_507 = arith.constant 0 : index
            %swap3A_508 = tpu.vector_load %arg7[%swap3A_505, %swap3A_506, %swap3A_507] {strides = array<i32>} : memref<25x8x128xf32, #tpu.memory_space<vmem>>, vector<1x1x16xf32>,
            %swap3A_509 = vector.shape_cast %swap3A_508 : vector<1x1x16xf32> to vector<16xf32>
            %swap3A_510 = vector.shape_cast %mul3A_503 : vector<16xf32> to vector<1x1x16xf32>
            tpu.vector_store %arg7[%swap3A_505, %swap3A_506, %swap3A_507], %swap3A_510 {strides = array<i32>} : memref<25x8x128xf32, #tpu.memory_space<vmem>>, vector<1x1x16xf32>,
            %get3A_511 = arith.constant 5 : i32
            %get3A_512 = arith.index_cast %scan3A_176 : i32 to index
            %get3A_513 = arith.index_cast %get3A_511 : i32 to index
            %get3A_514 = arith.constant 16 : index
            %get3A_515 = tpu.vector_load %arg5[%get3A_512, %get3A_513, %get3A_514] {strides = array<i32>} : memref<25x8x64xf32, #tpu.memory_space<vmem>>, vector<1x1x16xf32>,
            %get3A_516 = vector.shape_cast %get3A_515 : vector<1x1x16xf32> to vector<16xf32>
            %mul3A_517 = arith.constant 8.000000e+00 : f32
            %mul3A_518 = vector.broadcast %mul3A_517 : f32 to vector<16xf32>
            %mul3A_519 = arith.mulf %get3A_516, %mul3A_518 : vector<16xf32>
            %swap3A_520 = arith.constant 5 : i32
            %swap3A_521 = arith.index_cast %scan3A_176 : i32 to index
            %swap3A_522 = arith.index_cast %swap3A_520 : i32 to index
            %swap3A_523 = arith.constant 16 : index
            %swap3A_524 = tpu.vector_load %arg7[%swap3A_521, %swap3A_522, %swap3A_523] {strides = array<i32>} : memref<25x8x128xf32, #tpu.memory_space<vmem>>, vector<1x1x16xf32>,
            %swap3A_525 = vector.shape_cast %swap3A_524 : vector<1x1x16xf32> to vector<16xf32>
            %swap3A_526 = vector.shape_cast %mul3A_519 : vector<16xf32> to vector<1x1x16xf32>
            tpu.vector_store %arg7[%swap3A_521, %swap3A_522, %swap3A_523], %swap3A_526 {strides = array<i32>} : memref<25x8x128xf32, #tpu.memory_space<vmem>>, vector<1x1x16xf32>,
            %get3A_527 = arith.constant 5 : i32
            %get3A_528 = arith.index_cast %scan3A_176 : i32 to index
            %get3A_529 = arith.index_cast %get3A_527 : i32 to index
            %get3A_530 = arith.constant 32 : index
            %get3A_531 = tpu.vector_load %arg5[%get3A_528, %get3A_529, %get3A_530] {strides = array<i32>} : memref<25x8x64xf32, #tpu.memory_space<vmem>>, vector<1x1x16xf32>,
            %get3A_532 = vector.shape_cast %get3A_531 : vector<1x1x16xf32> to vector<16xf32>
            %mul3A_533 = arith.constant 8.000000e+00 : f32
            %mul3A_534 = vector.broadcast %mul3A_533 : f32 to vector<16xf32>
            %mul3A_535 = arith.mulf %get3A_532, %mul3A_534 : vector<16xf32>
            %swap3A_536 = arith.constant 5 : i32
            %swap3A_537 = arith.index_cast %scan3A_176 : i32 to index
            %swap3A_538 = arith.index_cast %swap3A_536 : i32 to index
            %swap3A_539 = arith.constant 32 : index
            %swap3A_540 = tpu.vector_load %arg7[%swap3A_537, %swap3A_538, %swap3A_539] {strides = array<i32>} : memref<25x8x128xf32, #tpu.memory_space<vmem>>, vector<1x1x16xf32>,
            %swap3A_541 = vector.shape_cast %swap3A_540 : vector<1x1x16xf32> to vector<16xf32>
            %swap3A_542 = vector.shape_cast %mul3A_535 : vector<16xf32> to vector<1x1x16xf32>
            tpu.vector_store %arg7[%swap3A_537, %swap3A_538, %swap3A_539], %swap3A_542 {strides = array<i32>} : memref<25x8x128xf32, #tpu.memory_space<vmem>>, vector<1x1x16xf32>,
            %get3A_543 = arith.constant 5 : i32
            %get3A_544 = arith.index_cast %scan3A_176 : i32 to index
            %get3A_545 = arith.index_cast %get3A_543 : i32 to index
            %get3A_546 = arith.constant 48 : index
            %get3A_547 = tpu.vector_load %arg5[%get3A_544, %get3A_545, %get3A_546] {strides = array<i32>} : memref<25x8x64xf32, #tpu.memory_space<vmem>>, vector<1x1x16xf32>,
            %get3A_548 = vector.shape_cast %get3A_547 : vector<1x1x16xf32> to vector<16xf32>
            %mul3A_549 = arith.constant 8.000000e+00 : f32
            %mul3A_550 = vector.broadcast %mul3A_549 : f32 to vector<16xf32>
            %mul3A_551 = arith.mulf %get3A_548, %mul3A_550 : vector<16xf32>
            %swap3A_552 = arith.constant 5 : i32
            %swap3A_553 = arith.index_cast %scan3A_176 : i32 to index
            %swap3A_554 = arith.index_cast %swap3A_552 : i32 to index
            %swap3A_555 = arith.constant 48 : index
            %swap3A_556 = tpu.vector_load %arg7[%swap3A_553, %swap3A_554, %swap3A_555] {strides = array<i32>} : memref<25x8x128xf32, #tpu.memory_space<vmem>>, vector<1x1x16xf32>,
            %swap3A_557 = vector.shape_cast %swap3A_556 : vector<1x1x16xf32> to vector<16xf32>
            %swap3A_558 = vector.shape_cast %mul3A_551 : vector<16xf32> to vector<1x1x16xf32>
            tpu.vector_store %arg7[%swap3A_553, %swap3A_554, %swap3A_555], %swap3A_558 {strides = array<i32>} : memref<25x8x128xf32, #tpu.memory_space<vmem>>, vector<1x1x16xf32>,
            %get3A_559 = arith.constant 6 : i32
            %get3A_560 = arith.index_cast %scan3A_176 : i32 to index
            %get3A_561 = arith.index_cast %get3A_559 : i32 to index
            %get3A_562 = arith.constant 0 : index
            %get3A_563 = tpu.vector_load %arg5[%get3A_560, %get3A_561, %get3A_562] {strides = array<i32>} : memref<25x8x64xf32, #tpu.memory_space<vmem>>, vector<1x1x16xf32>,
            %get3A_564 = vector.shape_cast %get3A_563 : vector<1x1x16xf32> to vector<16xf32>
            %mul3A_565 = arith.constant 8.000000e+00 : f32
            %mul3A_566 = vector.broadcast %mul3A_565 : f32 to vector<16xf32>
            %mul3A_567 = arith.mulf %get3A_564, %mul3A_566 : vector<16xf32>
            %swap3A_568 = arith.constant 6 : i32
            %swap3A_569 = arith.index_cast %scan3A_176 : i32 to index
            %swap3A_570 = arith.index_cast %swap3A_568 : i32 to index
            %swap3A_571 = arith.constant 0 : index
            %swap3A_572 = tpu.vector_load %arg7[%swap3A_569, %swap3A_570, %swap3A_571] {strides = array<i32>} : memref<25x8x128xf32, #tpu.memory_space<vmem>>, vector<1x1x16xf32>,
            %swap3A_573 = vector.shape_cast %swap3A_572 : vector<1x1x16xf32> to vector<16xf32>
            %swap3A_574 = vector.shape_cast %mul3A_567 : vector<16xf32> to vector<1x1x16xf32>
            tpu.vector_store %arg7[%swap3A_569, %swap3A_570, %swap3A_571], %swap3A_574 {strides = array<i32>} : memref<25x8x128xf32, #tpu.memory_space<vmem>>, vector<1x1x16xf32>,
            %get3A_575 = arith.constant 6 : i32
            %get3A_576 = arith.index_cast %scan3A_176 : i32 to index
            %get3A_577 = arith.index_cast %get3A_575 : i32 to index
            %get3A_578 = arith.constant 16 : index
            %get3A_579 = tpu.vector_load %arg5[%get3A_576, %get3A_577, %get3A_578] {strides = array<i32>} : memref<25x8x64xf32, #tpu.memory_space<vmem>>, vector<1x1x16xf32>,
            %get3A_580 = vector.shape_cast %get3A_579 : vector<1x1x16xf32> to vector<16xf32>
            %mul3A_581 = arith.constant 8.000000e+00 : f32
            %mul3A_582 = vector.broadcast %mul3A_581 : f32 to vector<16xf32>
            %mul3A_583 = arith.mulf %get3A_580, %mul3A_582 : vector<16xf32>
            %swap3A_584 = arith.constant 6 : i32
            %swap3A_585 = arith.index_cast %scan3A_176 : i32 to index
            %swap3A_586 = arith.index_cast %swap3A_584 : i32 to index
            %swap3A_587 = arith.constant 16 : index
            %swap3A_588 = tpu.vector_load %arg7[%swap3A_585, %swap3A_586, %swap3A_587] {strides = array<i32>} : memref<25x8x128xf32, #tpu.memory_space<vmem>>, vector<1x1x16xf32>,
            %swap3A_589 = vector.shape_cast %swap3A_588 : vector<1x1x16xf32> to vector<16xf32>
            %swap3A_590 = vector.shape_cast %mul3A_583 : vector<16xf32> to vector<1x1x16xf32>
            tpu.vector_store %arg7[%swap3A_585, %swap3A_586, %swap3A_587], %swap3A_590 {strides = array<i32>} : memref<25x8x128xf32, #tpu.memory_space<vmem>>, vector<1x1x16xf32>,
            %get3A_591 = arith.constant 6 : i32
            %get3A_592 = arith.index_cast %scan3A_176 : i32 to index
            %get3A_593 = arith.index_cast %get3A_591 : i32 to index
            %get3A_594 = arith.constant 32 : index
            %get3A_595 = tpu.vector_load %arg5[%get3A_592, %get3A_593, %get3A_594] {strides = array<i32>} : memref<25x8x64xf32, #tpu.memory_space<vmem>>, vector<1x1x16xf32>,
            %get3A_596 = vector.shape_cast %get3A_595 : vector<1x1x16xf32> to vector<16xf32>
            %mul3A_597 = arith.constant 8.000000e+00 : f32
            %mul3A_598 = vector.broadcast %mul3A_597 : f32 to vector<16xf32>
            %mul3A_599 = arith.mulf %get3A_596, %mul3A_598 : vector<16xf32>
            %swap3A_600 = arith.constant 6 : i32
            %swap3A_601 = arith.index_cast %scan3A_176 : i32 to index
            %swap3A_602 = arith.index_cast %swap3A_600 : i32 to index
            %swap3A_603 = arith.constant 32 : index
            %swap3A_604 = tpu.vector_load %arg7[%swap3A_601, %swap3A_602, %swap3A_603] {strides = array<i32>} : memref<25x8x128xf32, #tpu.memory_space<vmem>>, vector<1x1x16xf32>,
            %swap3A_605 = vector.shape_cast %swap3A_604 : vector<1x1x16xf32> to vector<16xf32>
            %swap3A_606 = vector.shape_cast %mul3A_599 : vector<16xf32> to vector<1x1x16xf32>
            tpu.vector_store %arg7[%swap3A_601, %swap3A_602, %swap3A_603], %swap3A_606 {strides = array<i32>} : memref<25x8x128xf32, #tpu.memory_space<vmem>>, vector<1x1x16xf32>,
            %get3A_607 = arith.constant 6 : i32
            %get3A_608 = arith.index_cast %scan3A_176 : i32 to index
            %get3A_609 = arith.index_cast %get3A_607 : i32 to index
            %get3A_610 = arith.constant 48 : index
            %get3A_611 = tpu.vector_load %arg5[%get3A_608, %get3A_609, %get3A_610] {strides = array<i32>} : memref<25x8x64xf32, #tpu.memory_space<vmem>>, vector<1x1x16xf32>,
            %get3A_612 = vector.shape_cast %get3A_611 : vector<1x1x16xf32> to vector<16xf32>
            %mul3A_613 = arith.constant 8.000000e+00 : f32
            %mul3A_614 = vector.broadcast %mul3A_613 : f32 to vector<16xf32>
            %mul3A_615 = arith.mulf %get3A_612, %mul3A_614 : vector<16xf32>
            %swap3A_616 = arith.constant 6 : i32
            %swap3A_617 = arith.index_cast %scan3A_176 : i32 to index
            %swap3A_618 = arith.index_cast %swap3A_616 : i32 to index
            %swap3A_619 = arith.constant 48 : index
            %swap3A_620 = tpu.vector_load %arg7[%swap3A_617, %swap3A_618, %swap3A_619] {strides = array<i32>} : memref<25x8x128xf32, #tpu.memory_space<vmem>>, vector<1x1x16xf32>,
            %swap3A_621 = vector.shape_cast %swap3A_620 : vector<1x1x16xf32> to vector<16xf32>
            %swap3A_622 = vector.shape_cast %mul3A_615 : vector<16xf32> to vector<1x1x16xf32>
            tpu.vector_store %arg7[%swap3A_617, %swap3A_618, %swap3A_619], %swap3A_622 {strides = array<i32>} : memref<25x8x128xf32, #tpu.memory_space<vmem>>, vector<1x1x16xf32>,
            %get3A_623 = arith.constant 7 : i32
            %get3A_624 = arith.index_cast %scan3A_176 : i32 to index
            %get3A_625 = arith.index_cast %get3A_623 : i32 to index
            %get3A_626 = arith.constant 0 : index
            %get3A_627 = tpu.vector_load %arg5[%get3A_624, %get3A_625, %get3A_626] {strides = array<i32>} : memref<25x8x64xf32, #tpu.memory_space<vmem>>, vector<1x1x16xf32>,
            %get3A_628 = vector.shape_cast %get3A_627 : vector<1x1x16xf32> to vector<16xf32>
            %mul3A_629 = arith.constant 8.000000e+00 : f32
            %mul3A_630 = vector.broadcast %mul3A_629 : f32 to vector<16xf32>
            %mul3A_631 = arith.mulf %get3A_628, %mul3A_630 : vector<16xf32>
            %swap3A_632 = arith.constant 7 : i32
            %swap3A_633 = arith.index_cast %scan3A_176 : i32 to index
            %swap3A_634 = arith.index_cast %swap3A_632 : i32 to index
            %swap3A_635 = arith.constant 0 : index
            %swap3A_636 = tpu.vector_load %arg7[%swap3A_633, %swap3A_634, %swap3A_635] {strides = array<i32>} : memref<25x8x128xf32, #tpu.memory_space<vmem>>, vector<1x1x16xf32>,
            %swap3A_637 = vector.shape_cast %swap3A_636 : vector<1x1x16xf32> to vector<16xf32>
            %swap3A_638 = vector.shape_cast %mul3A_631 : vector<16xf32> to vector<1x1x16xf32>
            tpu.vector_store %arg7[%swap3A_633, %swap3A_634, %swap3A_635], %swap3A_638 {strides = array<i32>} : memref<25x8x128xf32, #tpu.memory_space<vmem>>, vector<1x1x16xf32>,
            %get3A_639 = arith.constant 7 : i32
            %get3A_640 = arith.index_cast %scan3A_176 : i32 to index
            %get3A_641 = arith.index_cast %get3A_639 : i32 to index
            %get3A_642 = arith.constant 16 : index
            %get3A_643 = tpu.vector_load %arg5[%get3A_640, %get3A_641, %get3A_642] {strides = array<i32>} : memref<25x8x64xf32, #tpu.memory_space<vmem>>, vector<1x1x16xf32>,
            %get3A_644 = vector.shape_cast %get3A_643 : vector<1x1x16xf32> to vector<16xf32>
            %mul3A_645 = arith.constant 8.000000e+00 : f32
            %mul3A_646 = vector.broadcast %mul3A_645 : f32 to vector<16xf32>
            %mul3A_647 = arith.mulf %get3A_644, %mul3A_646 : vector<16xf32>
            %swap3A_648 = arith.constant 7 : i32
            %swap3A_649 = arith.index_cast %scan3A_176 : i32 to index
            %swap3A_650 = arith.index_cast %swap3A_648 : i32 to index
            %swap3A_651 = arith.constant 16 : index
            %swap3A_652 = tpu.vector_load %arg7[%swap3A_649, %swap3A_650, %swap3A_651] {strides = array<i32>} : memref<25x8x128xf32, #tpu.memory_space<vmem>>, vector<1x1x16xf32>,
            %swap3A_653 = vector.shape_cast %swap3A_652 : vector<1x1x16xf32> to vector<16xf32>
            %swap3A_654 = vector.shape_cast %mul3A_647 : vector<16xf32> to vector<1x1x16xf32>
            tpu.vector_store %arg7[%swap3A_649, %swap3A_650, %swap3A_651], %swap3A_654 {strides = array<i32>} : memref<25x8x128xf32, #tpu.memory_space<vmem>>, vector<1x1x16xf32>,
            %get3A_655 = arith.constant 7 : i32
            %get3A_656 = arith.index_cast %scan3A_176 : i32 to index
            %get3A_657 = arith.index_cast %get3A_655 : i32 to index
            %get3A_658 = arith.constant 32 : index
            %get3A_659 = tpu.vector_load %arg5[%get3A_656, %get3A_657, %get3A_658] {strides = array<i32>} : memref<25x8x64xf32, #tpu.memory_space<vmem>>, vector<1x1x16xf32>,
            %get3A_660 = vector.shape_cast %get3A_659 : vector<1x1x16xf32> to vector<16xf32>
            %mul3A_661 = arith.constant 8.000000e+00 : f32
            %mul3A_662 = vector.broadcast %mul3A_661 : f32 to vector<16xf32>
            %mul3A_663 = arith.mulf %get3A_660, %mul3A_662 : vector<16xf32>
            %swap3A_664 = arith.constant 7 : i32
            %swap3A_665 = arith.index_cast %scan3A_176 : i32 to index
            %swap3A_666 = arith.index_cast %swap3A_664 : i32 to index
            %swap3A_667 = arith.constant 32 : index
            %swap3A_668 = tpu.vector_load %arg7[%swap3A_665, %swap3A_666, %swap3A_667] {strides = array<i32>} : memref<25x8x128xf32, #tpu.memory_space<vmem>>, vector<1x1x16xf32>,
            %swap3A_669 = vector.shape_cast %swap3A_668 : vector<1x1x16xf32> to vector<16xf32>
            %swap3A_670 = vector.shape_cast %mul3A_663 : vector<16xf32> to vector<1x1x16xf32>
            tpu.vector_store %arg7[%swap3A_665, %swap3A_666, %swap3A_667], %swap3A_670 {strides = array<i32>} : memref<25x8x128xf32, #tpu.memory_space<vmem>>, vector<1x1x16xf32>,
            %get3A_671 = arith.constant 7 : i32
            %get3A_672 = arith.index_cast %scan3A_176 : i32 to index
            %get3A_673 = arith.index_cast %get3A_671 : i32 to index
            %get3A_674 = arith.constant 48 : index
            %get3A_675 = tpu.vector_load %arg5[%get3A_672, %get3A_673, %get3A_674] {strides = array<i32>} : memref<25x8x64xf32, #tpu.memory_space<vmem>>, vector<1x1x16xf32>,
            %get3A_676 = vector.shape_cast %get3A_675 : vector<1x1x16xf32> to vector<16xf32>
            %mul3A_677 = arith.constant 8.000000e+00 : f32
            %mul3A_678 = vector.broadcast %mul3A_677 : f32 to vector<16xf32>
            %mul3A_679 = arith.mulf %get3A_676, %mul3A_678 : vector<16xf32>
            %swap3A_680 = arith.constant 7 : i32
            %swap3A_681 = arith.index_cast %scan3A_176 : i32 to index
            %swap3A_682 = arith.index_cast %swap3A_680 : i32 to index
            %swap3A_683 = arith.constant 48 : index
            %swap3A_684 = tpu.vector_load %arg7[%swap3A_681, %swap3A_682, %swap3A_683] {strides = array<i32>} : memref<25x8x128xf32, #tpu.memory_space<vmem>>, vector<1x1x16xf32>,
            %swap3A_685 = vector.shape_cast %swap3A_684 : vector<1x1x16xf32> to vector<16xf32>
            %swap3A_686 = vector.shape_cast %mul3A_679 : vector<16xf32> to vector<1x1x16xf32>
            tpu.vector_store %arg7[%swap3A_681, %swap3A_682, %swap3A_683], %swap3A_686 {strides = array<i32>} : memref<25x8x128xf32, #tpu.memory_space<vmem>>, vector<1x1x16xf32>,
          }
          %scan3A_164 = arith.constant 25 : i32
          %mul3A_165 = arith.constant 32 : i32
          %mul3A_166 = arith.muli %add3A_135, %mul3A_165 : i32
          %add3A_167 = arith.addi %add3A, %mul3A_166 : i32
          %mul3A_168 = arith.constant 25 : i32
          %mul3A_169 = arith.muli %add3A_167, %mul3A_168 : i32
          %dma_start3A_170 = arith.constant 0 : i32
          %dma_start3A_171 = arith.constant 0 : i32
          %dma_start3A_172 = tpu.memref_slice %arg3[%mul3A_169, %dma_start3A_170, %dma_start3A_171] : memref<125000x8x128xf32, #tpu.memory_space<hbm>> -> memref<25x8x128xf32, #tpu.memory_space<hbm>>
          %dma_start3A_173 = arith.constant 0 : i32
          %dma_start3A_174 = arith.constant 0 : i32
          %dma_start3A_175 = tpu.memref_slice %arg3[%mul3A_169, %dma_start3A_173, %dma_start3A_174] : memref<125000x8x128xf32, #tpu.memory_space<hbm>> -> memref<25x8x128xf32, #tpu.memory_space<hbm>>
          tpu.enqueue_dma source(%arg7 : memref<25x8x128xf32, #tpu.memory_space<vmem>>) target(%dma_start3A_175 : memref<25x8x128xf32, #tpu.memory_space<hbm>>) target_semaphore(%arg11 : memref<!tpu.dma_semaphore, #tpu.memory_space<semaphore_mem>>)
        } else {
        }
      }
      %sub3A_69 = arith.constant 1 : i32
      %sub3A_70 = arith.subi %select_n3A, %sub3A_69 : i32
      %sub3A_71 = arith.constant 1 : i32
      %sub3A_72 = arith.subi %select_n3A, %sub3A_71 : i32
      %sub3A_73 = arith.constant 0 : i32
      %sub3A_74 = arith.subi %sub3A_72, %sub3A_73 : i32
      %jit3A_75 = arith.constant 2 : i32
      %eq3A = arith.constant 0 : i32
      %eq3A_76 = arith.cmpi eq, %jit3A_75, %eq3A : i32
      %jit3A_77 = arith.constant 1 : i32
      %select_n3A_78 = arith.select %eq3A_76, %jit3A_77, %jit3A_75 : i32
      %rem3A_79 = arith.remsi %sub3A_74, %select_n3A_78 : i32
      %ne3A_80 = arith.constant 0 : i32
      %ne3A_81 = arith.cmpi ne, %rem3A_79, %ne3A_80 : i32
      %lt3A = arith.constant 0 : i32
      %lt3A_82 = arith.cmpi slt, %rem3A_79, %lt3A : i32
      %lt3A_83 = arith.constant 0 : i32
      %lt3A_84 = arith.cmpi slt, %select_n3A_78, %lt3A_83 : i32
      %ne3A_85 = arith.xori %lt3A_82, %lt3A_84 : i1
      %and3A_86 = arith.andi %ne3A_85, %ne3A_81 : i1
      %add3A_87 = arith.addi %rem3A_79, %select_n3A_78 : i32
      %select_n3A_88 = arith.select %and3A_86, %add3A_87, %rem3A_79 : i32
      %sub3A_89 = arith.subi %sub3A_70, %select_n3A_88 : i32
      %gt3A_90 = arith.constant 0 : i32
      %gt3A_91 = arith.cmpi sgt, %select_n3A, %gt3A_90 : i32
      %convert_element_type3A_92 = arith.extui %gt3A_91 : i1 to i32
      %cond3A_93 = arith.constant 0 : i32
      %cond3A_94 = arith.cmpi ne, %convert_element_type3A_92, %cond3A_93 : i32
      scf.if %cond3A_94 {
        %mul3A_123 = arith.constant 32 : i32
        %mul3A_124 = arith.muli %sub3A_89, %mul3A_123 : i32
        %add3A_125 = arith.addi %add3A, %mul3A_124 : i32
        %mul3A_126 = arith.constant 25 : i32
        %mul3A_127 = arith.muli %add3A_125, %mul3A_126 : i32
        %dma_wait3A = arith.constant 0 : i32
        %dma_wait3A_128 = arith.constant 0 : i32
        %dma_wait3A_129 = tpu.memref_slice %arg3[%mul3A_127, %dma_wait3A, %dma_wait3A_128] : memref<125000x8x128xf32, #tpu.memory_space<hbm>> -> memref<25x8x128xf32, #tpu.memory_space<hbm>>
        %dma_wait3A_130 = arith.constant 0 : i32
        %dma_wait3A_131 = arith.constant 0 : i32
        %dma_wait3A_132 = tpu.memref_slice %arg3[%mul3A_127, %dma_wait3A_130, %dma_wait3A_131] : memref<125000x8x128xf32, #tpu.memory_space<hbm>> -> memref<25x8x128xf32, #tpu.memory_space<hbm>>
        tpu.wait_dma2 semaphore(%arg10 : memref<!tpu.dma_semaphore, #tpu.memory_space<semaphore_mem>>) src(%arg6 : memref<25x8x128xf32, #tpu.memory_space<vmem>>) dst(%dma_wait3A_132 : memref<25x8x128xf32, #tpu.memory_space<hbm>>)
      } else {
      }
      %sub3A_95 = arith.constant 1 : i32
      %sub3A_96 = arith.subi %select_n3A, %sub3A_95 : i32
      %sub3A_97 = arith.constant 1 : i32
      %sub3A_98 = arith.subi %select_n3A, %sub3A_97 : i32
      %sub3A_99 = arith.constant 1 : i32
      %sub3A_100 = arith.subi %sub3A_98, %sub3A_99 : i32
      %jit3A_101 = arith.constant 2 : i32
      %eq3A_102 = arith.constant 0 : i32
      %eq3A_103 = arith.cmpi eq, %jit3A_101, %eq3A_102 : i32
      %jit3A_104 = arith.constant 1 : i32
      %select_n3A_105 = arith.select %eq3A_103, %jit3A_104, %jit3A_101 : i32
      %rem3A_106 = arith.remsi %sub3A_100, %select_n3A_105 : i32
      %ne3A_107 = arith.constant 0 : i32
      %ne3A_108 = arith.cmpi ne, %rem3A_106, %ne3A_107 : i32
      %lt3A_109 = arith.constant 0 : i32
      %lt3A_110 = arith.cmpi slt, %rem3A_106, %lt3A_109 : i32
      %lt3A_111 = arith.constant 0 : i32
      %lt3A_112 = arith.cmpi slt, %select_n3A_105, %lt3A_111 : i32
      %ne3A_113 = arith.xori %lt3A_110, %lt3A_112 : i1
      %and3A_114 = arith.andi %ne3A_113, %ne3A_108 : i1
      %add3A_115 = arith.addi %rem3A_106, %select_n3A_105 : i32
      %select_n3A_116 = arith.select %and3A_114, %add3A_115, %rem3A_106 : i32
      %sub3A_117 = arith.subi %sub3A_96, %select_n3A_116 : i32
      %gt3A_118 = arith.constant 1 : i32
      %gt3A_119 = arith.cmpi sgt, %select_n3A, %gt3A_118 : i32
      %convert_element_type3A_120 = arith.extui %gt3A_119 : i1 to i32
      %cond3A_121 = arith.constant 0 : i32
      %cond3A_122 = arith.cmpi ne, %convert_element_type3A_120, %cond3A_121 : i32
      scf.if %cond3A_122 {
        %mul3A_123 = arith.constant 32 : i32
        %mul3A_124 = arith.muli %sub3A_117, %mul3A_123 : i32
        %add3A_125 = arith.addi %add3A, %mul3A_124 : i32
        %mul3A_126 = arith.constant 25 : i32
        %mul3A_127 = arith.muli %add3A_125, %mul3A_126 : i32
        %dma_wait3A = arith.constant 0 : i32
        %dma_wait3A_128 = arith.constant 0 : i32
        %dma_wait3A_129 = tpu.memref_slice %arg3[%mul3A_127, %dma_wait3A, %dma_wait3A_128] : memref<125000x8x128xf32, #tpu.memory_space<hbm>> -> memref<25x8x128xf32, #tpu.memory_space<hbm>>
        %dma_wait3A_130 = arith.constant 0 : i32
        %dma_wait3A_131 = arith.constant 0 : i32
        %dma_wait3A_132 = tpu.memref_slice %arg3[%mul3A_127, %dma_wait3A_130, %dma_wait3A_131] : memref<125000x8x128xf32, #tpu.memory_space<hbm>> -> memref<25x8x128xf32, #tpu.memory_space<hbm>>
        tpu.wait_dma2 semaphore(%arg11 : memref<!tpu.dma_semaphore, #tpu.memory_space<semaphore_mem>>) src(%arg7 : memref<25x8x128xf32, #tpu.memory_space<vmem>>) dst(%dma_wait3A_132 : memref<25x8x128xf32, #tpu.memory_space<hbm>>)
      } else {
      }
    } else {
    }
    return
  }
}

#map = affine_map<(d0, d1) -> (0)>
#map1 = affine_map<(d0, d1) -> (0, 0)>
#map2 = affine_map<(d0, d1) -> (0, 0, 0)>
module attributes {stable_mosaic.version = 14 : i64} {
  func.func @k(%arg0: i32, %arg1: i32, %arg2: memref<819200xi32, #tpu.memory_space<hbm>>, %arg3: memref<1000000x128xf32, #tpu.memory_space<hbm>>, %arg4: memref<16384x50x64xf32, #tpu.memory_space<hbm>>, %arg5: memref<25600xi32, #tpu.memory_space<vmem>>, %arg6: memref<200x128xf32, #tpu.memory_space<vmem>>, %arg7: memref<200x128xf32, #tpu.memory_space<vmem>>, %arg8: memref<4x50x64xf32, #tpu.memory_space<vmem>>, %arg9: memref<!tpu.dma_semaphore, #tpu.memory_space<semaphore_mem>>, %arg10: memref<!tpu.dma_semaphore, #tpu.memory_space<semaphore_mem>>, %arg11: memref<!tpu.dma_semaphore, #tpu.memory_space<semaphore_mem>>) attributes {dimension_semantics = [#tpu.dimension_semantics<core_parallel>, #tpu.dimension_semantics<subcore_parallel>], iteration_bounds = array<i64: 2, 16>, scalar_prefetch = 0 : i64, scratch_operands = 7 : i64, tpu.core_type = #tpu.core_type<sc_vector_subcore>, window_params = [{transform_indices = #map}, {transform_indices = #map1}, {transform_indices = #map2}]} {
    %mul3A = arith.constant 2 : i32
    %mul3A_0 = arith.muli %arg1, %mul3A : i32
    %add3A = arith.addi %mul3A_0, %arg0 : i32
    %mul3A_1 = arith.constant 512 : i32
    %mul3A_2 = arith.muli %add3A, %mul3A_1 : i32
    %mul3A_3 = arith.constant 50 : i32
    %mul3A_4 = arith.muli %mul3A_2, %mul3A_3 : i32
    "tpu.region"() ({
      %run_scoped3A = tpu.sem_alloc : memref<!tpu.dma_semaphore, #tpu.memory_space<semaphore_mem>>
      %dma_start3A_136 = tpu.memref_slice %arg2[%mul3A_4] : memref<819200xi32, #tpu.memory_space<hbm>> -> memref<25600xi32, #tpu.memory_space<hbm>>
      %dma_start3A_137 = tpu.memref_slice %arg2[%mul3A_4] : memref<819200xi32, #tpu.memory_space<hbm>> -> memref<25600xi32, #tpu.memory_space<hbm>>
      tpu.enqueue_dma source(%dma_start3A_137 : memref<25600xi32, #tpu.memory_space<hbm>>) target(%arg5 : memref<25600xi32, #tpu.memory_space<vmem>>) target_semaphore(%run_scoped3A : memref<!tpu.dma_semaphore, #tpu.memory_space<semaphore_mem>>)
      %dma_wait3A_138 = tpu.memref_slice %arg2[%mul3A_4] : memref<819200xi32, #tpu.memory_space<hbm>> -> memref<25600xi32, #tpu.memory_space<hbm>>
      %dma_wait3A_139 = tpu.memref_slice %arg2[%mul3A_4] : memref<819200xi32, #tpu.memory_space<hbm>> -> memref<25600xi32, #tpu.memory_space<hbm>>
      tpu.wait_dma2 semaphore(%run_scoped3A : memref<!tpu.dma_semaphore, #tpu.memory_space<semaphore_mem>>) src(%dma_wait3A_139 : memref<25600xi32, #tpu.memory_space<hbm>>) dst(%arg5 : memref<25600xi32, #tpu.memory_space<vmem>>)
      tpu.yield
    }) : () -> ()
    %dma_start3A = arith.constant 0 : i32
    %dma_start3A_5 = tpu.memref_slice %arg5[%dma_start3A] : memref<25600xi32, #tpu.memory_space<vmem>> -> memref<200xi32, #tpu.memory_space<vmem>>
    %dma_start3A_6 = arith.constant 0 : i32
    %dma_start3A_7 = arith.constant 0 : i32
    %dma_start3A_8 = tpu.memref_slice %arg3[%dma_start3A_6, %dma_start3A_7] : memref<1000000x128xf32, #tpu.memory_space<hbm>> -> memref<1000000x128xf32, #tpu.memory_space<hbm>>
    tpu.enqueue_indirect_dma source(%dma_start3A_8 : memref<1000000x128xf32, #tpu.memory_space<hbm>>) target(%arg6 : memref<200x128xf32, #tpu.memory_space<vmem>>) offsets(%dma_start3A_5 : memref<200xi32, #tpu.memory_space<vmem>>) semaphore(%arg9 : memref<!tpu.dma_semaphore, #tpu.memory_space<semaphore_mem>>)
    %dma_start3A_9 = arith.constant 200 : i32
    %dma_start3A_10 = tpu.memref_slice %arg5[%dma_start3A_9] : memref<25600xi32, #tpu.memory_space<vmem>> -> memref<200xi32, #tpu.memory_space<vmem>>
    %dma_start3A_11 = arith.constant 0 : i32
    %dma_start3A_12 = arith.constant 0 : i32
    %dma_start3A_13 = tpu.memref_slice %arg3[%dma_start3A_11, %dma_start3A_12] : memref<1000000x128xf32, #tpu.memory_space<hbm>> -> memref<1000000x128xf32, #tpu.memory_space<hbm>>
    tpu.enqueue_indirect_dma source(%dma_start3A_13 : memref<1000000x128xf32, #tpu.memory_space<hbm>>) target(%arg7 : memref<200x128xf32, #tpu.memory_space<vmem>>) offsets(%dma_start3A_10 : memref<200xi32, #tpu.memory_space<vmem>>) semaphore(%arg10 : memref<!tpu.dma_semaphore, #tpu.memory_space<semaphore_mem>>)
    %dma_wait3A = arith.constant 0 : i32
    %dma_wait3A_14 = tpu.memref_slice %arg5[%dma_wait3A] : memref<25600xi32, #tpu.memory_space<vmem>> -> memref<200xi32, #tpu.memory_space<vmem>>
    %dma_wait3A_15 = arith.constant 0 : i32
    %dma_wait3A_16 = arith.constant 0 : i32
    %dma_wait3A_17 = tpu.memref_slice %arg3[%dma_wait3A_15, %dma_wait3A_16] : memref<1000000x128xf32, #tpu.memory_space<hbm>> -> memref<1000000x128xf32, #tpu.memory_space<hbm>>
    tpu.wait_indirect_dma semaphore(%arg9 : memref<!tpu.dma_semaphore, #tpu.memory_space<semaphore_mem>>) src(%dma_wait3A_17 : memref<1000000x128xf32, #tpu.memory_space<hbm>>) dst(%arg6 : memref<200x128xf32, #tpu.memory_space<vmem>>)
    %scan3A = arith.constant 0 : i32
    %scan3A_18 = arith.constant 0 : i32
    %scan3A_19 = arith.constant 50 : i32
    %scan3A_20 = arith.addi %scan3A_18, %scan3A_19 : i32
    %scan3A_21 = arith.constant 1 : i32
    scf.for %scan3A_136 = %scan3A_18 to %scan3A_20 step %scan3A_21  : i32 {
      %add3A_137 = arith.constant 0 : i32
      %add3A_138 = arith.addi %add3A_137, %scan3A_136 : i32
      %get3A = arith.index_cast %add3A_138 : i32 to index
      %get3A_139 = arith.constant 0 : index
      %get3A_140 = tpu.vector_load %arg6[%get3A, %get3A_139] {strides = array<i32>} : memref<200x128xf32, #tpu.memory_space<vmem>>, vector<1x16xf32>,
      %get3A_141 = vector.shape_cast %get3A_140 : vector<1x16xf32> to vector<16xf32>
      %swap3A = arith.constant 0 : i32
      %swap3A_142 = arith.index_cast %swap3A : i32 to index
      %swap3A_143 = arith.index_cast %scan3A_136 : i32 to index
      %swap3A_144 = arith.constant 0 : index
      %swap3A_145 = tpu.vector_load %arg8[%swap3A_142, %swap3A_143, %swap3A_144] {strides = array<i32>} : memref<4x50x64xf32, #tpu.memory_space<vmem>>, vector<1x1x16xf32>,
      %swap3A_146 = vector.shape_cast %swap3A_145 : vector<1x1x16xf32> to vector<16xf32>
      %swap3A_147 = vector.shape_cast %get3A_141 : vector<16xf32> to vector<1x1x16xf32>
      tpu.vector_store %arg8[%swap3A_142, %swap3A_143, %swap3A_144], %swap3A_147 {strides = array<i32>} : memref<4x50x64xf32, #tpu.memory_space<vmem>>, vector<1x1x16xf32>,
      %add3A_148 = arith.constant 0 : i32
      %add3A_149 = arith.addi %add3A_148, %scan3A_136 : i32
      %get3A_150 = arith.index_cast %add3A_149 : i32 to index
      %get3A_151 = arith.constant 16 : index
      %get3A_152 = tpu.vector_load %arg6[%get3A_150, %get3A_151] {strides = array<i32>} : memref<200x128xf32, #tpu.memory_space<vmem>>, vector<1x16xf32>,
      %get3A_153 = vector.shape_cast %get3A_152 : vector<1x16xf32> to vector<16xf32>
      %swap3A_154 = arith.constant 0 : i32
      %swap3A_155 = arith.index_cast %swap3A_154 : i32 to index
      %swap3A_156 = arith.index_cast %scan3A_136 : i32 to index
      %swap3A_157 = arith.constant 16 : index
      %swap3A_158 = tpu.vector_load %arg8[%swap3A_155, %swap3A_156, %swap3A_157] {strides = array<i32>} : memref<4x50x64xf32, #tpu.memory_space<vmem>>, vector<1x1x16xf32>,
      %swap3A_159 = vector.shape_cast %swap3A_158 : vector<1x1x16xf32> to vector<16xf32>
      %swap3A_160 = vector.shape_cast %get3A_153 : vector<16xf32> to vector<1x1x16xf32>
      tpu.vector_store %arg8[%swap3A_155, %swap3A_156, %swap3A_157], %swap3A_160 {strides = array<i32>} : memref<4x50x64xf32, #tpu.memory_space<vmem>>, vector<1x1x16xf32>,
      %add3A_161 = arith.constant 0 : i32
      %add3A_162 = arith.addi %add3A_161, %scan3A_136 : i32
      %get3A_163 = arith.index_cast %add3A_162 : i32 to index
      %get3A_164 = arith.constant 32 : index
      %get3A_165 = tpu.vector_load %arg6[%get3A_163, %get3A_164] {strides = array<i32>} : memref<200x128xf32, #tpu.memory_space<vmem>>, vector<1x16xf32>,
      %get3A_166 = vector.shape_cast %get3A_165 : vector<1x16xf32> to vector<16xf32>
      %swap3A_167 = arith.constant 0 : i32
      %swap3A_168 = arith.index_cast %swap3A_167 : i32 to index
      %swap3A_169 = arith.index_cast %scan3A_136 : i32 to index
      %swap3A_170 = arith.constant 32 : index
      %swap3A_171 = tpu.vector_load %arg8[%swap3A_168, %swap3A_169, %swap3A_170] {strides = array<i32>} : memref<4x50x64xf32, #tpu.memory_space<vmem>>, vector<1x1x16xf32>,
      %swap3A_172 = vector.shape_cast %swap3A_171 : vector<1x1x16xf32> to vector<16xf32>
      %swap3A_173 = vector.shape_cast %get3A_166 : vector<16xf32> to vector<1x1x16xf32>
      tpu.vector_store %arg8[%swap3A_168, %swap3A_169, %swap3A_170], %swap3A_173 {strides = array<i32>} : memref<4x50x64xf32, #tpu.memory_space<vmem>>, vector<1x1x16xf32>,
      %add3A_174 = arith.constant 0 : i32
      %add3A_175 = arith.addi %add3A_174, %scan3A_136 : i32
      %get3A_176 = arith.index_cast %add3A_175 : i32 to index
      %get3A_177 = arith.constant 48 : index
      %get3A_178 = tpu.vector_load %arg6[%get3A_176, %get3A_177] {strides = array<i32>} : memref<200x128xf32, #tpu.memory_space<vmem>>, vector<1x16xf32>,
      %get3A_179 = vector.shape_cast %get3A_178 : vector<1x16xf32> to vector<16xf32>
      %swap3A_180 = arith.constant 0 : i32
      %swap3A_181 = arith.index_cast %swap3A_180 : i32 to index
      %swap3A_182 = arith.index_cast %scan3A_136 : i32 to index
      %swap3A_183 = arith.constant 48 : index
      %swap3A_184 = tpu.vector_load %arg8[%swap3A_181, %swap3A_182, %swap3A_183] {strides = array<i32>} : memref<4x50x64xf32, #tpu.memory_space<vmem>>, vector<1x1x16xf32>,
      %swap3A_185 = vector.shape_cast %swap3A_184 : vector<1x1x16xf32> to vector<16xf32>
      %swap3A_186 = vector.shape_cast %get3A_179 : vector<16xf32> to vector<1x1x16xf32>
      tpu.vector_store %arg8[%swap3A_181, %swap3A_182, %swap3A_183], %swap3A_186 {strides = array<i32>} : memref<4x50x64xf32, #tpu.memory_space<vmem>>, vector<1x1x16xf32>,
      %add3A_187 = arith.constant 50 : i32
      %add3A_188 = arith.addi %add3A_187, %scan3A_136 : i32
      %get3A_189 = arith.index_cast %add3A_188 : i32 to index
      %get3A_190 = arith.constant 0 : index
      %get3A_191 = tpu.vector_load %arg6[%get3A_189, %get3A_190] {strides = array<i32>} : memref<200x128xf32, #tpu.memory_space<vmem>>, vector<1x16xf32>,
      %get3A_192 = vector.shape_cast %get3A_191 : vector<1x16xf32> to vector<16xf32>
      %swap3A_193 = arith.constant 1 : i32
      %swap3A_194 = arith.index_cast %swap3A_193 : i32 to index
      %swap3A_195 = arith.index_cast %scan3A_136 : i32 to index
      %swap3A_196 = arith.constant 0 : index
      %swap3A_197 = tpu.vector_load %arg8[%swap3A_194, %swap3A_195, %swap3A_196] {strides = array<i32>} : memref<4x50x64xf32, #tpu.memory_space<vmem>>, vector<1x1x16xf32>,
      %swap3A_198 = vector.shape_cast %swap3A_197 : vector<1x1x16xf32> to vector<16xf32>
      %swap3A_199 = vector.shape_cast %get3A_192 : vector<16xf32> to vector<1x1x16xf32>
      tpu.vector_store %arg8[%swap3A_194, %swap3A_195, %swap3A_196], %swap3A_199 {strides = array<i32>} : memref<4x50x64xf32, #tpu.memory_space<vmem>>, vector<1x1x16xf32>,
      %add3A_200 = arith.constant 50 : i32
      %add3A_201 = arith.addi %add3A_200, %scan3A_136 : i32
      %get3A_202 = arith.index_cast %add3A_201 : i32 to index
      %get3A_203 = arith.constant 16 : index
      %get3A_204 = tpu.vector_load %arg6[%get3A_202, %get3A_203] {strides = array<i32>} : memref<200x128xf32, #tpu.memory_space<vmem>>, vector<1x16xf32>,
      %get3A_205 = vector.shape_cast %get3A_204 : vector<1x16xf32> to vector<16xf32>
      %swap3A_206 = arith.constant 1 : i32
      %swap3A_207 = arith.index_cast %swap3A_206 : i32 to index
      %swap3A_208 = arith.index_cast %scan3A_136 : i32 to index
      %swap3A_209 = arith.constant 16 : index
      %swap3A_210 = tpu.vector_load %arg8[%swap3A_207, %swap3A_208, %swap3A_209] {strides = array<i32>} : memref<4x50x64xf32, #tpu.memory_space<vmem>>, vector<1x1x16xf32>,
      %swap3A_211 = vector.shape_cast %swap3A_210 : vector<1x1x16xf32> to vector<16xf32>
      %swap3A_212 = vector.shape_cast %get3A_205 : vector<16xf32> to vector<1x1x16xf32>
      tpu.vector_store %arg8[%swap3A_207, %swap3A_208, %swap3A_209], %swap3A_212 {strides = array<i32>} : memref<4x50x64xf32, #tpu.memory_space<vmem>>, vector<1x1x16xf32>,
      %add3A_213 = arith.constant 50 : i32
      %add3A_214 = arith.addi %add3A_213, %scan3A_136 : i32
      %get3A_215 = arith.index_cast %add3A_214 : i32 to index
      %get3A_216 = arith.constant 32 : index
      %get3A_217 = tpu.vector_load %arg6[%get3A_215, %get3A_216] {strides = array<i32>} : memref<200x128xf32, #tpu.memory_space<vmem>>, vector<1x16xf32>,
      %get3A_218 = vector.shape_cast %get3A_217 : vector<1x16xf32> to vector<16xf32>
      %swap3A_219 = arith.constant 1 : i32
      %swap3A_220 = arith.index_cast %swap3A_219 : i32 to index
      %swap3A_221 = arith.index_cast %scan3A_136 : i32 to index
      %swap3A_222 = arith.constant 32 : index
      %swap3A_223 = tpu.vector_load %arg8[%swap3A_220, %swap3A_221, %swap3A_222] {strides = array<i32>} : memref<4x50x64xf32, #tpu.memory_space<vmem>>, vector<1x1x16xf32>,
      %swap3A_224 = vector.shape_cast %swap3A_223 : vector<1x1x16xf32> to vector<16xf32>
      %swap3A_225 = vector.shape_cast %get3A_218 : vector<16xf32> to vector<1x1x16xf32>
      tpu.vector_store %arg8[%swap3A_220, %swap3A_221, %swap3A_222], %swap3A_225 {strides = array<i32>} : memref<4x50x64xf32, #tpu.memory_space<vmem>>, vector<1x1x16xf32>,
      %add3A_226 = arith.constant 50 : i32
      %add3A_227 = arith.addi %add3A_226, %scan3A_136 : i32
      %get3A_228 = arith.index_cast %add3A_227 : i32 to index
      %get3A_229 = arith.constant 48 : index
      %get3A_230 = tpu.vector_load %arg6[%get3A_228, %get3A_229] {strides = array<i32>} : memref<200x128xf32, #tpu.memory_space<vmem>>, vector<1x16xf32>,
      %get3A_231 = vector.shape_cast %get3A_230 : vector<1x16xf32> to vector<16xf32>
      %swap3A_232 = arith.constant 1 : i32
      %swap3A_233 = arith.index_cast %swap3A_232 : i32 to index
      %swap3A_234 = arith.index_cast %scan3A_136 : i32 to index
      %swap3A_235 = arith.constant 48 : index
      %swap3A_236 = tpu.vector_load %arg8[%swap3A_233, %swap3A_234, %swap3A_235] {strides = array<i32>} : memref<4x50x64xf32, #tpu.memory_space<vmem>>, vector<1x1x16xf32>,
      %swap3A_237 = vector.shape_cast %swap3A_236 : vector<1x1x16xf32> to vector<16xf32>
      %swap3A_238 = vector.shape_cast %get3A_231 : vector<16xf32> to vector<1x1x16xf32>
      tpu.vector_store %arg8[%swap3A_233, %swap3A_234, %swap3A_235], %swap3A_238 {strides = array<i32>} : memref<4x50x64xf32, #tpu.memory_space<vmem>>, vector<1x1x16xf32>,
      %add3A_239 = arith.constant 100 : i32
      %add3A_240 = arith.addi %add3A_239, %scan3A_136 : i32
      %get3A_241 = arith.index_cast %add3A_240 : i32 to index
      %get3A_242 = arith.constant 0 : index
      %get3A_243 = tpu.vector_load %arg6[%get3A_241, %get3A_242] {strides = array<i32>} : memref<200x128xf32, #tpu.memory_space<vmem>>, vector<1x16xf32>,
      %get3A_244 = vector.shape_cast %get3A_243 : vector<1x16xf32> to vector<16xf32>
      %swap3A_245 = arith.constant 2 : i32
      %swap3A_246 = arith.index_cast %swap3A_245 : i32 to index
      %swap3A_247 = arith.index_cast %scan3A_136 : i32 to index
      %swap3A_248 = arith.constant 0 : index
      %swap3A_249 = tpu.vector_load %arg8[%swap3A_246, %swap3A_247, %swap3A_248] {strides = array<i32>} : memref<4x50x64xf32, #tpu.memory_space<vmem>>, vector<1x1x16xf32>,
      %swap3A_250 = vector.shape_cast %swap3A_249 : vector<1x1x16xf32> to vector<16xf32>
      %swap3A_251 = vector.shape_cast %get3A_244 : vector<16xf32> to vector<1x1x16xf32>
      tpu.vector_store %arg8[%swap3A_246, %swap3A_247, %swap3A_248], %swap3A_251 {strides = array<i32>} : memref<4x50x64xf32, #tpu.memory_space<vmem>>, vector<1x1x16xf32>,
      %add3A_252 = arith.constant 100 : i32
      %add3A_253 = arith.addi %add3A_252, %scan3A_136 : i32
      %get3A_254 = arith.index_cast %add3A_253 : i32 to index
      %get3A_255 = arith.constant 16 : index
      %get3A_256 = tpu.vector_load %arg6[%get3A_254, %get3A_255] {strides = array<i32>} : memref<200x128xf32, #tpu.memory_space<vmem>>, vector<1x16xf32>,
      %get3A_257 = vector.shape_cast %get3A_256 : vector<1x16xf32> to vector<16xf32>
      %swap3A_258 = arith.constant 2 : i32
      %swap3A_259 = arith.index_cast %swap3A_258 : i32 to index
      %swap3A_260 = arith.index_cast %scan3A_136 : i32 to index
      %swap3A_261 = arith.constant 16 : index
      %swap3A_262 = tpu.vector_load %arg8[%swap3A_259, %swap3A_260, %swap3A_261] {strides = array<i32>} : memref<4x50x64xf32, #tpu.memory_space<vmem>>, vector<1x1x16xf32>,
      %swap3A_263 = vector.shape_cast %swap3A_262 : vector<1x1x16xf32> to vector<16xf32>
      %swap3A_264 = vector.shape_cast %get3A_257 : vector<16xf32> to vector<1x1x16xf32>
      tpu.vector_store %arg8[%swap3A_259, %swap3A_260, %swap3A_261], %swap3A_264 {strides = array<i32>} : memref<4x50x64xf32, #tpu.memory_space<vmem>>, vector<1x1x16xf32>,
      %add3A_265 = arith.constant 100 : i32
      %add3A_266 = arith.addi %add3A_265, %scan3A_136 : i32
      %get3A_267 = arith.index_cast %add3A_266 : i32 to index
      %get3A_268 = arith.constant 32 : index
      %get3A_269 = tpu.vector_load %arg6[%get3A_267, %get3A_268] {strides = array<i32>} : memref<200x128xf32, #tpu.memory_space<vmem>>, vector<1x16xf32>,
      %get3A_270 = vector.shape_cast %get3A_269 : vector<1x16xf32> to vector<16xf32>
      %swap3A_271 = arith.constant 2 : i32
      %swap3A_272 = arith.index_cast %swap3A_271 : i32 to index
      %swap3A_273 = arith.index_cast %scan3A_136 : i32 to index
      %swap3A_274 = arith.constant 32 : index
      %swap3A_275 = tpu.vector_load %arg8[%swap3A_272, %swap3A_273, %swap3A_274] {strides = array<i32>} : memref<4x50x64xf32, #tpu.memory_space<vmem>>, vector<1x1x16xf32>,
      %swap3A_276 = vector.shape_cast %swap3A_275 : vector<1x1x16xf32> to vector<16xf32>
      %swap3A_277 = vector.shape_cast %get3A_270 : vector<16xf32> to vector<1x1x16xf32>
      tpu.vector_store %arg8[%swap3A_272, %swap3A_273, %swap3A_274], %swap3A_277 {strides = array<i32>} : memref<4x50x64xf32, #tpu.memory_space<vmem>>, vector<1x1x16xf32>,
      %add3A_278 = arith.constant 100 : i32
      %add3A_279 = arith.addi %add3A_278, %scan3A_136 : i32
      %get3A_280 = arith.index_cast %add3A_279 : i32 to index
      %get3A_281 = arith.constant 48 : index
      %get3A_282 = tpu.vector_load %arg6[%get3A_280, %get3A_281] {strides = array<i32>} : memref<200x128xf32, #tpu.memory_space<vmem>>, vector<1x16xf32>,
      %get3A_283 = vector.shape_cast %get3A_282 : vector<1x16xf32> to vector<16xf32>
      %swap3A_284 = arith.constant 2 : i32
      %swap3A_285 = arith.index_cast %swap3A_284 : i32 to index
      %swap3A_286 = arith.index_cast %scan3A_136 : i32 to index
      %swap3A_287 = arith.constant 48 : index
      %swap3A_288 = tpu.vector_load %arg8[%swap3A_285, %swap3A_286, %swap3A_287] {strides = array<i32>} : memref<4x50x64xf32, #tpu.memory_space<vmem>>, vector<1x1x16xf32>,
      %swap3A_289 = vector.shape_cast %swap3A_288 : vector<1x1x16xf32> to vector<16xf32>
      %swap3A_290 = vector.shape_cast %get3A_283 : vector<16xf32> to vector<1x1x16xf32>
      tpu.vector_store %arg8[%swap3A_285, %swap3A_286, %swap3A_287], %swap3A_290 {strides = array<i32>} : memref<4x50x64xf32, #tpu.memory_space<vmem>>, vector<1x1x16xf32>,
      %add3A_291 = arith.constant 150 : i32
      %add3A_292 = arith.addi %add3A_291, %scan3A_136 : i32
      %get3A_293 = arith.index_cast %add3A_292 : i32 to index
      %get3A_294 = arith.constant 0 : index
      %get3A_295 = tpu.vector_load %arg6[%get3A_293, %get3A_294] {strides = array<i32>} : memref<200x128xf32, #tpu.memory_space<vmem>>, vector<1x16xf32>,
      %get3A_296 = vector.shape_cast %get3A_295 : vector<1x16xf32> to vector<16xf32>
      %swap3A_297 = arith.constant 3 : i32
      %swap3A_298 = arith.index_cast %swap3A_297 : i32 to index
      %swap3A_299 = arith.index_cast %scan3A_136 : i32 to index
      %swap3A_300 = arith.constant 0 : index
      %swap3A_301 = tpu.vector_load %arg8[%swap3A_298, %swap3A_299, %swap3A_300] {strides = array<i32>} : memref<4x50x64xf32, #tpu.memory_space<vmem>>, vector<1x1x16xf32>,
      %swap3A_302 = vector.shape_cast %swap3A_301 : vector<1x1x16xf32> to vector<16xf32>
      %swap3A_303 = vector.shape_cast %get3A_296 : vector<16xf32> to vector<1x1x16xf32>
      tpu.vector_store %arg8[%swap3A_298, %swap3A_299, %swap3A_300], %swap3A_303 {strides = array<i32>} : memref<4x50x64xf32, #tpu.memory_space<vmem>>, vector<1x1x16xf32>,
      %add3A_304 = arith.constant 150 : i32
      %add3A_305 = arith.addi %add3A_304, %scan3A_136 : i32
      %get3A_306 = arith.index_cast %add3A_305 : i32 to index
      %get3A_307 = arith.constant 16 : index
      %get3A_308 = tpu.vector_load %arg6[%get3A_306, %get3A_307] {strides = array<i32>} : memref<200x128xf32, #tpu.memory_space<vmem>>, vector<1x16xf32>,
      %get3A_309 = vector.shape_cast %get3A_308 : vector<1x16xf32> to vector<16xf32>
      %swap3A_310 = arith.constant 3 : i32
      %swap3A_311 = arith.index_cast %swap3A_310 : i32 to index
      %swap3A_312 = arith.index_cast %scan3A_136 : i32 to index
      %swap3A_313 = arith.constant 16 : index
      %swap3A_314 = tpu.vector_load %arg8[%swap3A_311, %swap3A_312, %swap3A_313] {strides = array<i32>} : memref<4x50x64xf32, #tpu.memory_space<vmem>>, vector<1x1x16xf32>,
      %swap3A_315 = vector.shape_cast %swap3A_314 : vector<1x1x16xf32> to vector<16xf32>
      %swap3A_316 = vector.shape_cast %get3A_309 : vector<16xf32> to vector<1x1x16xf32>
      tpu.vector_store %arg8[%swap3A_311, %swap3A_312, %swap3A_313], %swap3A_316 {strides = array<i32>} : memref<4x50x64xf32, #tpu.memory_space<vmem>>, vector<1x1x16xf32>,
      %add3A_317 = arith.constant 150 : i32
      %add3A_318 = arith.addi %add3A_317, %scan3A_136 : i32
      %get3A_319 = arith.index_cast %add3A_318 : i32 to index
      %get3A_320 = arith.constant 32 : index
      %get3A_321 = tpu.vector_load %arg6[%get3A_319, %get3A_320] {strides = array<i32>} : memref<200x128xf32, #tpu.memory_space<vmem>>, vector<1x16xf32>,
      %get3A_322 = vector.shape_cast %get3A_321 : vector<1x16xf32> to vector<16xf32>
      %swap3A_323 = arith.constant 3 : i32
      %swap3A_324 = arith.index_cast %swap3A_323 : i32 to index
      %swap3A_325 = arith.index_cast %scan3A_136 : i32 to index
      %swap3A_326 = arith.constant 32 : index
      %swap3A_327 = tpu.vector_load %arg8[%swap3A_324, %swap3A_325, %swap3A_326] {strides = array<i32>} : memref<4x50x64xf32, #tpu.memory_space<vmem>>, vector<1x1x16xf32>,
      %swap3A_328 = vector.shape_cast %swap3A_327 : vector<1x1x16xf32> to vector<16xf32>
      %swap3A_329 = vector.shape_cast %get3A_322 : vector<16xf32> to vector<1x1x16xf32>
      tpu.vector_store %arg8[%swap3A_324, %swap3A_325, %swap3A_326], %swap3A_329 {strides = array<i32>} : memref<4x50x64xf32, #tpu.memory_space<vmem>>, vector<1x1x16xf32>,
      %add3A_330 = arith.constant 150 : i32
      %add3A_331 = arith.addi %add3A_330, %scan3A_136 : i32
      %get3A_332 = arith.index_cast %add3A_331 : i32 to index
      %get3A_333 = arith.constant 48 : index
      %get3A_334 = tpu.vector_load %arg6[%get3A_332, %get3A_333] {strides = array<i32>} : memref<200x128xf32, #tpu.memory_space<vmem>>, vector<1x16xf32>,
      %get3A_335 = vector.shape_cast %get3A_334 : vector<1x16xf32> to vector<16xf32>
      %swap3A_336 = arith.constant 3 : i32
      %swap3A_337 = arith.index_cast %swap3A_336 : i32 to index
      %swap3A_338 = arith.index_cast %scan3A_136 : i32 to index
      %swap3A_339 = arith.constant 48 : index
      %swap3A_340 = tpu.vector_load %arg8[%swap3A_337, %swap3A_338, %swap3A_339] {strides = array<i32>} : memref<4x50x64xf32, #tpu.memory_space<vmem>>, vector<1x1x16xf32>,
      %swap3A_341 = vector.shape_cast %swap3A_340 : vector<1x1x16xf32> to vector<16xf32>
      %swap3A_342 = vector.shape_cast %get3A_335 : vector<16xf32> to vector<1x1x16xf32>
      tpu.vector_store %arg8[%swap3A_337, %swap3A_338, %swap3A_339], %swap3A_342 {strides = array<i32>} : memref<4x50x64xf32, #tpu.memory_space<vmem>>, vector<1x1x16xf32>,
    }
    %scan3A_22 = arith.constant 50 : i32
    %add3A_23 = arith.constant 0 : i32
    %add3A_24 = arith.addi %mul3A_2, %add3A_23 : i32
    %dma_start3A_25 = arith.constant 0 : i32
    %dma_start3A_26 = arith.constant 0 : i32
    %dma_start3A_27 = tpu.memref_slice %arg4[%add3A_24, %dma_start3A_25, %dma_start3A_26] : memref<16384x50x64xf32, #tpu.memory_space<hbm>> -> memref<4x50x64xf32, #tpu.memory_space<hbm>>
    %dma_start3A_28 = arith.constant 0 : i32
    %dma_start3A_29 = arith.constant 0 : i32
    %dma_start3A_30 = tpu.memref_slice %arg4[%add3A_24, %dma_start3A_28, %dma_start3A_29] : memref<16384x50x64xf32, #tpu.memory_space<hbm>> -> memref<4x50x64xf32, #tpu.memory_space<hbm>>
    tpu.enqueue_dma source(%arg8 : memref<4x50x64xf32, #tpu.memory_space<vmem>>) target(%dma_start3A_30 : memref<4x50x64xf32, #tpu.memory_space<hbm>>) target_semaphore(%arg11 : memref<!tpu.dma_semaphore, #tpu.memory_space<semaphore_mem>>)
    %dma_start3A_31 = arith.constant 400 : i32
    %dma_start3A_32 = tpu.memref_slice %arg5[%dma_start3A_31] : memref<25600xi32, #tpu.memory_space<vmem>> -> memref<200xi32, #tpu.memory_space<vmem>>
    %dma_start3A_33 = arith.constant 0 : i32
    %dma_start3A_34 = arith.constant 0 : i32
    %dma_start3A_35 = tpu.memref_slice %arg3[%dma_start3A_33, %dma_start3A_34] : memref<1000000x128xf32, #tpu.memory_space<hbm>> -> memref<1000000x128xf32, #tpu.memory_space<hbm>>
    tpu.enqueue_indirect_dma source(%dma_start3A_35 : memref<1000000x128xf32, #tpu.memory_space<hbm>>) target(%arg6 : memref<200x128xf32, #tpu.memory_space<vmem>>) offsets(%dma_start3A_32 : memref<200xi32, #tpu.memory_space<vmem>>) semaphore(%arg9 : memref<!tpu.dma_semaphore, #tpu.memory_space<semaphore_mem>>)
    %dma_wait3A_36 = arith.constant 200 : i32
    %dma_wait3A_37 = tpu.memref_slice %arg5[%dma_wait3A_36] : memref<25600xi32, #tpu.memory_space<vmem>> -> memref<200xi32, #tpu.memory_space<vmem>>
    %dma_wait3A_38 = arith.constant 0 : i32
    %dma_wait3A_39 = arith.constant 0 : i32
    %dma_wait3A_40 = tpu.memref_slice %arg3[%dma_wait3A_38, %dma_wait3A_39] : memref<1000000x128xf32, #tpu.memory_space<hbm>> -> memref<1000000x128xf32, #tpu.memory_space<hbm>>
    tpu.wait_indirect_dma semaphore(%arg10 : memref<!tpu.dma_semaphore, #tpu.memory_space<semaphore_mem>>) src(%dma_wait3A_40 : memref<1000000x128xf32, #tpu.memory_space<hbm>>) dst(%arg7 : memref<200x128xf32, #tpu.memory_space<vmem>>)
    %add3A_41 = arith.constant 0 : i32
    %add3A_42 = arith.addi %mul3A_2, %add3A_41 : i32
    %dma_wait3A_43 = arith.constant 0 : i32
    %dma_wait3A_44 = arith.constant 0 : i32
    %dma_wait3A_45 = tpu.memref_slice %arg4[%add3A_42, %dma_wait3A_43, %dma_wait3A_44] : memref<16384x50x64xf32, #tpu.memory_space<hbm>> -> memref<4x50x64xf32, #tpu.memory_space<hbm>>
    %dma_wait3A_46 = arith.constant 0 : i32
    %dma_wait3A_47 = arith.constant 0 : i32
    %dma_wait3A_48 = tpu.memref_slice %arg4[%add3A_42, %dma_wait3A_46, %dma_wait3A_47] : memref<16384x50x64xf32, #tpu.memory_space<hbm>> -> memref<4x50x64xf32, #tpu.memory_space<hbm>>
    tpu.wait_dma2 semaphore(%arg11 : memref<!tpu.dma_semaphore, #tpu.memory_space<semaphore_mem>>) src(%arg8 : memref<4x50x64xf32, #tpu.memory_space<vmem>>) dst(%dma_wait3A_48 : memref<4x50x64xf32, #tpu.memory_space<hbm>>)
    %scan3A_49 = arith.constant 0 : i32
    %scan3A_50 = arith.constant 0 : i32
    %scan3A_51 = arith.constant 50 : i32
    %scan3A_52 = arith.addi %scan3A_50, %scan3A_51 : i32
    %scan3A_53 = arith.constant 1 : i32
    scf.for %scan3A_136 = %scan3A_50 to %scan3A_52 step %scan3A_53  : i32 {
      %add3A_137 = arith.constant 0 : i32
      %add3A_138 = arith.addi %add3A_137, %scan3A_136 : i32
      %get3A = arith.index_cast %add3A_138 : i32 to index
      %get3A_139 = arith.constant 0 : index
      %get3A_140 = tpu.vector_load %arg7[%get3A, %get3A_139] {strides = array<i32>} : memref<200x128xf32, #tpu.memory_space<vmem>>, vector<1x16xf32>,
      %get3A_141 = vector.shape_cast %get3A_140 : vector<1x16xf32> to vector<16xf32>
      %swap3A = arith.constant 0 : i32
      %swap3A_142 = arith.index_cast %swap3A : i32 to index
      %swap3A_143 = arith.index_cast %scan3A_136 : i32 to index
      %swap3A_144 = arith.constant 0 : index
      %swap3A_145 = tpu.vector_load %arg8[%swap3A_142, %swap3A_143, %swap3A_144] {strides = array<i32>} : memref<4x50x64xf32, #tpu.memory_space<vmem>>, vector<1x1x16xf32>,
      %swap3A_146 = vector.shape_cast %swap3A_145 : vector<1x1x16xf32> to vector<16xf32>
      %swap3A_147 = vector.shape_cast %get3A_141 : vector<16xf32> to vector<1x1x16xf32>
      tpu.vector_store %arg8[%swap3A_142, %swap3A_143, %swap3A_144], %swap3A_147 {strides = array<i32>} : memref<4x50x64xf32, #tpu.memory_space<vmem>>, vector<1x1x16xf32>,
      %add3A_148 = arith.constant 0 : i32
      %add3A_149 = arith.addi %add3A_148, %scan3A_136 : i32
      %get3A_150 = arith.index_cast %add3A_149 : i32 to index
      %get3A_151 = arith.constant 16 : index
      %get3A_152 = tpu.vector_load %arg7[%get3A_150, %get3A_151] {strides = array<i32>} : memref<200x128xf32, #tpu.memory_space<vmem>>, vector<1x16xf32>,
      %get3A_153 = vector.shape_cast %get3A_152 : vector<1x16xf32> to vector<16xf32>
      %swap3A_154 = arith.constant 0 : i32
      %swap3A_155 = arith.index_cast %swap3A_154 : i32 to index
      %swap3A_156 = arith.index_cast %scan3A_136 : i32 to index
      %swap3A_157 = arith.constant 16 : index
      %swap3A_158 = tpu.vector_load %arg8[%swap3A_155, %swap3A_156, %swap3A_157] {strides = array<i32>} : memref<4x50x64xf32, #tpu.memory_space<vmem>>, vector<1x1x16xf32>,
      %swap3A_159 = vector.shape_cast %swap3A_158 : vector<1x1x16xf32> to vector<16xf32>
      %swap3A_160 = vector.shape_cast %get3A_153 : vector<16xf32> to vector<1x1x16xf32>
      tpu.vector_store %arg8[%swap3A_155, %swap3A_156, %swap3A_157], %swap3A_160 {strides = array<i32>} : memref<4x50x64xf32, #tpu.memory_space<vmem>>, vector<1x1x16xf32>,
      %add3A_161 = arith.constant 0 : i32
      %add3A_162 = arith.addi %add3A_161, %scan3A_136 : i32
      %get3A_163 = arith.index_cast %add3A_162 : i32 to index
      %get3A_164 = arith.constant 32 : index
      %get3A_165 = tpu.vector_load %arg7[%get3A_163, %get3A_164] {strides = array<i32>} : memref<200x128xf32, #tpu.memory_space<vmem>>, vector<1x16xf32>,
      %get3A_166 = vector.shape_cast %get3A_165 : vector<1x16xf32> to vector<16xf32>
      %swap3A_167 = arith.constant 0 : i32
      %swap3A_168 = arith.index_cast %swap3A_167 : i32 to index
      %swap3A_169 = arith.index_cast %scan3A_136 : i32 to index
      %swap3A_170 = arith.constant 32 : index
      %swap3A_171 = tpu.vector_load %arg8[%swap3A_168, %swap3A_169, %swap3A_170] {strides = array<i32>} : memref<4x50x64xf32, #tpu.memory_space<vmem>>, vector<1x1x16xf32>,
      %swap3A_172 = vector.shape_cast %swap3A_171 : vector<1x1x16xf32> to vector<16xf32>
      %swap3A_173 = vector.shape_cast %get3A_166 : vector<16xf32> to vector<1x1x16xf32>
      tpu.vector_store %arg8[%swap3A_168, %swap3A_169, %swap3A_170], %swap3A_173 {strides = array<i32>} : memref<4x50x64xf32, #tpu.memory_space<vmem>>, vector<1x1x16xf32>,
      %add3A_174 = arith.constant 0 : i32
      %add3A_175 = arith.addi %add3A_174, %scan3A_136 : i32
      %get3A_176 = arith.index_cast %add3A_175 : i32 to index
      %get3A_177 = arith.constant 48 : index
      %get3A_178 = tpu.vector_load %arg7[%get3A_176, %get3A_177] {strides = array<i32>} : memref<200x128xf32, #tpu.memory_space<vmem>>, vector<1x16xf32>,
      %get3A_179 = vector.shape_cast %get3A_178 : vector<1x16xf32> to vector<16xf32>
      %swap3A_180 = arith.constant 0 : i32
      %swap3A_181 = arith.index_cast %swap3A_180 : i32 to index
      %swap3A_182 = arith.index_cast %scan3A_136 : i32 to index
      %swap3A_183 = arith.constant 48 : index
      %swap3A_184 = tpu.vector_load %arg8[%swap3A_181, %swap3A_182, %swap3A_183] {strides = array<i32>} : memref<4x50x64xf32, #tpu.memory_space<vmem>>, vector<1x1x16xf32>,
      %swap3A_185 = vector.shape_cast %swap3A_184 : vector<1x1x16xf32> to vector<16xf32>
      %swap3A_186 = vector.shape_cast %get3A_179 : vector<16xf32> to vector<1x1x16xf32>
      tpu.vector_store %arg8[%swap3A_181, %swap3A_182, %swap3A_183], %swap3A_186 {strides = array<i32>} : memref<4x50x64xf32, #tpu.memory_space<vmem>>, vector<1x1x16xf32>,
      %add3A_187 = arith.constant 50 : i32
      %add3A_188 = arith.addi %add3A_187, %scan3A_136 : i32
      %get3A_189 = arith.index_cast %add3A_188 : i32 to index
      %get3A_190 = arith.constant 0 : index
      %get3A_191 = tpu.vector_load %arg7[%get3A_189, %get3A_190] {strides = array<i32>} : memref<200x128xf32, #tpu.memory_space<vmem>>, vector<1x16xf32>,
      %get3A_192 = vector.shape_cast %get3A_191 : vector<1x16xf32> to vector<16xf32>
      %swap3A_193 = arith.constant 1 : i32
      %swap3A_194 = arith.index_cast %swap3A_193 : i32 to index
      %swap3A_195 = arith.index_cast %scan3A_136 : i32 to index
      %swap3A_196 = arith.constant 0 : index
      %swap3A_197 = tpu.vector_load %arg8[%swap3A_194, %swap3A_195, %swap3A_196] {strides = array<i32>} : memref<4x50x64xf32, #tpu.memory_space<vmem>>, vector<1x1x16xf32>,
      %swap3A_198 = vector.shape_cast %swap3A_197 : vector<1x1x16xf32> to vector<16xf32>
      %swap3A_199 = vector.shape_cast %get3A_192 : vector<16xf32> to vector<1x1x16xf32>
      tpu.vector_store %arg8[%swap3A_194, %swap3A_195, %swap3A_196], %swap3A_199 {strides = array<i32>} : memref<4x50x64xf32, #tpu.memory_space<vmem>>, vector<1x1x16xf32>,
      %add3A_200 = arith.constant 50 : i32
      %add3A_201 = arith.addi %add3A_200, %scan3A_136 : i32
      %get3A_202 = arith.index_cast %add3A_201 : i32 to index
      %get3A_203 = arith.constant 16 : index
      %get3A_204 = tpu.vector_load %arg7[%get3A_202, %get3A_203] {strides = array<i32>} : memref<200x128xf32, #tpu.memory_space<vmem>>, vector<1x16xf32>,
      %get3A_205 = vector.shape_cast %get3A_204 : vector<1x16xf32> to vector<16xf32>
      %swap3A_206 = arith.constant 1 : i32
      %swap3A_207 = arith.index_cast %swap3A_206 : i32 to index
      %swap3A_208 = arith.index_cast %scan3A_136 : i32 to index
      %swap3A_209 = arith.constant 16 : index
      %swap3A_210 = tpu.vector_load %arg8[%swap3A_207, %swap3A_208, %swap3A_209] {strides = array<i32>} : memref<4x50x64xf32, #tpu.memory_space<vmem>>, vector<1x1x16xf32>,
      %swap3A_211 = vector.shape_cast %swap3A_210 : vector<1x1x16xf32> to vector<16xf32>
      %swap3A_212 = vector.shape_cast %get3A_205 : vector<16xf32> to vector<1x1x16xf32>
      tpu.vector_store %arg8[%swap3A_207, %swap3A_208, %swap3A_209], %swap3A_212 {strides = array<i32>} : memref<4x50x64xf32, #tpu.memory_space<vmem>>, vector<1x1x16xf32>,
      %add3A_213 = arith.constant 50 : i32
      %add3A_214 = arith.addi %add3A_213, %scan3A_136 : i32
      %get3A_215 = arith.index_cast %add3A_214 : i32 to index
      %get3A_216 = arith.constant 32 : index
      %get3A_217 = tpu.vector_load %arg7[%get3A_215, %get3A_216] {strides = array<i32>} : memref<200x128xf32, #tpu.memory_space<vmem>>, vector<1x16xf32>,
      %get3A_218 = vector.shape_cast %get3A_217 : vector<1x16xf32> to vector<16xf32>
      %swap3A_219 = arith.constant 1 : i32
      %swap3A_220 = arith.index_cast %swap3A_219 : i32 to index
      %swap3A_221 = arith.index_cast %scan3A_136 : i32 to index
      %swap3A_222 = arith.constant 32 : index
      %swap3A_223 = tpu.vector_load %arg8[%swap3A_220, %swap3A_221, %swap3A_222] {strides = array<i32>} : memref<4x50x64xf32, #tpu.memory_space<vmem>>, vector<1x1x16xf32>,
      %swap3A_224 = vector.shape_cast %swap3A_223 : vector<1x1x16xf32> to vector<16xf32>
      %swap3A_225 = vector.shape_cast %get3A_218 : vector<16xf32> to vector<1x1x16xf32>
      tpu.vector_store %arg8[%swap3A_220, %swap3A_221, %swap3A_222], %swap3A_225 {strides = array<i32>} : memref<4x50x64xf32, #tpu.memory_space<vmem>>, vector<1x1x16xf32>,
      %add3A_226 = arith.constant 50 : i32
      %add3A_227 = arith.addi %add3A_226, %scan3A_136 : i32
      %get3A_228 = arith.index_cast %add3A_227 : i32 to index
      %get3A_229 = arith.constant 48 : index
      %get3A_230 = tpu.vector_load %arg7[%get3A_228, %get3A_229] {strides = array<i32>} : memref<200x128xf32, #tpu.memory_space<vmem>>, vector<1x16xf32>,
      %get3A_231 = vector.shape_cast %get3A_230 : vector<1x16xf32> to vector<16xf32>
      %swap3A_232 = arith.constant 1 : i32
      %swap3A_233 = arith.index_cast %swap3A_232 : i32 to index
      %swap3A_234 = arith.index_cast %scan3A_136 : i32 to index
      %swap3A_235 = arith.constant 48 : index
      %swap3A_236 = tpu.vector_load %arg8[%swap3A_233, %swap3A_234, %swap3A_235] {strides = array<i32>} : memref<4x50x64xf32, #tpu.memory_space<vmem>>, vector<1x1x16xf32>,
      %swap3A_237 = vector.shape_cast %swap3A_236 : vector<1x1x16xf32> to vector<16xf32>
      %swap3A_238 = vector.shape_cast %get3A_231 : vector<16xf32> to vector<1x1x16xf32>
      tpu.vector_store %arg8[%swap3A_233, %swap3A_234, %swap3A_235], %swap3A_238 {strides = array<i32>} : memref<4x50x64xf32, #tpu.memory_space<vmem>>, vector<1x1x16xf32>,
      %add3A_239 = arith.constant 100 : i32
      %add3A_240 = arith.addi %add3A_239, %scan3A_136 : i32
      %get3A_241 = arith.index_cast %add3A_240 : i32 to index
      %get3A_242 = arith.constant 0 : index
      %get3A_243 = tpu.vector_load %arg7[%get3A_241, %get3A_242] {strides = array<i32>} : memref<200x128xf32, #tpu.memory_space<vmem>>, vector<1x16xf32>,
      %get3A_244 = vector.shape_cast %get3A_243 : vector<1x16xf32> to vector<16xf32>
      %swap3A_245 = arith.constant 2 : i32
      %swap3A_246 = arith.index_cast %swap3A_245 : i32 to index
      %swap3A_247 = arith.index_cast %scan3A_136 : i32 to index
      %swap3A_248 = arith.constant 0 : index
      %swap3A_249 = tpu.vector_load %arg8[%swap3A_246, %swap3A_247, %swap3A_248] {strides = array<i32>} : memref<4x50x64xf32, #tpu.memory_space<vmem>>, vector<1x1x16xf32>,
      %swap3A_250 = vector.shape_cast %swap3A_249 : vector<1x1x16xf32> to vector<16xf32>
      %swap3A_251 = vector.shape_cast %get3A_244 : vector<16xf32> to vector<1x1x16xf32>
      tpu.vector_store %arg8[%swap3A_246, %swap3A_247, %swap3A_248], %swap3A_251 {strides = array<i32>} : memref<4x50x64xf32, #tpu.memory_space<vmem>>, vector<1x1x16xf32>,
      %add3A_252 = arith.constant 100 : i32
      %add3A_253 = arith.addi %add3A_252, %scan3A_136 : i32
      %get3A_254 = arith.index_cast %add3A_253 : i32 to index
      %get3A_255 = arith.constant 16 : index
      %get3A_256 = tpu.vector_load %arg7[%get3A_254, %get3A_255] {strides = array<i32>} : memref<200x128xf32, #tpu.memory_space<vmem>>, vector<1x16xf32>,
      %get3A_257 = vector.shape_cast %get3A_256 : vector<1x16xf32> to vector<16xf32>
      %swap3A_258 = arith.constant 2 : i32
      %swap3A_259 = arith.index_cast %swap3A_258 : i32 to index
      %swap3A_260 = arith.index_cast %scan3A_136 : i32 to index
      %swap3A_261 = arith.constant 16 : index
      %swap3A_262 = tpu.vector_load %arg8[%swap3A_259, %swap3A_260, %swap3A_261] {strides = array<i32>} : memref<4x50x64xf32, #tpu.memory_space<vmem>>, vector<1x1x16xf32>,
      %swap3A_263 = vector.shape_cast %swap3A_262 : vector<1x1x16xf32> to vector<16xf32>
      %swap3A_264 = vector.shape_cast %get3A_257 : vector<16xf32> to vector<1x1x16xf32>
      tpu.vector_store %arg8[%swap3A_259, %swap3A_260, %swap3A_261], %swap3A_264 {strides = array<i32>} : memref<4x50x64xf32, #tpu.memory_space<vmem>>, vector<1x1x16xf32>,
      %add3A_265 = arith.constant 100 : i32
      %add3A_266 = arith.addi %add3A_265, %scan3A_136 : i32
      %get3A_267 = arith.index_cast %add3A_266 : i32 to index
      %get3A_268 = arith.constant 32 : index
      %get3A_269 = tpu.vector_load %arg7[%get3A_267, %get3A_268] {strides = array<i32>} : memref<200x128xf32, #tpu.memory_space<vmem>>, vector<1x16xf32>,
      %get3A_270 = vector.shape_cast %get3A_269 : vector<1x16xf32> to vector<16xf32>
      %swap3A_271 = arith.constant 2 : i32
      %swap3A_272 = arith.index_cast %swap3A_271 : i32 to index
      %swap3A_273 = arith.index_cast %scan3A_136 : i32 to index
      %swap3A_274 = arith.constant 32 : index
      %swap3A_275 = tpu.vector_load %arg8[%swap3A_272, %swap3A_273, %swap3A_274] {strides = array<i32>} : memref<4x50x64xf32, #tpu.memory_space<vmem>>, vector<1x1x16xf32>,
      %swap3A_276 = vector.shape_cast %swap3A_275 : vector<1x1x16xf32> to vector<16xf32>
      %swap3A_277 = vector.shape_cast %get3A_270 : vector<16xf32> to vector<1x1x16xf32>
      tpu.vector_store %arg8[%swap3A_272, %swap3A_273, %swap3A_274], %swap3A_277 {strides = array<i32>} : memref<4x50x64xf32, #tpu.memory_space<vmem>>, vector<1x1x16xf32>,
      %add3A_278 = arith.constant 100 : i32
      %add3A_279 = arith.addi %add3A_278, %scan3A_136 : i32
      %get3A_280 = arith.index_cast %add3A_279 : i32 to index
      %get3A_281 = arith.constant 48 : index
      %get3A_282 = tpu.vector_load %arg7[%get3A_280, %get3A_281] {strides = array<i32>} : memref<200x128xf32, #tpu.memory_space<vmem>>, vector<1x16xf32>,
      %get3A_283 = vector.shape_cast %get3A_282 : vector<1x16xf32> to vector<16xf32>
      %swap3A_284 = arith.constant 2 : i32
      %swap3A_285 = arith.index_cast %swap3A_284 : i32 to index
      %swap3A_286 = arith.index_cast %scan3A_136 : i32 to index
      %swap3A_287 = arith.constant 48 : index
      %swap3A_288 = tpu.vector_load %arg8[%swap3A_285, %swap3A_286, %swap3A_287] {strides = array<i32>} : memref<4x50x64xf32, #tpu.memory_space<vmem>>, vector<1x1x16xf32>,
      %swap3A_289 = vector.shape_cast %swap3A_288 : vector<1x1x16xf32> to vector<16xf32>
      %swap3A_290 = vector.shape_cast %get3A_283 : vector<16xf32> to vector<1x1x16xf32>
      tpu.vector_store %arg8[%swap3A_285, %swap3A_286, %swap3A_287], %swap3A_290 {strides = array<i32>} : memref<4x50x64xf32, #tpu.memory_space<vmem>>, vector<1x1x16xf32>,
      %add3A_291 = arith.constant 150 : i32
      %add3A_292 = arith.addi %add3A_291, %scan3A_136 : i32
      %get3A_293 = arith.index_cast %add3A_292 : i32 to index
      %get3A_294 = arith.constant 0 : index
      %get3A_295 = tpu.vector_load %arg7[%get3A_293, %get3A_294] {strides = array<i32>} : memref<200x128xf32, #tpu.memory_space<vmem>>, vector<1x16xf32>,
      %get3A_296 = vector.shape_cast %get3A_295 : vector<1x16xf32> to vector<16xf32>
      %swap3A_297 = arith.constant 3 : i32
      %swap3A_298 = arith.index_cast %swap3A_297 : i32 to index
      %swap3A_299 = arith.index_cast %scan3A_136 : i32 to index
      %swap3A_300 = arith.constant 0 : index
      %swap3A_301 = tpu.vector_load %arg8[%swap3A_298, %swap3A_299, %swap3A_300] {strides = array<i32>} : memref<4x50x64xf32, #tpu.memory_space<vmem>>, vector<1x1x16xf32>,
      %swap3A_302 = vector.shape_cast %swap3A_301 : vector<1x1x16xf32> to vector<16xf32>
      %swap3A_303 = vector.shape_cast %get3A_296 : vector<16xf32> to vector<1x1x16xf32>
      tpu.vector_store %arg8[%swap3A_298, %swap3A_299, %swap3A_300], %swap3A_303 {strides = array<i32>} : memref<4x50x64xf32, #tpu.memory_space<vmem>>, vector<1x1x16xf32>,
      %add3A_304 = arith.constant 150 : i32
      %add3A_305 = arith.addi %add3A_304, %scan3A_136 : i32
      %get3A_306 = arith.index_cast %add3A_305 : i32 to index
      %get3A_307 = arith.constant 16 : index
      %get3A_308 = tpu.vector_load %arg7[%get3A_306, %get3A_307] {strides = array<i32>} : memref<200x128xf32, #tpu.memory_space<vmem>>, vector<1x16xf32>,
      %get3A_309 = vector.shape_cast %get3A_308 : vector<1x16xf32> to vector<16xf32>
      %swap3A_310 = arith.constant 3 : i32
      %swap3A_311 = arith.index_cast %swap3A_310 : i32 to index
      %swap3A_312 = arith.index_cast %scan3A_136 : i32 to index
      %swap3A_313 = arith.constant 16 : index
      %swap3A_314 = tpu.vector_load %arg8[%swap3A_311, %swap3A_312, %swap3A_313] {strides = array<i32>} : memref<4x50x64xf32, #tpu.memory_space<vmem>>, vector<1x1x16xf32>,
      %swap3A_315 = vector.shape_cast %swap3A_314 : vector<1x1x16xf32> to vector<16xf32>
      %swap3A_316 = vector.shape_cast %get3A_309 : vector<16xf32> to vector<1x1x16xf32>
      tpu.vector_store %arg8[%swap3A_311, %swap3A_312, %swap3A_313], %swap3A_316 {strides = array<i32>} : memref<4x50x64xf32, #tpu.memory_space<vmem>>, vector<1x1x16xf32>,
      %add3A_317 = arith.constant 150 : i32
      %add3A_318 = arith.addi %add3A_317, %scan3A_136 : i32
      %get3A_319 = arith.index_cast %add3A_318 : i32 to index
      %get3A_320 = arith.constant 32 : index
      %get3A_321 = tpu.vector_load %arg7[%get3A_319, %get3A_320] {strides = array<i32>} : memref<200x128xf32, #tpu.memory_space<vmem>>, vector<1x16xf32>,
      %get3A_322 = vector.shape_cast %get3A_321 : vector<1x16xf32> to vector<16xf32>
      %swap3A_323 = arith.constant 3 : i32
      %swap3A_324 = arith.index_cast %swap3A_323 : i32 to index
      %swap3A_325 = arith.index_cast %scan3A_136 : i32 to index
      %swap3A_326 = arith.constant 32 : index
      %swap3A_327 = tpu.vector_load %arg8[%swap3A_324, %swap3A_325, %swap3A_326] {strides = array<i32>} : memref<4x50x64xf32, #tpu.memory_space<vmem>>, vector<1x1x16xf32>,
      %swap3A_328 = vector.shape_cast %swap3A_327 : vector<1x1x16xf32> to vector<16xf32>
      %swap3A_329 = vector.shape_cast %get3A_322 : vector<16xf32> to vector<1x1x16xf32>
      tpu.vector_store %arg8[%swap3A_324, %swap3A_325, %swap3A_326], %swap3A_329 {strides = array<i32>} : memref<4x50x64xf32, #tpu.memory_space<vmem>>, vector<1x1x16xf32>,
      %add3A_330 = arith.constant 150 : i32
      %add3A_331 = arith.addi %add3A_330, %scan3A_136 : i32
      %get3A_332 = arith.index_cast %add3A_331 : i32 to index
      %get3A_333 = arith.constant 48 : index
      %get3A_334 = tpu.vector_load %arg7[%get3A_332, %get3A_333] {strides = array<i32>} : memref<200x128xf32, #tpu.memory_space<vmem>>, vector<1x16xf32>,
      %get3A_335 = vector.shape_cast %get3A_334 : vector<1x16xf32> to vector<16xf32>
      %swap3A_336 = arith.constant 3 : i32
      %swap3A_337 = arith.index_cast %swap3A_336 : i32 to index
      %swap3A_338 = arith.index_cast %scan3A_136 : i32 to index
      %swap3A_339 = arith.constant 48 : index
      %swap3A_340 = tpu.vector_load %arg8[%swap3A_337, %swap3A_338, %swap3A_339] {strides = array<i32>} : memref<4x50x64xf32, #tpu.memory_space<vmem>>, vector<1x1x16xf32>,
      %swap3A_341 = vector.shape_cast %swap3A_340 : vector<1x1x16xf32> to vector<16xf32>
      %swap3A_342 = vector.shape_cast %get3A_335 : vector<16xf32> to vector<1x1x16xf32>
      tpu.vector_store %arg8[%swap3A_337, %swap3A_338, %swap3A_339], %swap3A_342 {strides = array<i32>} : memref<4x50x64xf32, #tpu.memory_space<vmem>>, vector<1x1x16xf32>,
    }
    %scan3A_54 = arith.constant 50 : i32
    %add3A_55 = arith.constant 4 : i32
    %add3A_56 = arith.addi %mul3A_2, %add3A_55 : i32
    %dma_start3A_57 = arith.constant 0 : i32
    %dma_start3A_58 = arith.constant 0 : i32
    %dma_start3A_59 = tpu.memref_slice %arg4[%add3A_56, %dma_start3A_57, %dma_start3A_58] : memref<16384x50x64xf32, #tpu.memory_space<hbm>> -> memref<4x50x64xf32, #tpu.memory_space<hbm>>
    %dma_start3A_60 = arith.constant 0 : i32
    %dma_start3A_61 = arith.constant 0 : i32
    %dma_start3A_62 = tpu.memref_slice %arg4[%add3A_56, %dma_start3A_60, %dma_start3A_61] : memref<16384x50x64xf32, #tpu.memory_space<hbm>> -> memref<4x50x64xf32, #tpu.memory_space<hbm>>
    tpu.enqueue_dma source(%arg8 : memref<4x50x64xf32, #tpu.memory_space<vmem>>) target(%dma_start3A_62 : memref<4x50x64xf32, #tpu.memory_space<hbm>>) target_semaphore(%arg11 : memref<!tpu.dma_semaphore, #tpu.memory_space<semaphore_mem>>)
    %dma_start3A_63 = arith.constant 600 : i32
    %dma_start3A_64 = tpu.memref_slice %arg5[%dma_start3A_63] : memref<25600xi32, #tpu.memory_space<vmem>> -> memref<200xi32, #tpu.memory_space<vmem>>
    %dma_start3A_65 = arith.constant 0 : i32
    %dma_start3A_66 = arith.constant 0 : i32
    %dma_start3A_67 = tpu.memref_slice %arg3[%dma_start3A_65, %dma_start3A_66] : memref<1000000x128xf32, #tpu.memory_space<hbm>> -> memref<1000000x128xf32, #tpu.memory_space<hbm>>
    tpu.enqueue_indirect_dma source(%dma_start3A_67 : memref<1000000x128xf32, #tpu.memory_space<hbm>>) target(%arg7 : memref<200x128xf32, #tpu.memory_space<vmem>>) offsets(%dma_start3A_64 : memref<200xi32, #tpu.memory_space<vmem>>) semaphore(%arg10 : memref<!tpu.dma_semaphore, #tpu.memory_space<semaphore_mem>>)
    %scan3A_68 = arith.constant 0 : i32
    %scan3A_69 = arith.constant 0 : i32
    %scan3A_70 = arith.constant 62 : i32
    %scan3A_71 = arith.addi %scan3A_69, %scan3A_70 : i32
    %scan3A_72 = arith.constant 1 : i32
    scf.for %scan3A_136 = %scan3A_69 to %scan3A_71 step %scan3A_72  : i32 {
      %mul3A_137 = arith.constant 2 : i32
      %mul3A_138 = arith.muli %mul3A_137, %scan3A_136 : i32
      %add3A_139 = arith.constant 2 : i32
      %add3A_140 = arith.addi %add3A_139, %mul3A_138 : i32
      %add3A_141 = arith.constant 0 : i32
      %add3A_142 = arith.addi %add3A_140, %add3A_141 : i32
      %mul3A_143 = arith.constant 200 : i32
      %mul3A_144 = arith.muli %add3A_142, %mul3A_143 : i32
      %dma_wait3A_145 = tpu.memref_slice %arg5[%mul3A_144] : memref<25600xi32, #tpu.memory_space<vmem>> -> memref<200xi32, #tpu.memory_space<vmem>>
      %dma_wait3A_146 = arith.constant 0 : i32
      %dma_wait3A_147 = arith.constant 0 : i32
      %dma_wait3A_148 = tpu.memref_slice %arg3[%dma_wait3A_146, %dma_wait3A_147] : memref<1000000x128xf32, #tpu.memory_space<hbm>> -> memref<1000000x128xf32, #tpu.memory_space<hbm>>
      tpu.wait_indirect_dma semaphore(%arg9 : memref<!tpu.dma_semaphore, #tpu.memory_space<semaphore_mem>>) src(%dma_wait3A_148 : memref<1000000x128xf32, #tpu.memory_space<hbm>>) dst(%arg6 : memref<200x128xf32, #tpu.memory_space<vmem>>)
      %sub3A = arith.constant 1 : i32
      %sub3A_149 = arith.subi %add3A_142, %sub3A : i32
      %mul3A_150 = arith.constant 4 : i32
      %mul3A_151 = arith.muli %sub3A_149, %mul3A_150 : i32
      %add3A_152 = arith.addi %mul3A_2, %mul3A_151 : i32
      %dma_wait3A_153 = arith.constant 0 : i32
      %dma_wait3A_154 = arith.constant 0 : i32
      %dma_wait3A_155 = tpu.memref_slice %arg4[%add3A_152, %dma_wait3A_153, %dma_wait3A_154] : memref<16384x50x64xf32, #tpu.memory_space<hbm>> -> memref<4x50x64xf32, #tpu.memory_space<hbm>>
      %dma_wait3A_156 = arith.constant 0 : i32
      %dma_wait3A_157 = arith.constant 0 : i32
      %dma_wait3A_158 = tpu.memref_slice %arg4[%add3A_152, %dma_wait3A_156, %dma_wait3A_157] : memref<16384x50x64xf32, #tpu.memory_space<hbm>> -> memref<4x50x64xf32, #tpu.memory_space<hbm>>
      tpu.wait_dma2 semaphore(%arg11 : memref<!tpu.dma_semaphore, #tpu.memory_space<semaphore_mem>>) src(%arg8 : memref<4x50x64xf32, #tpu.memory_space<vmem>>) dst(%dma_wait3A_158 : memref<4x50x64xf32, #tpu.memory_space<hbm>>)
      %scan3A_159 = arith.constant 0 : i32
      %scan3A_160 = arith.constant 0 : i32
      %scan3A_161 = arith.constant 50 : i32
      %scan3A_162 = arith.addi %scan3A_160, %scan3A_161 : i32
      %scan3A_163 = arith.constant 1 : i32
      scf.for %scan3A_228 = %scan3A_160 to %scan3A_162 step %scan3A_163  : i32 {
        %add3A_229 = arith.constant 0 : i32
        %add3A_230 = arith.addi %add3A_229, %scan3A_228 : i32
        %get3A = arith.index_cast %add3A_230 : i32 to index
        %get3A_231 = arith.constant 0 : index
        %get3A_232 = tpu.vector_load %arg6[%get3A, %get3A_231] {strides = array<i32>} : memref<200x128xf32, #tpu.memory_space<vmem>>, vector<1x16xf32>,
        %get3A_233 = vector.shape_cast %get3A_232 : vector<1x16xf32> to vector<16xf32>
        %swap3A = arith.constant 0 : i32
        %swap3A_234 = arith.index_cast %swap3A : i32 to index
        %swap3A_235 = arith.index_cast %scan3A_228 : i32 to index
        %swap3A_236 = arith.constant 0 : index
        %swap3A_237 = tpu.vector_load %arg8[%swap3A_234, %swap3A_235, %swap3A_236] {strides = array<i32>} : memref<4x50x64xf32, #tpu.memory_space<vmem>>, vector<1x1x16xf32>,
        %swap3A_238 = vector.shape_cast %swap3A_237 : vector<1x1x16xf32> to vector<16xf32>
        %swap3A_239 = vector.shape_cast %get3A_233 : vector<16xf32> to vector<1x1x16xf32>
        tpu.vector_store %arg8[%swap3A_234, %swap3A_235, %swap3A_236], %swap3A_239 {strides = array<i32>} : memref<4x50x64xf32, #tpu.memory_space<vmem>>, vector<1x1x16xf32>,
        %add3A_240 = arith.constant 0 : i32
        %add3A_241 = arith.addi %add3A_240, %scan3A_228 : i32
        %get3A_242 = arith.index_cast %add3A_241 : i32 to index
        %get3A_243 = arith.constant 16 : index
        %get3A_244 = tpu.vector_load %arg6[%get3A_242, %get3A_243] {strides = array<i32>} : memref<200x128xf32, #tpu.memory_space<vmem>>, vector<1x16xf32>,
        %get3A_245 = vector.shape_cast %get3A_244 : vector<1x16xf32> to vector<16xf32>
        %swap3A_246 = arith.constant 0 : i32
        %swap3A_247 = arith.index_cast %swap3A_246 : i32 to index
        %swap3A_248 = arith.index_cast %scan3A_228 : i32 to index
        %swap3A_249 = arith.constant 16 : index
        %swap3A_250 = tpu.vector_load %arg8[%swap3A_247, %swap3A_248, %swap3A_249] {strides = array<i32>} : memref<4x50x64xf32, #tpu.memory_space<vmem>>, vector<1x1x16xf32>,
        %swap3A_251 = vector.shape_cast %swap3A_250 : vector<1x1x16xf32> to vector<16xf32>
        %swap3A_252 = vector.shape_cast %get3A_245 : vector<16xf32> to vector<1x1x16xf32>
        tpu.vector_store %arg8[%swap3A_247, %swap3A_248, %swap3A_249], %swap3A_252 {strides = array<i32>} : memref<4x50x64xf32, #tpu.memory_space<vmem>>, vector<1x1x16xf32>,
        %add3A_253 = arith.constant 0 : i32
        %add3A_254 = arith.addi %add3A_253, %scan3A_228 : i32
        %get3A_255 = arith.index_cast %add3A_254 : i32 to index
        %get3A_256 = arith.constant 32 : index
        %get3A_257 = tpu.vector_load %arg6[%get3A_255, %get3A_256] {strides = array<i32>} : memref<200x128xf32, #tpu.memory_space<vmem>>, vector<1x16xf32>,
        %get3A_258 = vector.shape_cast %get3A_257 : vector<1x16xf32> to vector<16xf32>
        %swap3A_259 = arith.constant 0 : i32
        %swap3A_260 = arith.index_cast %swap3A_259 : i32 to index
        %swap3A_261 = arith.index_cast %scan3A_228 : i32 to index
        %swap3A_262 = arith.constant 32 : index
        %swap3A_263 = tpu.vector_load %arg8[%swap3A_260, %swap3A_261, %swap3A_262] {strides = array<i32>} : memref<4x50x64xf32, #tpu.memory_space<vmem>>, vector<1x1x16xf32>,
        %swap3A_264 = vector.shape_cast %swap3A_263 : vector<1x1x16xf32> to vector<16xf32>
        %swap3A_265 = vector.shape_cast %get3A_258 : vector<16xf32> to vector<1x1x16xf32>
        tpu.vector_store %arg8[%swap3A_260, %swap3A_261, %swap3A_262], %swap3A_265 {strides = array<i32>} : memref<4x50x64xf32, #tpu.memory_space<vmem>>, vector<1x1x16xf32>,
        %add3A_266 = arith.constant 0 : i32
        %add3A_267 = arith.addi %add3A_266, %scan3A_228 : i32
        %get3A_268 = arith.index_cast %add3A_267 : i32 to index
        %get3A_269 = arith.constant 48 : index
        %get3A_270 = tpu.vector_load %arg6[%get3A_268, %get3A_269] {strides = array<i32>} : memref<200x128xf32, #tpu.memory_space<vmem>>, vector<1x16xf32>,
        %get3A_271 = vector.shape_cast %get3A_270 : vector<1x16xf32> to vector<16xf32>
        %swap3A_272 = arith.constant 0 : i32
        %swap3A_273 = arith.index_cast %swap3A_272 : i32 to index
        %swap3A_274 = arith.index_cast %scan3A_228 : i32 to index
        %swap3A_275 = arith.constant 48 : index
        %swap3A_276 = tpu.vector_load %arg8[%swap3A_273, %swap3A_274, %swap3A_275] {strides = array<i32>} : memref<4x50x64xf32, #tpu.memory_space<vmem>>, vector<1x1x16xf32>,
        %swap3A_277 = vector.shape_cast %swap3A_276 : vector<1x1x16xf32> to vector<16xf32>
        %swap3A_278 = vector.shape_cast %get3A_271 : vector<16xf32> to vector<1x1x16xf32>
        tpu.vector_store %arg8[%swap3A_273, %swap3A_274, %swap3A_275], %swap3A_278 {strides = array<i32>} : memref<4x50x64xf32, #tpu.memory_space<vmem>>, vector<1x1x16xf32>,
        %add3A_279 = arith.constant 50 : i32
        %add3A_280 = arith.addi %add3A_279, %scan3A_228 : i32
        %get3A_281 = arith.index_cast %add3A_280 : i32 to index
        %get3A_282 = arith.constant 0 : index
        %get3A_283 = tpu.vector_load %arg6[%get3A_281, %get3A_282] {strides = array<i32>} : memref<200x128xf32, #tpu.memory_space<vmem>>, vector<1x16xf32>,
        %get3A_284 = vector.shape_cast %get3A_283 : vector<1x16xf32> to vector<16xf32>
        %swap3A_285 = arith.constant 1 : i32
        %swap3A_286 = arith.index_cast %swap3A_285 : i32 to index
        %swap3A_287 = arith.index_cast %scan3A_228 : i32 to index
        %swap3A_288 = arith.constant 0 : index
        %swap3A_289 = tpu.vector_load %arg8[%swap3A_286, %swap3A_287, %swap3A_288] {strides = array<i32>} : memref<4x50x64xf32, #tpu.memory_space<vmem>>, vector<1x1x16xf32>,
        %swap3A_290 = vector.shape_cast %swap3A_289 : vector<1x1x16xf32> to vector<16xf32>
        %swap3A_291 = vector.shape_cast %get3A_284 : vector<16xf32> to vector<1x1x16xf32>
        tpu.vector_store %arg8[%swap3A_286, %swap3A_287, %swap3A_288], %swap3A_291 {strides = array<i32>} : memref<4x50x64xf32, #tpu.memory_space<vmem>>, vector<1x1x16xf32>,
        %add3A_292 = arith.constant 50 : i32
        %add3A_293 = arith.addi %add3A_292, %scan3A_228 : i32
        %get3A_294 = arith.index_cast %add3A_293 : i32 to index
        %get3A_295 = arith.constant 16 : index
        %get3A_296 = tpu.vector_load %arg6[%get3A_294, %get3A_295] {strides = array<i32>} : memref<200x128xf32, #tpu.memory_space<vmem>>, vector<1x16xf32>,
        %get3A_297 = vector.shape_cast %get3A_296 : vector<1x16xf32> to vector<16xf32>
        %swap3A_298 = arith.constant 1 : i32
        %swap3A_299 = arith.index_cast %swap3A_298 : i32 to index
        %swap3A_300 = arith.index_cast %scan3A_228 : i32 to index
        %swap3A_301 = arith.constant 16 : index
        %swap3A_302 = tpu.vector_load %arg8[%swap3A_299, %swap3A_300, %swap3A_301] {strides = array<i32>} : memref<4x50x64xf32, #tpu.memory_space<vmem>>, vector<1x1x16xf32>,
        %swap3A_303 = vector.shape_cast %swap3A_302 : vector<1x1x16xf32> to vector<16xf32>
        %swap3A_304 = vector.shape_cast %get3A_297 : vector<16xf32> to vector<1x1x16xf32>
        tpu.vector_store %arg8[%swap3A_299, %swap3A_300, %swap3A_301], %swap3A_304 {strides = array<i32>} : memref<4x50x64xf32, #tpu.memory_space<vmem>>, vector<1x1x16xf32>,
        %add3A_305 = arith.constant 50 : i32
        %add3A_306 = arith.addi %add3A_305, %scan3A_228 : i32
        %get3A_307 = arith.index_cast %add3A_306 : i32 to index
        %get3A_308 = arith.constant 32 : index
        %get3A_309 = tpu.vector_load %arg6[%get3A_307, %get3A_308] {strides = array<i32>} : memref<200x128xf32, #tpu.memory_space<vmem>>, vector<1x16xf32>,
        %get3A_310 = vector.shape_cast %get3A_309 : vector<1x16xf32> to vector<16xf32>
        %swap3A_311 = arith.constant 1 : i32
        %swap3A_312 = arith.index_cast %swap3A_311 : i32 to index
        %swap3A_313 = arith.index_cast %scan3A_228 : i32 to index
        %swap3A_314 = arith.constant 32 : index
        %swap3A_315 = tpu.vector_load %arg8[%swap3A_312, %swap3A_313, %swap3A_314] {strides = array<i32>} : memref<4x50x64xf32, #tpu.memory_space<vmem>>, vector<1x1x16xf32>,
        %swap3A_316 = vector.shape_cast %swap3A_315 : vector<1x1x16xf32> to vector<16xf32>
        %swap3A_317 = vector.shape_cast %get3A_310 : vector<16xf32> to vector<1x1x16xf32>
        tpu.vector_store %arg8[%swap3A_312, %swap3A_313, %swap3A_314], %swap3A_317 {strides = array<i32>} : memref<4x50x64xf32, #tpu.memory_space<vmem>>, vector<1x1x16xf32>,
        %add3A_318 = arith.constant 50 : i32
        %add3A_319 = arith.addi %add3A_318, %scan3A_228 : i32
        %get3A_320 = arith.index_cast %add3A_319 : i32 to index
        %get3A_321 = arith.constant 48 : index
        %get3A_322 = tpu.vector_load %arg6[%get3A_320, %get3A_321] {strides = array<i32>} : memref<200x128xf32, #tpu.memory_space<vmem>>, vector<1x16xf32>,
        %get3A_323 = vector.shape_cast %get3A_322 : vector<1x16xf32> to vector<16xf32>
        %swap3A_324 = arith.constant 1 : i32
        %swap3A_325 = arith.index_cast %swap3A_324 : i32 to index
        %swap3A_326 = arith.index_cast %scan3A_228 : i32 to index
        %swap3A_327 = arith.constant 48 : index
        %swap3A_328 = tpu.vector_load %arg8[%swap3A_325, %swap3A_326, %swap3A_327] {strides = array<i32>} : memref<4x50x64xf32, #tpu.memory_space<vmem>>, vector<1x1x16xf32>,
        %swap3A_329 = vector.shape_cast %swap3A_328 : vector<1x1x16xf32> to vector<16xf32>
        %swap3A_330 = vector.shape_cast %get3A_323 : vector<16xf32> to vector<1x1x16xf32>
        tpu.vector_store %arg8[%swap3A_325, %swap3A_326, %swap3A_327], %swap3A_330 {strides = array<i32>} : memref<4x50x64xf32, #tpu.memory_space<vmem>>, vector<1x1x16xf32>,
        %add3A_331 = arith.constant 100 : i32
        %add3A_332 = arith.addi %add3A_331, %scan3A_228 : i32
        %get3A_333 = arith.index_cast %add3A_332 : i32 to index
        %get3A_334 = arith.constant 0 : index
        %get3A_335 = tpu.vector_load %arg6[%get3A_333, %get3A_334] {strides = array<i32>} : memref<200x128xf32, #tpu.memory_space<vmem>>, vector<1x16xf32>,
        %get3A_336 = vector.shape_cast %get3A_335 : vector<1x16xf32> to vector<16xf32>
        %swap3A_337 = arith.constant 2 : i32
        %swap3A_338 = arith.index_cast %swap3A_337 : i32 to index
        %swap3A_339 = arith.index_cast %scan3A_228 : i32 to index
        %swap3A_340 = arith.constant 0 : index
        %swap3A_341 = tpu.vector_load %arg8[%swap3A_338, %swap3A_339, %swap3A_340] {strides = array<i32>} : memref<4x50x64xf32, #tpu.memory_space<vmem>>, vector<1x1x16xf32>,
        %swap3A_342 = vector.shape_cast %swap3A_341 : vector<1x1x16xf32> to vector<16xf32>
        %swap3A_343 = vector.shape_cast %get3A_336 : vector<16xf32> to vector<1x1x16xf32>
        tpu.vector_store %arg8[%swap3A_338, %swap3A_339, %swap3A_340], %swap3A_343 {strides = array<i32>} : memref<4x50x64xf32, #tpu.memory_space<vmem>>, vector<1x1x16xf32>,
        %add3A_344 = arith.constant 100 : i32
        %add3A_345 = arith.addi %add3A_344, %scan3A_228 : i32
        %get3A_346 = arith.index_cast %add3A_345 : i32 to index
        %get3A_347 = arith.constant 16 : index
        %get3A_348 = tpu.vector_load %arg6[%get3A_346, %get3A_347] {strides = array<i32>} : memref<200x128xf32, #tpu.memory_space<vmem>>, vector<1x16xf32>,
        %get3A_349 = vector.shape_cast %get3A_348 : vector<1x16xf32> to vector<16xf32>
        %swap3A_350 = arith.constant 2 : i32
        %swap3A_351 = arith.index_cast %swap3A_350 : i32 to index
        %swap3A_352 = arith.index_cast %scan3A_228 : i32 to index
        %swap3A_353 = arith.constant 16 : index
        %swap3A_354 = tpu.vector_load %arg8[%swap3A_351, %swap3A_352, %swap3A_353] {strides = array<i32>} : memref<4x50x64xf32, #tpu.memory_space<vmem>>, vector<1x1x16xf32>,
        %swap3A_355 = vector.shape_cast %swap3A_354 : vector<1x1x16xf32> to vector<16xf32>
        %swap3A_356 = vector.shape_cast %get3A_349 : vector<16xf32> to vector<1x1x16xf32>
        tpu.vector_store %arg8[%swap3A_351, %swap3A_352, %swap3A_353], %swap3A_356 {strides = array<i32>} : memref<4x50x64xf32, #tpu.memory_space<vmem>>, vector<1x1x16xf32>,
        %add3A_357 = arith.constant 100 : i32
        %add3A_358 = arith.addi %add3A_357, %scan3A_228 : i32
        %get3A_359 = arith.index_cast %add3A_358 : i32 to index
        %get3A_360 = arith.constant 32 : index
        %get3A_361 = tpu.vector_load %arg6[%get3A_359, %get3A_360] {strides = array<i32>} : memref<200x128xf32, #tpu.memory_space<vmem>>, vector<1x16xf32>,
        %get3A_362 = vector.shape_cast %get3A_361 : vector<1x16xf32> to vector<16xf32>
        %swap3A_363 = arith.constant 2 : i32
        %swap3A_364 = arith.index_cast %swap3A_363 : i32 to index
        %swap3A_365 = arith.index_cast %scan3A_228 : i32 to index
        %swap3A_366 = arith.constant 32 : index
        %swap3A_367 = tpu.vector_load %arg8[%swap3A_364, %swap3A_365, %swap3A_366] {strides = array<i32>} : memref<4x50x64xf32, #tpu.memory_space<vmem>>, vector<1x1x16xf32>,
        %swap3A_368 = vector.shape_cast %swap3A_367 : vector<1x1x16xf32> to vector<16xf32>
        %swap3A_369 = vector.shape_cast %get3A_362 : vector<16xf32> to vector<1x1x16xf32>
        tpu.vector_store %arg8[%swap3A_364, %swap3A_365, %swap3A_366], %swap3A_369 {strides = array<i32>} : memref<4x50x64xf32, #tpu.memory_space<vmem>>, vector<1x1x16xf32>,
        %add3A_370 = arith.constant 100 : i32
        %add3A_371 = arith.addi %add3A_370, %scan3A_228 : i32
        %get3A_372 = arith.index_cast %add3A_371 : i32 to index
        %get3A_373 = arith.constant 48 : index
        %get3A_374 = tpu.vector_load %arg6[%get3A_372, %get3A_373] {strides = array<i32>} : memref<200x128xf32, #tpu.memory_space<vmem>>, vector<1x16xf32>,
        %get3A_375 = vector.shape_cast %get3A_374 : vector<1x16xf32> to vector<16xf32>
        %swap3A_376 = arith.constant 2 : i32
        %swap3A_377 = arith.index_cast %swap3A_376 : i32 to index
        %swap3A_378 = arith.index_cast %scan3A_228 : i32 to index
        %swap3A_379 = arith.constant 48 : index
        %swap3A_380 = tpu.vector_load %arg8[%swap3A_377, %swap3A_378, %swap3A_379] {strides = array<i32>} : memref<4x50x64xf32, #tpu.memory_space<vmem>>, vector<1x1x16xf32>,
        %swap3A_381 = vector.shape_cast %swap3A_380 : vector<1x1x16xf32> to vector<16xf32>
        %swap3A_382 = vector.shape_cast %get3A_375 : vector<16xf32> to vector<1x1x16xf32>
        tpu.vector_store %arg8[%swap3A_377, %swap3A_378, %swap3A_379], %swap3A_382 {strides = array<i32>} : memref<4x50x64xf32, #tpu.memory_space<vmem>>, vector<1x1x16xf32>,
        %add3A_383 = arith.constant 150 : i32
        %add3A_384 = arith.addi %add3A_383, %scan3A_228 : i32
        %get3A_385 = arith.index_cast %add3A_384 : i32 to index
        %get3A_386 = arith.constant 0 : index
        %get3A_387 = tpu.vector_load %arg6[%get3A_385, %get3A_386] {strides = array<i32>} : memref<200x128xf32, #tpu.memory_space<vmem>>, vector<1x16xf32>,
        %get3A_388 = vector.shape_cast %get3A_387 : vector<1x16xf32> to vector<16xf32>
        %swap3A_389 = arith.constant 3 : i32
        %swap3A_390 = arith.index_cast %swap3A_389 : i32 to index
        %swap3A_391 = arith.index_cast %scan3A_228 : i32 to index
        %swap3A_392 = arith.constant 0 : index
        %swap3A_393 = tpu.vector_load %arg8[%swap3A_390, %swap3A_391, %swap3A_392] {strides = array<i32>} : memref<4x50x64xf32, #tpu.memory_space<vmem>>, vector<1x1x16xf32>,
        %swap3A_394 = vector.shape_cast %swap3A_393 : vector<1x1x16xf32> to vector<16xf32>
        %swap3A_395 = vector.shape_cast %get3A_388 : vector<16xf32> to vector<1x1x16xf32>
        tpu.vector_store %arg8[%swap3A_390, %swap3A_391, %swap3A_392], %swap3A_395 {strides = array<i32>} : memref<4x50x64xf32, #tpu.memory_space<vmem>>, vector<1x1x16xf32>,
        %add3A_396 = arith.constant 150 : i32
        %add3A_397 = arith.addi %add3A_396, %scan3A_228 : i32
        %get3A_398 = arith.index_cast %add3A_397 : i32 to index
        %get3A_399 = arith.constant 16 : index
        %get3A_400 = tpu.vector_load %arg6[%get3A_398, %get3A_399] {strides = array<i32>} : memref<200x128xf32, #tpu.memory_space<vmem>>, vector<1x16xf32>,
        %get3A_401 = vector.shape_cast %get3A_400 : vector<1x16xf32> to vector<16xf32>
        %swap3A_402 = arith.constant 3 : i32
        %swap3A_403 = arith.index_cast %swap3A_402 : i32 to index
        %swap3A_404 = arith.index_cast %scan3A_228 : i32 to index
        %swap3A_405 = arith.constant 16 : index
        %swap3A_406 = tpu.vector_load %arg8[%swap3A_403, %swap3A_404, %swap3A_405] {strides = array<i32>} : memref<4x50x64xf32, #tpu.memory_space<vmem>>, vector<1x1x16xf32>,
        %swap3A_407 = vector.shape_cast %swap3A_406 : vector<1x1x16xf32> to vector<16xf32>
        %swap3A_408 = vector.shape_cast %get3A_401 : vector<16xf32> to vector<1x1x16xf32>
        tpu.vector_store %arg8[%swap3A_403, %swap3A_404, %swap3A_405], %swap3A_408 {strides = array<i32>} : memref<4x50x64xf32, #tpu.memory_space<vmem>>, vector<1x1x16xf32>,
        %add3A_409 = arith.constant 150 : i32
        %add3A_410 = arith.addi %add3A_409, %scan3A_228 : i32
        %get3A_411 = arith.index_cast %add3A_410 : i32 to index
        %get3A_412 = arith.constant 32 : index
        %get3A_413 = tpu.vector_load %arg6[%get3A_411, %get3A_412] {strides = array<i32>} : memref<200x128xf32, #tpu.memory_space<vmem>>, vector<1x16xf32>,
        %get3A_414 = vector.shape_cast %get3A_413 : vector<1x16xf32> to vector<16xf32>
        %swap3A_415 = arith.constant 3 : i32
        %swap3A_416 = arith.index_cast %swap3A_415 : i32 to index
        %swap3A_417 = arith.index_cast %scan3A_228 : i32 to index
        %swap3A_418 = arith.constant 32 : index
        %swap3A_419 = tpu.vector_load %arg8[%swap3A_416, %swap3A_417, %swap3A_418] {strides = array<i32>} : memref<4x50x64xf32, #tpu.memory_space<vmem>>, vector<1x1x16xf32>,
        %swap3A_420 = vector.shape_cast %swap3A_419 : vector<1x1x16xf32> to vector<16xf32>
        %swap3A_421 = vector.shape_cast %get3A_414 : vector<16xf32> to vector<1x1x16xf32>
        tpu.vector_store %arg8[%swap3A_416, %swap3A_417, %swap3A_418], %swap3A_421 {strides = array<i32>} : memref<4x50x64xf32, #tpu.memory_space<vmem>>, vector<1x1x16xf32>,
        %add3A_422 = arith.constant 150 : i32
        %add3A_423 = arith.addi %add3A_422, %scan3A_228 : i32
        %get3A_424 = arith.index_cast %add3A_423 : i32 to index
        %get3A_425 = arith.constant 48 : index
        %get3A_426 = tpu.vector_load %arg6[%get3A_424, %get3A_425] {strides = array<i32>} : memref<200x128xf32, #tpu.memory_space<vmem>>, vector<1x16xf32>,
        %get3A_427 = vector.shape_cast %get3A_426 : vector<1x16xf32> to vector<16xf32>
        %swap3A_428 = arith.constant 3 : i32
        %swap3A_429 = arith.index_cast %swap3A_428 : i32 to index
        %swap3A_430 = arith.index_cast %scan3A_228 : i32 to index
        %swap3A_431 = arith.constant 48 : index
        %swap3A_432 = tpu.vector_load %arg8[%swap3A_429, %swap3A_430, %swap3A_431] {strides = array<i32>} : memref<4x50x64xf32, #tpu.memory_space<vmem>>, vector<1x1x16xf32>,
        %swap3A_433 = vector.shape_cast %swap3A_432 : vector<1x1x16xf32> to vector<16xf32>
        %swap3A_434 = vector.shape_cast %get3A_427 : vector<16xf32> to vector<1x1x16xf32>
        tpu.vector_store %arg8[%swap3A_429, %swap3A_430, %swap3A_431], %swap3A_434 {strides = array<i32>} : memref<4x50x64xf32, #tpu.memory_space<vmem>>, vector<1x1x16xf32>,
      }
      %scan3A_164 = arith.constant 50 : i32
      %mul3A_165 = arith.constant 4 : i32
      %mul3A_166 = arith.muli %add3A_142, %mul3A_165 : i32
      %add3A_167 = arith.addi %mul3A_2, %mul3A_166 : i32
      %dma_start3A_168 = arith.constant 0 : i32
      %dma_start3A_169 = arith.constant 0 : i32
      %dma_start3A_170 = tpu.memref_slice %arg4[%add3A_167, %dma_start3A_168, %dma_start3A_169] : memref<16384x50x64xf32, #tpu.memory_space<hbm>> -> memref<4x50x64xf32, #tpu.memory_space<hbm>>
      %dma_start3A_171 = arith.constant 0 : i32
      %dma_start3A_172 = arith.constant 0 : i32
      %dma_start3A_173 = tpu.memref_slice %arg4[%add3A_167, %dma_start3A_171, %dma_start3A_172] : memref<16384x50x64xf32, #tpu.memory_space<hbm>> -> memref<4x50x64xf32, #tpu.memory_space<hbm>>
      tpu.enqueue_dma source(%arg8 : memref<4x50x64xf32, #tpu.memory_space<vmem>>) target(%dma_start3A_173 : memref<4x50x64xf32, #tpu.memory_space<hbm>>) target_semaphore(%arg11 : memref<!tpu.dma_semaphore, #tpu.memory_space<semaphore_mem>>)
      %add3A_174 = arith.constant 2 : i32
      %add3A_175 = arith.addi %add3A_142, %add3A_174 : i32
      %mul3A_176 = arith.constant 200 : i32
      %mul3A_177 = arith.muli %add3A_175, %mul3A_176 : i32
      %dma_start3A_178 = tpu.memref_slice %arg5[%mul3A_177] : memref<25600xi32, #tpu.memory_space<vmem>> -> memref<200xi32, #tpu.memory_space<vmem>>
      %dma_start3A_179 = arith.constant 0 : i32
      %dma_start3A_180 = arith.constant 0 : i32
      %dma_start3A_181 = tpu.memref_slice %arg3[%dma_start3A_179, %dma_start3A_180] : memref<1000000x128xf32, #tpu.memory_space<hbm>> -> memref<1000000x128xf32, #tpu.memory_space<hbm>>
      tpu.enqueue_indirect_dma source(%dma_start3A_181 : memref<1000000x128xf32, #tpu.memory_space<hbm>>) target(%arg6 : memref<200x128xf32, #tpu.memory_space<vmem>>) offsets(%dma_start3A_178 : memref<200xi32, #tpu.memory_space<vmem>>) semaphore(%arg9 : memref<!tpu.dma_semaphore, #tpu.memory_space<semaphore_mem>>)
      %mul3A_182 = arith.constant 2 : i32
      %mul3A_183 = arith.muli %mul3A_182, %scan3A_136 : i32
      %add3A_184 = arith.constant 2 : i32
      %add3A_185 = arith.addi %add3A_184, %mul3A_183 : i32
      %add3A_186 = arith.constant 1 : i32
      %add3A_187 = arith.addi %add3A_185, %add3A_186 : i32
      %mul3A_188 = arith.constant 200 : i32
      %mul3A_189 = arith.muli %add3A_187, %mul3A_188 : i32
      %dma_wait3A_190 = tpu.memref_slice %arg5[%mul3A_189] : memref<25600xi32, #tpu.memory_space<vmem>> -> memref<200xi32, #tpu.memory_space<vmem>>
      %dma_wait3A_191 = arith.constant 0 : i32
      %dma_wait3A_192 = arith.constant 0 : i32
      %dma_wait3A_193 = tpu.memref_slice %arg3[%dma_wait3A_191, %dma_wait3A_192] : memref<1000000x128xf32, #tpu.memory_space<hbm>> -> memref<1000000x128xf32, #tpu.memory_space<hbm>>
      tpu.wait_indirect_dma semaphore(%arg10 : memref<!tpu.dma_semaphore, #tpu.memory_space<semaphore_mem>>) src(%dma_wait3A_193 : memref<1000000x128xf32, #tpu.memory_space<hbm>>) dst(%arg7 : memref<200x128xf32, #tpu.memory_space<vmem>>)
      %sub3A_194 = arith.constant 1 : i32
      %sub3A_195 = arith.subi %add3A_187, %sub3A_194 : i32
      %mul3A_196 = arith.constant 4 : i32
      %mul3A_197 = arith.muli %sub3A_195, %mul3A_196 : i32
      %add3A_198 = arith.addi %mul3A_2, %mul3A_197 : i32
      %dma_wait3A_199 = arith.constant 0 : i32
      %dma_wait3A_200 = arith.constant 0 : i32
      %dma_wait3A_201 = tpu.memref_slice %arg4[%add3A_198, %dma_wait3A_199, %dma_wait3A_200] : memref<16384x50x64xf32, #tpu.memory_space<hbm>> -> memref<4x50x64xf32, #tpu.memory_space<hbm>>
      %dma_wait3A_202 = arith.constant 0 : i32
      %dma_wait3A_203 = arith.constant 0 : i32
      %dma_wait3A_204 = tpu.memref_slice %arg4[%add3A_198, %dma_wait3A_202, %dma_wait3A_203] : memref<16384x50x64xf32, #tpu.memory_space<hbm>> -> memref<4x50x64xf32, #tpu.memory_space<hbm>>
      tpu.wait_dma2 semaphore(%arg11 : memref<!tpu.dma_semaphore, #tpu.memory_space<semaphore_mem>>) src(%arg8 : memref<4x50x64xf32, #tpu.memory_space<vmem>>) dst(%dma_wait3A_204 : memref<4x50x64xf32, #tpu.memory_space<hbm>>)
      %scan3A_205 = arith.constant 0 : i32
      %scan3A_206 = arith.constant 0 : i32
      %scan3A_207 = arith.constant 50 : i32
      %scan3A_208 = arith.addi %scan3A_206, %scan3A_207 : i32
      %scan3A_209 = arith.constant 1 : i32
      scf.for %scan3A_228 = %scan3A_206 to %scan3A_208 step %scan3A_209  : i32 {
        %add3A_229 = arith.constant 0 : i32
        %add3A_230 = arith.addi %add3A_229, %scan3A_228 : i32
        %get3A = arith.index_cast %add3A_230 : i32 to index
        %get3A_231 = arith.constant 0 : index
        %get3A_232 = tpu.vector_load %arg7[%get3A, %get3A_231] {strides = array<i32>} : memref<200x128xf32, #tpu.memory_space<vmem>>, vector<1x16xf32>,
        %get3A_233 = vector.shape_cast %get3A_232 : vector<1x16xf32> to vector<16xf32>
        %swap3A = arith.constant 0 : i32
        %swap3A_234 = arith.index_cast %swap3A : i32 to index
        %swap3A_235 = arith.index_cast %scan3A_228 : i32 to index
        %swap3A_236 = arith.constant 0 : index
        %swap3A_237 = tpu.vector_load %arg8[%swap3A_234, %swap3A_235, %swap3A_236] {strides = array<i32>} : memref<4x50x64xf32, #tpu.memory_space<vmem>>, vector<1x1x16xf32>,
        %swap3A_238 = vector.shape_cast %swap3A_237 : vector<1x1x16xf32> to vector<16xf32>
        %swap3A_239 = vector.shape_cast %get3A_233 : vector<16xf32> to vector<1x1x16xf32>
        tpu.vector_store %arg8[%swap3A_234, %swap3A_235, %swap3A_236], %swap3A_239 {strides = array<i32>} : memref<4x50x64xf32, #tpu.memory_space<vmem>>, vector<1x1x16xf32>,
        %add3A_240 = arith.constant 0 : i32
        %add3A_241 = arith.addi %add3A_240, %scan3A_228 : i32
        %get3A_242 = arith.index_cast %add3A_241 : i32 to index
        %get3A_243 = arith.constant 16 : index
        %get3A_244 = tpu.vector_load %arg7[%get3A_242, %get3A_243] {strides = array<i32>} : memref<200x128xf32, #tpu.memory_space<vmem>>, vector<1x16xf32>,
        %get3A_245 = vector.shape_cast %get3A_244 : vector<1x16xf32> to vector<16xf32>
        %swap3A_246 = arith.constant 0 : i32
        %swap3A_247 = arith.index_cast %swap3A_246 : i32 to index
        %swap3A_248 = arith.index_cast %scan3A_228 : i32 to index
        %swap3A_249 = arith.constant 16 : index
        %swap3A_250 = tpu.vector_load %arg8[%swap3A_247, %swap3A_248, %swap3A_249] {strides = array<i32>} : memref<4x50x64xf32, #tpu.memory_space<vmem>>, vector<1x1x16xf32>,
        %swap3A_251 = vector.shape_cast %swap3A_250 : vector<1x1x16xf32> to vector<16xf32>
        %swap3A_252 = vector.shape_cast %get3A_245 : vector<16xf32> to vector<1x1x16xf32>
        tpu.vector_store %arg8[%swap3A_247, %swap3A_248, %swap3A_249], %swap3A_252 {strides = array<i32>} : memref<4x50x64xf32, #tpu.memory_space<vmem>>, vector<1x1x16xf32>,
        %add3A_253 = arith.constant 0 : i32
        %add3A_254 = arith.addi %add3A_253, %scan3A_228 : i32
        %get3A_255 = arith.index_cast %add3A_254 : i32 to index
        %get3A_256 = arith.constant 32 : index
        %get3A_257 = tpu.vector_load %arg7[%get3A_255, %get3A_256] {strides = array<i32>} : memref<200x128xf32, #tpu.memory_space<vmem>>, vector<1x16xf32>,
        %get3A_258 = vector.shape_cast %get3A_257 : vector<1x16xf32> to vector<16xf32>
        %swap3A_259 = arith.constant 0 : i32
        %swap3A_260 = arith.index_cast %swap3A_259 : i32 to index
        %swap3A_261 = arith.index_cast %scan3A_228 : i32 to index
        %swap3A_262 = arith.constant 32 : index
        %swap3A_263 = tpu.vector_load %arg8[%swap3A_260, %swap3A_261, %swap3A_262] {strides = array<i32>} : memref<4x50x64xf32, #tpu.memory_space<vmem>>, vector<1x1x16xf32>,
        %swap3A_264 = vector.shape_cast %swap3A_263 : vector<1x1x16xf32> to vector<16xf32>
        %swap3A_265 = vector.shape_cast %get3A_258 : vector<16xf32> to vector<1x1x16xf32>
        tpu.vector_store %arg8[%swap3A_260, %swap3A_261, %swap3A_262], %swap3A_265 {strides = array<i32>} : memref<4x50x64xf32, #tpu.memory_space<vmem>>, vector<1x1x16xf32>,
        %add3A_266 = arith.constant 0 : i32
        %add3A_267 = arith.addi %add3A_266, %scan3A_228 : i32
        %get3A_268 = arith.index_cast %add3A_267 : i32 to index
        %get3A_269 = arith.constant 48 : index
        %get3A_270 = tpu.vector_load %arg7[%get3A_268, %get3A_269] {strides = array<i32>} : memref<200x128xf32, #tpu.memory_space<vmem>>, vector<1x16xf32>,
        %get3A_271 = vector.shape_cast %get3A_270 : vector<1x16xf32> to vector<16xf32>
        %swap3A_272 = arith.constant 0 : i32
        %swap3A_273 = arith.index_cast %swap3A_272 : i32 to index
        %swap3A_274 = arith.index_cast %scan3A_228 : i32 to index
        %swap3A_275 = arith.constant 48 : index
        %swap3A_276 = tpu.vector_load %arg8[%swap3A_273, %swap3A_274, %swap3A_275] {strides = array<i32>} : memref<4x50x64xf32, #tpu.memory_space<vmem>>, vector<1x1x16xf32>,
        %swap3A_277 = vector.shape_cast %swap3A_276 : vector<1x1x16xf32> to vector<16xf32>
        %swap3A_278 = vector.shape_cast %get3A_271 : vector<16xf32> to vector<1x1x16xf32>
        tpu.vector_store %arg8[%swap3A_273, %swap3A_274, %swap3A_275], %swap3A_278 {strides = array<i32>} : memref<4x50x64xf32, #tpu.memory_space<vmem>>, vector<1x1x16xf32>,
        %add3A_279 = arith.constant 50 : i32
        %add3A_280 = arith.addi %add3A_279, %scan3A_228 : i32
        %get3A_281 = arith.index_cast %add3A_280 : i32 to index
        %get3A_282 = arith.constant 0 : index
        %get3A_283 = tpu.vector_load %arg7[%get3A_281, %get3A_282] {strides = array<i32>} : memref<200x128xf32, #tpu.memory_space<vmem>>, vector<1x16xf32>,
        %get3A_284 = vector.shape_cast %get3A_283 : vector<1x16xf32> to vector<16xf32>
        %swap3A_285 = arith.constant 1 : i32
        %swap3A_286 = arith.index_cast %swap3A_285 : i32 to index
        %swap3A_287 = arith.index_cast %scan3A_228 : i32 to index
        %swap3A_288 = arith.constant 0 : index
        %swap3A_289 = tpu.vector_load %arg8[%swap3A_286, %swap3A_287, %swap3A_288] {strides = array<i32>} : memref<4x50x64xf32, #tpu.memory_space<vmem>>, vector<1x1x16xf32>,
        %swap3A_290 = vector.shape_cast %swap3A_289 : vector<1x1x16xf32> to vector<16xf32>
        %swap3A_291 = vector.shape_cast %get3A_284 : vector<16xf32> to vector<1x1x16xf32>
        tpu.vector_store %arg8[%swap3A_286, %swap3A_287, %swap3A_288], %swap3A_291 {strides = array<i32>} : memref<4x50x64xf32, #tpu.memory_space<vmem>>, vector<1x1x16xf32>,
        %add3A_292 = arith.constant 50 : i32
        %add3A_293 = arith.addi %add3A_292, %scan3A_228 : i32
        %get3A_294 = arith.index_cast %add3A_293 : i32 to index
        %get3A_295 = arith.constant 16 : index
        %get3A_296 = tpu.vector_load %arg7[%get3A_294, %get3A_295] {strides = array<i32>} : memref<200x128xf32, #tpu.memory_space<vmem>>, vector<1x16xf32>,
        %get3A_297 = vector.shape_cast %get3A_296 : vector<1x16xf32> to vector<16xf32>
        %swap3A_298 = arith.constant 1 : i32
        %swap3A_299 = arith.index_cast %swap3A_298 : i32 to index
        %swap3A_300 = arith.index_cast %scan3A_228 : i32 to index
        %swap3A_301 = arith.constant 16 : index
        %swap3A_302 = tpu.vector_load %arg8[%swap3A_299, %swap3A_300, %swap3A_301] {strides = array<i32>} : memref<4x50x64xf32, #tpu.memory_space<vmem>>, vector<1x1x16xf32>,
        %swap3A_303 = vector.shape_cast %swap3A_302 : vector<1x1x16xf32> to vector<16xf32>
        %swap3A_304 = vector.shape_cast %get3A_297 : vector<16xf32> to vector<1x1x16xf32>
        tpu.vector_store %arg8[%swap3A_299, %swap3A_300, %swap3A_301], %swap3A_304 {strides = array<i32>} : memref<4x50x64xf32, #tpu.memory_space<vmem>>, vector<1x1x16xf32>,
        %add3A_305 = arith.constant 50 : i32
        %add3A_306 = arith.addi %add3A_305, %scan3A_228 : i32
        %get3A_307 = arith.index_cast %add3A_306 : i32 to index
        %get3A_308 = arith.constant 32 : index
        %get3A_309 = tpu.vector_load %arg7[%get3A_307, %get3A_308] {strides = array<i32>} : memref<200x128xf32, #tpu.memory_space<vmem>>, vector<1x16xf32>,
        %get3A_310 = vector.shape_cast %get3A_309 : vector<1x16xf32> to vector<16xf32>
        %swap3A_311 = arith.constant 1 : i32
        %swap3A_312 = arith.index_cast %swap3A_311 : i32 to index
        %swap3A_313 = arith.index_cast %scan3A_228 : i32 to index
        %swap3A_314 = arith.constant 32 : index
        %swap3A_315 = tpu.vector_load %arg8[%swap3A_312, %swap3A_313, %swap3A_314] {strides = array<i32>} : memref<4x50x64xf32, #tpu.memory_space<vmem>>, vector<1x1x16xf32>,
        %swap3A_316 = vector.shape_cast %swap3A_315 : vector<1x1x16xf32> to vector<16xf32>
        %swap3A_317 = vector.shape_cast %get3A_310 : vector<16xf32> to vector<1x1x16xf32>
        tpu.vector_store %arg8[%swap3A_312, %swap3A_313, %swap3A_314], %swap3A_317 {strides = array<i32>} : memref<4x50x64xf32, #tpu.memory_space<vmem>>, vector<1x1x16xf32>,
        %add3A_318 = arith.constant 50 : i32
        %add3A_319 = arith.addi %add3A_318, %scan3A_228 : i32
        %get3A_320 = arith.index_cast %add3A_319 : i32 to index
        %get3A_321 = arith.constant 48 : index
        %get3A_322 = tpu.vector_load %arg7[%get3A_320, %get3A_321] {strides = array<i32>} : memref<200x128xf32, #tpu.memory_space<vmem>>, vector<1x16xf32>,
        %get3A_323 = vector.shape_cast %get3A_322 : vector<1x16xf32> to vector<16xf32>
        %swap3A_324 = arith.constant 1 : i32
        %swap3A_325 = arith.index_cast %swap3A_324 : i32 to index
        %swap3A_326 = arith.index_cast %scan3A_228 : i32 to index
        %swap3A_327 = arith.constant 48 : index
        %swap3A_328 = tpu.vector_load %arg8[%swap3A_325, %swap3A_326, %swap3A_327] {strides = array<i32>} : memref<4x50x64xf32, #tpu.memory_space<vmem>>, vector<1x1x16xf32>,
        %swap3A_329 = vector.shape_cast %swap3A_328 : vector<1x1x16xf32> to vector<16xf32>
        %swap3A_330 = vector.shape_cast %get3A_323 : vector<16xf32> to vector<1x1x16xf32>
        tpu.vector_store %arg8[%swap3A_325, %swap3A_326, %swap3A_327], %swap3A_330 {strides = array<i32>} : memref<4x50x64xf32, #tpu.memory_space<vmem>>, vector<1x1x16xf32>,
        %add3A_331 = arith.constant 100 : i32
        %add3A_332 = arith.addi %add3A_331, %scan3A_228 : i32
        %get3A_333 = arith.index_cast %add3A_332 : i32 to index
        %get3A_334 = arith.constant 0 : index
        %get3A_335 = tpu.vector_load %arg7[%get3A_333, %get3A_334] {strides = array<i32>} : memref<200x128xf32, #tpu.memory_space<vmem>>, vector<1x16xf32>,
        %get3A_336 = vector.shape_cast %get3A_335 : vector<1x16xf32> to vector<16xf32>
        %swap3A_337 = arith.constant 2 : i32
        %swap3A_338 = arith.index_cast %swap3A_337 : i32 to index
        %swap3A_339 = arith.index_cast %scan3A_228 : i32 to index
        %swap3A_340 = arith.constant 0 : index
        %swap3A_341 = tpu.vector_load %arg8[%swap3A_338, %swap3A_339, %swap3A_340] {strides = array<i32>} : memref<4x50x64xf32, #tpu.memory_space<vmem>>, vector<1x1x16xf32>,
        %swap3A_342 = vector.shape_cast %swap3A_341 : vector<1x1x16xf32> to vector<16xf32>
        %swap3A_343 = vector.shape_cast %get3A_336 : vector<16xf32> to vector<1x1x16xf32>
        tpu.vector_store %arg8[%swap3A_338, %swap3A_339, %swap3A_340], %swap3A_343 {strides = array<i32>} : memref<4x50x64xf32, #tpu.memory_space<vmem>>, vector<1x1x16xf32>,
        %add3A_344 = arith.constant 100 : i32
        %add3A_345 = arith.addi %add3A_344, %scan3A_228 : i32
        %get3A_346 = arith.index_cast %add3A_345 : i32 to index
        %get3A_347 = arith.constant 16 : index
        %get3A_348 = tpu.vector_load %arg7[%get3A_346, %get3A_347] {strides = array<i32>} : memref<200x128xf32, #tpu.memory_space<vmem>>, vector<1x16xf32>,
        %get3A_349 = vector.shape_cast %get3A_348 : vector<1x16xf32> to vector<16xf32>
        %swap3A_350 = arith.constant 2 : i32
        %swap3A_351 = arith.index_cast %swap3A_350 : i32 to index
        %swap3A_352 = arith.index_cast %scan3A_228 : i32 to index
        %swap3A_353 = arith.constant 16 : index
        %swap3A_354 = tpu.vector_load %arg8[%swap3A_351, %swap3A_352, %swap3A_353] {strides = array<i32>} : memref<4x50x64xf32, #tpu.memory_space<vmem>>, vector<1x1x16xf32>,
        %swap3A_355 = vector.shape_cast %swap3A_354 : vector<1x1x16xf32> to vector<16xf32>
        %swap3A_356 = vector.shape_cast %get3A_349 : vector<16xf32> to vector<1x1x16xf32>
        tpu.vector_store %arg8[%swap3A_351, %swap3A_352, %swap3A_353], %swap3A_356 {strides = array<i32>} : memref<4x50x64xf32, #tpu.memory_space<vmem>>, vector<1x1x16xf32>,
        %add3A_357 = arith.constant 100 : i32
        %add3A_358 = arith.addi %add3A_357, %scan3A_228 : i32
        %get3A_359 = arith.index_cast %add3A_358 : i32 to index
        %get3A_360 = arith.constant 32 : index
        %get3A_361 = tpu.vector_load %arg7[%get3A_359, %get3A_360] {strides = array<i32>} : memref<200x128xf32, #tpu.memory_space<vmem>>, vector<1x16xf32>,
        %get3A_362 = vector.shape_cast %get3A_361 : vector<1x16xf32> to vector<16xf32>
        %swap3A_363 = arith.constant 2 : i32
        %swap3A_364 = arith.index_cast %swap3A_363 : i32 to index
        %swap3A_365 = arith.index_cast %scan3A_228 : i32 to index
        %swap3A_366 = arith.constant 32 : index
        %swap3A_367 = tpu.vector_load %arg8[%swap3A_364, %swap3A_365, %swap3A_366] {strides = array<i32>} : memref<4x50x64xf32, #tpu.memory_space<vmem>>, vector<1x1x16xf32>,
        %swap3A_368 = vector.shape_cast %swap3A_367 : vector<1x1x16xf32> to vector<16xf32>
        %swap3A_369 = vector.shape_cast %get3A_362 : vector<16xf32> to vector<1x1x16xf32>
        tpu.vector_store %arg8[%swap3A_364, %swap3A_365, %swap3A_366], %swap3A_369 {strides = array<i32>} : memref<4x50x64xf32, #tpu.memory_space<vmem>>, vector<1x1x16xf32>,
        %add3A_370 = arith.constant 100 : i32
        %add3A_371 = arith.addi %add3A_370, %scan3A_228 : i32
        %get3A_372 = arith.index_cast %add3A_371 : i32 to index
        %get3A_373 = arith.constant 48 : index
        %get3A_374 = tpu.vector_load %arg7[%get3A_372, %get3A_373] {strides = array<i32>} : memref<200x128xf32, #tpu.memory_space<vmem>>, vector<1x16xf32>,
        %get3A_375 = vector.shape_cast %get3A_374 : vector<1x16xf32> to vector<16xf32>
        %swap3A_376 = arith.constant 2 : i32
        %swap3A_377 = arith.index_cast %swap3A_376 : i32 to index
        %swap3A_378 = arith.index_cast %scan3A_228 : i32 to index
        %swap3A_379 = arith.constant 48 : index
        %swap3A_380 = tpu.vector_load %arg8[%swap3A_377, %swap3A_378, %swap3A_379] {strides = array<i32>} : memref<4x50x64xf32, #tpu.memory_space<vmem>>, vector<1x1x16xf32>,
        %swap3A_381 = vector.shape_cast %swap3A_380 : vector<1x1x16xf32> to vector<16xf32>
        %swap3A_382 = vector.shape_cast %get3A_375 : vector<16xf32> to vector<1x1x16xf32>
        tpu.vector_store %arg8[%swap3A_377, %swap3A_378, %swap3A_379], %swap3A_382 {strides = array<i32>} : memref<4x50x64xf32, #tpu.memory_space<vmem>>, vector<1x1x16xf32>,
        %add3A_383 = arith.constant 150 : i32
        %add3A_384 = arith.addi %add3A_383, %scan3A_228 : i32
        %get3A_385 = arith.index_cast %add3A_384 : i32 to index
        %get3A_386 = arith.constant 0 : index
        %get3A_387 = tpu.vector_load %arg7[%get3A_385, %get3A_386] {strides = array<i32>} : memref<200x128xf32, #tpu.memory_space<vmem>>, vector<1x16xf32>,
        %get3A_388 = vector.shape_cast %get3A_387 : vector<1x16xf32> to vector<16xf32>
        %swap3A_389 = arith.constant 3 : i32
        %swap3A_390 = arith.index_cast %swap3A_389 : i32 to index
        %swap3A_391 = arith.index_cast %scan3A_228 : i32 to index
        %swap3A_392 = arith.constant 0 : index
        %swap3A_393 = tpu.vector_load %arg8[%swap3A_390, %swap3A_391, %swap3A_392] {strides = array<i32>} : memref<4x50x64xf32, #tpu.memory_space<vmem>>, vector<1x1x16xf32>,
        %swap3A_394 = vector.shape_cast %swap3A_393 : vector<1x1x16xf32> to vector<16xf32>
        %swap3A_395 = vector.shape_cast %get3A_388 : vector<16xf32> to vector<1x1x16xf32>
        tpu.vector_store %arg8[%swap3A_390, %swap3A_391, %swap3A_392], %swap3A_395 {strides = array<i32>} : memref<4x50x64xf32, #tpu.memory_space<vmem>>, vector<1x1x16xf32>,
        %add3A_396 = arith.constant 150 : i32
        %add3A_397 = arith.addi %add3A_396, %scan3A_228 : i32
        %get3A_398 = arith.index_cast %add3A_397 : i32 to index
        %get3A_399 = arith.constant 16 : index
        %get3A_400 = tpu.vector_load %arg7[%get3A_398, %get3A_399] {strides = array<i32>} : memref<200x128xf32, #tpu.memory_space<vmem>>, vector<1x16xf32>,
        %get3A_401 = vector.shape_cast %get3A_400 : vector<1x16xf32> to vector<16xf32>
        %swap3A_402 = arith.constant 3 : i32
        %swap3A_403 = arith.index_cast %swap3A_402 : i32 to index
        %swap3A_404 = arith.index_cast %scan3A_228 : i32 to index
        %swap3A_405 = arith.constant 16 : index
        %swap3A_406 = tpu.vector_load %arg8[%swap3A_403, %swap3A_404, %swap3A_405] {strides = array<i32>} : memref<4x50x64xf32, #tpu.memory_space<vmem>>, vector<1x1x16xf32>,
        %swap3A_407 = vector.shape_cast %swap3A_406 : vector<1x1x16xf32> to vector<16xf32>
        %swap3A_408 = vector.shape_cast %get3A_401 : vector<16xf32> to vector<1x1x16xf32>
        tpu.vector_store %arg8[%swap3A_403, %swap3A_404, %swap3A_405], %swap3A_408 {strides = array<i32>} : memref<4x50x64xf32, #tpu.memory_space<vmem>>, vector<1x1x16xf32>,
        %add3A_409 = arith.constant 150 : i32
        %add3A_410 = arith.addi %add3A_409, %scan3A_228 : i32
        %get3A_411 = arith.index_cast %add3A_410 : i32 to index
        %get3A_412 = arith.constant 32 : index
        %get3A_413 = tpu.vector_load %arg7[%get3A_411, %get3A_412] {strides = array<i32>} : memref<200x128xf32, #tpu.memory_space<vmem>>, vector<1x16xf32>,
        %get3A_414 = vector.shape_cast %get3A_413 : vector<1x16xf32> to vector<16xf32>
        %swap3A_415 = arith.constant 3 : i32
        %swap3A_416 = arith.index_cast %swap3A_415 : i32 to index
        %swap3A_417 = arith.index_cast %scan3A_228 : i32 to index
        %swap3A_418 = arith.constant 32 : index
        %swap3A_419 = tpu.vector_load %arg8[%swap3A_416, %swap3A_417, %swap3A_418] {strides = array<i32>} : memref<4x50x64xf32, #tpu.memory_space<vmem>>, vector<1x1x16xf32>,
        %swap3A_420 = vector.shape_cast %swap3A_419 : vector<1x1x16xf32> to vector<16xf32>
        %swap3A_421 = vector.shape_cast %get3A_414 : vector<16xf32> to vector<1x1x16xf32>
        tpu.vector_store %arg8[%swap3A_416, %swap3A_417, %swap3A_418], %swap3A_421 {strides = array<i32>} : memref<4x50x64xf32, #tpu.memory_space<vmem>>, vector<1x1x16xf32>,
        %add3A_422 = arith.constant 150 : i32
        %add3A_423 = arith.addi %add3A_422, %scan3A_228 : i32
        %get3A_424 = arith.index_cast %add3A_423 : i32 to index
        %get3A_425 = arith.constant 48 : index
        %get3A_426 = tpu.vector_load %arg7[%get3A_424, %get3A_425] {strides = array<i32>} : memref<200x128xf32, #tpu.memory_space<vmem>>, vector<1x16xf32>,
        %get3A_427 = vector.shape_cast %get3A_426 : vector<1x16xf32> to vector<16xf32>
        %swap3A_428 = arith.constant 3 : i32
        %swap3A_429 = arith.index_cast %swap3A_428 : i32 to index
        %swap3A_430 = arith.index_cast %scan3A_228 : i32 to index
        %swap3A_431 = arith.constant 48 : index
        %swap3A_432 = tpu.vector_load %arg8[%swap3A_429, %swap3A_430, %swap3A_431] {strides = array<i32>} : memref<4x50x64xf32, #tpu.memory_space<vmem>>, vector<1x1x16xf32>,
        %swap3A_433 = vector.shape_cast %swap3A_432 : vector<1x1x16xf32> to vector<16xf32>
        %swap3A_434 = vector.shape_cast %get3A_427 : vector<16xf32> to vector<1x1x16xf32>
        tpu.vector_store %arg8[%swap3A_429, %swap3A_430, %swap3A_431], %swap3A_434 {strides = array<i32>} : memref<4x50x64xf32, #tpu.memory_space<vmem>>, vector<1x1x16xf32>,
      }
      %scan3A_210 = arith.constant 50 : i32
      %mul3A_211 = arith.constant 4 : i32
      %mul3A_212 = arith.muli %add3A_187, %mul3A_211 : i32
      %add3A_213 = arith.addi %mul3A_2, %mul3A_212 : i32
      %dma_start3A_214 = arith.constant 0 : i32
      %dma_start3A_215 = arith.constant 0 : i32
      %dma_start3A_216 = tpu.memref_slice %arg4[%add3A_213, %dma_start3A_214, %dma_start3A_215] : memref<16384x50x64xf32, #tpu.memory_space<hbm>> -> memref<4x50x64xf32, #tpu.memory_space<hbm>>
      %dma_start3A_217 = arith.constant 0 : i32
      %dma_start3A_218 = arith.constant 0 : i32
      %dma_start3A_219 = tpu.memref_slice %arg4[%add3A_213, %dma_start3A_217, %dma_start3A_218] : memref<16384x50x64xf32, #tpu.memory_space<hbm>> -> memref<4x50x64xf32, #tpu.memory_space<hbm>>
      tpu.enqueue_dma source(%arg8 : memref<4x50x64xf32, #tpu.memory_space<vmem>>) target(%dma_start3A_219 : memref<4x50x64xf32, #tpu.memory_space<hbm>>) target_semaphore(%arg11 : memref<!tpu.dma_semaphore, #tpu.memory_space<semaphore_mem>>)
      %add3A_220 = arith.constant 2 : i32
      %add3A_221 = arith.addi %add3A_187, %add3A_220 : i32
      %mul3A_222 = arith.constant 200 : i32
      %mul3A_223 = arith.muli %add3A_221, %mul3A_222 : i32
      %dma_start3A_224 = tpu.memref_slice %arg5[%mul3A_223] : memref<25600xi32, #tpu.memory_space<vmem>> -> memref<200xi32, #tpu.memory_space<vmem>>
      %dma_start3A_225 = arith.constant 0 : i32
      %dma_start3A_226 = arith.constant 0 : i32
      %dma_start3A_227 = tpu.memref_slice %arg3[%dma_start3A_225, %dma_start3A_226] : memref<1000000x128xf32, #tpu.memory_space<hbm>> -> memref<1000000x128xf32, #tpu.memory_space<hbm>>
      tpu.enqueue_indirect_dma source(%dma_start3A_227 : memref<1000000x128xf32, #tpu.memory_space<hbm>>) target(%arg7 : memref<200x128xf32, #tpu.memory_space<vmem>>) offsets(%dma_start3A_224 : memref<200xi32, #tpu.memory_space<vmem>>) semaphore(%arg10 : memref<!tpu.dma_semaphore, #tpu.memory_space<semaphore_mem>>)
    }
    %scan3A_73 = arith.constant 62 : i32
    %dma_wait3A_74 = arith.constant 25200 : i32
    %dma_wait3A_75 = tpu.memref_slice %arg5[%dma_wait3A_74] : memref<25600xi32, #tpu.memory_space<vmem>> -> memref<200xi32, #tpu.memory_space<vmem>>
    %dma_wait3A_76 = arith.constant 0 : i32
    %dma_wait3A_77 = arith.constant 0 : i32
    %dma_wait3A_78 = tpu.memref_slice %arg3[%dma_wait3A_76, %dma_wait3A_77] : memref<1000000x128xf32, #tpu.memory_space<hbm>> -> memref<1000000x128xf32, #tpu.memory_space<hbm>>
    tpu.wait_indirect_dma semaphore(%arg9 : memref<!tpu.dma_semaphore, #tpu.memory_space<semaphore_mem>>) src(%dma_wait3A_78 : memref<1000000x128xf32, #tpu.memory_space<hbm>>) dst(%arg6 : memref<200x128xf32, #tpu.memory_space<vmem>>)
    %add3A_79 = arith.constant 500 : i32
    %add3A_80 = arith.addi %mul3A_2, %add3A_79 : i32
    %dma_wait3A_81 = arith.constant 0 : i32
    %dma_wait3A_82 = arith.constant 0 : i32
    %dma_wait3A_83 = tpu.memref_slice %arg4[%add3A_80, %dma_wait3A_81, %dma_wait3A_82] : memref<16384x50x64xf32, #tpu.memory_space<hbm>> -> memref<4x50x64xf32, #tpu.memory_space<hbm>>
    %dma_wait3A_84 = arith.constant 0 : i32
    %dma_wait3A_85 = arith.constant 0 : i32
    %dma_wait3A_86 = tpu.memref_slice %arg4[%add3A_80, %dma_wait3A_84, %dma_wait3A_85] : memref<16384x50x64xf32, #tpu.memory_space<hbm>> -> memref<4x50x64xf32, #tpu.memory_space<hbm>>
    tpu.wait_dma2 semaphore(%arg11 : memref<!tpu.dma_semaphore, #tpu.memory_space<semaphore_mem>>) src(%arg8 : memref<4x50x64xf32, #tpu.memory_space<vmem>>) dst(%dma_wait3A_86 : memref<4x50x64xf32, #tpu.memory_space<hbm>>)
    %scan3A_87 = arith.constant 0 : i32
    %scan3A_88 = arith.constant 0 : i32
    %scan3A_89 = arith.constant 50 : i32
    %scan3A_90 = arith.addi %scan3A_88, %scan3A_89 : i32
    %scan3A_91 = arith.constant 1 : i32
    scf.for %scan3A_136 = %scan3A_88 to %scan3A_90 step %scan3A_91  : i32 {
      %add3A_137 = arith.constant 0 : i32
      %add3A_138 = arith.addi %add3A_137, %scan3A_136 : i32
      %get3A = arith.index_cast %add3A_138 : i32 to index
      %get3A_139 = arith.constant 0 : index
      %get3A_140 = tpu.vector_load %arg6[%get3A, %get3A_139] {strides = array<i32>} : memref<200x128xf32, #tpu.memory_space<vmem>>, vector<1x16xf32>,
      %get3A_141 = vector.shape_cast %get3A_140 : vector<1x16xf32> to vector<16xf32>
      %swap3A = arith.constant 0 : i32
      %swap3A_142 = arith.index_cast %swap3A : i32 to index
      %swap3A_143 = arith.index_cast %scan3A_136 : i32 to index
      %swap3A_144 = arith.constant 0 : index
      %swap3A_145 = tpu.vector_load %arg8[%swap3A_142, %swap3A_143, %swap3A_144] {strides = array<i32>} : memref<4x50x64xf32, #tpu.memory_space<vmem>>, vector<1x1x16xf32>,
      %swap3A_146 = vector.shape_cast %swap3A_145 : vector<1x1x16xf32> to vector<16xf32>
      %swap3A_147 = vector.shape_cast %get3A_141 : vector<16xf32> to vector<1x1x16xf32>
      tpu.vector_store %arg8[%swap3A_142, %swap3A_143, %swap3A_144], %swap3A_147 {strides = array<i32>} : memref<4x50x64xf32, #tpu.memory_space<vmem>>, vector<1x1x16xf32>,
      %add3A_148 = arith.constant 0 : i32
      %add3A_149 = arith.addi %add3A_148, %scan3A_136 : i32
      %get3A_150 = arith.index_cast %add3A_149 : i32 to index
      %get3A_151 = arith.constant 16 : index
      %get3A_152 = tpu.vector_load %arg6[%get3A_150, %get3A_151] {strides = array<i32>} : memref<200x128xf32, #tpu.memory_space<vmem>>, vector<1x16xf32>,
      %get3A_153 = vector.shape_cast %get3A_152 : vector<1x16xf32> to vector<16xf32>
      %swap3A_154 = arith.constant 0 : i32
      %swap3A_155 = arith.index_cast %swap3A_154 : i32 to index
      %swap3A_156 = arith.index_cast %scan3A_136 : i32 to index
      %swap3A_157 = arith.constant 16 : index
      %swap3A_158 = tpu.vector_load %arg8[%swap3A_155, %swap3A_156, %swap3A_157] {strides = array<i32>} : memref<4x50x64xf32, #tpu.memory_space<vmem>>, vector<1x1x16xf32>,
      %swap3A_159 = vector.shape_cast %swap3A_158 : vector<1x1x16xf32> to vector<16xf32>
      %swap3A_160 = vector.shape_cast %get3A_153 : vector<16xf32> to vector<1x1x16xf32>
      tpu.vector_store %arg8[%swap3A_155, %swap3A_156, %swap3A_157], %swap3A_160 {strides = array<i32>} : memref<4x50x64xf32, #tpu.memory_space<vmem>>, vector<1x1x16xf32>,
      %add3A_161 = arith.constant 0 : i32
      %add3A_162 = arith.addi %add3A_161, %scan3A_136 : i32
      %get3A_163 = arith.index_cast %add3A_162 : i32 to index
      %get3A_164 = arith.constant 32 : index
      %get3A_165 = tpu.vector_load %arg6[%get3A_163, %get3A_164] {strides = array<i32>} : memref<200x128xf32, #tpu.memory_space<vmem>>, vector<1x16xf32>,
      %get3A_166 = vector.shape_cast %get3A_165 : vector<1x16xf32> to vector<16xf32>
      %swap3A_167 = arith.constant 0 : i32
      %swap3A_168 = arith.index_cast %swap3A_167 : i32 to index
      %swap3A_169 = arith.index_cast %scan3A_136 : i32 to index
      %swap3A_170 = arith.constant 32 : index
      %swap3A_171 = tpu.vector_load %arg8[%swap3A_168, %swap3A_169, %swap3A_170] {strides = array<i32>} : memref<4x50x64xf32, #tpu.memory_space<vmem>>, vector<1x1x16xf32>,
      %swap3A_172 = vector.shape_cast %swap3A_171 : vector<1x1x16xf32> to vector<16xf32>
      %swap3A_173 = vector.shape_cast %get3A_166 : vector<16xf32> to vector<1x1x16xf32>
      tpu.vector_store %arg8[%swap3A_168, %swap3A_169, %swap3A_170], %swap3A_173 {strides = array<i32>} : memref<4x50x64xf32, #tpu.memory_space<vmem>>, vector<1x1x16xf32>,
      %add3A_174 = arith.constant 0 : i32
      %add3A_175 = arith.addi %add3A_174, %scan3A_136 : i32
      %get3A_176 = arith.index_cast %add3A_175 : i32 to index
      %get3A_177 = arith.constant 48 : index
      %get3A_178 = tpu.vector_load %arg6[%get3A_176, %get3A_177] {strides = array<i32>} : memref<200x128xf32, #tpu.memory_space<vmem>>, vector<1x16xf32>,
      %get3A_179 = vector.shape_cast %get3A_178 : vector<1x16xf32> to vector<16xf32>
      %swap3A_180 = arith.constant 0 : i32
      %swap3A_181 = arith.index_cast %swap3A_180 : i32 to index
      %swap3A_182 = arith.index_cast %scan3A_136 : i32 to index
      %swap3A_183 = arith.constant 48 : index
      %swap3A_184 = tpu.vector_load %arg8[%swap3A_181, %swap3A_182, %swap3A_183] {strides = array<i32>} : memref<4x50x64xf32, #tpu.memory_space<vmem>>, vector<1x1x16xf32>,
      %swap3A_185 = vector.shape_cast %swap3A_184 : vector<1x1x16xf32> to vector<16xf32>
      %swap3A_186 = vector.shape_cast %get3A_179 : vector<16xf32> to vector<1x1x16xf32>
      tpu.vector_store %arg8[%swap3A_181, %swap3A_182, %swap3A_183], %swap3A_186 {strides = array<i32>} : memref<4x50x64xf32, #tpu.memory_space<vmem>>, vector<1x1x16xf32>,
      %add3A_187 = arith.constant 50 : i32
      %add3A_188 = arith.addi %add3A_187, %scan3A_136 : i32
      %get3A_189 = arith.index_cast %add3A_188 : i32 to index
      %get3A_190 = arith.constant 0 : index
      %get3A_191 = tpu.vector_load %arg6[%get3A_189, %get3A_190] {strides = array<i32>} : memref<200x128xf32, #tpu.memory_space<vmem>>, vector<1x16xf32>,
      %get3A_192 = vector.shape_cast %get3A_191 : vector<1x16xf32> to vector<16xf32>
      %swap3A_193 = arith.constant 1 : i32
      %swap3A_194 = arith.index_cast %swap3A_193 : i32 to index
      %swap3A_195 = arith.index_cast %scan3A_136 : i32 to index
      %swap3A_196 = arith.constant 0 : index
      %swap3A_197 = tpu.vector_load %arg8[%swap3A_194, %swap3A_195, %swap3A_196] {strides = array<i32>} : memref<4x50x64xf32, #tpu.memory_space<vmem>>, vector<1x1x16xf32>,
      %swap3A_198 = vector.shape_cast %swap3A_197 : vector<1x1x16xf32> to vector<16xf32>
      %swap3A_199 = vector.shape_cast %get3A_192 : vector<16xf32> to vector<1x1x16xf32>
      tpu.vector_store %arg8[%swap3A_194, %swap3A_195, %swap3A_196], %swap3A_199 {strides = array<i32>} : memref<4x50x64xf32, #tpu.memory_space<vmem>>, vector<1x1x16xf32>,
      %add3A_200 = arith.constant 50 : i32
      %add3A_201 = arith.addi %add3A_200, %scan3A_136 : i32
      %get3A_202 = arith.index_cast %add3A_201 : i32 to index
      %get3A_203 = arith.constant 16 : index
      %get3A_204 = tpu.vector_load %arg6[%get3A_202, %get3A_203] {strides = array<i32>} : memref<200x128xf32, #tpu.memory_space<vmem>>, vector<1x16xf32>,
      %get3A_205 = vector.shape_cast %get3A_204 : vector<1x16xf32> to vector<16xf32>
      %swap3A_206 = arith.constant 1 : i32
      %swap3A_207 = arith.index_cast %swap3A_206 : i32 to index
      %swap3A_208 = arith.index_cast %scan3A_136 : i32 to index
      %swap3A_209 = arith.constant 16 : index
      %swap3A_210 = tpu.vector_load %arg8[%swap3A_207, %swap3A_208, %swap3A_209] {strides = array<i32>} : memref<4x50x64xf32, #tpu.memory_space<vmem>>, vector<1x1x16xf32>,
      %swap3A_211 = vector.shape_cast %swap3A_210 : vector<1x1x16xf32> to vector<16xf32>
      %swap3A_212 = vector.shape_cast %get3A_205 : vector<16xf32> to vector<1x1x16xf32>
      tpu.vector_store %arg8[%swap3A_207, %swap3A_208, %swap3A_209], %swap3A_212 {strides = array<i32>} : memref<4x50x64xf32, #tpu.memory_space<vmem>>, vector<1x1x16xf32>,
      %add3A_213 = arith.constant 50 : i32
      %add3A_214 = arith.addi %add3A_213, %scan3A_136 : i32
      %get3A_215 = arith.index_cast %add3A_214 : i32 to index
      %get3A_216 = arith.constant 32 : index
      %get3A_217 = tpu.vector_load %arg6[%get3A_215, %get3A_216] {strides = array<i32>} : memref<200x128xf32, #tpu.memory_space<vmem>>, vector<1x16xf32>,
      %get3A_218 = vector.shape_cast %get3A_217 : vector<1x16xf32> to vector<16xf32>
      %swap3A_219 = arith.constant 1 : i32
      %swap3A_220 = arith.index_cast %swap3A_219 : i32 to index
      %swap3A_221 = arith.index_cast %scan3A_136 : i32 to index
      %swap3A_222 = arith.constant 32 : index
      %swap3A_223 = tpu.vector_load %arg8[%swap3A_220, %swap3A_221, %swap3A_222] {strides = array<i32>} : memref<4x50x64xf32, #tpu.memory_space<vmem>>, vector<1x1x16xf32>,
      %swap3A_224 = vector.shape_cast %swap3A_223 : vector<1x1x16xf32> to vector<16xf32>
      %swap3A_225 = vector.shape_cast %get3A_218 : vector<16xf32> to vector<1x1x16xf32>
      tpu.vector_store %arg8[%swap3A_220, %swap3A_221, %swap3A_222], %swap3A_225 {strides = array<i32>} : memref<4x50x64xf32, #tpu.memory_space<vmem>>, vector<1x1x16xf32>,
      %add3A_226 = arith.constant 50 : i32
      %add3A_227 = arith.addi %add3A_226, %scan3A_136 : i32
      %get3A_228 = arith.index_cast %add3A_227 : i32 to index
      %get3A_229 = arith.constant 48 : index
      %get3A_230 = tpu.vector_load %arg6[%get3A_228, %get3A_229] {strides = array<i32>} : memref<200x128xf32, #tpu.memory_space<vmem>>, vector<1x16xf32>,
      %get3A_231 = vector.shape_cast %get3A_230 : vector<1x16xf32> to vector<16xf32>
      %swap3A_232 = arith.constant 1 : i32
      %swap3A_233 = arith.index_cast %swap3A_232 : i32 to index
      %swap3A_234 = arith.index_cast %scan3A_136 : i32 to index
      %swap3A_235 = arith.constant 48 : index
      %swap3A_236 = tpu.vector_load %arg8[%swap3A_233, %swap3A_234, %swap3A_235] {strides = array<i32>} : memref<4x50x64xf32, #tpu.memory_space<vmem>>, vector<1x1x16xf32>,
      %swap3A_237 = vector.shape_cast %swap3A_236 : vector<1x1x16xf32> to vector<16xf32>
      %swap3A_238 = vector.shape_cast %get3A_231 : vector<16xf32> to vector<1x1x16xf32>
      tpu.vector_store %arg8[%swap3A_233, %swap3A_234, %swap3A_235], %swap3A_238 {strides = array<i32>} : memref<4x50x64xf32, #tpu.memory_space<vmem>>, vector<1x1x16xf32>,
      %add3A_239 = arith.constant 100 : i32
      %add3A_240 = arith.addi %add3A_239, %scan3A_136 : i32
      %get3A_241 = arith.index_cast %add3A_240 : i32 to index
      %get3A_242 = arith.constant 0 : index
      %get3A_243 = tpu.vector_load %arg6[%get3A_241, %get3A_242] {strides = array<i32>} : memref<200x128xf32, #tpu.memory_space<vmem>>, vector<1x16xf32>,
      %get3A_244 = vector.shape_cast %get3A_243 : vector<1x16xf32> to vector<16xf32>
      %swap3A_245 = arith.constant 2 : i32
      %swap3A_246 = arith.index_cast %swap3A_245 : i32 to index
      %swap3A_247 = arith.index_cast %scan3A_136 : i32 to index
      %swap3A_248 = arith.constant 0 : index
      %swap3A_249 = tpu.vector_load %arg8[%swap3A_246, %swap3A_247, %swap3A_248] {strides = array<i32>} : memref<4x50x64xf32, #tpu.memory_space<vmem>>, vector<1x1x16xf32>,
      %swap3A_250 = vector.shape_cast %swap3A_249 : vector<1x1x16xf32> to vector<16xf32>
      %swap3A_251 = vector.shape_cast %get3A_244 : vector<16xf32> to vector<1x1x16xf32>
      tpu.vector_store %arg8[%swap3A_246, %swap3A_247, %swap3A_248], %swap3A_251 {strides = array<i32>} : memref<4x50x64xf32, #tpu.memory_space<vmem>>, vector<1x1x16xf32>,
      %add3A_252 = arith.constant 100 : i32
      %add3A_253 = arith.addi %add3A_252, %scan3A_136 : i32
      %get3A_254 = arith.index_cast %add3A_253 : i32 to index
      %get3A_255 = arith.constant 16 : index
      %get3A_256 = tpu.vector_load %arg6[%get3A_254, %get3A_255] {strides = array<i32>} : memref<200x128xf32, #tpu.memory_space<vmem>>, vector<1x16xf32>,
      %get3A_257 = vector.shape_cast %get3A_256 : vector<1x16xf32> to vector<16xf32>
      %swap3A_258 = arith.constant 2 : i32
      %swap3A_259 = arith.index_cast %swap3A_258 : i32 to index
      %swap3A_260 = arith.index_cast %scan3A_136 : i32 to index
      %swap3A_261 = arith.constant 16 : index
      %swap3A_262 = tpu.vector_load %arg8[%swap3A_259, %swap3A_260, %swap3A_261] {strides = array<i32>} : memref<4x50x64xf32, #tpu.memory_space<vmem>>, vector<1x1x16xf32>,
      %swap3A_263 = vector.shape_cast %swap3A_262 : vector<1x1x16xf32> to vector<16xf32>
      %swap3A_264 = vector.shape_cast %get3A_257 : vector<16xf32> to vector<1x1x16xf32>
      tpu.vector_store %arg8[%swap3A_259, %swap3A_260, %swap3A_261], %swap3A_264 {strides = array<i32>} : memref<4x50x64xf32, #tpu.memory_space<vmem>>, vector<1x1x16xf32>,
      %add3A_265 = arith.constant 100 : i32
      %add3A_266 = arith.addi %add3A_265, %scan3A_136 : i32
      %get3A_267 = arith.index_cast %add3A_266 : i32 to index
      %get3A_268 = arith.constant 32 : index
      %get3A_269 = tpu.vector_load %arg6[%get3A_267, %get3A_268] {strides = array<i32>} : memref<200x128xf32, #tpu.memory_space<vmem>>, vector<1x16xf32>,
      %get3A_270 = vector.shape_cast %get3A_269 : vector<1x16xf32> to vector<16xf32>
      %swap3A_271 = arith.constant 2 : i32
      %swap3A_272 = arith.index_cast %swap3A_271 : i32 to index
      %swap3A_273 = arith.index_cast %scan3A_136 : i32 to index
      %swap3A_274 = arith.constant 32 : index
      %swap3A_275 = tpu.vector_load %arg8[%swap3A_272, %swap3A_273, %swap3A_274] {strides = array<i32>} : memref<4x50x64xf32, #tpu.memory_space<vmem>>, vector<1x1x16xf32>,
      %swap3A_276 = vector.shape_cast %swap3A_275 : vector<1x1x16xf32> to vector<16xf32>
      %swap3A_277 = vector.shape_cast %get3A_270 : vector<16xf32> to vector<1x1x16xf32>
      tpu.vector_store %arg8[%swap3A_272, %swap3A_273, %swap3A_274], %swap3A_277 {strides = array<i32>} : memref<4x50x64xf32, #tpu.memory_space<vmem>>, vector<1x1x16xf32>,
      %add3A_278 = arith.constant 100 : i32
      %add3A_279 = arith.addi %add3A_278, %scan3A_136 : i32
      %get3A_280 = arith.index_cast %add3A_279 : i32 to index
      %get3A_281 = arith.constant 48 : index
      %get3A_282 = tpu.vector_load %arg6[%get3A_280, %get3A_281] {strides = array<i32>} : memref<200x128xf32, #tpu.memory_space<vmem>>, vector<1x16xf32>,
      %get3A_283 = vector.shape_cast %get3A_282 : vector<1x16xf32> to vector<16xf32>
      %swap3A_284 = arith.constant 2 : i32
      %swap3A_285 = arith.index_cast %swap3A_284 : i32 to index
      %swap3A_286 = arith.index_cast %scan3A_136 : i32 to index
      %swap3A_287 = arith.constant 48 : index
      %swap3A_288 = tpu.vector_load %arg8[%swap3A_285, %swap3A_286, %swap3A_287] {strides = array<i32>} : memref<4x50x64xf32, #tpu.memory_space<vmem>>, vector<1x1x16xf32>,
      %swap3A_289 = vector.shape_cast %swap3A_288 : vector<1x1x16xf32> to vector<16xf32>
      %swap3A_290 = vector.shape_cast %get3A_283 : vector<16xf32> to vector<1x1x16xf32>
      tpu.vector_store %arg8[%swap3A_285, %swap3A_286, %swap3A_287], %swap3A_290 {strides = array<i32>} : memref<4x50x64xf32, #tpu.memory_space<vmem>>, vector<1x1x16xf32>,
      %add3A_291 = arith.constant 150 : i32
      %add3A_292 = arith.addi %add3A_291, %scan3A_136 : i32
      %get3A_293 = arith.index_cast %add3A_292 : i32 to index
      %get3A_294 = arith.constant 0 : index
      %get3A_295 = tpu.vector_load %arg6[%get3A_293, %get3A_294] {strides = array<i32>} : memref<200x128xf32, #tpu.memory_space<vmem>>, vector<1x16xf32>,
      %get3A_296 = vector.shape_cast %get3A_295 : vector<1x16xf32> to vector<16xf32>
      %swap3A_297 = arith.constant 3 : i32
      %swap3A_298 = arith.index_cast %swap3A_297 : i32 to index
      %swap3A_299 = arith.index_cast %scan3A_136 : i32 to index
      %swap3A_300 = arith.constant 0 : index
      %swap3A_301 = tpu.vector_load %arg8[%swap3A_298, %swap3A_299, %swap3A_300] {strides = array<i32>} : memref<4x50x64xf32, #tpu.memory_space<vmem>>, vector<1x1x16xf32>,
      %swap3A_302 = vector.shape_cast %swap3A_301 : vector<1x1x16xf32> to vector<16xf32>
      %swap3A_303 = vector.shape_cast %get3A_296 : vector<16xf32> to vector<1x1x16xf32>
      tpu.vector_store %arg8[%swap3A_298, %swap3A_299, %swap3A_300], %swap3A_303 {strides = array<i32>} : memref<4x50x64xf32, #tpu.memory_space<vmem>>, vector<1x1x16xf32>,
      %add3A_304 = arith.constant 150 : i32
      %add3A_305 = arith.addi %add3A_304, %scan3A_136 : i32
      %get3A_306 = arith.index_cast %add3A_305 : i32 to index
      %get3A_307 = arith.constant 16 : index
      %get3A_308 = tpu.vector_load %arg6[%get3A_306, %get3A_307] {strides = array<i32>} : memref<200x128xf32, #tpu.memory_space<vmem>>, vector<1x16xf32>,
      %get3A_309 = vector.shape_cast %get3A_308 : vector<1x16xf32> to vector<16xf32>
      %swap3A_310 = arith.constant 3 : i32
      %swap3A_311 = arith.index_cast %swap3A_310 : i32 to index
      %swap3A_312 = arith.index_cast %scan3A_136 : i32 to index
      %swap3A_313 = arith.constant 16 : index
      %swap3A_314 = tpu.vector_load %arg8[%swap3A_311, %swap3A_312, %swap3A_313] {strides = array<i32>} : memref<4x50x64xf32, #tpu.memory_space<vmem>>, vector<1x1x16xf32>,
      %swap3A_315 = vector.shape_cast %swap3A_314 : vector<1x1x16xf32> to vector<16xf32>
      %swap3A_316 = vector.shape_cast %get3A_309 : vector<16xf32> to vector<1x1x16xf32>
      tpu.vector_store %arg8[%swap3A_311, %swap3A_312, %swap3A_313], %swap3A_316 {strides = array<i32>} : memref<4x50x64xf32, #tpu.memory_space<vmem>>, vector<1x1x16xf32>,
      %add3A_317 = arith.constant 150 : i32
      %add3A_318 = arith.addi %add3A_317, %scan3A_136 : i32
      %get3A_319 = arith.index_cast %add3A_318 : i32 to index
      %get3A_320 = arith.constant 32 : index
      %get3A_321 = tpu.vector_load %arg6[%get3A_319, %get3A_320] {strides = array<i32>} : memref<200x128xf32, #tpu.memory_space<vmem>>, vector<1x16xf32>,
      %get3A_322 = vector.shape_cast %get3A_321 : vector<1x16xf32> to vector<16xf32>
      %swap3A_323 = arith.constant 3 : i32
      %swap3A_324 = arith.index_cast %swap3A_323 : i32 to index
      %swap3A_325 = arith.index_cast %scan3A_136 : i32 to index
      %swap3A_326 = arith.constant 32 : index
      %swap3A_327 = tpu.vector_load %arg8[%swap3A_324, %swap3A_325, %swap3A_326] {strides = array<i32>} : memref<4x50x64xf32, #tpu.memory_space<vmem>>, vector<1x1x16xf32>,
      %swap3A_328 = vector.shape_cast %swap3A_327 : vector<1x1x16xf32> to vector<16xf32>
      %swap3A_329 = vector.shape_cast %get3A_322 : vector<16xf32> to vector<1x1x16xf32>
      tpu.vector_store %arg8[%swap3A_324, %swap3A_325, %swap3A_326], %swap3A_329 {strides = array<i32>} : memref<4x50x64xf32, #tpu.memory_space<vmem>>, vector<1x1x16xf32>,
      %add3A_330 = arith.constant 150 : i32
      %add3A_331 = arith.addi %add3A_330, %scan3A_136 : i32
      %get3A_332 = arith.index_cast %add3A_331 : i32 to index
      %get3A_333 = arith.constant 48 : index
      %get3A_334 = tpu.vector_load %arg6[%get3A_332, %get3A_333] {strides = array<i32>} : memref<200x128xf32, #tpu.memory_space<vmem>>, vector<1x16xf32>,
      %get3A_335 = vector.shape_cast %get3A_334 : vector<1x16xf32> to vector<16xf32>
      %swap3A_336 = arith.constant 3 : i32
      %swap3A_337 = arith.index_cast %swap3A_336 : i32 to index
      %swap3A_338 = arith.index_cast %scan3A_136 : i32 to index
      %swap3A_339 = arith.constant 48 : index
      %swap3A_340 = tpu.vector_load %arg8[%swap3A_337, %swap3A_338, %swap3A_339] {strides = array<i32>} : memref<4x50x64xf32, #tpu.memory_space<vmem>>, vector<1x1x16xf32>,
      %swap3A_341 = vector.shape_cast %swap3A_340 : vector<1x1x16xf32> to vector<16xf32>
      %swap3A_342 = vector.shape_cast %get3A_335 : vector<16xf32> to vector<1x1x16xf32>
      tpu.vector_store %arg8[%swap3A_337, %swap3A_338, %swap3A_339], %swap3A_342 {strides = array<i32>} : memref<4x50x64xf32, #tpu.memory_space<vmem>>, vector<1x1x16xf32>,
    }
    %scan3A_92 = arith.constant 50 : i32
    %add3A_93 = arith.constant 504 : i32
    %add3A_94 = arith.addi %mul3A_2, %add3A_93 : i32
    %dma_start3A_95 = arith.constant 0 : i32
    %dma_start3A_96 = arith.constant 0 : i32
    %dma_start3A_97 = tpu.memref_slice %arg4[%add3A_94, %dma_start3A_95, %dma_start3A_96] : memref<16384x50x64xf32, #tpu.memory_space<hbm>> -> memref<4x50x64xf32, #tpu.memory_space<hbm>>
    %dma_start3A_98 = arith.constant 0 : i32
    %dma_start3A_99 = arith.constant 0 : i32
    %dma_start3A_100 = tpu.memref_slice %arg4[%add3A_94, %dma_start3A_98, %dma_start3A_99] : memref<16384x50x64xf32, #tpu.memory_space<hbm>> -> memref<4x50x64xf32, #tpu.memory_space<hbm>>
    tpu.enqueue_dma source(%arg8 : memref<4x50x64xf32, #tpu.memory_space<vmem>>) target(%dma_start3A_100 : memref<4x50x64xf32, #tpu.memory_space<hbm>>) target_semaphore(%arg11 : memref<!tpu.dma_semaphore, #tpu.memory_space<semaphore_mem>>)
    %dma_wait3A_101 = arith.constant 25400 : i32
    %dma_wait3A_102 = tpu.memref_slice %arg5[%dma_wait3A_101] : memref<25600xi32, #tpu.memory_space<vmem>> -> memref<200xi32, #tpu.memory_space<vmem>>
    %dma_wait3A_103 = arith.constant 0 : i32
    %dma_wait3A_104 = arith.constant 0 : i32
    %dma_wait3A_105 = tpu.memref_slice %arg3[%dma_wait3A_103, %dma_wait3A_104] : memref<1000000x128xf32, #tpu.memory_space<hbm>> -> memref<1000000x128xf32, #tpu.memory_space<hbm>>
    tpu.wait_indirect_dma semaphore(%arg10 : memref<!tpu.dma_semaphore, #tpu.memory_space<semaphore_mem>>) src(%dma_wait3A_105 : memref<1000000x128xf32, #tpu.memory_space<hbm>>) dst(%arg7 : memref<200x128xf32, #tpu.memory_space<vmem>>)
    %add3A_106 = arith.constant 504 : i32
    %add3A_107 = arith.addi %mul3A_2, %add3A_106 : i32
    %dma_wait3A_108 = arith.constant 0 : i32
    %dma_wait3A_109 = arith.constant 0 : i32
    %dma_wait3A_110 = tpu.memref_slice %arg4[%add3A_107, %dma_wait3A_108, %dma_wait3A_109] : memref<16384x50x64xf32, #tpu.memory_space<hbm>> -> memref<4x50x64xf32, #tpu.memory_space<hbm>>
    %dma_wait3A_111 = arith.constant 0 : i32
    %dma_wait3A_112 = arith.constant 0 : i32
    %dma_wait3A_113 = tpu.memref_slice %arg4[%add3A_107, %dma_wait3A_111, %dma_wait3A_112] : memref<16384x50x64xf32, #tpu.memory_space<hbm>> -> memref<4x50x64xf32, #tpu.memory_space<hbm>>
    tpu.wait_dma2 semaphore(%arg11 : memref<!tpu.dma_semaphore, #tpu.memory_space<semaphore_mem>>) src(%arg8 : memref<4x50x64xf32, #tpu.memory_space<vmem>>) dst(%dma_wait3A_113 : memref<4x50x64xf32, #tpu.memory_space<hbm>>)
    %scan3A_114 = arith.constant 0 : i32
    %scan3A_115 = arith.constant 0 : i32
    %scan3A_116 = arith.constant 50 : i32
    %scan3A_117 = arith.addi %scan3A_115, %scan3A_116 : i32
    %scan3A_118 = arith.constant 1 : i32
    scf.for %scan3A_136 = %scan3A_115 to %scan3A_117 step %scan3A_118  : i32 {
      %add3A_137 = arith.constant 0 : i32
      %add3A_138 = arith.addi %add3A_137, %scan3A_136 : i32
      %get3A = arith.index_cast %add3A_138 : i32 to index
      %get3A_139 = arith.constant 0 : index
      %get3A_140 = tpu.vector_load %arg7[%get3A, %get3A_139] {strides = array<i32>} : memref<200x128xf32, #tpu.memory_space<vmem>>, vector<1x16xf32>,
      %get3A_141 = vector.shape_cast %get3A_140 : vector<1x16xf32> to vector<16xf32>
      %swap3A = arith.constant 0 : i32
      %swap3A_142 = arith.index_cast %swap3A : i32 to index
      %swap3A_143 = arith.index_cast %scan3A_136 : i32 to index
      %swap3A_144 = arith.constant 0 : index
      %swap3A_145 = tpu.vector_load %arg8[%swap3A_142, %swap3A_143, %swap3A_144] {strides = array<i32>} : memref<4x50x64xf32, #tpu.memory_space<vmem>>, vector<1x1x16xf32>,
      %swap3A_146 = vector.shape_cast %swap3A_145 : vector<1x1x16xf32> to vector<16xf32>
      %swap3A_147 = vector.shape_cast %get3A_141 : vector<16xf32> to vector<1x1x16xf32>
      tpu.vector_store %arg8[%swap3A_142, %swap3A_143, %swap3A_144], %swap3A_147 {strides = array<i32>} : memref<4x50x64xf32, #tpu.memory_space<vmem>>, vector<1x1x16xf32>,
      %add3A_148 = arith.constant 0 : i32
      %add3A_149 = arith.addi %add3A_148, %scan3A_136 : i32
      %get3A_150 = arith.index_cast %add3A_149 : i32 to index
      %get3A_151 = arith.constant 16 : index
      %get3A_152 = tpu.vector_load %arg7[%get3A_150, %get3A_151] {strides = array<i32>} : memref<200x128xf32, #tpu.memory_space<vmem>>, vector<1x16xf32>,
      %get3A_153 = vector.shape_cast %get3A_152 : vector<1x16xf32> to vector<16xf32>
      %swap3A_154 = arith.constant 0 : i32
      %swap3A_155 = arith.index_cast %swap3A_154 : i32 to index
      %swap3A_156 = arith.index_cast %scan3A_136 : i32 to index
      %swap3A_157 = arith.constant 16 : index
      %swap3A_158 = tpu.vector_load %arg8[%swap3A_155, %swap3A_156, %swap3A_157] {strides = array<i32>} : memref<4x50x64xf32, #tpu.memory_space<vmem>>, vector<1x1x16xf32>,
      %swap3A_159 = vector.shape_cast %swap3A_158 : vector<1x1x16xf32> to vector<16xf32>
      %swap3A_160 = vector.shape_cast %get3A_153 : vector<16xf32> to vector<1x1x16xf32>
      tpu.vector_store %arg8[%swap3A_155, %swap3A_156, %swap3A_157], %swap3A_160 {strides = array<i32>} : memref<4x50x64xf32, #tpu.memory_space<vmem>>, vector<1x1x16xf32>,
      %add3A_161 = arith.constant 0 : i32
      %add3A_162 = arith.addi %add3A_161, %scan3A_136 : i32
      %get3A_163 = arith.index_cast %add3A_162 : i32 to index
      %get3A_164 = arith.constant 32 : index
      %get3A_165 = tpu.vector_load %arg7[%get3A_163, %get3A_164] {strides = array<i32>} : memref<200x128xf32, #tpu.memory_space<vmem>>, vector<1x16xf32>,
      %get3A_166 = vector.shape_cast %get3A_165 : vector<1x16xf32> to vector<16xf32>
      %swap3A_167 = arith.constant 0 : i32
      %swap3A_168 = arith.index_cast %swap3A_167 : i32 to index
      %swap3A_169 = arith.index_cast %scan3A_136 : i32 to index
      %swap3A_170 = arith.constant 32 : index
      %swap3A_171 = tpu.vector_load %arg8[%swap3A_168, %swap3A_169, %swap3A_170] {strides = array<i32>} : memref<4x50x64xf32, #tpu.memory_space<vmem>>, vector<1x1x16xf32>,
      %swap3A_172 = vector.shape_cast %swap3A_171 : vector<1x1x16xf32> to vector<16xf32>
      %swap3A_173 = vector.shape_cast %get3A_166 : vector<16xf32> to vector<1x1x16xf32>
      tpu.vector_store %arg8[%swap3A_168, %swap3A_169, %swap3A_170], %swap3A_173 {strides = array<i32>} : memref<4x50x64xf32, #tpu.memory_space<vmem>>, vector<1x1x16xf32>,
      %add3A_174 = arith.constant 0 : i32
      %add3A_175 = arith.addi %add3A_174, %scan3A_136 : i32
      %get3A_176 = arith.index_cast %add3A_175 : i32 to index
      %get3A_177 = arith.constant 48 : index
      %get3A_178 = tpu.vector_load %arg7[%get3A_176, %get3A_177] {strides = array<i32>} : memref<200x128xf32, #tpu.memory_space<vmem>>, vector<1x16xf32>,
      %get3A_179 = vector.shape_cast %get3A_178 : vector<1x16xf32> to vector<16xf32>
      %swap3A_180 = arith.constant 0 : i32
      %swap3A_181 = arith.index_cast %swap3A_180 : i32 to index
      %swap3A_182 = arith.index_cast %scan3A_136 : i32 to index
      %swap3A_183 = arith.constant 48 : index
      %swap3A_184 = tpu.vector_load %arg8[%swap3A_181, %swap3A_182, %swap3A_183] {strides = array<i32>} : memref<4x50x64xf32, #tpu.memory_space<vmem>>, vector<1x1x16xf32>,
      %swap3A_185 = vector.shape_cast %swap3A_184 : vector<1x1x16xf32> to vector<16xf32>
      %swap3A_186 = vector.shape_cast %get3A_179 : vector<16xf32> to vector<1x1x16xf32>
      tpu.vector_store %arg8[%swap3A_181, %swap3A_182, %swap3A_183], %swap3A_186 {strides = array<i32>} : memref<4x50x64xf32, #tpu.memory_space<vmem>>, vector<1x1x16xf32>,
      %add3A_187 = arith.constant 50 : i32
      %add3A_188 = arith.addi %add3A_187, %scan3A_136 : i32
      %get3A_189 = arith.index_cast %add3A_188 : i32 to index
      %get3A_190 = arith.constant 0 : index
      %get3A_191 = tpu.vector_load %arg7[%get3A_189, %get3A_190] {strides = array<i32>} : memref<200x128xf32, #tpu.memory_space<vmem>>, vector<1x16xf32>,
      %get3A_192 = vector.shape_cast %get3A_191 : vector<1x16xf32> to vector<16xf32>
      %swap3A_193 = arith.constant 1 : i32
      %swap3A_194 = arith.index_cast %swap3A_193 : i32 to index
      %swap3A_195 = arith.index_cast %scan3A_136 : i32 to index
      %swap3A_196 = arith.constant 0 : index
      %swap3A_197 = tpu.vector_load %arg8[%swap3A_194, %swap3A_195, %swap3A_196] {strides = array<i32>} : memref<4x50x64xf32, #tpu.memory_space<vmem>>, vector<1x1x16xf32>,
      %swap3A_198 = vector.shape_cast %swap3A_197 : vector<1x1x16xf32> to vector<16xf32>
      %swap3A_199 = vector.shape_cast %get3A_192 : vector<16xf32> to vector<1x1x16xf32>
      tpu.vector_store %arg8[%swap3A_194, %swap3A_195, %swap3A_196], %swap3A_199 {strides = array<i32>} : memref<4x50x64xf32, #tpu.memory_space<vmem>>, vector<1x1x16xf32>,
      %add3A_200 = arith.constant 50 : i32
      %add3A_201 = arith.addi %add3A_200, %scan3A_136 : i32
      %get3A_202 = arith.index_cast %add3A_201 : i32 to index
      %get3A_203 = arith.constant 16 : index
      %get3A_204 = tpu.vector_load %arg7[%get3A_202, %get3A_203] {strides = array<i32>} : memref<200x128xf32, #tpu.memory_space<vmem>>, vector<1x16xf32>,
      %get3A_205 = vector.shape_cast %get3A_204 : vector<1x16xf32> to vector<16xf32>
      %swap3A_206 = arith.constant 1 : i32
      %swap3A_207 = arith.index_cast %swap3A_206 : i32 to index
      %swap3A_208 = arith.index_cast %scan3A_136 : i32 to index
      %swap3A_209 = arith.constant 16 : index
      %swap3A_210 = tpu.vector_load %arg8[%swap3A_207, %swap3A_208, %swap3A_209] {strides = array<i32>} : memref<4x50x64xf32, #tpu.memory_space<vmem>>, vector<1x1x16xf32>,
      %swap3A_211 = vector.shape_cast %swap3A_210 : vector<1x1x16xf32> to vector<16xf32>
      %swap3A_212 = vector.shape_cast %get3A_205 : vector<16xf32> to vector<1x1x16xf32>
      tpu.vector_store %arg8[%swap3A_207, %swap3A_208, %swap3A_209], %swap3A_212 {strides = array<i32>} : memref<4x50x64xf32, #tpu.memory_space<vmem>>, vector<1x1x16xf32>,
      %add3A_213 = arith.constant 50 : i32
      %add3A_214 = arith.addi %add3A_213, %scan3A_136 : i32
      %get3A_215 = arith.index_cast %add3A_214 : i32 to index
      %get3A_216 = arith.constant 32 : index
      %get3A_217 = tpu.vector_load %arg7[%get3A_215, %get3A_216] {strides = array<i32>} : memref<200x128xf32, #tpu.memory_space<vmem>>, vector<1x16xf32>,
      %get3A_218 = vector.shape_cast %get3A_217 : vector<1x16xf32> to vector<16xf32>
      %swap3A_219 = arith.constant 1 : i32
      %swap3A_220 = arith.index_cast %swap3A_219 : i32 to index
      %swap3A_221 = arith.index_cast %scan3A_136 : i32 to index
      %swap3A_222 = arith.constant 32 : index
      %swap3A_223 = tpu.vector_load %arg8[%swap3A_220, %swap3A_221, %swap3A_222] {strides = array<i32>} : memref<4x50x64xf32, #tpu.memory_space<vmem>>, vector<1x1x16xf32>,
      %swap3A_224 = vector.shape_cast %swap3A_223 : vector<1x1x16xf32> to vector<16xf32>
      %swap3A_225 = vector.shape_cast %get3A_218 : vector<16xf32> to vector<1x1x16xf32>
      tpu.vector_store %arg8[%swap3A_220, %swap3A_221, %swap3A_222], %swap3A_225 {strides = array<i32>} : memref<4x50x64xf32, #tpu.memory_space<vmem>>, vector<1x1x16xf32>,
      %add3A_226 = arith.constant 50 : i32
      %add3A_227 = arith.addi %add3A_226, %scan3A_136 : i32
      %get3A_228 = arith.index_cast %add3A_227 : i32 to index
      %get3A_229 = arith.constant 48 : index
      %get3A_230 = tpu.vector_load %arg7[%get3A_228, %get3A_229] {strides = array<i32>} : memref<200x128xf32, #tpu.memory_space<vmem>>, vector<1x16xf32>,
      %get3A_231 = vector.shape_cast %get3A_230 : vector<1x16xf32> to vector<16xf32>
      %swap3A_232 = arith.constant 1 : i32
      %swap3A_233 = arith.index_cast %swap3A_232 : i32 to index
      %swap3A_234 = arith.index_cast %scan3A_136 : i32 to index
      %swap3A_235 = arith.constant 48 : index
      %swap3A_236 = tpu.vector_load %arg8[%swap3A_233, %swap3A_234, %swap3A_235] {strides = array<i32>} : memref<4x50x64xf32, #tpu.memory_space<vmem>>, vector<1x1x16xf32>,
      %swap3A_237 = vector.shape_cast %swap3A_236 : vector<1x1x16xf32> to vector<16xf32>
      %swap3A_238 = vector.shape_cast %get3A_231 : vector<16xf32> to vector<1x1x16xf32>
      tpu.vector_store %arg8[%swap3A_233, %swap3A_234, %swap3A_235], %swap3A_238 {strides = array<i32>} : memref<4x50x64xf32, #tpu.memory_space<vmem>>, vector<1x1x16xf32>,
      %add3A_239 = arith.constant 100 : i32
      %add3A_240 = arith.addi %add3A_239, %scan3A_136 : i32
      %get3A_241 = arith.index_cast %add3A_240 : i32 to index
      %get3A_242 = arith.constant 0 : index
      %get3A_243 = tpu.vector_load %arg7[%get3A_241, %get3A_242] {strides = array<i32>} : memref<200x128xf32, #tpu.memory_space<vmem>>, vector<1x16xf32>,
      %get3A_244 = vector.shape_cast %get3A_243 : vector<1x16xf32> to vector<16xf32>
      %swap3A_245 = arith.constant 2 : i32
      %swap3A_246 = arith.index_cast %swap3A_245 : i32 to index
      %swap3A_247 = arith.index_cast %scan3A_136 : i32 to index
      %swap3A_248 = arith.constant 0 : index
      %swap3A_249 = tpu.vector_load %arg8[%swap3A_246, %swap3A_247, %swap3A_248] {strides = array<i32>} : memref<4x50x64xf32, #tpu.memory_space<vmem>>, vector<1x1x16xf32>,
      %swap3A_250 = vector.shape_cast %swap3A_249 : vector<1x1x16xf32> to vector<16xf32>
      %swap3A_251 = vector.shape_cast %get3A_244 : vector<16xf32> to vector<1x1x16xf32>
      tpu.vector_store %arg8[%swap3A_246, %swap3A_247, %swap3A_248], %swap3A_251 {strides = array<i32>} : memref<4x50x64xf32, #tpu.memory_space<vmem>>, vector<1x1x16xf32>,
      %add3A_252 = arith.constant 100 : i32
      %add3A_253 = arith.addi %add3A_252, %scan3A_136 : i32
      %get3A_254 = arith.index_cast %add3A_253 : i32 to index
      %get3A_255 = arith.constant 16 : index
      %get3A_256 = tpu.vector_load %arg7[%get3A_254, %get3A_255] {strides = array<i32>} : memref<200x128xf32, #tpu.memory_space<vmem>>, vector<1x16xf32>,
      %get3A_257 = vector.shape_cast %get3A_256 : vector<1x16xf32> to vector<16xf32>
      %swap3A_258 = arith.constant 2 : i32
      %swap3A_259 = arith.index_cast %swap3A_258 : i32 to index
      %swap3A_260 = arith.index_cast %scan3A_136 : i32 to index
      %swap3A_261 = arith.constant 16 : index
      %swap3A_262 = tpu.vector_load %arg8[%swap3A_259, %swap3A_260, %swap3A_261] {strides = array<i32>} : memref<4x50x64xf32, #tpu.memory_space<vmem>>, vector<1x1x16xf32>,
      %swap3A_263 = vector.shape_cast %swap3A_262 : vector<1x1x16xf32> to vector<16xf32>
      %swap3A_264 = vector.shape_cast %get3A_257 : vector<16xf32> to vector<1x1x16xf32>
      tpu.vector_store %arg8[%swap3A_259, %swap3A_260, %swap3A_261], %swap3A_264 {strides = array<i32>} : memref<4x50x64xf32, #tpu.memory_space<vmem>>, vector<1x1x16xf32>,
      %add3A_265 = arith.constant 100 : i32
      %add3A_266 = arith.addi %add3A_265, %scan3A_136 : i32
      %get3A_267 = arith.index_cast %add3A_266 : i32 to index
      %get3A_268 = arith.constant 32 : index
      %get3A_269 = tpu.vector_load %arg7[%get3A_267, %get3A_268] {strides = array<i32>} : memref<200x128xf32, #tpu.memory_space<vmem>>, vector<1x16xf32>,
      %get3A_270 = vector.shape_cast %get3A_269 : vector<1x16xf32> to vector<16xf32>
      %swap3A_271 = arith.constant 2 : i32
      %swap3A_272 = arith.index_cast %swap3A_271 : i32 to index
      %swap3A_273 = arith.index_cast %scan3A_136 : i32 to index
      %swap3A_274 = arith.constant 32 : index
      %swap3A_275 = tpu.vector_load %arg8[%swap3A_272, %swap3A_273, %swap3A_274] {strides = array<i32>} : memref<4x50x64xf32, #tpu.memory_space<vmem>>, vector<1x1x16xf32>,
      %swap3A_276 = vector.shape_cast %swap3A_275 : vector<1x1x16xf32> to vector<16xf32>
      %swap3A_277 = vector.shape_cast %get3A_270 : vector<16xf32> to vector<1x1x16xf32>
      tpu.vector_store %arg8[%swap3A_272, %swap3A_273, %swap3A_274], %swap3A_277 {strides = array<i32>} : memref<4x50x64xf32, #tpu.memory_space<vmem>>, vector<1x1x16xf32>,
      %add3A_278 = arith.constant 100 : i32
      %add3A_279 = arith.addi %add3A_278, %scan3A_136 : i32
      %get3A_280 = arith.index_cast %add3A_279 : i32 to index
      %get3A_281 = arith.constant 48 : index
      %get3A_282 = tpu.vector_load %arg7[%get3A_280, %get3A_281] {strides = array<i32>} : memref<200x128xf32, #tpu.memory_space<vmem>>, vector<1x16xf32>,
      %get3A_283 = vector.shape_cast %get3A_282 : vector<1x16xf32> to vector<16xf32>
      %swap3A_284 = arith.constant 2 : i32
      %swap3A_285 = arith.index_cast %swap3A_284 : i32 to index
      %swap3A_286 = arith.index_cast %scan3A_136 : i32 to index
      %swap3A_287 = arith.constant 48 : index
      %swap3A_288 = tpu.vector_load %arg8[%swap3A_285, %swap3A_286, %swap3A_287] {strides = array<i32>} : memref<4x50x64xf32, #tpu.memory_space<vmem>>, vector<1x1x16xf32>,
      %swap3A_289 = vector.shape_cast %swap3A_288 : vector<1x1x16xf32> to vector<16xf32>
      %swap3A_290 = vector.shape_cast %get3A_283 : vector<16xf32> to vector<1x1x16xf32>
      tpu.vector_store %arg8[%swap3A_285, %swap3A_286, %swap3A_287], %swap3A_290 {strides = array<i32>} : memref<4x50x64xf32, #tpu.memory_space<vmem>>, vector<1x1x16xf32>,
      %add3A_291 = arith.constant 150 : i32
      %add3A_292 = arith.addi %add3A_291, %scan3A_136 : i32
      %get3A_293 = arith.index_cast %add3A_292 : i32 to index
      %get3A_294 = arith.constant 0 : index
      %get3A_295 = tpu.vector_load %arg7[%get3A_293, %get3A_294] {strides = array<i32>} : memref<200x128xf32, #tpu.memory_space<vmem>>, vector<1x16xf32>,
      %get3A_296 = vector.shape_cast %get3A_295 : vector<1x16xf32> to vector<16xf32>
      %swap3A_297 = arith.constant 3 : i32
      %swap3A_298 = arith.index_cast %swap3A_297 : i32 to index
      %swap3A_299 = arith.index_cast %scan3A_136 : i32 to index
      %swap3A_300 = arith.constant 0 : index
      %swap3A_301 = tpu.vector_load %arg8[%swap3A_298, %swap3A_299, %swap3A_300] {strides = array<i32>} : memref<4x50x64xf32, #tpu.memory_space<vmem>>, vector<1x1x16xf32>,
      %swap3A_302 = vector.shape_cast %swap3A_301 : vector<1x1x16xf32> to vector<16xf32>
      %swap3A_303 = vector.shape_cast %get3A_296 : vector<16xf32> to vector<1x1x16xf32>
      tpu.vector_store %arg8[%swap3A_298, %swap3A_299, %swap3A_300], %swap3A_303 {strides = array<i32>} : memref<4x50x64xf32, #tpu.memory_space<vmem>>, vector<1x1x16xf32>,
      %add3A_304 = arith.constant 150 : i32
      %add3A_305 = arith.addi %add3A_304, %scan3A_136 : i32
      %get3A_306 = arith.index_cast %add3A_305 : i32 to index
      %get3A_307 = arith.constant 16 : index
      %get3A_308 = tpu.vector_load %arg7[%get3A_306, %get3A_307] {strides = array<i32>} : memref<200x128xf32, #tpu.memory_space<vmem>>, vector<1x16xf32>,
      %get3A_309 = vector.shape_cast %get3A_308 : vector<1x16xf32> to vector<16xf32>
      %swap3A_310 = arith.constant 3 : i32
      %swap3A_311 = arith.index_cast %swap3A_310 : i32 to index
      %swap3A_312 = arith.index_cast %scan3A_136 : i32 to index
      %swap3A_313 = arith.constant 16 : index
      %swap3A_314 = tpu.vector_load %arg8[%swap3A_311, %swap3A_312, %swap3A_313] {strides = array<i32>} : memref<4x50x64xf32, #tpu.memory_space<vmem>>, vector<1x1x16xf32>,
      %swap3A_315 = vector.shape_cast %swap3A_314 : vector<1x1x16xf32> to vector<16xf32>
      %swap3A_316 = vector.shape_cast %get3A_309 : vector<16xf32> to vector<1x1x16xf32>
      tpu.vector_store %arg8[%swap3A_311, %swap3A_312, %swap3A_313], %swap3A_316 {strides = array<i32>} : memref<4x50x64xf32, #tpu.memory_space<vmem>>, vector<1x1x16xf32>,
      %add3A_317 = arith.constant 150 : i32
      %add3A_318 = arith.addi %add3A_317, %scan3A_136 : i32
      %get3A_319 = arith.index_cast %add3A_318 : i32 to index
      %get3A_320 = arith.constant 32 : index
      %get3A_321 = tpu.vector_load %arg7[%get3A_319, %get3A_320] {strides = array<i32>} : memref<200x128xf32, #tpu.memory_space<vmem>>, vector<1x16xf32>,
      %get3A_322 = vector.shape_cast %get3A_321 : vector<1x16xf32> to vector<16xf32>
      %swap3A_323 = arith.constant 3 : i32
      %swap3A_324 = arith.index_cast %swap3A_323 : i32 to index
      %swap3A_325 = arith.index_cast %scan3A_136 : i32 to index
      %swap3A_326 = arith.constant 32 : index
      %swap3A_327 = tpu.vector_load %arg8[%swap3A_324, %swap3A_325, %swap3A_326] {strides = array<i32>} : memref<4x50x64xf32, #tpu.memory_space<vmem>>, vector<1x1x16xf32>,
      %swap3A_328 = vector.shape_cast %swap3A_327 : vector<1x1x16xf32> to vector<16xf32>
      %swap3A_329 = vector.shape_cast %get3A_322 : vector<16xf32> to vector<1x1x16xf32>
      tpu.vector_store %arg8[%swap3A_324, %swap3A_325, %swap3A_326], %swap3A_329 {strides = array<i32>} : memref<4x50x64xf32, #tpu.memory_space<vmem>>, vector<1x1x16xf32>,
      %add3A_330 = arith.constant 150 : i32
      %add3A_331 = arith.addi %add3A_330, %scan3A_136 : i32
      %get3A_332 = arith.index_cast %add3A_331 : i32 to index
      %get3A_333 = arith.constant 48 : index
      %get3A_334 = tpu.vector_load %arg7[%get3A_332, %get3A_333] {strides = array<i32>} : memref<200x128xf32, #tpu.memory_space<vmem>>, vector<1x16xf32>,
      %get3A_335 = vector.shape_cast %get3A_334 : vector<1x16xf32> to vector<16xf32>
      %swap3A_336 = arith.constant 3 : i32
      %swap3A_337 = arith.index_cast %swap3A_336 : i32 to index
      %swap3A_338 = arith.index_cast %scan3A_136 : i32 to index
      %swap3A_339 = arith.constant 48 : index
      %swap3A_340 = tpu.vector_load %arg8[%swap3A_337, %swap3A_338, %swap3A_339] {strides = array<i32>} : memref<4x50x64xf32, #tpu.memory_space<vmem>>, vector<1x1x16xf32>,
      %swap3A_341 = vector.shape_cast %swap3A_340 : vector<1x1x16xf32> to vector<16xf32>
      %swap3A_342 = vector.shape_cast %get3A_335 : vector<16xf32> to vector<1x1x16xf32>
      tpu.vector_store %arg8[%swap3A_337, %swap3A_338, %swap3A_339], %swap3A_342 {strides = array<i32>} : memref<4x50x64xf32, #tpu.memory_space<vmem>>, vector<1x1x16xf32>,
    }
    %scan3A_119 = arith.constant 50 : i32
    %add3A_120 = arith.constant 508 : i32
    %add3A_121 = arith.addi %mul3A_2, %add3A_120 : i32
    %dma_start3A_122 = arith.constant 0 : i32
    %dma_start3A_123 = arith.constant 0 : i32
    %dma_start3A_124 = tpu.memref_slice %arg4[%add3A_121, %dma_start3A_122, %dma_start3A_123] : memref<16384x50x64xf32, #tpu.memory_space<hbm>> -> memref<4x50x64xf32, #tpu.memory_space<hbm>>
    %dma_start3A_125 = arith.constant 0 : i32
    %dma_start3A_126 = arith.constant 0 : i32
    %dma_start3A_127 = tpu.memref_slice %arg4[%add3A_121, %dma_start3A_125, %dma_start3A_126] : memref<16384x50x64xf32, #tpu.memory_space<hbm>> -> memref<4x50x64xf32, #tpu.memory_space<hbm>>
    tpu.enqueue_dma source(%arg8 : memref<4x50x64xf32, #tpu.memory_space<vmem>>) target(%dma_start3A_127 : memref<4x50x64xf32, #tpu.memory_space<hbm>>) target_semaphore(%arg11 : memref<!tpu.dma_semaphore, #tpu.memory_space<semaphore_mem>>)
    %add3A_128 = arith.constant 508 : i32
    %add3A_129 = arith.addi %mul3A_2, %add3A_128 : i32
    %dma_wait3A_130 = arith.constant 0 : i32
    %dma_wait3A_131 = arith.constant 0 : i32
    %dma_wait3A_132 = tpu.memref_slice %arg4[%add3A_129, %dma_wait3A_130, %dma_wait3A_131] : memref<16384x50x64xf32, #tpu.memory_space<hbm>> -> memref<4x50x64xf32, #tpu.memory_space<hbm>>
    %dma_wait3A_133 = arith.constant 0 : i32
    %dma_wait3A_134 = arith.constant 0 : i32
    %dma_wait3A_135 = tpu.memref_slice %arg4[%add3A_129, %dma_wait3A_133, %dma_wait3A_134] : memref<16384x50x64xf32, #tpu.memory_space<hbm>> -> memref<4x50x64xf32, #tpu.memory_space<hbm>>
    tpu.wait_dma2 semaphore(%arg11 : memref<!tpu.dma_semaphore, #tpu.memory_space<semaphore_mem>>) src(%arg8 : memref<4x50x64xf32, #tpu.memory_space<vmem>>) dst(%dma_wait3A_135 : memref<4x50x64xf32, #tpu.memory_space<hbm>>)
    return
  }
}

</mosaic_0001>

<sc_bundles>
// kernel: kernel.4.cloned.1.call-start
scs
__scs_entry_jumppad:
0x0: {  	(pc) =	sbr.rel $0x88, $3  }
0x1: {  	(tag) =	ssettag $0x0;
	lr =	simm.s32 $0x1  }
0x2: {  	[smem:$0x3F9F] =	sst lr;
	_ =	strace $0xD0000000  }
0x3: {  	_ = 	snop  }
0x4: {  	_ = 	snop  }
0x5: {  	_ = 	snop  }
0x6: {  	_ = 	snop  }
0x7: {  	_ = 	snop  }
__scs_overlays_trampoline_lowered:
0x8: {  	[smem:$0x3FAE] =	sst s0  }
0x9: {  	[smem:$0x3FAF] =	sst s1  }
0xa: {  	[smem:$0x3FB0] =	sst s2  }
0xb: {  	[smem:$0x3FB1] =	sst s3  }
0xc: {  	[smem:$0x3FB2] =	sst s4  }
0xd: {  	[smem:$0x3FB3] =	sst s5  }
0xe: {  	[smem:$0x3FB4] =	sst s6  }
0xf: {  	[smem:$0x3FB5] =	sst s7  }
0x10: {  	[smem:$0x3FB6] =	sst s8  }
0x11: {  	[smem:$0x3FB7] =	sst s9;
	s0 =	simm.s32 @!p0 $0x0  }
0x12: {  	s1 =	sld [smem:$0x3F9D];
	s0 =	simm.s32 @p0 $0x1  }
0x13: {  	[smem:$0x3FB8] =	sst s0;
	s0 =	simm.s32 @!p1 $0x0  }
0x14: {  	s2 =	sld [smem:$0x3F9C];
	s0 =	simm.s32 @p1 $0x1  }
0x15: {  	[smem:$0x3FB9] =	sst s0;
	s0 =	simm.s32 @!p2 $0x0  }
0x16: {  	s3 =	sld [smem:$0x3FDB];
	s0 =	simm.s32 @p2 $0x1  }
0x17: {  	s4 =	simm.s32 $0x1BF5;
	[smem:$0x3FBB] =	sst s0  }
0x18: {  	s0 =	sld [smem:$0x3F9E];
	_ =	swait.ge [sflag:s4], $0x0  }
0x19: {  	s7 =	sld [smem:$0x3F9F]  }
0x1a: {  	s8 =	sadd.s32 $0xFFFFE003, lr  }
0x1b: {  	s9 =	sadd.s32 $0xFFFFFEF7, lr;
	s5 =	simm.s32 $0xFFFFFFFF;
	p2 =	slt.u32 s8, $0xFFFFF086  }
0x1c: {  	p1 =	slt.u32 s9, $0xF7A;
	s5 =	simm.s32 @!p2 $0x0  }
0x1d: {  	s5 =	simm.s32 @p1 $0x1;
	p0 =	seq.s32 s7, s2  }
0x1e: {  	s7 =	smul.u32 @!p0 $0xF7A, s2;
	p2 =	seq.s32 @!p0 s5, $0x0  }
0x1f: {  	s9 =	smul.u32 $0xF7A, s1;
	s8 =	simm.s32 @!p0 $0x1BF5;
	p2 =	por !p2, p0  }
0x20: {  	[sflag:s8] =	ssyncset.s32 @!p0 $0xFFFFF086;
	s6 =	sadd.s32 @!p0 s3, s7;
	s7 =	simm.s32 @!p0 $0x108  }
0x21: {  	s3 =	sadd.s32 s3, s9;
	s6 =	sadd.s32 @!p0 $0x88, s6;
	s7 =	simm.s32 @p2 $0x1082  }
0x22: {  	[simem:s7], [sflag:s8] =	dma.local @!p0 [hbm:s6], $0xF7A  }
0x23: {  	s9 =	sor.u32 $0xD0000000, s2;
	s6 =	simm.s32 $0x108;
	_ =	swait.ge @!p0 [sflag:s8], $0x0  }
0x24: {  	s3 =	sadd.s32 $0x88, s3;
	s6 =	simm.s32 @!p1 $0x1082;
	[sflag:s4] =	ssyncset.s32 $0xFFFFF086  }
0x25: {  	[simem:s6], [sflag:s4] =	dma.local [hbm:s3], $0xF7A  }
0x26: {  	[smem:$0x3F9F] =	sst s1;
	(tag) =	ssettag s2;
	_ =	strace s9  }
0x27: {  	s1 =	sld [smem:$0x3FAF]  }
0x28: {  	s2 =	sld [smem:$0x3FB0]  }
0x29: {  	s4 =	sld [smem:$0x3FB2]  }
0x2a: {  	p0 =	seq.s32 s5, $0x0;
	s5 =	sld [smem:$0x3FB3]  }
0x2b: {  	s6 =	sld [smem:$0x3FB4]  }
0x2c: {  	s7 =	sld [smem:$0x3FB5]  }
0x2d: {  	s3 =	simm.s32 $0x108;
	s8 =	sld [smem:$0x3FB6]  }
0x2e: {  	s3 =	simm.s32 @!p0 $0x1082;
	s9 =	sld [smem:$0x3FB7]  }
0x2f: {  	lr =	sadd.s32 s0, s3;
	s0 =	sld [smem:$0x3FAE]  }
0x30: {  	s3 =	sld [smem:$0x3FB1]  }
0x31: {  	[smem:$0x3FBA] =	sst s10  }
0x32: {  	s10 =	sld [smem:$0x3FB8];
	_ =	sdelay $0x3  }
0x33: {  	p0 =	seq.s32 s10, $0x1;
	s10 =	sld [smem:$0x3FBA];
	_ =	sdelay $0x3  }
0x34: {  	[smem:$0x3FBA] =	sst s10  }
0x35: {  	s10 =	sld [smem:$0x3FB9];
	_ =	sdelay $0x3  }
0x36: {  	p1 =	seq.s32 s10, $0x1;
	s10 =	sld [smem:$0x3FBA];
	_ =	sdelay $0x3  }
0x37: {  	[smem:$0x3FBA] =	sst s10  }
0x38: {  	s10 =	sld [smem:$0x3FBB]  }
0x39: {  	_ = 	snop;
	(pc) =	sbr.ind lr, $3  }
0x3a: {  	_ = 	snop  }
0x3b: {  	_ = 	snop  }
0x3c: {  	p2 =	seq.s32 s10, $0x1;
	s10 =	sld [smem:$0x3FBA]  }
0x3d: {  	_ =	shalt  }
0x3e: {  	_ =	shalt  }
0x3f: {  	_ =	shalt  }
0x40: {  	_ =	shalt  }
0x41: {  	_ =	shalt  }
0x42: {  	_ =	shalt  }
0x43: {  	_ =	shalt  }
0x44: {  	_ =	shalt  }
0x45: {  	_ =	shalt  }
0x46: {  	_ =	shalt  }
0x47: {  	_ =	shalt  }
0x48: {  	_ =	shalt  }
0x49: {  	_ =	shalt  }
0x4a: {  	_ =	shalt  }
0x4b: {  	_ =	shalt  }
0x4c: {  	_ =	shalt  }
0x4d: {  	_ =	shalt  }
0x4e: {  	_ =	shalt  }
0x4f: {  	_ =	shalt  }
0x50: {  	_ =	shalt  }
0x51: {  	_ =	shalt  }
0x52: {  	_ =	shalt  }
0x53: {  	_ =	shalt  }
0x54: {  	_ =	shalt  }
0x55: {  	_ =	shalt  }
0x56: {  	_ =	shalt  }
0x57: {  	_ =	shalt  }
0x58: {  	_ =	shalt  }
0x59: {  	_ =	shalt  }
0x5a: {  	_ =	shalt  }
0x5b: {  	_ =	shalt  }
0x5c: {  	_ =	shalt  }
0x5d: {  	_ =	shalt  }
0x5e: {  	_ =	shalt  }
0x5f: {  	_ =	shalt  }
0x60: {  	_ =	shalt  }
0x61: {  	_ =	shalt  }
0x62: {  	_ =	shalt  }
0x63: {  	_ =	shalt  }
0x64: {  	_ =	shalt  }
0x65: {  	_ =	shalt  }
0x66: {  	_ =	shalt  }
0x67: {  	_ =	shalt  }
0x68: {  	_ =	shalt  }
0x69: {  	_ =	shalt  }
0x6a: {  	_ =	shalt  }
0x6b: {  	_ =	shalt  }
0x6c: {  	_ =	shalt  }
0x6d: {  	_ =	shalt  }
0x6e: {  	_ =	shalt  }
0x6f: {  	_ =	shalt  }
0x70: {  	_ =	shalt  }
0x71: {  	_ =	shalt  }
0x72: {  	_ =	shalt  }
0x73: {  	_ =	shalt  }
0x74: {  	_ =	shalt  }
0x75: {  	_ =	shalt  }
0x76: {  	_ =	shalt  }
0x77: {  	_ =	shalt  }
0x78: {  	_ =	shalt  }
0x79: {  	_ =	shalt  }
0x7a: {  	_ =	shalt  }
0x7b: {  	_ =	shalt  }
0x7c: {  	_ =	shalt  }
0x7d: {  	_ =	shalt  }
0x7e: {  	_ =	shalt  }
0x7f: {  	_ =	shalt  }
0x80: {  	_ =	shalt  }
0x81: {  	_ =	shalt  }
0x82: {  	_ =	shalt  }
0x83: {  	_ =	shalt  }
0x84: {  	_ =	shalt  }
0x85: {  	_ =	shalt  }
0x86: {  	_ =	shalt  }
0x87: {  	_ =	shalt  }
.Lfunc_end0:
.L_simem_size_0:
called_computation_lowered:
.L_overlay_start_0:
0x88: {  	s2 =	sld [smem:$0x3FD9]  }
0x89: {  	s3 =	sld [smem:$0x3FFE];
	_ =	sdelay $0x1  }
0x8a: {  	s1 =	srdreg.scid  }
0x8b: {  	s0 =	sand.u32 $0x1, s1  }
0x8c: {  	s16 =	sshll.u32 s0, $0xA;
	s2 =	sadd.s32 s3, s2  }
0x8d: {  	s2 =	sadd.s32 s2, s16  }
0x8e: {  	[smem:$0x3FC6] =	sst s2  }
0x8f: {  	_ = 	snop  }
0x90: {  	(tm) =	ssettm $0x1  }
0x91: {  	s17 =	sld [smem:$0x3FFB];
	_ =	sdelay $0x3  }
0x92: {  	_ =	strace s17  }
0x93: {  	s2 =	sld [smem:$0x3FFC];
	_ =	sdelay $0x3  }
0x94: {  	_ =	strace s2  }
0x95: {  	s2 =	sld [smem:$0x3FFD];
	_ =	sdelay $0x3  }
0x96: {  	_ =	strace s2  }
0x97: {  	_ =	strace $0x8FFFFFFF  }
0x98: {  	s18 =	sld [smem:$0x3FDB];
	_ =	sdelay $0x1  }
0x99: {  	s19 =	simm.s32 $_scs_section_size  }
0x9a: {  	s4 =	simm.s32 $_size__tile_overlayer_lowered;
	s5 =	simm.s32 $_tile_overlayer_lowered  }
0x9b: {  	s22 =	simm.s32 $0x1BFF;
	s21 =	sshll.u32 s5, $0x1;
	s2 =	sadd.s32 s19, s18  }
0x9c: {  	s6 =	simm.s32 $0x0;
	s20 =	sshll.u32 s4, $0x1;
	s4 =	sadd.s32 s21, s2  }
0x9d: {  	[timem:s6], [sflag:s22] =	dma.local [hbm:s4], s20  }
0x9e: {  	_ =	swait.ge [sflag:s22], s20  }
0x9f: {  	s3 =	ssub.s32 $0x0, s20;
	[sflag:s22] =	ssyncset.done $0x0  }
0xa0: {  	[sflag:s22] =	ssyncadd.s32 s3;
	_ =	sdelay $0x1  }
0xa1: {  	s23 =	simm.s32 $0x1B8B  }
0xa2: {  	_ =	swait.ge [sflag:s23], $0x1  }
0xa3: {  	[sflag:s23] =	ssyncset.done $0x0  }
0xa4: {  	s25 =	simm.s32 $0x1B8E;
	s24 =	sld [smem:$0x3FFE];
	[sflag:s23] =	ssyncadd.s32 $0xFFFFFFFF  }
0xa5: {  	s26 =	simm.s32 $execute0_lowered;
	[smem:$0x3FD2] =	sst s25  }
0xa6: {  	s4 =	sshll.u32 s26, $0x1;
	_ =	strace $0x80000046;
	[dreg:$0x1] =	wrdreg $0xFFFFFFFF  }
0xa7: {  	s28 =	simm.s32 $_size_execute0_lowered;
	s2 =	sadd.s32 s2, s4;
	[dreg:$0x0] =	wrdreg $0x0  }
0xa8: {  	s4 =	sshll.u32 s28, $0x1;
	[dreg:$0x2] =	wrdreg s2  }
0xa9: {  	[dreg:$0x3] =	wrdreg s4  }
0xaa: {  	[dreg:$0x4] =	wrdreg $0xC0  }
0xab: {  	_ =	task [dreg:s6], $0x5FFFF  }
0xac: {  	[dreg:$0x1] =	wrdreg $0xFFFFFFFF  }
0xad: {  	[dreg:$0x0] =	wrdreg $0x60  }
0xae: {  	[dreg:$0x2] =	wrdreg s24  }
0xaf: {  	[dreg:$0x3] =	wrdreg $0x9  }
0xb0: {  	_ =	task.clear_ibuf [dreg:s6], $0x4FFFF;
	_ =	strace $0x90000046  }
0xb1: {  	s29 =	simm.s32 $0x9;
	_ =	strace $0x80000048  }
0xb2: {  	_ =	swait.ge [sflag:s29], $0x1  }
0xb3: {  	[sflag:s29] =	ssyncadd.s32 $0xFFFFFFFF  }
0xb4: {  	_ =	strace $0x90000048  }
0xb5: {  	_ =	sfence  }
0xb6: {  	s30 =	sld [smem:$0x0];
	_ =	sdelay $0x2  }
0xb7: {  	s31 =	sshll.u32 s1, $0xD;
	s1 =	sshrl.u32 s1, $0x2  }
0xb8: {  	s3 =	sand.u32 $0x4000, s31;
	s1 =	sadd.s32 s1, s30  }
0xb9: {  	s0 =	sor.u32 s3, s0;
	s1 =	sshll.u32 s1, $0x11  }
0xba: {  	s0 =	sor.u32 s1, s0  }
0xbb: {  	s0 =	sadd.s32 $0x8F2B, s0  }
0xbc: {  	[sflag:s0] =	ssyncadd.remote.s32 $0x1  }
0xbd: {  	_ =	sfence.sel $0xFFFF  }
0xbe: {  	[dreg:$0x0] =	wrdreg $0xFFFFFFFF;
	(pc) =	sbr.abs _section_cstart, $3  }
0xbf: {  	[dreg:$0x1] =	wrdreg $0xFFFFFFFF  }
0xc0: {  	_ =	task.clear_ibuf [dreg:s6], $0x2FFFF;
	_ =	strace $0x9FFFFFFF  }
0xc1: {  	(tm) =	ssettm $0x7FFFFFFF  }
tec
execute0_lowered:
.L_overlay_start_1:
0x0: {  	(tag) =	ssettag $0x1  }
0x1: {  	s5 =	rddreg [dreg:$0x0]  }
0x2: {  	s0 =	rddreg [dreg:$0x1];
	s2 =	simm.s32 $0x0  }
0x3: {  	s3 =	srdreg.scid;
	s1 =	stileid.u32;
	s10 =	simm.s32 $0x1  }
0x4: {  	s11 =	simm.s32 $0xC800;
	s12 =	simm.s32 $0x2;
	s13 =	simm.s32 $0x12C00  }
0x5: {  	s14 =	simm.s32 $0x3;
	s15 =	simm.s32 $0x4;
	s16 =	simm.s32 $0x0  }
0x6: {  	[smem:$0x7FF] =	sst s2;
	s6 =	sand.u32 $0x1, s3;
	s4 =	sshll.u32 s1, $0x1  }
.Ltmp0:
0x7: {  	s3 =	sadd.s32 $0xA00, s5;
	s4 =	sor.u32 s6, s4;
	(pc) =	sbr.rel .LBB2_1-.Ltmp0, $4  }
0x8: {  	s5 =	sadd.s32 $0xF42E00, s5;
	s7 =	ssub.s32 $0x2, s6;
	s30 =	ssub.s32 $0x13A7, s4  }
0x9: {  	s8 =	smul.u32 $0xC80, s4;
	s9 =	sshrl.u32 s7, $0x1;
	s6 =	sshrl.u32 s30, $0x5  }
0xa: {  	_ =	strace $0x80000047;
	s9 =	ssub.s32 s7, s9;
	s31 =	sadd.s32 $0x1, s6  }
0xb: {  	s7 =	sadd.s32 s3, s8;
	s9 =	smax.u32 s9, $0x1;
	s8 =	sshrl.u32 s31, $0x1  }
.LBB2_11:
0xc: {  	s16 =	sadd.s32 $0x1, s16  }
0xd: {  	_ =	swait.ge [sflag:s14], $0x6400;
	p0 =	sne.s32 s16, s9  }
.Ltmp1:
0xe: {  	[sflag:s14] =	ssyncset.done $0x0;
	(pc) =	sbr.rel @!p0 .LBB2_12-.Ltmp1, $4  }
0xf: {  	[sflag:s14] =	ssyncadd.s32 $0xFFFF9C00  }
0x10: {  	_ =	swait.ge [sflag:s15], $0x6400  }
0x11: {  	[sflag:s15] =	ssyncset.done $0x0  }
0x12: {  	[sflag:s15] =	ssyncadd.s32 $0xFFFF9C00  }
.LBB2_1:
.Ltmp2:
0x13: {  	(pc) =	sbr.rel .LBB2_2-.Ltmp2, $3  }
0x14: {  	_ =	sdelay $0x1  }
0x15: {  	[tilespmem:s2], [sflag:$0x1] =	stream.linear.gather [hbm4b:s7+s2], $0x6400, $0x38;
	[tilespmem:$0x19000] =	vst v63  }
0x16: {  	s17 =	simm.s32 $0x0  }
.LBB2_10:
0x17: {  	s17 =	sadd.s32 $0x1, s17  }
0x18: {  	p0 =	sne.s32 s17, s8  }
.Ltmp3:
0x19: {  	_ = 	snop;
	(pc) =	sbr.rel @!p0 .LBB2_11-.Ltmp3, $1  }
0x1a: {  	_ =	sdelay $0x3  }
.LBB2_2:
0x1b: {  	s19 =	sshll.u32 s17, $0x1  }
0x1c: {  	p1 =	sge.u32 s19, s6  }
.Ltmp4:
0x1d: {  	_ = 	snop;
	(pc) =	sbr.rel @p1 .LBB2_6-.Ltmp4, $3  }
0x1e: {  	_ =	sdelay $0x1  }
0x1f: {  	s18 =	sshllo.u32 s17, $0x1  }
0x20: {  	p0 =	sge.u32 s18, s6  }
0x21: {  	s20 =	sshll.u32 @!p0 s18, $0x5  }
0x22: {  	s20 =	sor.u32 @!p0 s4, s20  }
0x23: {  	s20 =	smul.u32 @!p0 $0xC80, s20;
	_ =	sdelay $0x1  }
0x24: {  	s21 =	simm.s32 @!p0 $0x0;
	s22 =	simm.s32 @!p0 $0x6400;
	s20 =	sadd.s32 @!p0 s3, s20  }
0x25: {  	[tilespmem:s22], [sflag:$0x2] =	stream.linear.gather @!p0 [hbm4b:s20+s21], $0x6400, $0x38;
	[tilespmem:$0x19000] =	vst v63  }
0x26: {  	_ =	swait.ge [sflag:s10], $0x6400  }
0x27: {  	p1 =	seq.s32 s17, $0x0;
	[sflag:s10] =	ssyncset.done $0x0  }
0x28: {  	s20 =	simm.s32 @!p1 $0x3;
	[sflag:s10] =	ssyncadd.s32 $0xFFFF9C00  }
0x29: {  	_ =	swait.ge @!p1 [sflag:s20], $0x6400  }
0x2a: {  	[sflag:s20] =	ssyncset.done @!p1 $0x0  }
0x2b: {  	s21 =	simm.s32 $0x0;
	[sflag:s20] =	ssyncadd.s32 @!p1 $0xFFFF9C00  }
0x2c: {  	v0 =	vld [tilespmem:s21+$0x3B0]  }
0x2d: {  	v1 =	vld [tilespmem:s21+$0x0];
	_ =	sdelay $0x1  }
0x2e: {  	v2 =	vld [tilespmem:s21+$0x10]  }
0x2f: {  	v3 =	vld [tilespmem:s21+$0x20]  }
0x30: {  	v4 =	vld [tilespmem:s21+$0x30];
	v0 =	vmul.f32 $8.000000000e+00, v0  }
0x31: {  	v5 =	vld [tilespmem:s21+$0x80];
	v1 =	vmul.f32 $8.000000000e+00, v1  }
0x32: {  	v6 =	vld [tilespmem:s21+$0x90];
	[tilespmem:s21+$0xCBB0] =	vst v0  }
0x33: {  	v0 =	vmul.f32 $8.000000000e+00, v2;
	[tilespmem:s21+$0xC800] =	vst v1;
	v1 =	vld [tilespmem:s21+$0xB0]  }
0x34: {  	v7 =	vld [tilespmem:s21+$0xA0];
	v2 =	vmul.f32 $8.000000000e+00, v3  }
0x35: {  	v3 =	vmul.f32 $8.000000000e+00, v4;
	[tilespmem:s21+$0xC810] =	vst v0;
	v0 =	vld [tilespmem:s21+$0x100]  }
0x36: {  	v4 =	vmul.f32 $8.000000000e+00, v5;
	[tilespmem:s21+$0xC820] =	vst v2;
	v2 =	vld [tilespmem:s21+$0x110]  }
0x37: {  	v5 =	vmul.f32 $8.000000000e+00, v6;
	[tilespmem:s21+$0xC830] =	vst v3;
	v3 =	vld [tilespmem:s21+$0x120]  }
0x38: {  	[tilespmem:s21+$0xC880] =	vst v4;
	v4 =	vld [tilespmem:s21+$0x130];
	v1 =	vmul.f32 $8.000000000e+00, v1  }
0x39: {  	v6 =	vmul.f32 $8.000000000e+00, v7;
	[tilespmem:s21+$0xC890] =	vst v5;
	v5 =	vld [tilespmem:s21+$0x180]  }
0x3a: {  	v0 =	vmul.f32 $8.000000000e+00, v0;
	[tilespmem:s21+$0xC8B0] =	vst v1;
	v1 =	vld [tilespmem:s21+$0x1A0]  }
0x3b: {  	[tilespmem:s21+$0xC8A0] =	vst v6;
	v6 =	vld [tilespmem:s21+$0x190];
	v2 =	vmul.f32 $8.000000000e+00, v2  }
0x3c: {  	v3 =	vmul.f32 $8.000000000e+00, v3;
	[tilespmem:s21+$0xC900] =	vst v0;
	v0 =	vld [tilespmem:s21+$0x1B0]  }
0x3d: {  	v4 =	vmul.f32 $8.000000000e+00, v4;
	[tilespmem:s21+$0xC910] =	vst v2;
	v2 =	vld [tilespmem:s21+$0x200]  }
0x3e: {  	v5 =	vmul.f32 $8.000000000e+00, v5;
	[tilespmem:s21+$0xC920] =	vst v3;
	v3 =	vld [tilespmem:s21+$0x210]  }
0x3f: {  	[tilespmem:s21+$0xC930] =	vst v4;
	v4 =	vld [tilespmem:s21+$0x220];
	v1 =	vmul.f32 $8.000000000e+00, v1  }
0x40: {  	v6 =	vmul.f32 $8.000000000e+00, v6;
	[tilespmem:s21+$0xC980] =	vst v5;
	v5 =	vld [tilespmem:s21+$0x230]  }
0x41: {  	v0 =	vmul.f32 $8.000000000e+00, v0;
	[tilespmem:s21+$0xC9A0] =	vst v1;
	v1 =	vld [tilespmem:s21+$0x290]  }
0x42: {  	[tilespmem:s21+$0xC990] =	vst v6;
	v6 =	vld [tilespmem:s21+$0x280];
	v2 =	vmul.f32 $8.000000000e+00, v2  }
0x43: {  	[tilespmem:s21+$0xC9B0] =	vst v0;
	v0 =	vmul.f32 $8.000000000e+00, v3;
	v3 =	vld [tilespmem:s21+$0x2B0]  }
0x44: {  	v7 =	vld [tilespmem:s21+$0x2A0];
	[tilespmem:s21+$0xCA00] =	vst v2;
	v2 =	vmul.f32 $8.000000000e+00, v4  }
0x45: {  	v4 =	vld [tilespmem:s21+$0x300];
	[tilespmem:s21+$0xCA10] =	vst v0;
	v0 =	vmul.f32 $8.000000000e+00, v5  }
0x46: {  	v8 =	vld [tilespmem:s21+$0x310];
	[tilespmem:s21+$0xCA20] =	vst v2;
	v5 =	vmul.f32 $8.000000000e+00, v1  }
0x47: {  	v2 =	vmul.f32 $8.000000000e+00, v6;
	[tilespmem:s21+$0xCA30] =	vst v0;
	v0 =	vld [tilespmem:s21+$0x320]  }
0x48: {  	v1 =	vld [tilespmem:s21+$0x330];
	[tilespmem:s21+$0xCA90] =	vst v5;
	v5 =	vmul.f32 $8.000000000e+00, v3  }
0x49: {  	v6 =	vmul.f32 $8.000000000e+00, v7;
	[tilespmem:s21+$0xCA80] =	vst v2;
	v2 =	vld [tilespmem:s21+$0x380]  }
0x4a: {  	s31 =	sshll.u32 s17, $0x6;
	v3 =	vld [tilespmem:s21+$0x390];
	[tilespmem:s21+$0xCAB0] =	vst v5;
	v5 =	vmul.f32 $8.000000000e+00, v4  }
0x4b: {  	s23 =	simm.s32 $0x2000;
	s22 =	simm.s32 $0x400;
	s20 =	sor.u32 s4, s31;
	[tilespmem:s21+$0xCAA0] =	vst v6;
	v6 =	vmul.f32 $8.000000000e+00, v8;
	v4 =	vld [tilespmem:s21+$0x3A0]  }
.LBB2_4:
0x4c: {  	p1 =	sne.s32 s23, $0x18000;
	v7 =	vld [tilespmem:s22+$0x3B0];
	[tilespmem:s21+$0xCB00] =	vst v5;
	v0 =	vmul.f32 $8.000000000e+00, v0  }
0x4d: {  	v5 =	vld [tilespmem:s22+$0x0];
	[tilespmem:s21+$0xCB10] =	vst v6;
	v1 =	vmul.f32 $8.000000000e+00, v1  }
0x4e: {  	v6 =	vld [tilespmem:s22+$0x10];
	[tilespmem:s21+$0xCB20] =	vst v0;
	v0 =	vmul.f32 $8.000000000e+00, v2  }
0x4f: {  	v2 =	vld [tilespmem:s22+$0x20];
	[tilespmem:s21+$0xCB30] =	vst v1;
	v1 =	vmul.f32 $8.000000000e+00, v3  }
0x50: {  	v3 =	vld [tilespmem:s22+$0x30];
	[tilespmem:s21+$0xCB80] =	vst v0;
	v0 =	vmul.f32 $8.000000000e+00, v4  }
0x51: {  	v4 =	vld [tilespmem:s22+$0x80];
	v7 =	vmul.f32 $8.000000000e+00, v7;
	[tilespmem:s21+$0xCB90] =	vst v1  }
0x52: {  	v1 =	vmul.f32 $8.000000000e+00, v5;
	v5 =	vld [tilespmem:s22+$0x90];
	[tilespmem:s21+$0xCBA0] =	vst v0;
	s21 =	smov.u32 s22  }
0x53: {  	v0 =	vmul.f32 $8.000000000e+00, v6;
	v6 =	vld [tilespmem:s21+$0xA0];
	[tilespmem:s21+$0xCBB0] =	vst v7  }
0x54: {  	[tilespmem:s21+$0xC800] =	vst v1;
	v1 =	vmul.f32 $8.000000000e+00, v2;
	v2 =	vld [tilespmem:s21+$0xB0]  }
0x55: {  	[tilespmem:s21+$0xC810] =	vst v0;
	v0 =	vmul.f32 $8.000000000e+00, v3;
	v3 =	vld [tilespmem:s21+$0x100]  }
0x56: {  	[tilespmem:s21+$0xC820] =	vst v1;
	v1 =	vmul.f32 $8.000000000e+00, v4;
	v4 =	vld [tilespmem:s21+$0x110]  }
0x57: {  	[tilespmem:s21+$0xC830] =	vst v0;
	v0 =	vmul.f32 $8.000000000e+00, v5;
	v5 =	vld [tilespmem:s21+$0x120]  }
0x58: {  	[tilespmem:s21+$0xC880] =	vst v1;
	v1 =	vmul.f32 $8.000000000e+00, v6;
	v6 =	vld [tilespmem:s21+$0x130]  }
0x59: {  	[tilespmem:s21+$0xC890] =	vst v0;
	v0 =	vmul.f32 $8.000000000e+00, v2;
	v2 =	vld [tilespmem:s21+$0x180]  }
0x5a: {  	[tilespmem:s21+$0xC8A0] =	vst v1;
	v1 =	vmul.f32 $8.000000000e+00, v3;
	v3 =	vld [tilespmem:s21+$0x190]  }
0x5b: {  	[tilespmem:s21+$0xC8B0] =	vst v0;
	v0 =	vmul.f32 $8.000000000e+00, v4;
	v4 =	vld [tilespmem:s21+$0x1A0]  }
0x5c: {  	[tilespmem:s21+$0xC900] =	vst v1;
	v1 =	vmul.f32 $8.000000000e+00, v5;
	v5 =	vld [tilespmem:s21+$0x1B0]  }
0x5d: {  	[tilespmem:s21+$0xC910] =	vst v0;
	v0 =	vmul.f32 $8.000000000e+00, v6;
	v6 =	vld [tilespmem:s21+$0x200]  }
0x5e: {  	[tilespmem:s21+$0xC920] =	vst v1;
	v1 =	vmul.f32 $8.000000000e+00, v2;
	v2 =	vld [tilespmem:s21+$0x210]  }
0x5f: {  	[tilespmem:s21+$0xC930] =	vst v0;
	v0 =	vmul.f32 $8.000000000e+00, v3;
	v3 =	vld [tilespmem:s21+$0x220]  }
0x60: {  	[tilespmem:s21+$0xC980] =	vst v1;
	v1 =	vmul.f32 $8.000000000e+00, v4;
	v4 =	vld [tilespmem:s21+$0x230]  }
0x61: {  	[tilespmem:s21+$0xC990] =	vst v0;
	v0 =	vmul.f32 $8.000000000e+00, v5;
	v5 =	vld [tilespmem:s21+$0x280]  }
0x62: {  	[tilespmem:s21+$0xC9A0] =	vst v1;
	v1 =	vmul.f32 $8.000000000e+00, v6;
	v6 =	vld [tilespmem:s21+$0x290]  }
0x63: {  	[tilespmem:s21+$0xC9B0] =	vst v0;
	v0 =	vmul.f32 $8.000000000e+00, v2;
	v2 =	vld [tilespmem:s21+$0x2A0]  }
0x64: {  	[tilespmem:s21+$0xCA00] =	vst v1;
	v1 =	vmul.f32 $8.000000000e+00, v3;
	v3 =	vld [tilespmem:s21+$0x2B0]  }
0x65: {  	[tilespmem:s21+$0xCA10] =	vst v0;
	v0 =	vmul.f32 $8.000000000e+00, v4;
	v4 =	vld [tilespmem:s21+$0x300]  }
0x66: {  	[tilespmem:s21+$0xCA20] =	vst v1;
	v1 =	vmul.f32 $8.000000000e+00, v5;
	v7 =	vld [tilespmem:s21+$0x310]  }
.Ltmp5:
0x67: {  	[tilespmem:s21+$0xCA30] =	vst v0;
	v5 =	vmul.f32 $8.000000000e+00, v6;
	v0 =	vld [tilespmem:s21+$0x320];
	(pc) =	sbr.rel @p1 .LBB2_4-.Ltmp5, $4  }
0x68: {  	[tilespmem:s21+$0xCA80] =	vst v1;
	v6 =	vmul.f32 $8.000000000e+00, v2;
	v1 =	vld [tilespmem:s21+$0x330]  }
0x69: {  	[tilespmem:s21+$0xCA90] =	vst v5;
	v8 =	vmul.f32 $8.000000000e+00, v3;
	v2 =	vld [tilespmem:s21+$0x380]  }
0x6a: {  	[tilespmem:s21+$0xCAA0] =	vst v6;
	v5 =	vmul.f32 $8.000000000e+00, v4;
	v3 =	vld [tilespmem:s21+$0x390]  }
0x6b: {  	s22 =	sshra.s32 s23, $0x2;
	s23 =	sadd.s32 $0x1000, s23;
	[tilespmem:s21+$0xCAB0] =	vst v8;
	v6 =	vmul.f32 $8.000000000e+00, v7;
	v4 =	vld [tilespmem:s21+$0x3A0]  }
0x6c: {  	v7 =	vld [tilespmem:s22+$0x3B0];
	[tilespmem:s21+$0xCB00] =	vst v5;
	v0 =	vmul.f32 $8.000000000e+00, v0  }
0x6d: {  	v5 =	vld [tilespmem:s22+$0x0];
	[tilespmem:s21+$0xCB10] =	vst v6;
	v1 =	vmul.f32 $8.000000000e+00, v1  }
0x6e: {  	v6 =	vld [tilespmem:s22+$0x10];
	[tilespmem:s21+$0xCB20] =	vst v0;
	v2 =	vmul.f32 $8.000000000e+00, v2  }
0x6f: {  	v0 =	vld [tilespmem:s22+$0x20];
	[tilespmem:s21+$0xCB30] =	vst v1;
	v3 =	vmul.f32 $8.000000000e+00, v3  }
0x70: {  	v1 =	vld [tilespmem:s22+$0x30];
	[tilespmem:s21+$0xCB80] =	vst v2;
	v4 =	vmul.f32 $8.000000000e+00, v4  }
0x71: {  	v2 =	vld [tilespmem:s22+$0x80];
	[tilespmem:s21+$0xCB90] =	vst v3;
	v7 =	vmul.f32 $8.000000000e+00, v7  }
0x72: {  	v3 =	vld [tilespmem:s22+$0x90];
	[tilespmem:s21+$0xCBA0] =	vst v4;
	v32 =	vmul.f32 $8.000000000e+00, v5  }
0x73: {  	v33 =	vld [tilespmem:s22+$0xA0];
	[tilespmem:s22+$0xCBB0] =	vst v7;
	v6 =	vmul.f32 $8.000000000e+00, v6  }
0x74: {  	v34 =	vld [tilespmem:s22+$0xB0];
	[tilespmem:s22+$0xC800] =	vst v32;
	v0 =	vmul.f32 $8.000000000e+00, v0  }
0x75: {  	v35 =	vld [tilespmem:s22+$0x100];
	[tilespmem:s22+$0xC810] =	vst v6;
	v1 =	vmul.f32 $8.000000000e+00, v1  }
0x76: {  	v36 =	vld [tilespmem:s22+$0x110];
	[tilespmem:s22+$0xC820] =	vst v0;
	v2 =	vmul.f32 $8.000000000e+00, v2  }
0x77: {  	v37 =	vld [tilespmem:s22+$0x120];
	[tilespmem:s22+$0xC830] =	vst v1;
	v3 =	vmul.f32 $8.000000000e+00, v3  }
0x78: {  	v38 =	vld [tilespmem:s22+$0x130];
	[tilespmem:s22+$0xC880] =	vst v2;
	v5 =	vmul.f32 $8.000000000e+00, v33  }
0x79: {  	v52 =	vld [tilespmem:s22+$0x310];
	v4 =	vmul.f32 $8.000000000e+00, v34;
	[tilespmem:s22+$0xC890] =	vst v3  }
0x7a: {  	v53 =	vld [tilespmem:s22+$0x320];
	v6 =	vmul.f32 $8.000000000e+00, v35;
	[tilespmem:s22+$0xC8A0] =	vst v5  }
0x7b: {  	v54 =	vld [tilespmem:s22+$0x330];
	v0 =	vmul.f32 $8.000000000e+00, v36;
	[tilespmem:s22+$0xC8B0] =	vst v4  }
0x7c: {  	v55 =	vld [tilespmem:s22+$0x380];
	v1 =	vmul.f32 $8.000000000e+00, v37;
	[tilespmem:s22+$0xC900] =	vst v6  }
0x7d: {  	v56 =	vld [tilespmem:s22+$0x390];
	v2 =	vmul.f32 $8.000000000e+00, v38;
	[tilespmem:s22+$0xC910] =	vst v0  }
0x7e: {  	v58 =	vld [tilespmem:s22+$0x3A0];
	v57 =	vmul.f32 $8.000000000e+00, v52;
	[tilespmem:s22+$0xC920] =	vst v1  }
0x7f: {  	v39 =	vld [tilespmem:s22+$0x180];
	v59 =	vmul.f32 $8.000000000e+00, v53;
	[tilespmem:s22+$0xC930] =	vst v2  }
0x80: {  	v40 =	vld [tilespmem:s22+$0x190];
	v60 =	vmul.f32 $8.000000000e+00, v54;
	[tilespmem:s22+$0xCB10] =	vst v57  }
0x81: {  	v41 =	vld [tilespmem:s22+$0x1A0];
	v61 =	vmul.f32 $8.000000000e+00, v55;
	[tilespmem:s22+$0xCB20] =	vst v59  }
0x82: {  	v42 =	vld [tilespmem:s22+$0x1B0];
	v62 =	vmul.f32 $8.000000000e+00, v56;
	[tilespmem:s22+$0xCB30] =	vst v60  }
0x83: {  	v43 =	vld [tilespmem:s22+$0x200];
	v63 =	vmul.f32 $8.000000000e+00, v58;
	[tilespmem:s22+$0xCB80] =	vst v61  }
0x84: {  	v44 =	vld [tilespmem:s22+$0x210];
	v3 =	vmul.f32 $8.000000000e+00, v39;
	[tilespmem:s22+$0xCB90] =	vst v62  }
0x85: {  	v45 =	vld [tilespmem:s22+$0x220];
	v5 =	vmul.f32 $8.000000000e+00, v40;
	[tilespmem:s22+$0xCBA0] =	vst v63  }
0x86: {  	v46 =	vld [tilespmem:s22+$0x230];
	v4 =	vmul.f32 $8.000000000e+00, v41;
	[tilespmem:s22+$0xC980] =	vst v3  }
0x87: {  	v47 =	vld [tilespmem:s22+$0x280];
	v6 =	vmul.f32 $8.000000000e+00, v42;
	[tilespmem:s22+$0xC990] =	vst v5  }
0x88: {  	v48 =	vld [tilespmem:s22+$0x290];
	v0 =	vmul.f32 $8.000000000e+00, v43;
	[tilespmem:s22+$0xC9A0] =	vst v4  }
0x89: {  	v49 =	vld [tilespmem:s22+$0x2A0];
	v1 =	vmul.f32 $8.000000000e+00, v44;
	[tilespmem:s22+$0xC9B0] =	vst v6  }
0x8a: {  	v50 =	vld [tilespmem:s22+$0x2B0];
	v2 =	vmul.f32 $8.000000000e+00, v45;
	[tilespmem:s22+$0xCA00] =	vst v0  }
0x8b: {  	v51 =	vld [tilespmem:s22+$0x300];
	v3 =	vmul.f32 $8.000000000e+00, v46;
	[tilespmem:s22+$0xCA10] =	vst v1  }
0x8c: {  	[tilespmem:s22+$0xCA20] =	vst v2;
	v5 =	vmul.f32 $8.000000000e+00, v47  }
0x8d: {  	v4 =	vmul.f32 $8.000000000e+00, v48;
	[tilespmem:s22+$0xCA30] =	vst v3  }
0x8e: {  	v6 =	vmul.f32 $8.000000000e+00, v49;
	[tilespmem:s22+$0xCA80] =	vst v5  }
0x8f: {  	s20 =	smul.u32 $0x6400, s20;
	v0 =	vmul.f32 $8.000000000e+00, v50;
	[tilespmem:s22+$0xCA90] =	vst v4  }
0x90: {  	v1 =	vmul.f32 $8.000000000e+00, v51;
	[tilespmem:s22+$0xCAA0] =	vst v6  }
0x91: {  	s20 =	sshrl.u32 s20, $0x3;
	[tilespmem:s22+$0xCAB0] =	vst v0  }
0x92: {  	s20 =	sadd.s32 s5, s20;
	[tilespmem:s22+$0xCB00] =	vst v1  }
0x93: {  	[hbm4b:s20+s2] =	stream.linear.scatter [tilespmem:s11], [sflag:$0x3], $0x6400, $0x38;
	[tilespmem:$0x19000] =	vst v63  }
.LBB2_6:
.Ltmp6:
0x94: {  	(pc) =	sbr.rel @p0 .LBB2_10-.Ltmp6, $1  }
0x95: {  	_ =	sdelay $0x3  }
0x96: {  	s19 =	sadd.s32 $0x2, s19  }
0x97: {  	p0 =	sge.u32 s19, s6  }
0x98: {  	s19 =	sshll.u32 @!p0 s19, $0x5  }
0x99: {  	s19 =	sor.u32 @!p0 s4, s19  }
0x9a: {  	s19 =	smul.u32 @!p0 $0xC80, s19;
	_ =	sdelay $0x1  }
0x9b: {  	s20 =	simm.s32 @!p0 $0x0;
	s19 =	sadd.s32 @!p0 s3, s19  }
0x9c: {  	[tilespmem:s20], [sflag:$0x1] =	stream.linear.gather @!p0 [hbm4b:s19+s20], $0x6400, $0x38;
	[tilespmem:$0x19000] =	vst v63  }
0x9d: {  	_ =	swait.ge [sflag:s12], $0x6400  }
0x9e: {  	p0 =	seq.s32 s17, $0x0;
	[sflag:s12] =	ssyncset.done $0x0  }
0x9f: {  	s19 =	simm.s32 @!p0 $0x4;
	[sflag:s12] =	ssyncadd.s32 $0xFFFF9C00  }
0xa0: {  	_ =	swait.ge @!p0 [sflag:s19], $0x6400  }
0xa1: {  	[sflag:s19] =	ssyncset.done @!p0 $0x0  }
0xa2: {  	[sflag:s19] =	ssyncadd.s32 @!p0 $0xFFFF9C00;
	s19 =	simm.s32 $0x0  }
0xa3: {  	v0 =	vld [tilespmem:s19+$0x67B0]  }
0xa4: {  	v1 =	vld [tilespmem:s19+$0x6400];
	_ =	sdelay $0x1  }
0xa5: {  	v2 =	vld [tilespmem:s19+$0x6410]  }
0xa6: {  	v3 =	vld [tilespmem:s19+$0x6420]  }
0xa7: {  	v4 =	vld [tilespmem:s19+$0x6430];
	v0 =	vmul.f32 $8.000000000e+00, v0  }
0xa8: {  	v5 =	vld [tilespmem:s19+$0x6480];
	v1 =	vmul.f32 $8.000000000e+00, v1  }
0xa9: {  	v6 =	vld [tilespmem:s19+$0x6490];
	[tilespmem:s19+$0x12FB0] =	vst v0  }
0xaa: {  	v0 =	vmul.f32 $8.000000000e+00, v2;
	[tilespmem:s19+$0x12C00] =	vst v1;
	v1 =	vld [tilespmem:s19+$0x64B0]  }
0xab: {  	v7 =	vld [tilespmem:s19+$0x64A0];
	v2 =	vmul.f32 $8.000000000e+00, v3  }
0xac: {  	v3 =	vmul.f32 $8.000000000e+00, v4;
	[tilespmem:s19+$0x12C10] =	vst v0;
	v0 =	vld [tilespmem:s19+$0x6500]  }
0xad: {  	v4 =	vmul.f32 $8.000000000e+00, v5;
	[tilespmem:s19+$0x12C20] =	vst v2;
	v2 =	vld [tilespmem:s19+$0x6510]  }
0xae: {  	v5 =	vmul.f32 $8.000000000e+00, v6;
	[tilespmem:s19+$0x12C30] =	vst v3;
	v3 =	vld [tilespmem:s19+$0x6520]  }
0xaf: {  	[tilespmem:s19+$0x12C80] =	vst v4;
	v4 =	vld [tilespmem:s19+$0x6530];
	v1 =	vmul.f32 $8.000000000e+00, v1  }
0xb0: {  	v6 =	vmul.f32 $8.000000000e+00, v7;
	[tilespmem:s19+$0x12C90] =	vst v5;
	v5 =	vld [tilespmem:s19+$0x6580]  }
0xb1: {  	v0 =	vmul.f32 $8.000000000e+00, v0;
	[tilespmem:s19+$0x12CB0] =	vst v1;
	v1 =	vld [tilespmem:s19+$0x65A0]  }
0xb2: {  	[tilespmem:s19+$0x12CA0] =	vst v6;
	v6 =	vld [tilespmem:s19+$0x6590];
	v2 =	vmul.f32 $8.000000000e+00, v2  }
0xb3: {  	v3 =	vmul.f32 $8.000000000e+00, v3;
	[tilespmem:s19+$0x12D00] =	vst v0;
	v0 =	vld [tilespmem:s19+$0x65B0]  }
0xb4: {  	v4 =	vmul.f32 $8.000000000e+00, v4;
	[tilespmem:s19+$0x12D10] =	vst v2;
	v2 =	vld [tilespmem:s19+$0x6600]  }
0xb5: {  	v5 =	vmul.f32 $8.000000000e+00, v5;
	[tilespmem:s19+$0x12D20] =	vst v3;
	v3 =	vld [tilespmem:s19+$0x6610]  }
0xb6: {  	[tilespmem:s19+$0x12D30] =	vst v4;
	v4 =	vld [tilespmem:s19+$0x6620];
	v1 =	vmul.f32 $8.000000000e+00, v1  }
0xb7: {  	v6 =	vmul.f32 $8.000000000e+00, v6;
	[tilespmem:s19+$0x12D80] =	vst v5;
	v5 =	vld [tilespmem:s19+$0x6630]  }
0xb8: {  	v0 =	vmul.f32 $8.000000000e+00, v0;
	[tilespmem:s19+$0x12DA0] =	vst v1;
	v1 =	vld [tilespmem:s19+$0x6690]  }
0xb9: {  	[tilespmem:s19+$0x12D90] =	vst v6;
	v6 =	vld [tilespmem:s19+$0x6680];
	v2 =	vmul.f32 $8.000000000e+00, v2  }
0xba: {  	[tilespmem:s19+$0x12DB0] =	vst v0;
	v0 =	vmul.f32 $8.000000000e+00, v3;
	v3 =	vld [tilespmem:s19+$0x66B0]  }
0xbb: {  	v7 =	vld [tilespmem:s19+$0x66A0];
	[tilespmem:s19+$0x12E00] =	vst v2;
	v2 =	vmul.f32 $8.000000000e+00, v4  }
0xbc: {  	v4 =	vld [tilespmem:s19+$0x6700];
	[tilespmem:s19+$0x12E10] =	vst v0;
	v0 =	vmul.f32 $8.000000000e+00, v5  }
0xbd: {  	v8 =	vld [tilespmem:s19+$0x6710];
	[tilespmem:s19+$0x12E20] =	vst v2;
	v5 =	vmul.f32 $8.000000000e+00, v1  }
0xbe: {  	v2 =	vmul.f32 $8.000000000e+00, v6;
	[tilespmem:s19+$0x12E30] =	vst v0;
	v0 =	vld [tilespmem:s19+$0x6720]  }
0xbf: {  	v1 =	vld [tilespmem:s19+$0x6730];
	[tilespmem:s19+$0x12E90] =	vst v5;
	v5 =	vmul.f32 $8.000000000e+00, v3  }
0xc0: {  	v6 =	vmul.f32 $8.000000000e+00, v7;
	[tilespmem:s19+$0x12E80] =	vst v2;
	v2 =	vld [tilespmem:s19+$0x6780]  }
0xc1: {  	s18 =	sshll.u32 s18, $0x5;
	v3 =	vld [tilespmem:s19+$0x6790];
	[tilespmem:s19+$0x12EB0] =	vst v5;
	v5 =	vmul.f32 $8.000000000e+00, v4  }
0xc2: {  	s21 =	simm.s32 $0x2000;
	s18 =	sor.u32 s4, s18;
	s20 =	simm.s32 $0x400;
	[tilespmem:s19+$0x12EA0] =	vst v6;
	v6 =	vmul.f32 $8.000000000e+00, v8;
	v4 =	vld [tilespmem:s19+$0x67A0]  }
.LBB2_8:
0xc3: {  	p0 =	sne.s32 s21, $0x18000;
	v7 =	vld [tilespmem:s20+$0x67B0];
	[tilespmem:s19+$0x12F00] =	vst v5;
	v0 =	vmul.f32 $8.000000000e+00, v0  }
0xc4: {  	v5 =	vld [tilespmem:s20+$0x6400];
	[tilespmem:s19+$0x12F10] =	vst v6;
	v1 =	vmul.f32 $8.000000000e+00, v1  }
0xc5: {  	v6 =	vld [tilespmem:s20+$0x6410];
	[tilespmem:s19+$0x12F20] =	vst v0;
	v0 =	vmul.f32 $8.000000000e+00, v2  }
0xc6: {  	v2 =	vld [tilespmem:s20+$0x6420];
	[tilespmem:s19+$0x12F30] =	vst v1;
	v1 =	vmul.f32 $8.000000000e+00, v3  }
0xc7: {  	v3 =	vld [tilespmem:s20+$0x6430];
	[tilespmem:s19+$0x12F80] =	vst v0;
	v0 =	vmul.f32 $8.000000000e+00, v4  }
0xc8: {  	v4 =	vld [tilespmem:s20+$0x6480];
	v7 =	vmul.f32 $8.000000000e+00, v7;
	[tilespmem:s19+$0x12F90] =	vst v1  }
0xc9: {  	v1 =	vmul.f32 $8.000000000e+00, v5;
	v5 =	vld [tilespmem:s20+$0x6490];
	[tilespmem:s19+$0x12FA0] =	vst v0;
	s19 =	smov.u32 s20  }
0xca: {  	v0 =	vmul.f32 $8.000000000e+00, v6;
	v6 =	vld [tilespmem:s19+$0x64A0];
	[tilespmem:s19+$0x12FB0] =	vst v7  }
0xcb: {  	[tilespmem:s19+$0x12C00] =	vst v1;
	v1 =	vmul.f32 $8.000000000e+00, v2;
	v2 =	vld [tilespmem:s19+$0x64B0]  }
0xcc: {  	[tilespmem:s19+$0x12C10] =	vst v0;
	v0 =	vmul.f32 $8.000000000e+00, v3;
	v3 =	vld [tilespmem:s19+$0x6500]  }
0xcd: {  	[tilespmem:s19+$0x12C20] =	vst v1;
	v1 =	vmul.f32 $8.000000000e+00, v4;
	v4 =	vld [tilespmem:s19+$0x6510]  }
0xce: {  	[tilespmem:s19+$0x12C30] =	vst v0;
	v0 =	vmul.f32 $8.000000000e+00, v5;
	v5 =	vld [tilespmem:s19+$0x6520]  }
0xcf: {  	[tilespmem:s19+$0x12C80] =	vst v1;
	v1 =	vmul.f32 $8.000000000e+00, v6;
	v6 =	vld [tilespmem:s19+$0x6530]  }
0xd0: {  	[tilespmem:s19+$0x12C90] =	vst v0;
	v0 =	vmul.f32 $8.000000000e+00, v2;
	v2 =	vld [tilespmem:s19+$0x6580]  }
0xd1: {  	[tilespmem:s19+$0x12CA0] =	vst v1;
	v1 =	vmul.f32 $8.000000000e+00, v3;
	v3 =	vld [tilespmem:s19+$0x6590]  }
0xd2: {  	[tilespmem:s19+$0x12CB0] =	vst v0;
	v0 =	vmul.f32 $8.000000000e+00, v4;
	v4 =	vld [tilespmem:s19+$0x65A0]  }
0xd3: {  	[tilespmem:s19+$0x12D00] =	vst v1;
	v1 =	vmul.f32 $8.000000000e+00, v5;
	v5 =	vld [tilespmem:s19+$0x65B0]  }
0xd4: {  	[tilespmem:s19+$0x12D10] =	vst v0;
	v0 =	vmul.f32 $8.000000000e+00, v6;
	v6 =	vld [tilespmem:s19+$0x6600]  }
0xd5: {  	[tilespmem:s19+$0x12D20] =	vst v1;
	v1 =	vmul.f32 $8.000000000e+00, v2;
	v2 =	vld [tilespmem:s19+$0x6610]  }
0xd6: {  	[tilespmem:s19+$0x12D30] =	vst v0;
	v0 =	vmul.f32 $8.000000000e+00, v3;
	v3 =	vld [tilespmem:s19+$0x6620]  }
0xd7: {  	[tilespmem:s19+$0x12D80] =	vst v1;
	v1 =	vmul.f32 $8.000000000e+00, v4;
	v4 =	vld [tilespmem:s19+$0x6630]  }
0xd8: {  	[tilespmem:s19+$0x12D90] =	vst v0;
	v0 =	vmul.f32 $8.000000000e+00, v5;
	v5 =	vld [tilespmem:s19+$0x6680]  }
0xd9: {  	[tilespmem:s19+$0x12DA0] =	vst v1;
	v1 =	vmul.f32 $8.000000000e+00, v6;
	v6 =	vld [tilespmem:s19+$0x6690]  }
0xda: {  	[tilespmem:s19+$0x12DB0] =	vst v0;
	v0 =	vmul.f32 $8.000000000e+00, v2;
	v2 =	vld [tilespmem:s19+$0x66A0]  }
0xdb: {  	[tilespmem:s19+$0x12E00] =	vst v1;
	v1 =	vmul.f32 $8.000000000e+00, v3;
	v3 =	vld [tilespmem:s19+$0x66B0]  }
0xdc: {  	[tilespmem:s19+$0x12E10] =	vst v0;
	v0 =	vmul.f32 $8.000000000e+00, v4;
	v4 =	vld [tilespmem:s19+$0x6700]  }
0xdd: {  	[tilespmem:s19+$0x12E20] =	vst v1;
	v1 =	vmul.f32 $8.000000000e+00, v5;
	v7 =	vld [tilespmem:s19+$0x6710]  }
.Ltmp7:
0xde: {  	[tilespmem:s19+$0x12E30] =	vst v0;
	v5 =	vmul.f32 $8.000000000e+00, v6;
	v0 =	vld [tilespmem:s19+$0x6720];
	(pc) =	sbr.rel @p0 .LBB2_8-.Ltmp7, $4  }
0xdf: {  	[tilespmem:s19+$0x12E80] =	vst v1;
	v6 =	vmul.f32 $8.000000000e+00, v2;
	v1 =	vld [tilespmem:s19+$0x6730]  }
0xe0: {  	[tilespmem:s19+$0x12E90] =	vst v5;
	v8 =	vmul.f32 $8.000000000e+00, v3;
	v2 =	vld [tilespmem:s19+$0x6780]  }
0xe1: {  	[tilespmem:s19+$0x12EA0] =	vst v6;
	v5 =	vmul.f32 $8.000000000e+00, v4;
	v3 =	vld [tilespmem:s19+$0x6790]  }
0xe2: {  	s20 =	sshra.s32 s21, $0x2;
	s21 =	sadd.s32 $0x1000, s21;
	[tilespmem:s19+$0x12EB0] =	vst v8;
	v6 =	vmul.f32 $8.000000000e+00, v7;
	v4 =	vld [tilespmem:s19+$0x67A0]  }
0xe3: {  	v7 =	vld [tilespmem:s20+$0x67B0];
	[tilespmem:s19+$0x12F00] =	vst v5;
	v0 =	vmul.f32 $8.000000000e+00, v0  }
0xe4: {  	v5 =	vld [tilespmem:s20+$0x6400];
	[tilespmem:s19+$0x12F10] =	vst v6;
	v1 =	vmul.f32 $8.000000000e+00, v1  }
0xe5: {  	v6 =	vld [tilespmem:s20+$0x6410];
	[tilespmem:s19+$0x12F20] =	vst v0;
	v2 =	vmul.f32 $8.000000000e+00, v2  }
0xe6: {  	v0 =	vld [tilespmem:s20+$0x6420];
	[tilespmem:s19+$0x12F30] =	vst v1;
	v3 =	vmul.f32 $8.000000000e+00, v3  }
0xe7: {  	v1 =	vld [tilespmem:s20+$0x6430];
	[tilespmem:s19+$0x12F80] =	vst v2;
	v4 =	vmul.f32 $8.000000000e+00, v4  }
0xe8: {  	v2 =	vld [tilespmem:s20+$0x6480];
	[tilespmem:s19+$0x12F90] =	vst v3;
	v7 =	vmul.f32 $8.000000000e+00, v7  }
0xe9: {  	v3 =	vld [tilespmem:s20+$0x6490];
	[tilespmem:s19+$0x12FA0] =	vst v4;
	v32 =	vmul.f32 $8.000000000e+00, v5  }
0xea: {  	v33 =	vld [tilespmem:s20+$0x64A0];
	[tilespmem:s20+$0x12FB0] =	vst v7;
	v6 =	vmul.f32 $8.000000000e+00, v6  }
0xeb: {  	v34 =	vld [tilespmem:s20+$0x64B0];
	[tilespmem:s20+$0x12C00] =	vst v32;
	v0 =	vmul.f32 $8.000000000e+00, v0  }
0xec: {  	v35 =	vld [tilespmem:s20+$0x6500];
	[tilespmem:s20+$0x12C10] =	vst v6;
	v1 =	vmul.f32 $8.000000000e+00, v1  }
0xed: {  	v36 =	vld [tilespmem:s20+$0x6510];
	[tilespmem:s20+$0x12C20] =	vst v0;
	v2 =	vmul.f32 $8.000000000e+00, v2  }
0xee: {  	v37 =	vld [tilespmem:s20+$0x6520];
	[tilespmem:s20+$0x12C30] =	vst v1;
	v3 =	vmul.f32 $8.000000000e+00, v3  }
0xef: {  	v38 =	vld [tilespmem:s20+$0x6530];
	[tilespmem:s20+$0x12C80] =	vst v2;
	v5 =	vmul.f32 $8.000000000e+00, v33  }
0xf0: {  	v52 =	vld [tilespmem:s20+$0x6710];
	v4 =	vmul.f32 $8.000000000e+00, v34;
	[tilespmem:s20+$0x12C90] =	vst v3  }
0xf1: {  	v53 =	vld [tilespmem:s20+$0x6720];
	v6 =	vmul.f32 $8.000000000e+00, v35;
	[tilespmem:s20+$0x12CA0] =	vst v5  }
0xf2: {  	v54 =	vld [tilespmem:s20+$0x6730];
	v0 =	vmul.f32 $8.000000000e+00, v36;
	[tilespmem:s20+$0x12CB0] =	vst v4  }
0xf3: {  	v55 =	vld [tilespmem:s20+$0x6780];
	v1 =	vmul.f32 $8.000000000e+00, v37;
	[tilespmem:s20+$0x12D00] =	vst v6  }
0xf4: {  	v56 =	vld [tilespmem:s20+$0x6790];
	v2 =	vmul.f32 $8.000000000e+00, v38;
	[tilespmem:s20+$0x12D10] =	vst v0  }
0xf5: {  	v58 =	vld [tilespmem:s20+$0x67A0];
	v57 =	vmul.f32 $8.000000000e+00, v52;
	[tilespmem:s20+$0x12D20] =	vst v1  }
0xf6: {  	v39 =	vld [tilespmem:s20+$0x6580];
	v59 =	vmul.f32 $8.000000000e+00, v53;
	[tilespmem:s20+$0x12D30] =	vst v2  }
0xf7: {  	v40 =	vld [tilespmem:s20+$0x6590];
	v60 =	vmul.f32 $8.000000000e+00, v54;
	[tilespmem:s20+$0x12F10] =	vst v57  }
0xf8: {  	v41 =	vld [tilespmem:s20+$0x65A0];
	v61 =	vmul.f32 $8.000000000e+00, v55;
	[tilespmem:s20+$0x12F20] =	vst v59  }
0xf9: {  	v42 =	vld [tilespmem:s20+$0x65B0];
	v62 =	vmul.f32 $8.000000000e+00, v56;
	[tilespmem:s20+$0x12F30] =	vst v60  }
0xfa: {  	v43 =	vld [tilespmem:s20+$0x6600];
	v63 =	vmul.f32 $8.000000000e+00, v58;
	[tilespmem:s20+$0x12F80] =	vst v61  }
0xfb: {  	v44 =	vld [tilespmem:s20+$0x6610];
	v3 =	vmul.f32 $8.000000000e+00, v39;
	[tilespmem:s20+$0x12F90] =	vst v62  }
0xfc: {  	v45 =	vld [tilespmem:s20+$0x6620];
	v5 =	vmul.f32 $8.000000000e+00, v40;
	[tilespmem:s20+$0x12FA0] =	vst v63  }
0xfd: {  	v46 =	vld [tilespmem:s20+$0x6630];
	v4 =	vmul.f32 $8.000000000e+00, v41;
	[tilespmem:s20+$0x12D80] =	vst v3  }
0xfe: {  	v47 =	vld [tilespmem:s20+$0x6680];
	v6 =	vmul.f32 $8.000000000e+00, v42;
	[tilespmem:s20+$0x12D90] =	vst v5  }
0xff: {  	v48 =	vld [tilespmem:s20+$0x6690];
	v0 =	vmul.f32 $8.000000000e+00, v43;
	[tilespmem:s20+$0x12DA0] =	vst v4  }
0x100: {  	v49 =	vld [tilespmem:s20+$0x66A0];
	v1 =	vmul.f32 $8.000000000e+00, v44;
	[tilespmem:s20+$0x12DB0] =	vst v6  }
0x101: {  	v50 =	vld [tilespmem:s20+$0x66B0];
	v2 =	vmul.f32 $8.000000000e+00, v45;
	[tilespmem:s20+$0x12E00] =	vst v0  }
0x102: {  	v51 =	vld [tilespmem:s20+$0x6700];
	v3 =	vmul.f32 $8.000000000e+00, v46;
	[tilespmem:s20+$0x12E10] =	vst v1  }
0x103: {  	[tilespmem:s20+$0x12E20] =	vst v2;
	v5 =	vmul.f32 $8.000000000e+00, v47  }
0x104: {  	v4 =	vmul.f32 $8.000000000e+00, v48;
	[tilespmem:s20+$0x12E30] =	vst v3  }
0x105: {  	v6 =	vmul.f32 $8.000000000e+00, v49;
	[tilespmem:s20+$0x12E80] =	vst v5  }
.Ltmp8:
0x106: {  	v0 =	vmul.f32 $8.000000000e+00, v50;
	[tilespmem:s20+$0x12E90] =	vst v4;
	(pc) =	sbr.rel .LBB2_10-.Ltmp8, $4  }
0x107: {  	s18 =	smul.u32 $0xC80, s18;
	v1 =	vmul.f32 $8.000000000e+00, v51;
	[tilespmem:s20+$0x12EA0] =	vst v6  }
0x108: {  	[tilespmem:s20+$0x12EB0] =	vst v0  }
0x109: {  	s18 =	sadd.s32 s5, s18;
	[tilespmem:s20+$0x12F00] =	vst v1  }
0x10a: {  	[hbm4b:s18+s2] =	stream.linear.scatter [tilespmem:s13], [sflag:$0x4], $0x6400, $0x38;
	[tilespmem:$0x19000] =	vst v63  }
.LBB2_12:
0x10b: {  	_ =	sfence.sel $0x180000  }
0x10c: {  	[bflag:$0x0] =	sbarrier.arrive $0xFFFF  }
0x10d: {  	p0 =	sne.s32 s1, $0x0;
	_ =	strace $0x90000047  }
0x10e: {  	s0 =	sadd.s32 @!p0 $0x100000, s0;
	[bflag:$0x2] =	sbarrier.arrive $0xFFFF  }
0x10f: {  	[sflag:s0] =	ssyncadd.tile.s32 @!p0 $0x1;
	_ =	shalt  }
.Lfunc_end2:
_tile_overlayer_lowered:
.L_overlay_start_2:
0x110: {  	(tag) =	ssettag $0x2  }
0x111: {  	s0 =	rddreg [dreg:$0x0];
	s2 =	stileid.u32  }
0x112: {  	s1 =	rddreg [dreg:$0x1];
	p0 =	sne.s32 s2, $0x0  }
0x113: {  	s3 =	rddreg [dreg:$0x2];
	[bflag:$0x3] =	sbarrier.arrive $0xFFFF;
	s2 =	simm.s32 @!p0 $0x1C05  }
0x114: {  	[timem:s3], [sflag:s2] =	dma.local @!p0 [hbm:s0], s1  }
0x115: {  	s0 =	simm.s32 @!p0 $0x5  }
0x116: {  	_ =	swait.ge @!p0 [sflag:s0], s1  }
0x117: {  	s1 =	ssub.s32 @!p0 $0x0, s1;
	[sflag:s0] =	ssyncset.done @!p0 $0x0  }
0x118: {  	[sflag:s0] =	ssyncadd.s32 @!p0 s1  }
0x119: {  	[bflag:$0x3] =	sbarrier.arrive $0xFFFF  }
0x11a: {  	_ =	shalt  }

// kernel: kernel.7.cloned.1.call-start
scs
__scs_entry_jumppad:
0x0: {  	(pc) =	sbr.rel $0x88, $3  }
0x1: {  	(tag) =	ssettag $0x0;
	lr =	simm.s32 $0x1  }
0x2: {  	[smem:$0x3F9F] =	sst lr;
	_ =	strace $0xD0000000  }
0x3: {  	_ = 	snop  }
0x4: {  	_ = 	snop  }
0x5: {  	_ = 	snop  }
0x6: {  	_ = 	snop  }
0x7: {  	_ = 	snop  }
__scs_overlays_trampoline_lowered:
0x8: {  	[smem:$0x3FAE] =	sst s0  }
0x9: {  	[smem:$0x3FAF] =	sst s1  }
0xa: {  	[smem:$0x3FB0] =	sst s2  }
0xb: {  	[smem:$0x3FB1] =	sst s3  }
0xc: {  	[smem:$0x3FB2] =	sst s4  }
0xd: {  	[smem:$0x3FB3] =	sst s5  }
0xe: {  	[smem:$0x3FB4] =	sst s6  }
0xf: {  	[smem:$0x3FB5] =	sst s7  }
0x10: {  	[smem:$0x3FB6] =	sst s8  }
0x11: {  	[smem:$0x3FB7] =	sst s9;
	s0 =	simm.s32 @!p0 $0x0  }
0x12: {  	s1 =	sld [smem:$0x3F9D];
	s0 =	simm.s32 @p0 $0x1  }
0x13: {  	[smem:$0x3FB8] =	sst s0;
	s0 =	simm.s32 @!p1 $0x0  }
0x14: {  	s2 =	sld [smem:$0x3F9C];
	s0 =	simm.s32 @p1 $0x1  }
0x15: {  	[smem:$0x3FB9] =	sst s0;
	s0 =	simm.s32 @!p2 $0x0  }
0x16: {  	s3 =	sld [smem:$0x3FDB];
	s0 =	simm.s32 @p2 $0x1  }
0x17: {  	s4 =	simm.s32 $0x1BF5;
	[smem:$0x3FBB] =	sst s0  }
0x18: {  	s0 =	sld [smem:$0x3F9E];
	_ =	swait.ge [sflag:s4], $0x0  }
0x19: {  	s7 =	sld [smem:$0x3F9F]  }
0x1a: {  	s8 =	sadd.s32 $0xFFFFE003, lr  }
0x1b: {  	s9 =	sadd.s32 $0xFFFFFEF7, lr;
	s5 =	simm.s32 $0xFFFFFFFF;
	p2 =	slt.u32 s8, $0xFFFFF086  }
0x1c: {  	p1 =	slt.u32 s9, $0xF7A;
	s5 =	simm.s32 @!p2 $0x0  }
0x1d: {  	s5 =	simm.s32 @p1 $0x1;
	p0 =	seq.s32 s7, s2  }
0x1e: {  	s7 =	smul.u32 @!p0 $0xF7A, s2;
	p2 =	seq.s32 @!p0 s5, $0x0  }
0x1f: {  	s9 =	smul.u32 $0xF7A, s1;
	s8 =	simm.s32 @!p0 $0x1BF5;
	p2 =	por !p2, p0  }
0x20: {  	[sflag:s8] =	ssyncset.s32 @!p0 $0xFFFFF086;
	s6 =	sadd.s32 @!p0 s3, s7;
	s7 =	simm.s32 @!p0 $0x108  }
0x21: {  	s3 =	sadd.s32 s3, s9;
	s6 =	sadd.s32 @!p0 $0x88, s6;
	s7 =	simm.s32 @p2 $0x1082  }
0x22: {  	[simem:s7], [sflag:s8] =	dma.local @!p0 [hbm:s6], $0xF7A  }
0x23: {  	s9 =	sor.u32 $0xD0000000, s2;
	s6 =	simm.s32 $0x108;
	_ =	swait.ge @!p0 [sflag:s8], $0x0  }
0x24: {  	s3 =	sadd.s32 $0x88, s3;
	s6 =	simm.s32 @!p1 $0x1082;
	[sflag:s4] =	ssyncset.s32 $0xFFFFF086  }
0x25: {  	[simem:s6], [sflag:s4] =	dma.local [hbm:s3], $0xF7A  }
0x26: {  	[smem:$0x3F9F] =	sst s1;
	(tag) =	ssettag s2;
	_ =	strace s9  }
0x27: {  	s1 =	sld [smem:$0x3FAF]  }
0x28: {  	s2 =	sld [smem:$0x3FB0]  }
0x29: {  	s4 =	sld [smem:$0x3FB2]  }
0x2a: {  	p0 =	seq.s32 s5, $0x0;
	s5 =	sld [smem:$0x3FB3]  }
0x2b: {  	s6 =	sld [smem:$0x3FB4]  }
0x2c: {  	s7 =	sld [smem:$0x3FB5]  }
0x2d: {  	s3 =	simm.s32 $0x108;
	s8 =	sld [smem:$0x3FB6]  }
0x2e: {  	s3 =	simm.s32 @!p0 $0x1082;
	s9 =	sld [smem:$0x3FB7]  }
0x2f: {  	lr =	sadd.s32 s0, s3;
	s0 =	sld [smem:$0x3FAE]  }
0x30: {  	s3 =	sld [smem:$0x3FB1]  }
0x31: {  	[smem:$0x3FBA] =	sst s10  }
0x32: {  	s10 =	sld [smem:$0x3FB8];
	_ =	sdelay $0x3  }
0x33: {  	p0 =	seq.s32 s10, $0x1;
	s10 =	sld [smem:$0x3FBA];
	_ =	sdelay $0x3  }
0x34: {  	[smem:$0x3FBA] =	sst s10  }
0x35: {  	s10 =	sld [smem:$0x3FB9];
	_ =	sdelay $0x3  }
0x36: {  	p1 =	seq.s32 s10, $0x1;
	s10 =	sld [smem:$0x3FBA];
	_ =	sdelay $0x3  }
0x37: {  	[smem:$0x3FBA] =	sst s10  }
0x38: {  	s10 =	sld [smem:$0x3FBB]  }
0x39: {  	_ = 	snop;
	(pc) =	sbr.ind lr, $3  }
0x3a: {  	_ = 	snop  }
0x3b: {  	_ = 	snop  }
0x3c: {  	p2 =	seq.s32 s10, $0x1;
	s10 =	sld [smem:$0x3FBA]  }
0x3d: {  	_ =	shalt  }
0x3e: {  	_ =	shalt  }
0x3f: {  	_ =	shalt  }
0x40: {  	_ =	shalt  }
0x41: {  	_ =	shalt  }
0x42: {  	_ =	shalt  }
0x43: {  	_ =	shalt  }
0x44: {  	_ =	shalt  }
0x45: {  	_ =	shalt  }
0x46: {  	_ =	shalt  }
0x47: {  	_ =	shalt  }
0x48: {  	_ =	shalt  }
0x49: {  	_ =	shalt  }
0x4a: {  	_ =	shalt  }
0x4b: {  	_ =	shalt  }
0x4c: {  	_ =	shalt  }
0x4d: {  	_ =	shalt  }
0x4e: {  	_ =	shalt  }
0x4f: {  	_ =	shalt  }
0x50: {  	_ =	shalt  }
0x51: {  	_ =	shalt  }
0x52: {  	_ =	shalt  }
0x53: {  	_ =	shalt  }
0x54: {  	_ =	shalt  }
0x55: {  	_ =	shalt  }
0x56: {  	_ =	shalt  }
0x57: {  	_ =	shalt  }
0x58: {  	_ =	shalt  }
0x59: {  	_ =	shalt  }
0x5a: {  	_ =	shalt  }
0x5b: {  	_ =	shalt  }
0x5c: {  	_ =	shalt  }
0x5d: {  	_ =	shalt  }
0x5e: {  	_ =	shalt  }
0x5f: {  	_ =	shalt  }
0x60: {  	_ =	shalt  }
0x61: {  	_ =	shalt  }
0x62: {  	_ =	shalt  }
0x63: {  	_ =	shalt  }
0x64: {  	_ =	shalt  }
0x65: {  	_ =	shalt  }
0x66: {  	_ =	shalt  }
0x67: {  	_ =	shalt  }
0x68: {  	_ =	shalt  }
0x69: {  	_ =	shalt  }
0x6a: {  	_ =	shalt  }
0x6b: {  	_ =	shalt  }
0x6c: {  	_ =	shalt  }
0x6d: {  	_ =	shalt  }
0x6e: {  	_ =	shalt  }
0x6f: {  	_ =	shalt  }
0x70: {  	_ =	shalt  }
0x71: {  	_ =	shalt  }
0x72: {  	_ =	shalt  }
0x73: {  	_ =	shalt  }
0x74: {  	_ =	shalt  }
0x75: {  	_ =	shalt  }
0x76: {  	_ =	shalt  }
0x77: {  	_ =	shalt  }
0x78: {  	_ =	shalt  }
0x79: {  	_ =	shalt  }
0x7a: {  	_ =	shalt  }
0x7b: {  	_ =	shalt  }
0x7c: {  	_ =	shalt  }
0x7d: {  	_ =	shalt  }
0x7e: {  	_ =	shalt  }
0x7f: {  	_ =	shalt  }
0x80: {  	_ =	shalt  }
0x81: {  	_ =	shalt  }
0x82: {  	_ =	shalt  }
0x83: {  	_ =	shalt  }
0x84: {  	_ =	shalt  }
0x85: {  	_ =	shalt  }
0x86: {  	_ =	shalt  }
0x87: {  	_ =	shalt  }
.Lfunc_end0:
.L_simem_size_0:
called_computation.1_lowered:
.L_overlay_start_0:
0x88: {  	s2 =	sld [smem:$0x3FD9]  }
0x89: {  	s3 =	sld [smem:$0x3FFE];
	_ =	sdelay $0x1  }
0x8a: {  	s1 =	srdreg.scid  }
0x8b: {  	s0 =	sand.u32 $0x1, s1  }
0x8c: {  	s17 =	sshll.u32 s0, $0xA;
	s2 =	sadd.s32 s3, s2  }
0x8d: {  	s2 =	sadd.s32 s2, s17  }
0x8e: {  	[smem:$0x3FC6] =	sst s2  }
0x8f: {  	_ = 	snop  }
0x90: {  	s2 =	sld [smem:$0x3FD0];
	(tm) =	ssettm $0x1  }
0x91: {  	s18 =	sld [smem:$0x3FFB];
	_ =	sdelay $0x3  }
0x92: {  	_ =	strace s18  }
0x93: {  	s3 =	sld [smem:$0x3FFC];
	_ =	sdelay $0x3  }
0x94: {  	_ =	strace s3  }
0x95: {  	s3 =	sld [smem:$0x3FFD];
	_ =	sdelay $0x3  }
0x96: {  	_ =	strace s3  }
0x97: {  	_ =	strace $0x8FFFFFFF  }
0x98: {  	s19 =	sld [smem:$0x3FDB];
	_ =	sdelay $0x1  }
0x99: {  	s4 =	simm.s32 $_scs_section_size  }
0x9a: {  	s5 =	simm.s32 $_size__tile_overlayer_lowered;
	s6 =	simm.s32 $_tile_overlayer_lowered  }
0x9b: {  	s22 =	simm.s32 $0x1BFF;
	s21 =	sshll.u32 s6, $0x1;
	s3 =	sadd.s32 s4, s19  }
0x9c: {  	s7 =	simm.s32 $0x0;
	s20 =	sshll.u32 s5, $0x1;
	s5 =	sadd.s32 s21, s3  }
0x9d: {  	[timem:s7], [sflag:s22] =	dma.local [hbm:s5], s20  }
0x9e: {  	_ =	swait.ge [sflag:s22], s20  }
0x9f: {  	s4 =	ssub.s32 $0x0, s20;
	[sflag:s22] =	ssyncset.done $0x0  }
0xa0: {  	[sflag:s22] =	ssyncadd.s32 s4;
	_ =	sdelay $0x1  }
0xa1: {  	s23 =	simm.s32 $0x1B8B  }
0xa2: {  	_ =	swait.ge [sflag:s23], $0x1  }
0xa3: {  	[sflag:s23] =	ssyncset.done $0x0  }
0xa4: {  	s25 =	simm.s32 $0x1B8E;
	s24 =	sld [smem:$0x3FFE];
	[sflag:s23] =	ssyncadd.s32 $0xFFFFFFFF  }
0xa5: {  	s26 =	simm.s32 $execute0_lowered;
	[smem:$0x3FD2] =	sst s25  }
0xa6: {  	s5 =	sshll.u32 s26, $0x1;
	_ =	strace $0x80000049;
	[dreg:$0x1] =	wrdreg $0xFFFFFFFF  }
0xa7: {  	s28 =	simm.s32 $_size_execute0_lowered;
	s3 =	sadd.s32 s3, s5;
	[dreg:$0x0] =	wrdreg $0x0  }
0xa8: {  	s5 =	sshll.u32 s28, $0x1;
	[dreg:$0x2] =	wrdreg s3  }
0xa9: {  	[dreg:$0x3] =	wrdreg s5  }
0xaa: {  	[dreg:$0x4] =	wrdreg $0xC0  }
0xab: {  	_ =	task [dreg:s7], $0x5FFFF  }
0xac: {  	[dreg:$0x1] =	wrdreg $0xFFFFFFFF  }
0xad: {  	[dreg:$0x0] =	wrdreg $0x60  }
0xae: {  	[dreg:$0x2] =	wrdreg s2  }
0xaf: {  	[dreg:$0x3] =	wrdreg s24  }
0xb0: {  	[dreg:$0x4] =	wrdreg $0x9  }
0xb1: {  	_ =	task.clear_ibuf [dreg:s7], $0x5FFFF;
	_ =	strace $0x90000049  }
0xb2: {  	s29 =	simm.s32 $0x9;
	_ =	strace $0x8000004B  }
0xb3: {  	_ =	swait.ge [sflag:s29], $0x1  }
0xb4: {  	[sflag:s29] =	ssyncadd.s32 $0xFFFFFFFF  }
0xb5: {  	_ =	strace $0x9000004B  }
0xb6: {  	_ =	sfence  }
0xb7: {  	s30 =	sld [smem:$0x0];
	_ =	sdelay $0x2  }
0xb8: {  	s31 =	sshll.u32 s1, $0xD;
	s1 =	sshrl.u32 s1, $0x2  }
0xb9: {  	s3 =	sand.u32 $0x4000, s31;
	s1 =	sadd.s32 s1, s30  }
0xba: {  	s0 =	sor.u32 s3, s0;
	s1 =	sshll.u32 s1, $0x11  }
0xbb: {  	s0 =	sor.u32 s1, s0  }
0xbc: {  	s0 =	sadd.s32 $0x8F2B, s0  }
0xbd: {  	[sflag:s0] =	ssyncadd.remote.s32 $0x1  }
0xbe: {  	_ =	sfence.sel $0xFFFF  }
0xbf: {  	[dreg:$0x0] =	wrdreg $0xFFFFFFFF;
	(pc) =	sbr.abs _section_cstart, $3  }
0xc0: {  	[dreg:$0x1] =	wrdreg $0xFFFFFFFF  }
0xc1: {  	_ =	task.clear_ibuf [dreg:s7], $0x2FFFF;
	_ =	strace $0x9FFFFFFF  }
0xc2: {  	(tm) =	ssettm $0x7FFFFFFF  }
0xc3: {  	_ =	shalt  }
tec
execute0_lowered:
.L_overlay_start_1:
0x0: {  	(tag) =	ssettag $0x1  }
0x1: {  	s0 =	rddreg [dreg:$0x0]  }
0x2: {  	s1 =	rddreg [dreg:$0x1]  }
0x3: {  	s3 =	srdreg.scid;
	s4 =	stileid.u32  }
0x4: {  	s2 =	simm.s32 $0x0;
	s13 =	simm.s32 $0x4;
	s14 =	simm.s32 $0xC8  }
0x5: {  	s15 =	simm.s32 $0x6400;
	s16 =	simm.s32 $0xC800;
	s17 =	simm.s32 $0x1  }
0x6: {  	s18 =	simm.s32 $0x12C00;
	s20 =	simm.s32 $0x14800;
	s22 =	simm.s32 $0x16400  }
0x7: {  	s23 =	simm.s32 $0x18000;
	s3 =	sand.u32 $0x1, s3;
	s4 =	sshll.u32 s4, $0x1  }
0x8: {  	s25 =	simm.s32 $0x2;
	[smem:$0x7FF] =	sst s2;
	s5 =	sor.u32 s3, s4  }
0x9: {  	s29 =	simm.s32 $0x0;
	_ =	strace $0x8000004A;
	s7 =	smul.u32 $0x70000, s5  }
0xa: {  	s6 =	ssub.s32 $0x2, s3;
	s3 =	sadd.s32 $0xF42E00, s1;
	s9 =	smul.u32 $0x380000, s5  }
0xb: {  	s8 =	sshrl.u32 s6, $0x1;
	s28 =	smul.u32 $0xC80, s5;
	s10 =	sshll.u32 s5, $0x9  }
0xc: {  	s4 =	sadd.s32 $0xA00, s1;
	s26 =	ssub.s32 s6, s8;
	s8 =	sor.u32 $0x8, s10  }
0xd: {  	s5 =	sadd.s32 s4, s7;
	s30 =	sshrl.u32 s9, $0x3;
	s6 =	sadd.s32 s0, s28  }
0xe: {  	s9 =	sor.u32 $0xC, s10;
	s12 =	smax.u32 s26, $0x1;
	s26 =	simm.s32 $0x3  }
0xf: {  	s7 =	sadd.s32 $0xE00, s5;
	s31 =	sadd.s32 s4, s30;
	s19 =	sadd.s32 $0x380, s5  }
0x10: {  	s21 =	sadd.s32 $0x700, s5;
	s10 =	sadd.s32 $0x6E400, s31;
	s11 =	sadd.s32 $0x6F200, s31  }
.LBB2_1:
0x11: {  	[tilespmem:s2], [sflag:$0x4] =	stream.linear.gather [hbm4b:s6+s2], $0x6400, $0x38;
	[tilespmem:$0x19C00] =	vst v63  }
0x12: {  	_ =	swait.ge [sflag:s13], $0x6400  }
0x13: {  	[sflag:s13] =	ssyncset.done $0x0  }
0x14: {  	[sflag:s13] =	ssyncadd.s32 $0xFFFF9C00  }
0x15: {  	[tilespmem:s15], [sflag:$0x1] =	stream.indirect.gather [hbm4b:s3+s14], $0x80, s2, s14, $0xb8;
	[tilespmem:$0x19C00] =	vst v63  }
0x16: {  	_ = 	snop  }
0x17: {  	[tilespmem:s16], [sflag:$0x2] =	stream.indirect.gather [hbm4b:s3+s14], $0x80, s14, s14, $0xb8;
	[tilespmem:$0x19C00] =	vst v63  }
0x18: {  	_ =	swait.ge [sflag:s17], $0x6400  }
0x19: {  	[sflag:s17] =	ssyncset.done $0x0  }
0x1a: {  	s0 =	simm.s32 $0x0;
	[sflag:s17] =	ssyncadd.s32 $0xFFFF9C00  }
0x1b: {  	v0 =	vld [tilespmem:s0+$0xAF30]  }
0x1c: {  	v1 =	vld [tilespmem:s0+$0x6400]  }
0x1d: {  	v2 =	vld [tilespmem:s0+$0x6410]  }
0x1e: {  	v3 =	vld [tilespmem:s0+$0x6420]  }
0x1f: {  	v4 =	vld [tilespmem:s0+$0x6430]  }
0x20: {  	v5 =	vld [tilespmem:s0+$0x7D00];
	[tilespmem:s0+$0x18030] =	vst v0  }
0x21: {  	[tilespmem:s0+$0x12C00] =	vst v1;
	v0 =	vld [tilespmem:s0+$0x7D10]  }
0x22: {  	[tilespmem:s0+$0x12C10] =	vst v2;
	v1 =	vld [tilespmem:s0+$0x7D20]  }
0x23: {  	[tilespmem:s0+$0x12C20] =	vst v3;
	v2 =	vld [tilespmem:s0+$0x7D30]  }
0x24: {  	[tilespmem:s0+$0x12C30] =	vst v4;
	v3 =	vld [tilespmem:s0+$0x9600]  }
0x25: {  	[tilespmem:s0+$0x14800] =	vst v5;
	v4 =	vld [tilespmem:s0+$0x9610]  }
0x26: {  	[tilespmem:s0+$0x14810] =	vst v0;
	v0 =	vld [tilespmem:s0+$0x9620]  }
0x27: {  	[tilespmem:s0+$0x14820] =	vst v1;
	v1 =	vld [tilespmem:s0+$0x9630]  }
0x28: {  	[tilespmem:s0+$0x14830] =	vst v2;
	v2 =	vld [tilespmem:s0+$0xAF00]  }
0x29: {  	[tilespmem:s0+$0x16400] =	vst v3;
	v3 =	vld [tilespmem:s0+$0xAF10]  }
0x2a: {  	s1 =	simm.s32 $0x80;
	s24 =	simm.s32 $0x400;
	[tilespmem:s0+$0x16410] =	vst v4;
	v4 =	vld [tilespmem:s0+$0xAF20]  }
.LBB2_2:
0x2b: {  	p0 =	sne.s32 s24, $0x6200;
	v5 =	vld [tilespmem:s1+$0xAF30];
	[tilespmem:s0+$0x16420] =	vst v0  }
0x2c: {  	v0 =	vld [tilespmem:s1+$0x6400];
	[tilespmem:s0+$0x16430] =	vst v1  }
0x2d: {  	v1 =	vld [tilespmem:s1+$0x6410];
	[tilespmem:s0+$0x18000] =	vst v2  }
0x2e: {  	v2 =	vld [tilespmem:s1+$0x6420];
	[tilespmem:s0+$0x18010] =	vst v3  }
0x2f: {  	v3 =	vld [tilespmem:s1+$0x6430];
	[tilespmem:s0+$0x18020] =	vst v4;
	s0 =	smov.u32 s1  }
0x30: {  	v4 =	vld [tilespmem:s0+$0x7D00];
	[tilespmem:s0+$0x18030] =	vst v5  }
0x31: {  	[tilespmem:s0+$0x12C00] =	vst v0;
	v0 =	vld [tilespmem:s0+$0x7D10]  }
0x32: {  	[tilespmem:s0+$0x12C10] =	vst v1;
	v1 =	vld [tilespmem:s0+$0x7D20]  }
0x33: {  	[tilespmem:s0+$0x12C20] =	vst v2;
	v2 =	vld [tilespmem:s0+$0x7D30]  }
0x34: {  	[tilespmem:s0+$0x12C30] =	vst v3;
	v3 =	vld [tilespmem:s0+$0x9600]  }
0x35: {  	[tilespmem:s0+$0x14800] =	vst v4;
	v4 =	vld [tilespmem:s0+$0x9610]  }
.Ltmp0:
0x36: {  	[tilespmem:s0+$0x14810] =	vst v0;
	v0 =	vld [tilespmem:s0+$0x9620];
	(pc) =	sbr.rel @p0 .LBB2_2-.Ltmp0, $4  }
0x37: {  	[tilespmem:s0+$0x14820] =	vst v1;
	v1 =	vld [tilespmem:s0+$0x9630]  }
0x38: {  	[tilespmem:s0+$0x14830] =	vst v2;
	v2 =	vld [tilespmem:s0+$0xAF00]  }
0x39: {  	[tilespmem:s0+$0x16400] =	vst v3;
	v3 =	vld [tilespmem:s0+$0xAF10]  }
0x3a: {  	s1 =	sshra.s32 s24, $0x2;
	s24 =	sadd.s32 $0x200, s24;
	[tilespmem:s0+$0x16410] =	vst v4;
	v4 =	vld [tilespmem:s0+$0xAF20]  }
0x3b: {  	v5 =	vld [tilespmem:s1+$0xAF30];
	[tilespmem:s0+$0x16420] =	vst v0  }
0x3c: {  	v0 =	vld [tilespmem:s1+$0x6400];
	[tilespmem:s0+$0x16430] =	vst v1  }
0x3d: {  	v1 =	vld [tilespmem:s1+$0x6410];
	[tilespmem:s0+$0x18000] =	vst v2  }
0x3e: {  	v2 =	vld [tilespmem:s1+$0x6420];
	[tilespmem:s0+$0x18010] =	vst v3  }
0x3f: {  	v3 =	vld [tilespmem:s1+$0x6430];
	[tilespmem:s0+$0x18020] =	vst v4  }
0x40: {  	v4 =	vld [tilespmem:s1+$0x7D00];
	[tilespmem:s1+$0x18030] =	vst v5  }
0x41: {  	[tilespmem:s1+$0x12C00] =	vst v0;
	v0 =	vld [tilespmem:s1+$0x7D10]  }
0x42: {  	[tilespmem:s1+$0x12C10] =	vst v1;
	v1 =	vld [tilespmem:s1+$0x7D20]  }
0x43: {  	[tilespmem:s1+$0x12C20] =	vst v2;
	v2 =	vld [tilespmem:s1+$0x7D30]  }
0x44: {  	[tilespmem:s1+$0x12C30] =	vst v3;
	v3 =	vld [tilespmem:s1+$0x9600]  }
0x45: {  	[tilespmem:s1+$0x14800] =	vst v4;
	v4 =	vld [tilespmem:s1+$0x9610]  }
0x46: {  	[tilespmem:s1+$0x14810] =	vst v0;
	v0 =	vld [tilespmem:s1+$0x9620]  }
0x47: {  	[tilespmem:s1+$0x14820] =	vst v1;
	v1 =	vld [tilespmem:s1+$0x9630]  }
0x48: {  	[tilespmem:s1+$0x14830] =	vst v2;
	v2 =	vld [tilespmem:s1+$0xAF00]  }
0x49: {  	[tilespmem:s1+$0x16400] =	vst v3;
	v3 =	vld [tilespmem:s1+$0xAF10]  }
0x4a: {  	[tilespmem:s1+$0x16410] =	vst v4;
	v4 =	vld [tilespmem:s1+$0xAF20]  }
0x4b: {  	[tilespmem:s1+$0x16420] =	vst v0  }
0x4c: {  	[tilespmem:s1+$0x16430] =	vst v1  }
0x4d: {  	[tilespmem:s1+$0x18000] =	vst v2  }
0x4e: {  	[tilespmem:s1+$0x18010] =	vst v3  }
0x4f: {  	s28 =	simm.s32 $0x0;
	[tilespmem:s1+$0x18020] =	vst v4  }
0x50: {  	[hbm4b:s5+s28] =	stream.linear.scatter [tilespmem:s18], [sflag:$0x3], $0x1900, $0x38;
	[tilespmem:$0x19C00] =	vst v63  }
0x51: {  	_ = 	snop  }
0x52: {  	[hbm4b:s19+s28] =	stream.linear.scatter [tilespmem:s20], [sflag:$0x3], $0x1900, $0x38;
	[tilespmem:$0x19C00] =	vst v63  }
0x53: {  	_ = 	snop  }
0x54: {  	[hbm4b:s21+s28] =	stream.linear.scatter [tilespmem:s22], [sflag:$0x3], $0x1900, $0x38;
	[tilespmem:$0x19C00] =	vst v63  }
0x55: {  	s30 =	sadd.s32 $0xA80, s5  }
0x56: {  	[hbm4b:s30+s28] =	stream.linear.scatter [tilespmem:s23], [sflag:$0x3], $0x1900, $0x38;
	[tilespmem:$0x19C00] =	vst v63  }
0x57: {  	s31 =	simm.s32 $0x190  }
0x58: {  	[tilespmem:s15], [sflag:$0x1] =	stream.indirect.gather [hbm4b:s3+s14], $0x80, s31, s14, $0xb8;
	[tilespmem:$0x19C00] =	vst v63  }
0x59: {  	_ =	swait.ge [sflag:s25], $0x6400  }
0x5a: {  	[sflag:s25] =	ssyncset.done $0x0  }
0x5b: {  	[sflag:s25] =	ssyncadd.s32 $0xFFFF9C00  }
0x5c: {  	_ =	swait.ge [sflag:s26], $0x6400  }
0x5d: {  	[sflag:s26] =	ssyncset.done $0x0  }
0x5e: {  	s0 =	simm.s32 $0x0;
	[sflag:s26] =	ssyncadd.s32 $0xFFFF9C00  }
0x5f: {  	v0 =	vld [tilespmem:s0+$0x11330]  }
0x60: {  	v1 =	vld [tilespmem:s0+$0xC800]  }
0x61: {  	v2 =	vld [tilespmem:s0+$0xC810]  }
0x62: {  	v3 =	vld [tilespmem:s0+$0xC820]  }
0x63: {  	v4 =	vld [tilespmem:s0+$0xC830]  }
0x64: {  	v5 =	vld [tilespmem:s0+$0xE100];
	[tilespmem:s0+$0x18030] =	vst v0  }
0x65: {  	[tilespmem:s0+$0x12C00] =	vst v1;
	v0 =	vld [tilespmem:s0+$0xE110]  }
0x66: {  	[tilespmem:s0+$0x12C10] =	vst v2;
	v1 =	vld [tilespmem:s0+$0xE120]  }
0x67: {  	[tilespmem:s0+$0x12C20] =	vst v3;
	v2 =	vld [tilespmem:s0+$0xE130]  }
0x68: {  	[tilespmem:s0+$0x12C30] =	vst v4;
	v3 =	vld [tilespmem:s0+$0xFA00]  }
0x69: {  	[tilespmem:s0+$0x14800] =	vst v5;
	v4 =	vld [tilespmem:s0+$0xFA10]  }
0x6a: {  	[tilespmem:s0+$0x14810] =	vst v0;
	v0 =	vld [tilespmem:s0+$0xFA20]  }
0x6b: {  	[tilespmem:s0+$0x14820] =	vst v1;
	v1 =	vld [tilespmem:s0+$0xFA30]  }
0x6c: {  	[tilespmem:s0+$0x14830] =	vst v2;
	v2 =	vld [tilespmem:s0+$0x11300]  }
0x6d: {  	[tilespmem:s0+$0x16400] =	vst v3;
	v3 =	vld [tilespmem:s0+$0x11310]  }
0x6e: {  	s24 =	simm.s32 $0x400;
	s1 =	simm.s32 $0x80;
	[tilespmem:s0+$0x16410] =	vst v4;
	v4 =	vld [tilespmem:s0+$0x11320]  }
.LBB2_4:
0x6f: {  	p0 =	sne.s32 s24, $0x6200;
	v5 =	vld [tilespmem:s1+$0x11330];
	[tilespmem:s0+$0x16420] =	vst v0  }
0x70: {  	v0 =	vld [tilespmem:s1+$0xC800];
	[tilespmem:s0+$0x16430] =	vst v1  }
0x71: {  	v1 =	vld [tilespmem:s1+$0xC810];
	[tilespmem:s0+$0x18000] =	vst v2  }
0x72: {  	v2 =	vld [tilespmem:s1+$0xC820];
	[tilespmem:s0+$0x18010] =	vst v3  }
0x73: {  	v3 =	vld [tilespmem:s1+$0xC830];
	[tilespmem:s0+$0x18020] =	vst v4;
	s0 =	smov.u32 s1  }
0x74: {  	v4 =	vld [tilespmem:s0+$0xE100];
	[tilespmem:s0+$0x18030] =	vst v5  }
0x75: {  	[tilespmem:s0+$0x12C00] =	vst v0;
	v0 =	vld [tilespmem:s0+$0xE110]  }
0x76: {  	[tilespmem:s0+$0x12C10] =	vst v1;
	v1 =	vld [tilespmem:s0+$0xE120]  }
0x77: {  	[tilespmem:s0+$0x12C20] =	vst v2;
	v2 =	vld [tilespmem:s0+$0xE130]  }
0x78: {  	[tilespmem:s0+$0x12C30] =	vst v3;
	v3 =	vld [tilespmem:s0+$0xFA00]  }
0x79: {  	[tilespmem:s0+$0x14800] =	vst v4;
	v4 =	vld [tilespmem:s0+$0xFA10]  }
.Ltmp1:
0x7a: {  	[tilespmem:s0+$0x14810] =	vst v0;
	v0 =	vld [tilespmem:s0+$0xFA20];
	(pc) =	sbr.rel @p0 .LBB2_4-.Ltmp1, $4  }
0x7b: {  	[tilespmem:s0+$0x14820] =	vst v1;
	v1 =	vld [tilespmem:s0+$0xFA30]  }
0x7c: {  	[tilespmem:s0+$0x14830] =	vst v2;
	v2 =	vld [tilespmem:s0+$0x11300]  }
0x7d: {  	[tilespmem:s0+$0x16400] =	vst v3;
	v3 =	vld [tilespmem:s0+$0x11310]  }
0x7e: {  	s1 =	sshra.s32 s24, $0x2;
	s24 =	sadd.s32 $0x200, s24;
	[tilespmem:s0+$0x16410] =	vst v4;
	v4 =	vld [tilespmem:s0+$0x11320]  }
0x7f: {  	v5 =	vld [tilespmem:s1+$0x11330];
	[tilespmem:s0+$0x16420] =	vst v0  }
0x80: {  	v0 =	vld [tilespmem:s1+$0xC800];
	[tilespmem:s0+$0x16430] =	vst v1  }
0x81: {  	v1 =	vld [tilespmem:s1+$0xC810];
	[tilespmem:s0+$0x18000] =	vst v2  }
0x82: {  	v2 =	vld [tilespmem:s1+$0xC820];
	[tilespmem:s0+$0x18010] =	vst v3  }
0x83: {  	v3 =	vld [tilespmem:s1+$0xC830];
	[tilespmem:s0+$0x18020] =	vst v4  }
0x84: {  	v4 =	vld [tilespmem:s1+$0xE100];
	[tilespmem:s1+$0x18030] =	vst v5  }
0x85: {  	v54 =	vld [tilespmem:s1+$0xE110];
	[tilespmem:s1+$0x12C00] =	vst v0  }
0x86: {  	v55 =	vld [tilespmem:s1+$0xE120];
	[tilespmem:s1+$0x12C10] =	vst v1  }
0x87: {  	v56 =	vld [tilespmem:s1+$0xE130];
	[tilespmem:s1+$0x12C20] =	vst v2  }
0x88: {  	v57 =	vld [tilespmem:s1+$0xFA00];
	[tilespmem:s1+$0x12C30] =	vst v3  }
0x89: {  	v58 =	vld [tilespmem:s1+$0xFA10];
	[tilespmem:s1+$0x14800] =	vst v4  }
0x8a: {  	v59 =	vld [tilespmem:s1+$0xFA20];
	[tilespmem:s1+$0x14810] =	vst v54  }
0x8b: {  	v60 =	vld [tilespmem:s1+$0xFA30];
	[tilespmem:s1+$0x14820] =	vst v55  }
0x8c: {  	v61 =	vld [tilespmem:s1+$0x11300];
	[tilespmem:s1+$0x14830] =	vst v56  }
0x8d: {  	v62 =	vld [tilespmem:s1+$0x11310];
	[tilespmem:s1+$0x16400] =	vst v57  }
0x8e: {  	v63 =	vld [tilespmem:s1+$0x11320];
	[tilespmem:s1+$0x16410] =	vst v58  }
0x8f: {  	[tilespmem:s1+$0x16420] =	vst v59  }
0x90: {  	[tilespmem:s1+$0x16430] =	vst v60  }
0x91: {  	[tilespmem:s1+$0x18000] =	vst v61  }
0x92: {  	[tilespmem:s1+$0x18010] =	vst v62  }
0x93: {  	s30 =	simm.s32 $0x0;
	[tilespmem:s1+$0x18020] =	vst v63  }
0x94: {  	[hbm4b:s7+s30] =	stream.linear.scatter [tilespmem:s18], [sflag:$0x3], $0x1900, $0x38;
	[tilespmem:$0x19C00] =	vst v63  }
0x95: {  	s1 =	sadd.s32 $0x380, s7  }
0x96: {  	[hbm4b:s1+s30] =	stream.linear.scatter [tilespmem:s20], [sflag:$0x3], $0x1900, $0x38;
	[tilespmem:$0x19C00] =	vst v63  }
0x97: {  	s24 =	sadd.s32 $0x700, s7  }
0x98: {  	[hbm4b:s24+s30] =	stream.linear.scatter [tilespmem:s22], [sflag:$0x3], $0x1900, $0x38;
	[tilespmem:$0x19C00] =	vst v63  }
0x99: {  	s28 =	sadd.s32 $0xA80, s7  }
0x9a: {  	[hbm4b:s28+s30] =	stream.linear.scatter [tilespmem:s23], [sflag:$0x3], $0x1900, $0x38;
	[tilespmem:$0x19C00] =	vst v63  }
0x9b: {  	s31 =	simm.s32 $0x258  }
0x9c: {  	[tilespmem:s16], [sflag:$0x2] =	stream.indirect.gather [hbm4b:s3+s14], $0x80, s31, s14, $0xb8;
	[tilespmem:$0x19C00] =	vst v63  }
.LBB2_6:
0x9d: {  	_ =	swait.ge [sflag:s17], $0x6400  }
0x9e: {  	[sflag:s17] =	ssyncset.done $0x0  }
0x9f: {  	[sflag:s17] =	ssyncadd.s32 $0xFFFF9C00  }
0xa0: {  	_ =	swait.ge [sflag:s26], $0x6400  }
0xa1: {  	[sflag:s26] =	ssyncset.done $0x0  }
0xa2: {  	s0 =	simm.s32 $0x0;
	[sflag:s26] =	ssyncadd.s32 $0xFFFF9C00  }
0xa3: {  	v0 =	vld [tilespmem:s0+$0xAF30]  }
0xa4: {  	v1 =	vld [tilespmem:s0+$0x6400]  }
0xa5: {  	v2 =	vld [tilespmem:s0+$0x6410]  }
0xa6: {  	v3 =	vld [tilespmem:s0+$0x6420]  }
0xa7: {  	v4 =	vld [tilespmem:s0+$0x6430]  }
0xa8: {  	v5 =	vld [tilespmem:s0+$0x7D00];
	[tilespmem:s0+$0x18030] =	vst v0  }
0xa9: {  	[tilespmem:s0+$0x12C00] =	vst v1;
	v0 =	vld [tilespmem:s0+$0x7D10]  }
0xaa: {  	[tilespmem:s0+$0x12C10] =	vst v2;
	v1 =	vld [tilespmem:s0+$0x7D20]  }
0xab: {  	[tilespmem:s0+$0x12C20] =	vst v3;
	v2 =	vld [tilespmem:s0+$0x7D30]  }
0xac: {  	[tilespmem:s0+$0x12C30] =	vst v4;
	v3 =	vld [tilespmem:s0+$0x9600]  }
0xad: {  	[tilespmem:s0+$0x14800] =	vst v5;
	v4 =	vld [tilespmem:s0+$0x9610]  }
0xae: {  	[tilespmem:s0+$0x14810] =	vst v0;
	v0 =	vld [tilespmem:s0+$0x9620]  }
0xaf: {  	[tilespmem:s0+$0x14820] =	vst v1;
	v1 =	vld [tilespmem:s0+$0x9630]  }
0xb0: {  	[tilespmem:s0+$0x14830] =	vst v2;
	v2 =	vld [tilespmem:s0+$0xAF00]  }
0xb1: {  	[tilespmem:s0+$0x16400] =	vst v3;
	v3 =	vld [tilespmem:s0+$0xAF10]  }
0xb2: {  	s1 =	simm.s32 $0x80;
	s24 =	simm.s32 $0x400;
	[tilespmem:s0+$0x16410] =	vst v4;
	v4 =	vld [tilespmem:s0+$0xAF20]  }
.LBB2_7:
0xb3: {  	p0 =	sne.s32 s24, $0x6200;
	v5 =	vld [tilespmem:s1+$0xAF30];
	[tilespmem:s0+$0x16420] =	vst v0  }
0xb4: {  	v0 =	vld [tilespmem:s1+$0x6400];
	[tilespmem:s0+$0x16430] =	vst v1  }
0xb5: {  	v1 =	vld [tilespmem:s1+$0x6410];
	[tilespmem:s0+$0x18000] =	vst v2  }
0xb6: {  	v2 =	vld [tilespmem:s1+$0x6420];
	[tilespmem:s0+$0x18010] =	vst v3  }
0xb7: {  	v3 =	vld [tilespmem:s1+$0x6430];
	[tilespmem:s0+$0x18020] =	vst v4;
	s0 =	smov.u32 s1  }
0xb8: {  	v4 =	vld [tilespmem:s0+$0x7D00];
	[tilespmem:s0+$0x18030] =	vst v5  }
0xb9: {  	[tilespmem:s0+$0x12C00] =	vst v0;
	v0 =	vld [tilespmem:s0+$0x7D10]  }
0xba: {  	[tilespmem:s0+$0x12C10] =	vst v1;
	v1 =	vld [tilespmem:s0+$0x7D20]  }
0xbb: {  	[tilespmem:s0+$0x12C20] =	vst v2;
	v2 =	vld [tilespmem:s0+$0x7D30]  }
0xbc: {  	[tilespmem:s0+$0x12C30] =	vst v3;
	v3 =	vld [tilespmem:s0+$0x9600]  }
0xbd: {  	[tilespmem:s0+$0x14800] =	vst v4;
	v4 =	vld [tilespmem:s0+$0x9610]  }
.Ltmp2:
0xbe: {  	[tilespmem:s0+$0x14810] =	vst v0;
	v0 =	vld [tilespmem:s0+$0x9620];
	(pc) =	sbr.rel @p0 .LBB2_7-.Ltmp2, $4  }
0xbf: {  	[tilespmem:s0+$0x14820] =	vst v1;
	v1 =	vld [tilespmem:s0+$0x9630]  }
0xc0: {  	[tilespmem:s0+$0x14830] =	vst v2;
	v2 =	vld [tilespmem:s0+$0xAF00]  }
0xc1: {  	[tilespmem:s0+$0x16400] =	vst v3;
	v3 =	vld [tilespmem:s0+$0xAF10]  }
0xc2: {  	s1 =	sshra.s32 s24, $0x2;
	s24 =	sadd.s32 $0x200, s24;
	[tilespmem:s0+$0x16410] =	vst v4;
	v4 =	vld [tilespmem:s0+$0xAF20]  }
0xc3: {  	v5 =	vld [tilespmem:s1+$0xAF30];
	[tilespmem:s0+$0x16420] =	vst v0  }
0xc4: {  	v0 =	vld [tilespmem:s1+$0x6400];
	[tilespmem:s0+$0x16430] =	vst v1  }
0xc5: {  	v1 =	vld [tilespmem:s1+$0x6410];
	[tilespmem:s0+$0x18000] =	vst v2  }
0xc6: {  	v2 =	vld [tilespmem:s1+$0x6420];
	[tilespmem:s0+$0x18010] =	vst v3  }
0xc7: {  	v3 =	vld [tilespmem:s1+$0x6430];
	[tilespmem:s0+$0x18020] =	vst v4  }
0xc8: {  	v4 =	vld [tilespmem:s1+$0x7D00];
	[tilespmem:s1+$0x18030] =	vst v5  }
0xc9: {  	[tilespmem:s1+$0x12C00] =	vst v0;
	v0 =	vld [tilespmem:s1+$0x7D10]  }
0xca: {  	[tilespmem:s1+$0x12C10] =	vst v1;
	v1 =	vld [tilespmem:s1+$0x7D20]  }
0xcb: {  	[tilespmem:s1+$0x12C20] =	vst v2;
	v2 =	vld [tilespmem:s1+$0x7D30]  }
0xcc: {  	[tilespmem:s1+$0x12C30] =	vst v3;
	v3 =	vld [tilespmem:s1+$0x9600]  }
0xcd: {  	[tilespmem:s1+$0x14800] =	vst v4;
	v4 =	vld [tilespmem:s1+$0x9610]  }
0xce: {  	[tilespmem:s1+$0x14810] =	vst v0;
	v0 =	vld [tilespmem:s1+$0x9620]  }
0xcf: {  	[tilespmem:s1+$0x14820] =	vst v1;
	v1 =	vld [tilespmem:s1+$0x9630]  }
0xd0: {  	[tilespmem:s1+$0x14830] =	vst v2;
	v2 =	vld [tilespmem:s1+$0xAF00]  }
0xd1: {  	[tilespmem:s1+$0x16400] =	vst v3;
	v3 =	vld [tilespmem:s1+$0xAF10]  }
0xd2: {  	[tilespmem:s1+$0x16410] =	vst v4;
	v4 =	vld [tilespmem:s1+$0xAF20]  }
0xd3: {  	s31 =	sshll.u32 s30, $0x3;
	[tilespmem:s1+$0x16420] =	vst v0  }
0xd4: {  	s24 =	sadd.s32 s31, s8;
	[tilespmem:s1+$0x16430] =	vst v1  }
0xd5: {  	s0 =	smul.u32 $0x380, s24;
	[tilespmem:s1+$0x18000] =	vst v2  }
0xd6: {  	[tilespmem:s1+$0x18010] =	vst v3  }
0xd7: {  	s0 =	sadd.s32 s4, s0;
	[tilespmem:s1+$0x18020] =	vst v4;
	s1 =	simm.s32 $0x0  }
0xd8: {  	[hbm4b:s0+s1] =	stream.linear.scatter [tilespmem:s18], [sflag:$0x3], $0x1900, $0x38;
	[tilespmem:$0x19C00] =	vst v63  }
0xd9: {  	s24 =	sadd.s32 $0x380, s0  }
0xda: {  	[hbm4b:s24+s1] =	stream.linear.scatter [tilespmem:s20], [sflag:$0x3], $0x1900, $0x38;
	[tilespmem:$0x19C00] =	vst v63  }
0xdb: {  	s24 =	sadd.s32 $0x700, s0  }
0xdc: {  	[hbm4b:s24+s1] =	stream.linear.scatter [tilespmem:s22], [sflag:$0x3], $0x1900, $0x38;
	[tilespmem:$0x19C00] =	vst v63  }
0xdd: {  	s0 =	sadd.s32 $0xA80, s0;
	s24 =	smul.u32 $0x640, s30  }
0xde: {  	[hbm4b:s0+s1] =	stream.linear.scatter [tilespmem:s23], [sflag:$0x3], $0x1900, $0x38;
	[tilespmem:$0x19C00] =	vst v63  }
0xdf: {  	s0 =	sshra.s32 s24, $0x2  }
0xe0: {  	s24 =	sadd.s32 $0x320, s0  }
0xe1: {  	[tilespmem:s15], [sflag:$0x1] =	stream.indirect.gather [hbm4b:s3+s14], $0x80, s24, s14, $0xb8;
	[tilespmem:$0x19C00] =	vst v63  }
0xe2: {  	_ =	swait.ge [sflag:s25], $0x6400  }
0xe3: {  	[sflag:s25] =	ssyncset.done $0x0  }
0xe4: {  	[sflag:s25] =	ssyncadd.s32 $0xFFFF9C00  }
0xe5: {  	_ =	swait.ge [sflag:s26], $0x6400  }
0xe6: {  	[sflag:s26] =	ssyncset.done $0x0  }
0xe7: {  	s1 =	simm.s32 $0x0;
	[sflag:s26] =	ssyncadd.s32 $0xFFFF9C00  }
0xe8: {  	v0 =	vld [tilespmem:s1+$0x11330]  }
0xe9: {  	v1 =	vld [tilespmem:s1+$0xC800]  }
0xea: {  	v2 =	vld [tilespmem:s1+$0xC810]  }
0xeb: {  	v3 =	vld [tilespmem:s1+$0xC820]  }
0xec: {  	v4 =	vld [tilespmem:s1+$0xC830]  }
0xed: {  	v5 =	vld [tilespmem:s1+$0xE100];
	[tilespmem:s1+$0x18030] =	vst v0  }
0xee: {  	[tilespmem:s1+$0x12C00] =	vst v1;
	v0 =	vld [tilespmem:s1+$0xE110]  }
0xef: {  	[tilespmem:s1+$0x12C10] =	vst v2;
	v1 =	vld [tilespmem:s1+$0xE120]  }
0xf0: {  	[tilespmem:s1+$0x12C20] =	vst v3;
	v2 =	vld [tilespmem:s1+$0xE130]  }
0xf1: {  	[tilespmem:s1+$0x12C30] =	vst v4;
	v3 =	vld [tilespmem:s1+$0xFA00]  }
0xf2: {  	[tilespmem:s1+$0x14800] =	vst v5;
	v4 =	vld [tilespmem:s1+$0xFA10]  }
0xf3: {  	[tilespmem:s1+$0x14810] =	vst v0;
	v0 =	vld [tilespmem:s1+$0xFA20]  }
0xf4: {  	[tilespmem:s1+$0x14820] =	vst v1;
	v1 =	vld [tilespmem:s1+$0xFA30]  }
0xf5: {  	[tilespmem:s1+$0x14830] =	vst v2;
	v2 =	vld [tilespmem:s1+$0x11300]  }
0xf6: {  	[tilespmem:s1+$0x16400] =	vst v3;
	v3 =	vld [tilespmem:s1+$0x11310]  }
0xf7: {  	s28 =	simm.s32 $0x400;
	s24 =	simm.s32 $0x80;
	[tilespmem:s1+$0x16410] =	vst v4;
	v4 =	vld [tilespmem:s1+$0x11320]  }
.LBB2_9:
0xf8: {  	p0 =	sne.s32 s28, $0x6200;
	v5 =	vld [tilespmem:s24+$0x11330];
	[tilespmem:s1+$0x16420] =	vst v0  }
0xf9: {  	v0 =	vld [tilespmem:s24+$0xC800];
	[tilespmem:s1+$0x16430] =	vst v1  }
0xfa: {  	v1 =	vld [tilespmem:s24+$0xC810];
	[tilespmem:s1+$0x18000] =	vst v2  }
0xfb: {  	v2 =	vld [tilespmem:s24+$0xC820];
	[tilespmem:s1+$0x18010] =	vst v3  }
0xfc: {  	v3 =	vld [tilespmem:s24+$0xC830];
	[tilespmem:s1+$0x18020] =	vst v4;
	s1 =	smov.u32 s24  }
0xfd: {  	v4 =	vld [tilespmem:s1+$0xE100];
	[tilespmem:s1+$0x18030] =	vst v5  }
0xfe: {  	[tilespmem:s1+$0x12C00] =	vst v0;
	v0 =	vld [tilespmem:s1+$0xE110]  }
0xff: {  	[tilespmem:s1+$0x12C10] =	vst v1;
	v1 =	vld [tilespmem:s1+$0xE120]  }
0x100: {  	[tilespmem:s1+$0x12C20] =	vst v2;
	v2 =	vld [tilespmem:s1+$0xE130]  }
0x101: {  	[tilespmem:s1+$0x12C30] =	vst v3;
	v3 =	vld [tilespmem:s1+$0xFA00]  }
0x102: {  	[tilespmem:s1+$0x14800] =	vst v4;
	v4 =	vld [tilespmem:s1+$0xFA10]  }
.Ltmp3:
0x103: {  	[tilespmem:s1+$0x14810] =	vst v0;
	v0 =	vld [tilespmem:s1+$0xFA20];
	(pc) =	sbr.rel @p0 .LBB2_9-.Ltmp3, $4  }
0x104: {  	[tilespmem:s1+$0x14820] =	vst v1;
	v1 =	vld [tilespmem:s1+$0xFA30]  }
0x105: {  	[tilespmem:s1+$0x14830] =	vst v2;
	v2 =	vld [tilespmem:s1+$0x11300]  }
0x106: {  	[tilespmem:s1+$0x16400] =	vst v3;
	v3 =	vld [tilespmem:s1+$0x11310]  }
0x107: {  	s24 =	sshra.s32 s28, $0x2;
	s28 =	sadd.s32 $0x200, s28;
	[tilespmem:s1+$0x16410] =	vst v4;
	v4 =	vld [tilespmem:s1+$0x11320]  }
0x108: {  	v5 =	vld [tilespmem:s24+$0x11330];
	[tilespmem:s1+$0x16420] =	vst v0  }
0x109: {  	v0 =	vld [tilespmem:s24+$0xC800];
	[tilespmem:s1+$0x16430] =	vst v1  }
0x10a: {  	v1 =	vld [tilespmem:s24+$0xC810];
	[tilespmem:s1+$0x18000] =	vst v2  }
0x10b: {  	v2 =	vld [tilespmem:s24+$0xC820];
	[tilespmem:s1+$0x18010] =	vst v3  }
0x10c: {  	v3 =	vld [tilespmem:s24+$0xC830];
	[tilespmem:s1+$0x18020] =	vst v4  }
0x10d: {  	v4 =	vld [tilespmem:s24+$0xE100];
	[tilespmem:s24+$0x18030] =	vst v5  }
0x10e: {  	v54 =	vld [tilespmem:s24+$0xE110];
	[tilespmem:s24+$0x12C00] =	vst v0  }
0x10f: {  	v55 =	vld [tilespmem:s24+$0xE120];
	[tilespmem:s24+$0x12C10] =	vst v1  }
0x110: {  	v56 =	vld [tilespmem:s24+$0xE130];
	[tilespmem:s24+$0x12C20] =	vst v2  }
0x111: {  	v57 =	vld [tilespmem:s24+$0xFA00];
	[tilespmem:s24+$0x12C30] =	vst v3  }
0x112: {  	v58 =	vld [tilespmem:s24+$0xFA10];
	[tilespmem:s24+$0x14800] =	vst v4  }
0x113: {  	v59 =	vld [tilespmem:s24+$0xFA20];
	[tilespmem:s24+$0x14810] =	vst v54  }
0x114: {  	v60 =	vld [tilespmem:s24+$0xFA30];
	[tilespmem:s24+$0x14820] =	vst v55  }
0x115: {  	v61 =	vld [tilespmem:s24+$0x11300];
	[tilespmem:s24+$0x14830] =	vst v56  }
0x116: {  	v62 =	vld [tilespmem:s24+$0x11310];
	[tilespmem:s24+$0x16400] =	vst v57  }
0x117: {  	v63 =	vld [tilespmem:s24+$0x11320];
	[tilespmem:s24+$0x16410] =	vst v58  }
0x118: {  	[tilespmem:s24+$0x16420] =	vst v59  }
0x119: {  	s31 =	sadd.s32 s31, s9;
	[tilespmem:s24+$0x16430] =	vst v60  }
0x11a: {  	s1 =	smul.u32 $0x380, s31;
	[tilespmem:s24+$0x18000] =	vst v61  }
0x11b: {  	[tilespmem:s24+$0x18010] =	vst v62  }
0x11c: {  	s1 =	sadd.s32 s4, s1;
	[tilespmem:s24+$0x18020] =	vst v63  }
0x11d: {  	[hbm4b:s1+s2] =	stream.linear.scatter [tilespmem:s18], [sflag:$0x3], $0x1900, $0x38;
	[tilespmem:$0x19C00] =	vst v63  }
0x11e: {  	s30 =	sadd.s32 $0x1, s30;
	s28 =	sadd.s32 $0x380, s1  }
0x11f: {  	[hbm4b:s28+s2] =	stream.linear.scatter [tilespmem:s20], [sflag:$0x3], $0x1900, $0x38;
	[tilespmem:$0x19C00] =	vst v63  }
0x120: {  	p0 =	sne.s32 s30, $0x3E;
	s31 =	sadd.s32 $0x700, s1  }
0x121: {  	[hbm4b:s31+s2] =	stream.linear.scatter [tilespmem:s22], [sflag:$0x3], $0x1900, $0x38;
	[tilespmem:$0x19C00] =	vst v63  }
.Ltmp4:
0x122: {  	_ = 	snop;
	(pc) =	sbr.rel @p0 .LBB2_6-.Ltmp4, $4  }
0x123: {  	s1 =	sadd.s32 $0xA80, s1  }
0x124: {  	[hbm4b:s1+s2] =	stream.linear.scatter [tilespmem:s23], [sflag:$0x3], $0x1900, $0x38;
	[tilespmem:$0x19C00] =	vst v63  }
0x125: {  	s0 =	sadd.s32 $0x3E8, s0  }
0x126: {  	[tilespmem:s16], [sflag:$0x2] =	stream.indirect.gather [hbm4b:s3+s14], $0x80, s0, s14, $0xb8;
	[tilespmem:$0x19C00] =	vst v63  }
0x127: {  	_ =	swait.ge [sflag:s17], $0x6400  }
0x128: {  	[sflag:s17] =	ssyncset.done $0x0  }
0x129: {  	[sflag:s17] =	ssyncadd.s32 $0xFFFF9C00  }
0x12a: {  	_ =	swait.ge [sflag:s26], $0x6400  }
0x12b: {  	[sflag:s26] =	ssyncset.done $0x0  }
0x12c: {  	s0 =	simm.s32 $0x0;
	[sflag:s26] =	ssyncadd.s32 $0xFFFF9C00  }
0x12d: {  	v0 =	vld [tilespmem:s0+$0xAF30]  }
0x12e: {  	v1 =	vld [tilespmem:s0+$0x6400]  }
0x12f: {  	v2 =	vld [tilespmem:s0+$0x6410]  }
0x130: {  	v3 =	vld [tilespmem:s0+$0x6420]  }
0x131: {  	v4 =	vld [tilespmem:s0+$0x6430]  }
0x132: {  	v5 =	vld [tilespmem:s0+$0x7D00];
	[tilespmem:s0+$0x18030] =	vst v0  }
0x133: {  	[tilespmem:s0+$0x12C00] =	vst v1;
	v0 =	vld [tilespmem:s0+$0x7D10]  }
0x134: {  	[tilespmem:s0+$0x12C10] =	vst v2;
	v1 =	vld [tilespmem:s0+$0x7D20]  }
0x135: {  	[tilespmem:s0+$0x12C20] =	vst v3;
	v2 =	vld [tilespmem:s0+$0x7D30]  }
0x136: {  	[tilespmem:s0+$0x12C30] =	vst v4;
	v3 =	vld [tilespmem:s0+$0x9600]  }
0x137: {  	[tilespmem:s0+$0x14800] =	vst v5;
	v4 =	vld [tilespmem:s0+$0x9610]  }
0x138: {  	[tilespmem:s0+$0x14810] =	vst v0;
	v0 =	vld [tilespmem:s0+$0x9620]  }
0x139: {  	[tilespmem:s0+$0x14820] =	vst v1;
	v1 =	vld [tilespmem:s0+$0x9630]  }
0x13a: {  	[tilespmem:s0+$0x14830] =	vst v2;
	v2 =	vld [tilespmem:s0+$0xAF00]  }
0x13b: {  	[tilespmem:s0+$0x16400] =	vst v3;
	v3 =	vld [tilespmem:s0+$0xAF10]  }
0x13c: {  	s1 =	simm.s32 $0x80;
	s24 =	simm.s32 $0x400;
	[tilespmem:s0+$0x16410] =	vst v4;
	v4 =	vld [tilespmem:s0+$0xAF20]  }
.LBB2_12:
0x13d: {  	p0 =	sne.s32 s24, $0x6200;
	v5 =	vld [tilespmem:s1+$0xAF30];
	[tilespmem:s0+$0x16420] =	vst v0  }
0x13e: {  	v0 =	vld [tilespmem:s1+$0x6400];
	[tilespmem:s0+$0x16430] =	vst v1  }
0x13f: {  	v1 =	vld [tilespmem:s1+$0x6410];
	[tilespmem:s0+$0x18000] =	vst v2  }
0x140: {  	v2 =	vld [tilespmem:s1+$0x6420];
	[tilespmem:s0+$0x18010] =	vst v3  }
0x141: {  	v3 =	vld [tilespmem:s1+$0x6430];
	[tilespmem:s0+$0x18020] =	vst v4;
	s0 =	smov.u32 s1  }
0x142: {  	v4 =	vld [tilespmem:s0+$0x7D00];
	[tilespmem:s0+$0x18030] =	vst v5  }
0x143: {  	[tilespmem:s0+$0x12C00] =	vst v0;
	v0 =	vld [tilespmem:s0+$0x7D10]  }
0x144: {  	[tilespmem:s0+$0x12C10] =	vst v1;
	v1 =	vld [tilespmem:s0+$0x7D20]  }
0x145: {  	[tilespmem:s0+$0x12C20] =	vst v2;
	v2 =	vld [tilespmem:s0+$0x7D30]  }
0x146: {  	[tilespmem:s0+$0x12C30] =	vst v3;
	v3 =	vld [tilespmem:s0+$0x9600]  }
0x147: {  	[tilespmem:s0+$0x14800] =	vst v4;
	v4 =	vld [tilespmem:s0+$0x9610]  }
.Ltmp5:
0x148: {  	[tilespmem:s0+$0x14810] =	vst v0;
	v0 =	vld [tilespmem:s0+$0x9620];
	(pc) =	sbr.rel @p0 .LBB2_12-.Ltmp5, $4  }
0x149: {  	[tilespmem:s0+$0x14820] =	vst v1;
	v1 =	vld [tilespmem:s0+$0x9630]  }
0x14a: {  	[tilespmem:s0+$0x14830] =	vst v2;
	v2 =	vld [tilespmem:s0+$0xAF00]  }
0x14b: {  	[tilespmem:s0+$0x16400] =	vst v3;
	v3 =	vld [tilespmem:s0+$0xAF10]  }
0x14c: {  	s1 =	sshra.s32 s24, $0x2;
	s24 =	sadd.s32 $0x200, s24;
	[tilespmem:s0+$0x16410] =	vst v4;
	v4 =	vld [tilespmem:s0+$0xAF20]  }
0x14d: {  	v5 =	vld [tilespmem:s1+$0xAF30];
	[tilespmem:s0+$0x16420] =	vst v0  }
0x14e: {  	v0 =	vld [tilespmem:s1+$0x6400];
	[tilespmem:s0+$0x16430] =	vst v1  }
0x14f: {  	v1 =	vld [tilespmem:s1+$0x6410];
	[tilespmem:s0+$0x18000] =	vst v2  }
0x150: {  	v2 =	vld [tilespmem:s1+$0x6420];
	[tilespmem:s0+$0x18010] =	vst v3  }
0x151: {  	v3 =	vld [tilespmem:s1+$0x6430];
	[tilespmem:s0+$0x18020] =	vst v4  }
0x152: {  	v4 =	vld [tilespmem:s1+$0x7D00];
	[tilespmem:s1+$0x18030] =	vst v5  }
0x153: {  	[tilespmem:s1+$0x12C00] =	vst v0;
	v0 =	vld [tilespmem:s1+$0x7D10]  }
0x154: {  	[tilespmem:s1+$0x12C10] =	vst v1;
	v1 =	vld [tilespmem:s1+$0x7D20]  }
0x155: {  	[tilespmem:s1+$0x12C20] =	vst v2;
	v2 =	vld [tilespmem:s1+$0x7D30]  }
0x156: {  	[tilespmem:s1+$0x12C30] =	vst v3;
	v3 =	vld [tilespmem:s1+$0x9600]  }
0x157: {  	[tilespmem:s1+$0x14800] =	vst v4;
	v4 =	vld [tilespmem:s1+$0x9610]  }
0x158: {  	[tilespmem:s1+$0x14810] =	vst v0;
	v0 =	vld [tilespmem:s1+$0x9620]  }
0x159: {  	[tilespmem:s1+$0x14820] =	vst v1;
	v1 =	vld [tilespmem:s1+$0x9630]  }
0x15a: {  	[tilespmem:s1+$0x14830] =	vst v2;
	v2 =	vld [tilespmem:s1+$0xAF00]  }
0x15b: {  	[tilespmem:s1+$0x16400] =	vst v3;
	v3 =	vld [tilespmem:s1+$0xAF10]  }
0x15c: {  	[tilespmem:s1+$0x16410] =	vst v4;
	v4 =	vld [tilespmem:s1+$0xAF20]  }
0x15d: {  	[tilespmem:s1+$0x16420] =	vst v0  }
0x15e: {  	[tilespmem:s1+$0x16430] =	vst v1  }
0x15f: {  	[tilespmem:s1+$0x18000] =	vst v2  }
0x160: {  	[tilespmem:s1+$0x18010] =	vst v3  }
0x161: {  	s24 =	simm.s32 $0x0;
	[tilespmem:s1+$0x18020] =	vst v4  }
0x162: {  	[hbm4b:s10+s24] =	stream.linear.scatter [tilespmem:s18], [sflag:$0x3], $0x1900, $0x38;
	[tilespmem:$0x19C00] =	vst v63  }
0x163: {  	s28 =	sadd.s32 $0x380, s10  }
0x164: {  	[hbm4b:s28+s24] =	stream.linear.scatter [tilespmem:s20], [sflag:$0x3], $0x1900, $0x38;
	[tilespmem:$0x19C00] =	vst v63  }
0x165: {  	s30 =	sadd.s32 $0x700, s10  }
0x166: {  	[hbm4b:s30+s24] =	stream.linear.scatter [tilespmem:s22], [sflag:$0x3], $0x1900, $0x38;
	[tilespmem:$0x19C00] =	vst v63  }
0x167: {  	s31 =	sadd.s32 $0xA80, s10  }
0x168: {  	[hbm4b:s31+s24] =	stream.linear.scatter [tilespmem:s23], [sflag:$0x3], $0x1900, $0x38;
	[tilespmem:$0x19C00] =	vst v63  }
0x169: {  	_ =	swait.ge [sflag:s25], $0x6400  }
0x16a: {  	[sflag:s25] =	ssyncset.done $0x0  }
0x16b: {  	[sflag:s25] =	ssyncadd.s32 $0xFFFF9C00  }
0x16c: {  	_ =	swait.ge [sflag:s26], $0x6400  }
0x16d: {  	[sflag:s26] =	ssyncset.done $0x0  }
0x16e: {  	s0 =	simm.s32 $0x0;
	[sflag:s26] =	ssyncadd.s32 $0xFFFF9C00  }
0x16f: {  	v0 =	vld [tilespmem:s0+$0x11330]  }
0x170: {  	v1 =	vld [tilespmem:s0+$0xC800]  }
0x171: {  	v2 =	vld [tilespmem:s0+$0xC810]  }
0x172: {  	v3 =	vld [tilespmem:s0+$0xC820]  }
0x173: {  	v4 =	vld [tilespmem:s0+$0xC830]  }
0x174: {  	v5 =	vld [tilespmem:s0+$0xE100];
	[tilespmem:s0+$0x18030] =	vst v0  }
0x175: {  	[tilespmem:s0+$0x12C00] =	vst v1;
	v0 =	vld [tilespmem:s0+$0xE110]  }
0x176: {  	[tilespmem:s0+$0x12C10] =	vst v2;
	v1 =	vld [tilespmem:s0+$0xE120]  }
0x177: {  	[tilespmem:s0+$0x12C20] =	vst v3;
	v2 =	vld [tilespmem:s0+$0xE130]  }
0x178: {  	[tilespmem:s0+$0x12C30] =	vst v4;
	v3 =	vld [tilespmem:s0+$0xFA00]  }
0x179: {  	[tilespmem:s0+$0x14800] =	vst v5;
	v4 =	vld [tilespmem:s0+$0xFA10]  }
0x17a: {  	[tilespmem:s0+$0x14810] =	vst v0;
	v0 =	vld [tilespmem:s0+$0xFA20]  }
0x17b: {  	[tilespmem:s0+$0x14820] =	vst v1;
	v1 =	vld [tilespmem:s0+$0xFA30]  }
0x17c: {  	[tilespmem:s0+$0x14830] =	vst v2;
	v2 =	vld [tilespmem:s0+$0x11300]  }
0x17d: {  	[tilespmem:s0+$0x16400] =	vst v3;
	v3 =	vld [tilespmem:s0+$0x11310]  }
0x17e: {  	s1 =	simm.s32 $0x80;
	s24 =	simm.s32 $0x400;
	[tilespmem:s0+$0x16410] =	vst v4;
	v4 =	vld [tilespmem:s0+$0x11320]  }
.LBB2_14:
0x17f: {  	p0 =	sne.s32 s24, $0x6200;
	v5 =	vld [tilespmem:s1+$0x11330];
	[tilespmem:s0+$0x16420] =	vst v0  }
0x180: {  	v0 =	vld [tilespmem:s1+$0xC800];
	[tilespmem:s0+$0x16430] =	vst v1  }
0x181: {  	v1 =	vld [tilespmem:s1+$0xC810];
	[tilespmem:s0+$0x18000] =	vst v2  }
0x182: {  	v2 =	vld [tilespmem:s1+$0xC820];
	[tilespmem:s0+$0x18010] =	vst v3  }
0x183: {  	v3 =	vld [tilespmem:s1+$0xC830];
	[tilespmem:s0+$0x18020] =	vst v4;
	s0 =	smov.u32 s1  }
0x184: {  	v4 =	vld [tilespmem:s0+$0xE100];
	[tilespmem:s0+$0x18030] =	vst v5  }
0x185: {  	[tilespmem:s0+$0x12C00] =	vst v0;
	v0 =	vld [tilespmem:s0+$0xE110]  }
0x186: {  	[tilespmem:s0+$0x12C10] =	vst v1;
	v1 =	vld [tilespmem:s0+$0xE120]  }
0x187: {  	[tilespmem:s0+$0x12C20] =	vst v2;
	v2 =	vld [tilespmem:s0+$0xE130]  }
0x188: {  	[tilespmem:s0+$0x12C30] =	vst v3;
	v3 =	vld [tilespmem:s0+$0xFA00]  }
0x189: {  	[tilespmem:s0+$0x14800] =	vst v4;
	v4 =	vld [tilespmem:s0+$0xFA10]  }
.Ltmp6:
0x18a: {  	[tilespmem:s0+$0x14810] =	vst v0;
	v0 =	vld [tilespmem:s0+$0xFA20];
	(pc) =	sbr.rel @p0 .LBB2_14-.Ltmp6, $4  }
0x18b: {  	[tilespmem:s0+$0x14820] =	vst v1;
	v1 =	vld [tilespmem:s0+$0xFA30]  }
0x18c: {  	[tilespmem:s0+$0x14830] =	vst v2;
	v2 =	vld [tilespmem:s0+$0x11300]  }
0x18d: {  	[tilespmem:s0+$0x16400] =	vst v3;
	v3 =	vld [tilespmem:s0+$0x11310]  }
0x18e: {  	s1 =	sshra.s32 s24, $0x2;
	s24 =	sadd.s32 $0x200, s24;
	[tilespmem:s0+$0x16410] =	vst v4;
	v4 =	vld [tilespmem:s0+$0x11320]  }
0x18f: {  	v5 =	vld [tilespmem:s1+$0x11330];
	[tilespmem:s0+$0x16420] =	vst v0  }
0x190: {  	v0 =	vld [tilespmem:s1+$0xC800];
	[tilespmem:s0+$0x16430] =	vst v1  }
0x191: {  	v1 =	vld [tilespmem:s1+$0xC810];
	[tilespmem:s0+$0x18000] =	vst v2  }
0x192: {  	v2 =	vld [tilespmem:s1+$0xC820];
	[tilespmem:s0+$0x18010] =	vst v3  }
0x193: {  	v3 =	vld [tilespmem:s1+$0xC830];
	[tilespmem:s0+$0x18020] =	vst v4  }
0x194: {  	v4 =	vld [tilespmem:s1+$0xE100];
	[tilespmem:s1+$0x18030] =	vst v5  }
0x195: {  	v54 =	vld [tilespmem:s1+$0xE110];
	[tilespmem:s1+$0x12C00] =	vst v0  }
0x196: {  	v55 =	vld [tilespmem:s1+$0xE120];
	[tilespmem:s1+$0x12C10] =	vst v1  }
0x197: {  	v56 =	vld [tilespmem:s1+$0xE130];
	[tilespmem:s1+$0x12C20] =	vst v2  }
0x198: {  	v57 =	vld [tilespmem:s1+$0xFA00];
	[tilespmem:s1+$0x12C30] =	vst v3  }
0x199: {  	v58 =	vld [tilespmem:s1+$0xFA10];
	[tilespmem:s1+$0x14800] =	vst v4  }
0x19a: {  	v59 =	vld [tilespmem:s1+$0xFA20];
	[tilespmem:s1+$0x14810] =	vst v54  }
0x19b: {  	v60 =	vld [tilespmem:s1+$0xFA30];
	[tilespmem:s1+$0x14820] =	vst v55  }
0x19c: {  	v61 =	vld [tilespmem:s1+$0x11300];
	[tilespmem:s1+$0x14830] =	vst v56  }
0x19d: {  	v62 =	vld [tilespmem:s1+$0x11310];
	[tilespmem:s1+$0x16400] =	vst v57  }
0x19e: {  	v63 =	vld [tilespmem:s1+$0x11320];
	[tilespmem:s1+$0x16410] =	vst v58  }
0x19f: {  	[tilespmem:s1+$0x16420] =	vst v59  }
0x1a0: {  	[tilespmem:s1+$0x16430] =	vst v60  }
0x1a1: {  	[tilespmem:s1+$0x18000] =	vst v61  }
0x1a2: {  	[tilespmem:s1+$0x18010] =	vst v62  }
0x1a3: {  	[tilespmem:s1+$0x18020] =	vst v63  }
0x1a4: {  	[hbm4b:s11+s2] =	stream.linear.scatter [tilespmem:s18], [sflag:$0x3], $0x1900, $0x38;
	[tilespmem:$0x19C00] =	vst v63  }
0x1a5: {  	s28 =	sadd.s32 $0x380, s11;
	s29 =	sadd.s32 $0x1, s29  }
0x1a6: {  	[hbm4b:s28+s2] =	stream.linear.scatter [tilespmem:s20], [sflag:$0x3], $0x1900, $0x38;
	[tilespmem:$0x19C00] =	vst v63  }
0x1a7: {  	s30 =	sadd.s32 $0x700, s11;
	p0 =	sne.s32 s29, s12  }
0x1a8: {  	[hbm4b:s30+s2] =	stream.linear.scatter [tilespmem:s22], [sflag:$0x3], $0x1900, $0x38;
	[tilespmem:$0x19C00] =	vst v63  }
.Ltmp7:
0x1a9: {  	s31 =	sadd.s32 $0xA80, s11;
	(pc) =	sbr.rel @p0 .LBB2_1-.Ltmp7, $4  }
0x1aa: {  	[hbm4b:s31+s2] =	stream.linear.scatter [tilespmem:s23], [sflag:$0x3], $0x1900, $0x38;
	[tilespmem:$0x19C00] =	vst v63  }
0x1ab: {  	_ =	swait.ge [sflag:s26], $0x6400  }
0x1ac: {  	[sflag:s26] =	ssyncset.done $0x0  }
0x1ad: {  	[sflag:s26] =	ssyncadd.s32 $0xFFFF9C00  }
0x1ae: {  	_ =	sfence.sel $0x180000  }
0x1af: {  	[bflag:$0x0] =	sbarrier.arrive $0xFFFF  }
0x1b0: {  	_ =	strace $0x9000004A  }
0x1b1: {  	s0 =	stileid.u32;
	[bflag:$0x2] =	sbarrier.arrive $0xFFFF  }
0x1b2: {  	p0 =	sne.s32 s0, $0x0;
	s0 =	rddreg [dreg:$0x2]  }
0x1b3: {  	s0 =	sadd.s32 @!p0 $0x100000, s0  }
0x1b4: {  	[sflag:s0] =	ssyncadd.tile.s32 @!p0 $0x1;
	_ =	shalt  }
.Lfunc_end2:
_tile_overlayer_lowered:
.L_overlay_start_2:
0x1b5: {  	(tag) =	ssettag $0x2  }
0x1b6: {  	s0 =	rddreg [dreg:$0x0];
	s2 =	stileid.u32  }
0x1b7: {  	s1 =	rddreg [dreg:$0x1];
	p0 =	sne.s32 s2, $0x0  }
0x1b8: {  	s3 =	rddreg [dreg:$0x2];
	[bflag:$0x3] =	sbarrier.arrive $0xFFFF;
	s2 =	simm.s32 @!p0 $0x1C04  }
0x1b9: {  	[timem:s3], [sflag:s2] =	dma.local @!p0 [hbm:s0], s1  }
0x1ba: {  	s0 =	simm.s32 @!p0 $0x4  }
0x1bb: {  	_ =	swait.ge @!p0 [sflag:s0], s1  }
0x1bc: {  	s1 =	ssub.s32 @!p0 $0x0, s1;
	[sflag:s0] =	ssyncset.done @!p0 $0x0  }
0x1bd: {  	[sflag:s0] =	ssyncadd.s32 @!p0 s1  }
0x1be: {  	[bflag:$0x3] =	sbarrier.arrive $0xFFFF  }
0x1bf: {  	_ =	shalt  }

</sc_bundles>
